<compile_context>
chip_gen: v7x
topology: tpu7x:2x2x1
jax: 0.10.2.dev20260603
libtpu: 0.0.44.dev20260713+nightly
codegen_flags: <defaults>
</compile_context>

<pallas_src>
import jax
import jax.numpy as jnp
from jax import lax
from jax.experimental import pallas as pl
from jax.experimental.pallas import tpu as pltpu
from jax.experimental.pallas import tpu_sc as plsc

BATCH = 64
SEQ = 1025
PATCH = 1024
DIM = 768
KEEP = 512
OUT = KEEP + 1

NC, NS, L = 2, 16, 16
NW = NC * NS
RPT = BATCH // NW
SPT = KEEP // NW
NCHV = PATCH // L
PMS = 1024


def _sel_body(noise_hbm, pm_hbm, noise_v, list_v):
    wid = lax.axis_index("s") * NC + lax.axis_index("c")
    b0 = wid * RPT

    zeros = jnp.zeros((L,), jnp.int32)
    ones = jnp.full((L,), 1, jnp.int32)
    kvec = jnp.full((L,), KEEP, jnp.int32)
    lanes = lax.iota(jnp.int32, L)

    for r in range(RPT):
        pltpu.sync_copy(noise_hbm.at[pl.ds((b0 + r) * PATCH, PATCH)], noise_v)

        def count_le(t_vec):
            def cbody(i, acc):
                bits = plsc.bitcast(noise_v[pl.ds(i * L, L)], jnp.int32)
                return acc + plsc.all_reduce_population_count(bits <= t_vec)

            return lax.fori_loop(0, NCHV, cbody, zeros, unroll=8)

        def sbody(_, lohi):
            lo, hi = lohi
            mid = lo + lax.shift_right_logical(hi - lo, 1)
            pred = count_le(mid) >= kvec
            return jnp.where(pred, lo, mid + 1), jnp.where(pred, mid, hi)

        _, tstar = lax.fori_loop(
            0, 30, sbody, (zeros, jnp.full((L,), 0x3F800000, jnp.int32))
        )

        def cbody_lt(i, acc):
            bits = plsc.bitcast(noise_v[pl.ds(i * L, L)], jnp.int32)
            return acc + plsc.all_reduce_population_count(bits < tstar)

        m = lax.fori_loop(0, NCHV, cbody_lt, zeros, unroll=8)
        need_eq = kvec - m

        plsc.store_scatter(list_v, [jnp.full((L,), OUT, jnp.int32) + lanes],
                           zeros, mask=lanes < jnp.full((L,), 7, jnp.int32))
        plsc.store_scatter(list_v, [zeros], zeros, mask=lanes == zeros)

        def compact(i, carry):
            kept, eqs = carry
            bits = plsc.bitcast(noise_v[pl.ds(i * L, L)], jnp.int32)
            is_lt = bits < tstar
            is_eq = bits == tstar
            eq_i = jnp.where(is_eq, ones, zeros)
            eq_rank = plsc.cumsum(eq_i) - eq_i + eqs
            keep = is_lt | (is_eq & (eq_rank < need_eq))
            k_i = jnp.where(keep, ones, zeros)
            pos = plsc.cumsum(k_i) - k_i + kept
            lidx = i * L + lanes
            plsc.store_scatter(list_v, [pos + 1], lidx, mask=keep)
            return (
                kept + plsc.all_reduce_population_count(keep),
                eqs + plsc.all_reduce_population_count(is_eq),
            )

        lax.fori_loop(0, NCHV, compact, (zeros, zeros))

        pltpu.sync_copy(list_v, pm_hbm.at[pl.ds((b0 + r) * PMS, OUT + 7)])


CH = 32
NSUB = SPT * (BATCH // CH)
NBUF = 4


NQ = 4


def _gat_body(x_hbm, pmT_hbm, out_hbm, blk_v,
              g0, g1, g2, g3, g4, g5, g6, g7, b0, b1,
              gs0, gs1, gs2, gs3, gs4, gs5, gs6, gs7, ss0, ss1):
    wid = lax.axis_index("s") * NC + lax.axis_index("c")
    t0 = wid * SPT
    lanes = lax.iota(jnp.int32, L)
    gidxs = (g0, g1, g2, g3, g4, g5, g6, g7)
    bufs = (b0, b1)
    gsems = (gs0, gs1, gs2, gs3, gs4, gs5, gs6, gs7)
    ssems = (ss0, ss1)
    QR = BATCH // NQ

    pltpu.sync_copy(pmT_hbm.at[pl.ds(t0, SPT)], blk_v)

    def build_gidx(k, h):
        gidx = gidxs[(k % 2) * NQ + h]
        bvec = jnp.full((L,), h * QR, jnp.int32) + lanes
        s = plsc.load_gather(blk_v, [jnp.full((L,), k, jnp.int32), bvec])
        gidx[...] = s * BATCH + bvec

    def g_issue(k, h):
        pltpu.async_copy(x_hbm.at[gidxs[(k % 2) * NQ + h]],
                         bufs[k % 2].at[pl.ds(h * QR, QR)],
                         gsems[(k % 2) * NQ + h])

    def g_wait(k, h):
        pltpu.make_async_copy(x_hbm.at[gidxs[(k % 2) * NQ + h]],
                              bufs[k % 2].at[pl.ds(h * QR, QR)],
                              gsems[(k % 2) * NQ + h]).wait()

    def s_issue(k):
        pltpu.async_copy(bufs[k % 2], out_hbm.at[pl.ds((t0 + k) * BATCH,
                                                       BATCH)], ssems[k % 2])

    def s_wait(k):
        pltpu.make_async_copy(bufs[k % 2],
                              out_hbm.at[pl.ds((t0 + k) * BATCH, BATCH)],
                              ssems[k % 2]).wait()

    for k in (0, 1):
        for h in range(NQ):
            build_gidx(k, h)
            g_issue(k, h)
    for k in range(SPT):
        for h in range(NQ):
            g_wait(k, h)
        s_issue(k)
        if k + 2 < SPT:
            s_wait(k)
            for h in range(NQ):
                build_gidx(k + 2, h)
                g_issue(k + 2, h)
    s_wait(SPT - 2)
    s_wait(SPT - 1)

    @pl.when(wid < 8)
    def _():
        pltpu.sync_copy(pmT_hbm.at[pl.ds(KEEP, 8)], blk_v.at[pl.ds(0, 8)])
        bvec = wid * 8 + lanes
        s = plsc.load_gather(blk_v, [jnp.zeros((L,), jnp.int32), bvec],
                             mask=lanes < jnp.full((L,), 8, jnp.int32))
        g0[pl.ds(0, L)] = s * BATCH + bvec
        src = x_hbm.at[g0.at[pl.ds(0, 8)]]
        pltpu.async_copy(src, b0.at[pl.ds(0, 8)], gs0)
        pltpu.make_async_copy(src, b0.at[pl.ds(0, 8)], gs0).wait()
        dst = out_hbm.at[pl.ds(KEEP * BATCH + wid * 8, 8)]
        pltpu.async_copy(b0.at[pl.ds(0, 8)], dst, ss0)
        pltpu.make_async_copy(b0.at[pl.ds(0, 8)], dst, ss0).wait()


_mesh = plsc.VectorSubcoreMesh(
    core_axis_name="c", subcore_axis_name="s", num_cores=NC, num_subcores=NS
)


@jax.jit
def _run(x, noise):
    sel = pl.kernel(
        _sel_body,
        out_type=jax.ShapeDtypeStruct((BATCH * PMS,), jnp.int32),
        mesh=_mesh,
        scratch_types=[
            pltpu.VMEM((PATCH,), jnp.float32),
            pltpu.VMEM((OUT + 7,), jnp.int32),
        ],
        compiler_params=pltpu.CompilerParams(needs_layout_passes=False),
    )
    pm = sel(noise.reshape(BATCH * PATCH))
    pmT = pm.reshape(BATCH, PMS).T

    gat = pl.kernel(
        _gat_body,
        out_type=jax.ShapeDtypeStruct((OUT * BATCH, DIM), jnp.float32),
        mesh=_mesh,
        scratch_types=(
            [pltpu.VMEM((L, BATCH), jnp.int32)]
            + [pltpu.VMEM((L,), jnp.int32)] * 8
            + [pltpu.VMEM((BATCH, DIM), jnp.float32)] * 2
            + [pltpu.SemaphoreType.DMA] * 10
        ),
        compiler_params=pltpu.CompilerParams(needs_layout_passes=False),
    )
    x2d = x.transpose(1, 0, 2).reshape(SEQ * BATCH, DIM)
    out2d = gat(x2d, pmT)
    return out2d.reshape(OUT, BATCH, DIM).transpose(1, 0, 2)


def kernel(x, force_drop, noise):
    del force_drop
    return _run(x, noise)

# --- scband reference (transcript-rebuilt; emitter-appended) ---
"""Pipeline reference for scband-patch-dropout-12257836663439 (READ-ONLY COPY).

The authoritative reference and input builder live on the scoring server;
editing this copy changes nothing except your own understanding.
"""

import jax, jax.numpy as jnp
import numpy as np

KEEP_RATE = 0.5
BIAS = None
TOKEN_SHUFFLING = False

BATCH = 64
SEQ_LEN = 1025
DIM = 768


def setup_inputs(seed: int = 0) -> dict:
    key = jax.random.key(seed)
    k1, k2 = jax.random.split(key)
    x = jax.random.normal(k1, (BATCH, SEQ_LEN, DIM), dtype=jnp.float32)
    # internal randomness of PatchDropout.uniform_mask, materialized as an input
    noise = jax.random.uniform(k2, (BATCH, SEQ_LEN - 1), dtype=jnp.float32)
    return {"x": x, "force_drop": 1, "noise": noise}


def reference(x, force_drop, noise):
    # PatchDropout.forward with training/force_drop active and keep_rate < 1
    batch_sz, seq_len, dim = x.shape
    patch_len = seq_len - 1
    keep_len = int(patch_len * KEEP_RATE)
    n = noise if BIAS is None else noise + BIAS
    ids = jnp.argsort(n, axis=1)
    keep_ids = ids[:, :keep_len]
    if not TOKEN_SHUFFLING:
        keep_ids = jnp.sort(keep_ids, axis=1)
    cls_mask = jnp.zeros((batch_sz, 1), dtype=jnp.int64)
    patch_mask = jnp.concatenate([cls_mask, keep_ids.astype(jnp.int64)], axis=1)
    idx = jnp.broadcast_to(patch_mask[:, :, None], (batch_sz, keep_len + 1, dim))
    out = jnp.take_along_axis(x, idx, axis=1)
    return out

if __name__ == "__main__":
    import jax
    _d = setup_inputs()
    print(jax.jit(kernel)(*tuple(_d.values())))

</pallas_src>

<mosaic_0001>
#map = affine_map<(d0, d1) -> (0)>
module attributes {stable_mosaic.version = 14 : i64} {
  func.func @_sel_body(%arg0: i32, %arg1: i32, %arg2: memref<65536xf32, #tpu.memory_space<hbm>>, %arg3: memref<65536xi32, #tpu.memory_space<hbm>>, %arg4: memref<1024xf32, #tpu.memory_space<vmem>>, %arg5: memref<520xi32, #tpu.memory_space<vmem>>) attributes {dimension_semantics = [#tpu.dimension_semantics<core_parallel>, #tpu.dimension_semantics<subcore_parallel>], iteration_bounds = array<i64: 2, 16>, scalar_prefetch = 0 : i64, scratch_operands = 2 : i64, tpu.core_type = #tpu.core_type<sc_vector_subcore>, window_params = [{transform_indices = #map}, {transform_indices = #map}]} {
    %mul3A = arith.constant 2 : i32
    %mul3A_0 = arith.muli %arg1, %mul3A : i32
    %add3A = arith.addi %mul3A_0, %arg0 : i32
    %mul3A_1 = arith.constant 2 : i32
    %mul3A_2 = arith.muli %add3A, %mul3A_1 : i32
    %broadcast_in_dim3A = arith.constant 0 : i32
    %broadcast_in_dim3A_3 = vector.broadcast %broadcast_in_dim3A : i32 to vector<16xi32>
    %broadcast_in_dim3A_4 = arith.constant 1 : i32
    %broadcast_in_dim3A_5 = vector.broadcast %broadcast_in_dim3A_4 : i32 to vector<16xi32>
    %broadcast_in_dim3A_6 = arith.constant 512 : i32
    %broadcast_in_dim3A_7 = vector.broadcast %broadcast_in_dim3A_6 : i32 to vector<16xi32>
    %iota3A = tpu.iota {dimensions = array<i32: 0>} : vector<16xi32>
    %add3A_8 = arith.constant 0 : i32
    %add3A_9 = arith.addi %mul3A_2, %add3A_8 : i32
    %mul3A_10 = arith.constant 1024 : i32
    %mul3A_11 = arith.muli %add3A_9, %mul3A_10 : i32
    "tpu.region"() ({
      %run_scoped3A = tpu.sem_alloc : memref<!tpu.dma_semaphore, #tpu.memory_space<semaphore_mem>>
      %dma_start3A = tpu.memref_slice %arg2[%mul3A_11] : memref<65536xf32, #tpu.memory_space<hbm>> -> memref<1024xf32, #tpu.memory_space<hbm>>
      %dma_start3A_76 = tpu.memref_slice %arg2[%mul3A_11] : memref<65536xf32, #tpu.memory_space<hbm>> -> memref<1024xf32, #tpu.memory_space<hbm>>
      tpu.enqueue_dma source(%dma_start3A_76 : memref<1024xf32, #tpu.memory_space<hbm>>) target(%arg4 : memref<1024xf32, #tpu.memory_space<vmem>>) target_semaphore(%run_scoped3A : memref<!tpu.dma_semaphore, #tpu.memory_space<semaphore_mem>>)
      %dma_wait3A = tpu.memref_slice %arg2[%mul3A_11] : memref<65536xf32, #tpu.memory_space<hbm>> -> memref<1024xf32, #tpu.memory_space<hbm>>
      %dma_wait3A_77 = tpu.memref_slice %arg2[%mul3A_11] : memref<65536xf32, #tpu.memory_space<hbm>> -> memref<1024xf32, #tpu.memory_space<hbm>>
      tpu.wait_dma2 semaphore(%run_scoped3A : memref<!tpu.dma_semaphore, #tpu.memory_space<semaphore_mem>>) src(%dma_wait3A_77 : memref<1024xf32, #tpu.memory_space<hbm>>) dst(%arg4 : memref<1024xf32, #tpu.memory_space<vmem>>)
      tpu.yield
    }) : () -> ()
    %broadcast_in_dim3A_12 = arith.constant 1065353216 : i32
    %broadcast_in_dim3A_13 = vector.broadcast %broadcast_in_dim3A_12 : i32 to vector<16xi32>
    %scan3A = arith.constant 0 : i32
    %scan3A_14 = arith.constant 30 : i32
    %scan3A_15 = arith.addi %scan3A, %scan3A_14 : i32
    %scan3A_16 = arith.constant 1 : i32
    %scan3A_17:2 = scf.for %scan3A_76 = %scan3A to %scan3A_15 step %scan3A_16 iter_args(%scan3A_77 = %broadcast_in_dim3A_3, %scan3A_78 = %broadcast_in_dim3A_13) -> (vector<16xi32>, vector<16xi32>)  : i32 {
      %sub3A_79 = arith.subi %scan3A_78, %scan3A_77 : vector<16xi32>
      %shift_right_logical3A = arith.constant 1 : i32
      %shift_right_logical3A_80 = vector.broadcast %shift_right_logical3A : i32 to vector<16xi32>
      %shift_right_logical3A_81 = arith.shrui %sub3A_79, %shift_right_logical3A_80 : vector<16xi32>
      %add3A_82 = arith.addi %scan3A_77, %shift_right_logical3A_81 : vector<16xi32>
      %scan3A_83 = arith.constant 0 : i32
      %scan3A_84 = arith.constant 64 : i32
      %scan3A_85 = arith.addi %scan3A_83, %scan3A_84 : i32
      %scan3A_86 = arith.constant 8 : i32
      %scan3A_87 = scf.for %scan3A_93 = %scan3A_83 to %scan3A_85 step %scan3A_86 iter_args(%scan3A_94 = %broadcast_in_dim3A_3) -> (vector<16xi32>)  : i32 {
        %mul3A_95 = arith.constant 16 : i32
        %mul3A_96 = arith.muli %scan3A_93, %mul3A_95 : i32
        %get3A = arith.index_cast %mul3A_96 : i32 to index
        %get3A_97 = tpu.vector_load %arg4[%get3A] {strides = array<i32>} : memref<1024xf32, #tpu.memory_space<vmem>>, vector<16xf32>,
        %bitcast3A = vector.bitcast %get3A_97 : vector<16xf32> to vector<16xi32>
        %le3A = arith.cmpi sle, %bitcast3A, %add3A_82 : vector<16xi32>
        %all_reduce_population_count3A = tpu.all_reduce %le3A {dim = 0 : i64, kind = #tpu.reduction_kind<sum>} : vector<16xi1> -> vector<16xi32>
        %add3A_98 = arith.addi %scan3A_94, %all_reduce_population_count3A : vector<16xi32>
        %scan3A_99 = arith.constant 1 : i32
        %scan3A_100 = arith.addi %scan3A_93, %scan3A_99 : i32
        %mul3A_101 = arith.constant 16 : i32
        %mul3A_102 = arith.muli %scan3A_100, %mul3A_101 : i32
        %get3A_103 = arith.index_cast %mul3A_102 : i32 to index
        %get3A_104 = tpu.vector_load %arg4[%get3A_103] {strides = array<i32>} : memref<1024xf32, #tpu.memory_space<vmem>>, vector<16xf32>,
        %bitcast3A_105 = vector.bitcast %get3A_104 : vector<16xf32> to vector<16xi32>
        %le3A_106 = arith.cmpi sle, %bitcast3A_105, %add3A_82 : vector<16xi32>
        %all_reduce_population_count3A_107 = tpu.all_reduce %le3A_106 {dim = 0 : i64, kind = #tpu.reduction_kind<sum>} : vector<16xi1> -> vector<16xi32>
        %add3A_108 = arith.addi %add3A_98, %all_reduce_population_count3A_107 : vector<16xi32>
        %scan3A_109 = arith.constant 2 : i32
        %scan3A_110 = arith.addi %scan3A_93, %scan3A_109 : i32
        %mul3A_111 = arith.constant 16 : i32
        %mul3A_112 = arith.muli %scan3A_110, %mul3A_111 : i32
        %get3A_113 = arith.index_cast %mul3A_112 : i32 to index
        %get3A_114 = tpu.vector_load %arg4[%get3A_113] {strides = array<i32>} : memref<1024xf32, #tpu.memory_space<vmem>>, vector<16xf32>,
        %bitcast3A_115 = vector.bitcast %get3A_114 : vector<16xf32> to vector<16xi32>
        %le3A_116 = arith.cmpi sle, %bitcast3A_115, %add3A_82 : vector<16xi32>
        %all_reduce_population_count3A_117 = tpu.all_reduce %le3A_116 {dim = 0 : i64, kind = #tpu.reduction_kind<sum>} : vector<16xi1> -> vector<16xi32>
        %add3A_118 = arith.addi %add3A_108, %all_reduce_population_count3A_117 : vector<16xi32>
        %scan3A_119 = arith.constant 3 : i32
        %scan3A_120 = arith.addi %scan3A_93, %scan3A_119 : i32
        %mul3A_121 = arith.constant 16 : i32
        %mul3A_122 = arith.muli %scan3A_120, %mul3A_121 : i32
        %get3A_123 = arith.index_cast %mul3A_122 : i32 to index
        %get3A_124 = tpu.vector_load %arg4[%get3A_123] {strides = array<i32>} : memref<1024xf32, #tpu.memory_space<vmem>>, vector<16xf32>,
        %bitcast3A_125 = vector.bitcast %get3A_124 : vector<16xf32> to vector<16xi32>
        %le3A_126 = arith.cmpi sle, %bitcast3A_125, %add3A_82 : vector<16xi32>
        %all_reduce_population_count3A_127 = tpu.all_reduce %le3A_126 {dim = 0 : i64, kind = #tpu.reduction_kind<sum>} : vector<16xi1> -> vector<16xi32>
        %add3A_128 = arith.addi %add3A_118, %all_reduce_population_count3A_127 : vector<16xi32>
        %scan3A_129 = arith.constant 4 : i32
        %scan3A_130 = arith.addi %scan3A_93, %scan3A_129 : i32
        %mul3A_131 = arith.constant 16 : i32
        %mul3A_132 = arith.muli %scan3A_130, %mul3A_131 : i32
        %get3A_133 = arith.index_cast %mul3A_132 : i32 to index
        %get3A_134 = tpu.vector_load %arg4[%get3A_133] {strides = array<i32>} : memref<1024xf32, #tpu.memory_space<vmem>>, vector<16xf32>,
        %bitcast3A_135 = vector.bitcast %get3A_134 : vector<16xf32> to vector<16xi32>
        %le3A_136 = arith.cmpi sle, %bitcast3A_135, %add3A_82 : vector<16xi32>
        %all_reduce_population_count3A_137 = tpu.all_reduce %le3A_136 {dim = 0 : i64, kind = #tpu.reduction_kind<sum>} : vector<16xi1> -> vector<16xi32>
        %add3A_138 = arith.addi %add3A_128, %all_reduce_population_count3A_137 : vector<16xi32>
        %scan3A_139 = arith.constant 5 : i32
        %scan3A_140 = arith.addi %scan3A_93, %scan3A_139 : i32
        %mul3A_141 = arith.constant 16 : i32
        %mul3A_142 = arith.muli %scan3A_140, %mul3A_141 : i32
        %get3A_143 = arith.index_cast %mul3A_142 : i32 to index
        %get3A_144 = tpu.vector_load %arg4[%get3A_143] {strides = array<i32>} : memref<1024xf32, #tpu.memory_space<vmem>>, vector<16xf32>,
        %bitcast3A_145 = vector.bitcast %get3A_144 : vector<16xf32> to vector<16xi32>
        %le3A_146 = arith.cmpi sle, %bitcast3A_145, %add3A_82 : vector<16xi32>
        %all_reduce_population_count3A_147 = tpu.all_reduce %le3A_146 {dim = 0 : i64, kind = #tpu.reduction_kind<sum>} : vector<16xi1> -> vector<16xi32>
        %add3A_148 = arith.addi %add3A_138, %all_reduce_population_count3A_147 : vector<16xi32>
        %scan3A_149 = arith.constant 6 : i32
        %scan3A_150 = arith.addi %scan3A_93, %scan3A_149 : i32
        %mul3A_151 = arith.constant 16 : i32
        %mul3A_152 = arith.muli %scan3A_150, %mul3A_151 : i32
        %get3A_153 = arith.index_cast %mul3A_152 : i32 to index
        %get3A_154 = tpu.vector_load %arg4[%get3A_153] {strides = array<i32>} : memref<1024xf32, #tpu.memory_space<vmem>>, vector<16xf32>,
        %bitcast3A_155 = vector.bitcast %get3A_154 : vector<16xf32> to vector<16xi32>
        %le3A_156 = arith.cmpi sle, %bitcast3A_155, %add3A_82 : vector<16xi32>
        %all_reduce_population_count3A_157 = tpu.all_reduce %le3A_156 {dim = 0 : i64, kind = #tpu.reduction_kind<sum>} : vector<16xi1> -> vector<16xi32>
        %add3A_158 = arith.addi %add3A_148, %all_reduce_population_count3A_157 : vector<16xi32>
        %scan3A_159 = arith.constant 7 : i32
        %scan3A_160 = arith.addi %scan3A_93, %scan3A_159 : i32
        %mul3A_161 = arith.constant 16 : i32
        %mul3A_162 = arith.muli %scan3A_160, %mul3A_161 : i32
        %get3A_163 = arith.index_cast %mul3A_162 : i32 to index
        %get3A_164 = tpu.vector_load %arg4[%get3A_163] {strides = array<i32>} : memref<1024xf32, #tpu.memory_space<vmem>>, vector<16xf32>,
        %bitcast3A_165 = vector.bitcast %get3A_164 : vector<16xf32> to vector<16xi32>
        %le3A_166 = arith.cmpi sle, %bitcast3A_165, %add3A_82 : vector<16xi32>
        %all_reduce_population_count3A_167 = tpu.all_reduce %le3A_166 {dim = 0 : i64, kind = #tpu.reduction_kind<sum>} : vector<16xi1> -> vector<16xi32>
        %add3A_168 = arith.addi %add3A_158, %all_reduce_population_count3A_167 : vector<16xi32>
        scf.yield %add3A_168 : vector<16xi32>
      }
      %scan3A_88 = arith.constant 64 : i32
      %ge3A = arith.cmpi sge, %scan3A_87, %broadcast_in_dim3A_7 : vector<16xi32>
      %add3A_89 = arith.constant 1 : i32
      %add3A_90 = vector.broadcast %add3A_89 : i32 to vector<16xi32>
      %add3A_91 = arith.addi %add3A_82, %add3A_90 : vector<16xi32>
      %select_n3A = arith.select %ge3A, %scan3A_77, %add3A_91 : vector<16xi1>, vector<16xi32>
      %select_n3A_92 = arith.select %ge3A, %add3A_82, %scan3A_78 : vector<16xi1>, vector<16xi32>
      scf.yield %select_n3A, %select_n3A_92 : vector<16xi32>, vector<16xi32>
    }
    %scan3A_18 = arith.constant 30 : i32
    %scan3A_19 = arith.constant 0 : i32
    %scan3A_20 = arith.constant 64 : i32
    %scan3A_21 = arith.addi %scan3A_19, %scan3A_20 : i32
    %scan3A_22 = arith.constant 8 : i32
    %scan3A_23 = scf.for %scan3A_76 = %scan3A_19 to %scan3A_21 step %scan3A_22 iter_args(%scan3A_77 = %broadcast_in_dim3A_3) -> (vector<16xi32>)  : i32 {
      %mul3A_78 = arith.constant 16 : i32
      %mul3A_79 = arith.muli %scan3A_76, %mul3A_78 : i32
      %get3A = arith.index_cast %mul3A_79 : i32 to index
      %get3A_80 = tpu.vector_load %arg4[%get3A] {strides = array<i32>} : memref<1024xf32, #tpu.memory_space<vmem>>, vector<16xf32>,
      %bitcast3A = vector.bitcast %get3A_80 : vector<16xf32> to vector<16xi32>
      %lt3A_81 = arith.cmpi slt, %bitcast3A, %scan3A_17#1 : vector<16xi32>
      %all_reduce_population_count3A = tpu.all_reduce %lt3A_81 {dim = 0 : i64, kind = #tpu.reduction_kind<sum>} : vector<16xi1> -> vector<16xi32>
      %add3A_82 = arith.addi %scan3A_77, %all_reduce_population_count3A : vector<16xi32>
      %scan3A_83 = arith.constant 1 : i32
      %scan3A_84 = arith.addi %scan3A_76, %scan3A_83 : i32
      %mul3A_85 = arith.constant 16 : i32
      %mul3A_86 = arith.muli %scan3A_84, %mul3A_85 : i32
      %get3A_87 = arith.index_cast %mul3A_86 : i32 to index
      %get3A_88 = tpu.vector_load %arg4[%get3A_87] {strides = array<i32>} : memref<1024xf32, #tpu.memory_space<vmem>>, vector<16xf32>,
      %bitcast3A_89 = vector.bitcast %get3A_88 : vector<16xf32> to vector<16xi32>
      %lt3A_90 = arith.cmpi slt, %bitcast3A_89, %scan3A_17#1 : vector<16xi32>
      %all_reduce_population_count3A_91 = tpu.all_reduce %lt3A_90 {dim = 0 : i64, kind = #tpu.reduction_kind<sum>} : vector<16xi1> -> vector<16xi32>
      %add3A_92 = arith.addi %add3A_82, %all_reduce_population_count3A_91 : vector<16xi32>
      %scan3A_93 = arith.constant 2 : i32
      %scan3A_94 = arith.addi %scan3A_76, %scan3A_93 : i32
      %mul3A_95 = arith.constant 16 : i32
      %mul3A_96 = arith.muli %scan3A_94, %mul3A_95 : i32
      %get3A_97 = arith.index_cast %mul3A_96 : i32 to index
      %get3A_98 = tpu.vector_load %arg4[%get3A_97] {strides = array<i32>} : memref<1024xf32, #tpu.memory_space<vmem>>, vector<16xf32>,
      %bitcast3A_99 = vector.bitcast %get3A_98 : vector<16xf32> to vector<16xi32>
      %lt3A_100 = arith.cmpi slt, %bitcast3A_99, %scan3A_17#1 : vector<16xi32>
      %all_reduce_population_count3A_101 = tpu.all_reduce %lt3A_100 {dim = 0 : i64, kind = #tpu.reduction_kind<sum>} : vector<16xi1> -> vector<16xi32>
      %add3A_102 = arith.addi %add3A_92, %all_reduce_population_count3A_101 : vector<16xi32>
      %scan3A_103 = arith.constant 3 : i32
      %scan3A_104 = arith.addi %scan3A_76, %scan3A_103 : i32
      %mul3A_105 = arith.constant 16 : i32
      %mul3A_106 = arith.muli %scan3A_104, %mul3A_105 : i32
      %get3A_107 = arith.index_cast %mul3A_106 : i32 to index
      %get3A_108 = tpu.vector_load %arg4[%get3A_107] {strides = array<i32>} : memref<1024xf32, #tpu.memory_space<vmem>>, vector<16xf32>,
      %bitcast3A_109 = vector.bitcast %get3A_108 : vector<16xf32> to vector<16xi32>
      %lt3A_110 = arith.cmpi slt, %bitcast3A_109, %scan3A_17#1 : vector<16xi32>
      %all_reduce_population_count3A_111 = tpu.all_reduce %lt3A_110 {dim = 0 : i64, kind = #tpu.reduction_kind<sum>} : vector<16xi1> -> vector<16xi32>
      %add3A_112 = arith.addi %add3A_102, %all_reduce_population_count3A_111 : vector<16xi32>
      %scan3A_113 = arith.constant 4 : i32
      %scan3A_114 = arith.addi %scan3A_76, %scan3A_113 : i32
      %mul3A_115 = arith.constant 16 : i32
      %mul3A_116 = arith.muli %scan3A_114, %mul3A_115 : i32
      %get3A_117 = arith.index_cast %mul3A_116 : i32 to index
      %get3A_118 = tpu.vector_load %arg4[%get3A_117] {strides = array<i32>} : memref<1024xf32, #tpu.memory_space<vmem>>, vector<16xf32>,
      %bitcast3A_119 = vector.bitcast %get3A_118 : vector<16xf32> to vector<16xi32>
      %lt3A_120 = arith.cmpi slt, %bitcast3A_119, %scan3A_17#1 : vector<16xi32>
      %all_reduce_population_count3A_121 = tpu.all_reduce %lt3A_120 {dim = 0 : i64, kind = #tpu.reduction_kind<sum>} : vector<16xi1> -> vector<16xi32>
      %add3A_122 = arith.addi %add3A_112, %all_reduce_population_count3A_121 : vector<16xi32>
      %scan3A_123 = arith.constant 5 : i32
      %scan3A_124 = arith.addi %scan3A_76, %scan3A_123 : i32
      %mul3A_125 = arith.constant 16 : i32
      %mul3A_126 = arith.muli %scan3A_124, %mul3A_125 : i32
      %get3A_127 = arith.index_cast %mul3A_126 : i32 to index
      %get3A_128 = tpu.vector_load %arg4[%get3A_127] {strides = array<i32>} : memref<1024xf32, #tpu.memory_space<vmem>>, vector<16xf32>,
      %bitcast3A_129 = vector.bitcast %get3A_128 : vector<16xf32> to vector<16xi32>
      %lt3A_130 = arith.cmpi slt, %bitcast3A_129, %scan3A_17#1 : vector<16xi32>
      %all_reduce_population_count3A_131 = tpu.all_reduce %lt3A_130 {dim = 0 : i64, kind = #tpu.reduction_kind<sum>} : vector<16xi1> -> vector<16xi32>
      %add3A_132 = arith.addi %add3A_122, %all_reduce_population_count3A_131 : vector<16xi32>
      %scan3A_133 = arith.constant 6 : i32
      %scan3A_134 = arith.addi %scan3A_76, %scan3A_133 : i32
      %mul3A_135 = arith.constant 16 : i32
      %mul3A_136 = arith.muli %scan3A_134, %mul3A_135 : i32
      %get3A_137 = arith.index_cast %mul3A_136 : i32 to index
      %get3A_138 = tpu.vector_load %arg4[%get3A_137] {strides = array<i32>} : memref<1024xf32, #tpu.memory_space<vmem>>, vector<16xf32>,
      %bitcast3A_139 = vector.bitcast %get3A_138 : vector<16xf32> to vector<16xi32>
      %lt3A_140 = arith.cmpi slt, %bitcast3A_139, %scan3A_17#1 : vector<16xi32>
      %all_reduce_population_count3A_141 = tpu.all_reduce %lt3A_140 {dim = 0 : i64, kind = #tpu.reduction_kind<sum>} : vector<16xi1> -> vector<16xi32>
      %add3A_142 = arith.addi %add3A_132, %all_reduce_population_count3A_141 : vector<16xi32>
      %scan3A_143 = arith.constant 7 : i32
      %scan3A_144 = arith.addi %scan3A_76, %scan3A_143 : i32
      %mul3A_145 = arith.constant 16 : i32
      %mul3A_146 = arith.muli %scan3A_144, %mul3A_145 : i32
      %get3A_147 = arith.index_cast %mul3A_146 : i32 to index
      %get3A_148 = tpu.vector_load %arg4[%get3A_147] {strides = array<i32>} : memref<1024xf32, #tpu.memory_space<vmem>>, vector<16xf32>,
      %bitcast3A_149 = vector.bitcast %get3A_148 : vector<16xf32> to vector<16xi32>
      %lt3A_150 = arith.cmpi slt, %bitcast3A_149, %scan3A_17#1 : vector<16xi32>
      %all_reduce_population_count3A_151 = tpu.all_reduce %lt3A_150 {dim = 0 : i64, kind = #tpu.reduction_kind<sum>} : vector<16xi1> -> vector<16xi32>
      %add3A_152 = arith.addi %add3A_142, %all_reduce_population_count3A_151 : vector<16xi32>
      scf.yield %add3A_152 : vector<16xi32>
    }
    %scan3A_24 = arith.constant 64 : i32
    %sub3A = arith.subi %broadcast_in_dim3A_7, %scan3A_23 : vector<16xi32>
    %broadcast_in_dim3A_25 = arith.constant 513 : i32
    %broadcast_in_dim3A_26 = vector.broadcast %broadcast_in_dim3A_25 : i32 to vector<16xi32>
    %add3A_27 = arith.addi %broadcast_in_dim3A_26, %iota3A : vector<16xi32>
    %broadcast_in_dim3A_28 = arith.constant 7 : i32
    %broadcast_in_dim3A_29 = vector.broadcast %broadcast_in_dim3A_28 : i32 to vector<16xi32>
    %lt3A = arith.cmpi slt, %iota3A, %broadcast_in_dim3A_29 : vector<16xi32>
    tpu.vector_store_idx %arg5[%add3A_27], %broadcast_in_dim3A_3 masked %lt3A : memref<520xi32, #tpu.memory_space<vmem>>[vector<16xi32>], vector<16xi32>, vector<16xi1>
    %eq3A = arith.cmpi eq, %iota3A, %broadcast_in_dim3A_3 : vector<16xi32>
    tpu.vector_store_idx %arg5[%broadcast_in_dim3A_3], %broadcast_in_dim3A_3 masked %eq3A : memref<520xi32, #tpu.memory_space<vmem>>[vector<16xi32>], vector<16xi32>, vector<16xi1>
    %scan3A_30 = arith.constant 0 : i32
    %scan3A_31 = arith.constant 64 : i32
    %scan3A_32 = arith.addi %scan3A_30, %scan3A_31 : i32
    %scan3A_33 = arith.constant 1 : i32
    %scan3A_34:2 = scf.for %scan3A_76 = %scan3A_30 to %scan3A_32 step %scan3A_33 iter_args(%scan3A_77 = %broadcast_in_dim3A_3, %scan3A_78 = %broadcast_in_dim3A_3) -> (vector<16xi32>, vector<16xi32>)  : i32 {
      %mul3A_79 = arith.constant 16 : i32
      %mul3A_80 = arith.muli %scan3A_76, %mul3A_79 : i32
      %get3A = arith.index_cast %mul3A_80 : i32 to index
      %get3A_81 = tpu.vector_load %arg4[%get3A] {strides = array<i32>} : memref<1024xf32, #tpu.memory_space<vmem>>, vector<16xf32>,
      %bitcast3A = vector.bitcast %get3A_81 : vector<16xf32> to vector<16xi32>
      %lt3A_82 = arith.cmpi slt, %bitcast3A, %scan3A_17#1 : vector<16xi32>
      %eq3A_83 = arith.cmpi eq, %bitcast3A, %scan3A_17#1 : vector<16xi32>
      %select_n3A = arith.select %eq3A_83, %broadcast_in_dim3A_5, %broadcast_in_dim3A_3 : vector<16xi1>, vector<16xi32>
      %broadcast_in_dim3A_84 = arith.constant true
      %broadcast_in_dim3A_85 = vector.broadcast %broadcast_in_dim3A_84 : i1 to vector<16xi1>
      %masked_cumsum3A = tpu.scan <sum>, %select_n3A masked %broadcast_in_dim3A_85 : vector<16xi32>, vector<16xi1> -> vector<16xi32>
      %sub3A_86 = arith.subi %masked_cumsum3A, %select_n3A : vector<16xi32>
      %add3A_87 = arith.addi %sub3A_86, %scan3A_78 : vector<16xi32>
      %lt3A_88 = arith.cmpi slt, %add3A_87, %sub3A : vector<16xi32>
      %and3A = arith.andi %eq3A_83, %lt3A_88 : vector<16xi1>
      %or3A = arith.ori %lt3A_82, %and3A : vector<16xi1>
      %select_n3A_89 = arith.select %or3A, %broadcast_in_dim3A_5, %broadcast_in_dim3A_3 : vector<16xi1>, vector<16xi32>
      %broadcast_in_dim3A_90 = arith.constant true
      %broadcast_in_dim3A_91 = vector.broadcast %broadcast_in_dim3A_90 : i1 to vector<16xi1>
      %masked_cumsum3A_92 = tpu.scan <sum>, %select_n3A_89 masked %broadcast_in_dim3A_91 : vector<16xi32>, vector<16xi1> -> vector<16xi32>
      %sub3A_93 = arith.subi %masked_cumsum3A_92, %select_n3A_89 : vector<16xi32>
      %add3A_94 = arith.addi %sub3A_93, %scan3A_77 : vector<16xi32>
      %mul3A_95 = arith.constant 16 : i32
      %mul3A_96 = arith.muli %scan3A_76, %mul3A_95 : i32
      %add3A_97 = vector.broadcast %mul3A_96 : i32 to vector<16xi32>
      %add3A_98 = arith.addi %add3A_97, %iota3A : vector<16xi32>
      %add3A_99 = arith.constant 1 : i32
      %add3A_100 = vector.broadcast %add3A_99 : i32 to vector<16xi32>
      %add3A_101 = arith.addi %add3A_94, %add3A_100 : vector<16xi32>
      tpu.vector_store_idx %arg5[%add3A_101], %add3A_98 masked %or3A : memref<520xi32, #tpu.memory_space<vmem>>[vector<16xi32>], vector<16xi32>, vector<16xi1>
      %all_reduce_population_count3A = tpu.all_reduce %or3A {dim = 0 : i64, kind = #tpu.reduction_kind<sum>} : vector<16xi1> -> vector<16xi32>
      %add3A_102 = arith.addi %scan3A_77, %all_reduce_population_count3A : vector<16xi32>
      %all_reduce_population_count3A_103 = tpu.all_reduce %eq3A_83 {dim = 0 : i64, kind = #tpu.reduction_kind<sum>} : vector<16xi1> -> vector<16xi32>
      %add3A_104 = arith.addi %scan3A_78, %all_reduce_population_count3A_103 : vector<16xi32>
      scf.yield %add3A_102, %add3A_104 : vector<16xi32>, vector<16xi32>
    }
    %scan3A_35 = arith.constant 64 : i32
    %add3A_36 = arith.constant 0 : i32
    %add3A_37 = arith.addi %mul3A_2, %add3A_36 : i32
    %mul3A_38 = arith.constant 1024 : i32
    %mul3A_39 = arith.muli %add3A_37, %mul3A_38 : i32
    "tpu.region"() ({
      %run_scoped3A = tpu.sem_alloc : memref<!tpu.dma_semaphore, #tpu.memory_space<semaphore_mem>>
      %dma_start3A = tpu.memref_slice %arg3[%mul3A_39] : memref<65536xi32, #tpu.memory_space<hbm>> -> memref<520xi32, #tpu.memory_space<hbm>>
      %dma_start3A_76 = tpu.memref_slice %arg3[%mul3A_39] : memref<65536xi32, #tpu.memory_space<hbm>> -> memref<520xi32, #tpu.memory_space<hbm>>
      tpu.enqueue_dma source(%arg5 : memref<520xi32, #tpu.memory_space<vmem>>) target(%dma_start3A_76 : memref<520xi32, #tpu.memory_space<hbm>>) target_semaphore(%run_scoped3A : memref<!tpu.dma_semaphore, #tpu.memory_space<semaphore_mem>>)
      %dma_wait3A = tpu.memref_slice %arg3[%mul3A_39] : memref<65536xi32, #tpu.memory_space<hbm>> -> memref<520xi32, #tpu.memory_space<hbm>>
      %dma_wait3A_77 = tpu.memref_slice %arg3[%mul3A_39] : memref<65536xi32, #tpu.memory_space<hbm>> -> memref<520xi32, #tpu.memory_space<hbm>>
      tpu.wait_dma2 semaphore(%run_scoped3A : memref<!tpu.dma_semaphore, #tpu.memory_space<semaphore_mem>>) src(%arg5 : memref<520xi32, #tpu.memory_space<vmem>>) dst(%dma_wait3A_77 : memref<520xi32, #tpu.memory_space<hbm>>)
      tpu.yield
    }) : () -> ()
    %add3A_40 = arith.constant 1 : i32
    %add3A_41 = arith.addi %mul3A_2, %add3A_40 : i32
    %mul3A_42 = arith.constant 1024 : i32
    %mul3A_43 = arith.muli %add3A_41, %mul3A_42 : i32
    "tpu.region"() ({
      %run_scoped3A = tpu.sem_alloc : memref<!tpu.dma_semaphore, #tpu.memory_space<semaphore_mem>>
      %dma_start3A = tpu.memref_slice %arg2[%mul3A_43] : memref<65536xf32, #tpu.memory_space<hbm>> -> memref<1024xf32, #tpu.memory_space<hbm>>
      %dma_start3A_76 = tpu.memref_slice %arg2[%mul3A_43] : memref<65536xf32, #tpu.memory_space<hbm>> -> memref<1024xf32, #tpu.memory_space<hbm>>
      tpu.enqueue_dma source(%dma_start3A_76 : memref<1024xf32, #tpu.memory_space<hbm>>) target(%arg4 : memref<1024xf32, #tpu.memory_space<vmem>>) target_semaphore(%run_scoped3A : memref<!tpu.dma_semaphore, #tpu.memory_space<semaphore_mem>>)
      %dma_wait3A = tpu.memref_slice %arg2[%mul3A_43] : memref<65536xf32, #tpu.memory_space<hbm>> -> memref<1024xf32, #tpu.memory_space<hbm>>
      %dma_wait3A_77 = tpu.memref_slice %arg2[%mul3A_43] : memref<65536xf32, #tpu.memory_space<hbm>> -> memref<1024xf32, #tpu.memory_space<hbm>>
      tpu.wait_dma2 semaphore(%run_scoped3A : memref<!tpu.dma_semaphore, #tpu.memory_space<semaphore_mem>>) src(%dma_wait3A_77 : memref<1024xf32, #tpu.memory_space<hbm>>) dst(%arg4 : memref<1024xf32, #tpu.memory_space<vmem>>)
      tpu.yield
    }) : () -> ()
    %broadcast_in_dim3A_44 = arith.constant 1065353216 : i32
    %broadcast_in_dim3A_45 = vector.broadcast %broadcast_in_dim3A_44 : i32 to vector<16xi32>
    %scan3A_46 = arith.constant 0 : i32
    %scan3A_47 = arith.constant 30 : i32
    %scan3A_48 = arith.addi %scan3A_46, %scan3A_47 : i32
    %scan3A_49 = arith.constant 1 : i32
    %scan3A_50:2 = scf.for %scan3A_76 = %scan3A_46 to %scan3A_48 step %scan3A_49 iter_args(%scan3A_77 = %broadcast_in_dim3A_3, %scan3A_78 = %broadcast_in_dim3A_45) -> (vector<16xi32>, vector<16xi32>)  : i32 {
      %sub3A_79 = arith.subi %scan3A_78, %scan3A_77 : vector<16xi32>
      %shift_right_logical3A = arith.constant 1 : i32
      %shift_right_logical3A_80 = vector.broadcast %shift_right_logical3A : i32 to vector<16xi32>
      %shift_right_logical3A_81 = arith.shrui %sub3A_79, %shift_right_logical3A_80 : vector<16xi32>
      %add3A_82 = arith.addi %scan3A_77, %shift_right_logical3A_81 : vector<16xi32>
      %scan3A_83 = arith.constant 0 : i32
      %scan3A_84 = arith.constant 64 : i32
      %scan3A_85 = arith.addi %scan3A_83, %scan3A_84 : i32
      %scan3A_86 = arith.constant 8 : i32
      %scan3A_87 = scf.for %scan3A_93 = %scan3A_83 to %scan3A_85 step %scan3A_86 iter_args(%scan3A_94 = %broadcast_in_dim3A_3) -> (vector<16xi32>)  : i32 {
        %mul3A_95 = arith.constant 16 : i32
        %mul3A_96 = arith.muli %scan3A_93, %mul3A_95 : i32
        %get3A = arith.index_cast %mul3A_96 : i32 to index
        %get3A_97 = tpu.vector_load %arg4[%get3A] {strides = array<i32>} : memref<1024xf32, #tpu.memory_space<vmem>>, vector<16xf32>,
        %bitcast3A = vector.bitcast %get3A_97 : vector<16xf32> to vector<16xi32>
        %le3A = arith.cmpi sle, %bitcast3A, %add3A_82 : vector<16xi32>
        %all_reduce_population_count3A = tpu.all_reduce %le3A {dim = 0 : i64, kind = #tpu.reduction_kind<sum>} : vector<16xi1> -> vector<16xi32>
        %add3A_98 = arith.addi %scan3A_94, %all_reduce_population_count3A : vector<16xi32>
        %scan3A_99 = arith.constant 1 : i32
        %scan3A_100 = arith.addi %scan3A_93, %scan3A_99 : i32
        %mul3A_101 = arith.constant 16 : i32
        %mul3A_102 = arith.muli %scan3A_100, %mul3A_101 : i32
        %get3A_103 = arith.index_cast %mul3A_102 : i32 to index
        %get3A_104 = tpu.vector_load %arg4[%get3A_103] {strides = array<i32>} : memref<1024xf32, #tpu.memory_space<vmem>>, vector<16xf32>,
        %bitcast3A_105 = vector.bitcast %get3A_104 : vector<16xf32> to vector<16xi32>
        %le3A_106 = arith.cmpi sle, %bitcast3A_105, %add3A_82 : vector<16xi32>
        %all_reduce_population_count3A_107 = tpu.all_reduce %le3A_106 {dim = 0 : i64, kind = #tpu.reduction_kind<sum>} : vector<16xi1> -> vector<16xi32>
        %add3A_108 = arith.addi %add3A_98, %all_reduce_population_count3A_107 : vector<16xi32>
        %scan3A_109 = arith.constant 2 : i32
        %scan3A_110 = arith.addi %scan3A_93, %scan3A_109 : i32
        %mul3A_111 = arith.constant 16 : i32
        %mul3A_112 = arith.muli %scan3A_110, %mul3A_111 : i32
        %get3A_113 = arith.index_cast %mul3A_112 : i32 to index
        %get3A_114 = tpu.vector_load %arg4[%get3A_113] {strides = array<i32>} : memref<1024xf32, #tpu.memory_space<vmem>>, vector<16xf32>,
        %bitcast3A_115 = vector.bitcast %get3A_114 : vector<16xf32> to vector<16xi32>
        %le3A_116 = arith.cmpi sle, %bitcast3A_115, %add3A_82 : vector<16xi32>
        %all_reduce_population_count3A_117 = tpu.all_reduce %le3A_116 {dim = 0 : i64, kind = #tpu.reduction_kind<sum>} : vector<16xi1> -> vector<16xi32>
        %add3A_118 = arith.addi %add3A_108, %all_reduce_population_count3A_117 : vector<16xi32>
        %scan3A_119 = arith.constant 3 : i32
        %scan3A_120 = arith.addi %scan3A_93, %scan3A_119 : i32
        %mul3A_121 = arith.constant 16 : i32
        %mul3A_122 = arith.muli %scan3A_120, %mul3A_121 : i32
        %get3A_123 = arith.index_cast %mul3A_122 : i32 to index
        %get3A_124 = tpu.vector_load %arg4[%get3A_123] {strides = array<i32>} : memref<1024xf32, #tpu.memory_space<vmem>>, vector<16xf32>,
        %bitcast3A_125 = vector.bitcast %get3A_124 : vector<16xf32> to vector<16xi32>
        %le3A_126 = arith.cmpi sle, %bitcast3A_125, %add3A_82 : vector<16xi32>
        %all_reduce_population_count3A_127 = tpu.all_reduce %le3A_126 {dim = 0 : i64, kind = #tpu.reduction_kind<sum>} : vector<16xi1> -> vector<16xi32>
        %add3A_128 = arith.addi %add3A_118, %all_reduce_population_count3A_127 : vector<16xi32>
        %scan3A_129 = arith.constant 4 : i32
        %scan3A_130 = arith.addi %scan3A_93, %scan3A_129 : i32
        %mul3A_131 = arith.constant 16 : i32
        %mul3A_132 = arith.muli %scan3A_130, %mul3A_131 : i32
        %get3A_133 = arith.index_cast %mul3A_132 : i32 to index
        %get3A_134 = tpu.vector_load %arg4[%get3A_133] {strides = array<i32>} : memref<1024xf32, #tpu.memory_space<vmem>>, vector<16xf32>,
        %bitcast3A_135 = vector.bitcast %get3A_134 : vector<16xf32> to vector<16xi32>
        %le3A_136 = arith.cmpi sle, %bitcast3A_135, %add3A_82 : vector<16xi32>
        %all_reduce_population_count3A_137 = tpu.all_reduce %le3A_136 {dim = 0 : i64, kind = #tpu.reduction_kind<sum>} : vector<16xi1> -> vector<16xi32>
        %add3A_138 = arith.addi %add3A_128, %all_reduce_population_count3A_137 : vector<16xi32>
        %scan3A_139 = arith.constant 5 : i32
        %scan3A_140 = arith.addi %scan3A_93, %scan3A_139 : i32
        %mul3A_141 = arith.constant 16 : i32
        %mul3A_142 = arith.muli %scan3A_140, %mul3A_141 : i32
        %get3A_143 = arith.index_cast %mul3A_142 : i32 to index
        %get3A_144 = tpu.vector_load %arg4[%get3A_143] {strides = array<i32>} : memref<1024xf32, #tpu.memory_space<vmem>>, vector<16xf32>,
        %bitcast3A_145 = vector.bitcast %get3A_144 : vector<16xf32> to vector<16xi32>
        %le3A_146 = arith.cmpi sle, %bitcast3A_145, %add3A_82 : vector<16xi32>
        %all_reduce_population_count3A_147 = tpu.all_reduce %le3A_146 {dim = 0 : i64, kind = #tpu.reduction_kind<sum>} : vector<16xi1> -> vector<16xi32>
        %add3A_148 = arith.addi %add3A_138, %all_reduce_population_count3A_147 : vector<16xi32>
        %scan3A_149 = arith.constant 6 : i32
        %scan3A_150 = arith.addi %scan3A_93, %scan3A_149 : i32
        %mul3A_151 = arith.constant 16 : i32
        %mul3A_152 = arith.muli %scan3A_150, %mul3A_151 : i32
        %get3A_153 = arith.index_cast %mul3A_152 : i32 to index
        %get3A_154 = tpu.vector_load %arg4[%get3A_153] {strides = array<i32>} : memref<1024xf32, #tpu.memory_space<vmem>>, vector<16xf32>,
        %bitcast3A_155 = vector.bitcast %get3A_154 : vector<16xf32> to vector<16xi32>
        %le3A_156 = arith.cmpi sle, %bitcast3A_155, %add3A_82 : vector<16xi32>
        %all_reduce_population_count3A_157 = tpu.all_reduce %le3A_156 {dim = 0 : i64, kind = #tpu.reduction_kind<sum>} : vector<16xi1> -> vector<16xi32>
        %add3A_158 = arith.addi %add3A_148, %all_reduce_population_count3A_157 : vector<16xi32>
        %scan3A_159 = arith.constant 7 : i32
        %scan3A_160 = arith.addi %scan3A_93, %scan3A_159 : i32
        %mul3A_161 = arith.constant 16 : i32
        %mul3A_162 = arith.muli %scan3A_160, %mul3A_161 : i32
        %get3A_163 = arith.index_cast %mul3A_162 : i32 to index
        %get3A_164 = tpu.vector_load %arg4[%get3A_163] {strides = array<i32>} : memref<1024xf32, #tpu.memory_space<vmem>>, vector<16xf32>,
        %bitcast3A_165 = vector.bitcast %get3A_164 : vector<16xf32> to vector<16xi32>
        %le3A_166 = arith.cmpi sle, %bitcast3A_165, %add3A_82 : vector<16xi32>
        %all_reduce_population_count3A_167 = tpu.all_reduce %le3A_166 {dim = 0 : i64, kind = #tpu.reduction_kind<sum>} : vector<16xi1> -> vector<16xi32>
        %add3A_168 = arith.addi %add3A_158, %all_reduce_population_count3A_167 : vector<16xi32>
        scf.yield %add3A_168 : vector<16xi32>
      }
      %scan3A_88 = arith.constant 64 : i32
      %ge3A = arith.cmpi sge, %scan3A_87, %broadcast_in_dim3A_7 : vector<16xi32>
      %add3A_89 = arith.constant 1 : i32
      %add3A_90 = vector.broadcast %add3A_89 : i32 to vector<16xi32>
      %add3A_91 = arith.addi %add3A_82, %add3A_90 : vector<16xi32>
      %select_n3A = arith.select %ge3A, %scan3A_77, %add3A_91 : vector<16xi1>, vector<16xi32>
      %select_n3A_92 = arith.select %ge3A, %add3A_82, %scan3A_78 : vector<16xi1>, vector<16xi32>
      scf.yield %select_n3A, %select_n3A_92 : vector<16xi32>, vector<16xi32>
    }
    %scan3A_51 = arith.constant 30 : i32
    %scan3A_52 = arith.constant 0 : i32
    %scan3A_53 = arith.constant 64 : i32
    %scan3A_54 = arith.addi %scan3A_52, %scan3A_53 : i32
    %scan3A_55 = arith.constant 8 : i32
    %scan3A_56 = scf.for %scan3A_76 = %scan3A_52 to %scan3A_54 step %scan3A_55 iter_args(%scan3A_77 = %broadcast_in_dim3A_3) -> (vector<16xi32>)  : i32 {
      %mul3A_78 = arith.constant 16 : i32
      %mul3A_79 = arith.muli %scan3A_76, %mul3A_78 : i32
      %get3A = arith.index_cast %mul3A_79 : i32 to index
      %get3A_80 = tpu.vector_load %arg4[%get3A] {strides = array<i32>} : memref<1024xf32, #tpu.memory_space<vmem>>, vector<16xf32>,
      %bitcast3A = vector.bitcast %get3A_80 : vector<16xf32> to vector<16xi32>
      %lt3A_81 = arith.cmpi slt, %bitcast3A, %scan3A_50#1 : vector<16xi32>
      %all_reduce_population_count3A = tpu.all_reduce %lt3A_81 {dim = 0 : i64, kind = #tpu.reduction_kind<sum>} : vector<16xi1> -> vector<16xi32>
      %add3A_82 = arith.addi %scan3A_77, %all_reduce_population_count3A : vector<16xi32>
      %scan3A_83 = arith.constant 1 : i32
      %scan3A_84 = arith.addi %scan3A_76, %scan3A_83 : i32
      %mul3A_85 = arith.constant 16 : i32
      %mul3A_86 = arith.muli %scan3A_84, %mul3A_85 : i32
      %get3A_87 = arith.index_cast %mul3A_86 : i32 to index
      %get3A_88 = tpu.vector_load %arg4[%get3A_87] {strides = array<i32>} : memref<1024xf32, #tpu.memory_space<vmem>>, vector<16xf32>,
      %bitcast3A_89 = vector.bitcast %get3A_88 : vector<16xf32> to vector<16xi32>
      %lt3A_90 = arith.cmpi slt, %bitcast3A_89, %scan3A_50#1 : vector<16xi32>
      %all_reduce_population_count3A_91 = tpu.all_reduce %lt3A_90 {dim = 0 : i64, kind = #tpu.reduction_kind<sum>} : vector<16xi1> -> vector<16xi32>
      %add3A_92 = arith.addi %add3A_82, %all_reduce_population_count3A_91 : vector<16xi32>
      %scan3A_93 = arith.constant 2 : i32
      %scan3A_94 = arith.addi %scan3A_76, %scan3A_93 : i32
      %mul3A_95 = arith.constant 16 : i32
      %mul3A_96 = arith.muli %scan3A_94, %mul3A_95 : i32
      %get3A_97 = arith.index_cast %mul3A_96 : i32 to index
      %get3A_98 = tpu.vector_load %arg4[%get3A_97] {strides = array<i32>} : memref<1024xf32, #tpu.memory_space<vmem>>, vector<16xf32>,
      %bitcast3A_99 = vector.bitcast %get3A_98 : vector<16xf32> to vector<16xi32>
      %lt3A_100 = arith.cmpi slt, %bitcast3A_99, %scan3A_50#1 : vector<16xi32>
      %all_reduce_population_count3A_101 = tpu.all_reduce %lt3A_100 {dim = 0 : i64, kind = #tpu.reduction_kind<sum>} : vector<16xi1> -> vector<16xi32>
      %add3A_102 = arith.addi %add3A_92, %all_reduce_population_count3A_101 : vector<16xi32>
      %scan3A_103 = arith.constant 3 : i32
      %scan3A_104 = arith.addi %scan3A_76, %scan3A_103 : i32
      %mul3A_105 = arith.constant 16 : i32
      %mul3A_106 = arith.muli %scan3A_104, %mul3A_105 : i32
      %get3A_107 = arith.index_cast %mul3A_106 : i32 to index
      %get3A_108 = tpu.vector_load %arg4[%get3A_107] {strides = array<i32>} : memref<1024xf32, #tpu.memory_space<vmem>>, vector<16xf32>,
      %bitcast3A_109 = vector.bitcast %get3A_108 : vector<16xf32> to vector<16xi32>
      %lt3A_110 = arith.cmpi slt, %bitcast3A_109, %scan3A_50#1 : vector<16xi32>
      %all_reduce_population_count3A_111 = tpu.all_reduce %lt3A_110 {dim = 0 : i64, kind = #tpu.reduction_kind<sum>} : vector<16xi1> -> vector<16xi32>
      %add3A_112 = arith.addi %add3A_102, %all_reduce_population_count3A_111 : vector<16xi32>
      %scan3A_113 = arith.constant 4 : i32
      %scan3A_114 = arith.addi %scan3A_76, %scan3A_113 : i32
      %mul3A_115 = arith.constant 16 : i32
      %mul3A_116 = arith.muli %scan3A_114, %mul3A_115 : i32
      %get3A_117 = arith.index_cast %mul3A_116 : i32 to index
      %get3A_118 = tpu.vector_load %arg4[%get3A_117] {strides = array<i32>} : memref<1024xf32, #tpu.memory_space<vmem>>, vector<16xf32>,
      %bitcast3A_119 = vector.bitcast %get3A_118 : vector<16xf32> to vector<16xi32>
      %lt3A_120 = arith.cmpi slt, %bitcast3A_119, %scan3A_50#1 : vector<16xi32>
      %all_reduce_population_count3A_121 = tpu.all_reduce %lt3A_120 {dim = 0 : i64, kind = #tpu.reduction_kind<sum>} : vector<16xi1> -> vector<16xi32>
      %add3A_122 = arith.addi %add3A_112, %all_reduce_population_count3A_121 : vector<16xi32>
      %scan3A_123 = arith.constant 5 : i32
      %scan3A_124 = arith.addi %scan3A_76, %scan3A_123 : i32
      %mul3A_125 = arith.constant 16 : i32
      %mul3A_126 = arith.muli %scan3A_124, %mul3A_125 : i32
      %get3A_127 = arith.index_cast %mul3A_126 : i32 to index
      %get3A_128 = tpu.vector_load %arg4[%get3A_127] {strides = array<i32>} : memref<1024xf32, #tpu.memory_space<vmem>>, vector<16xf32>,
      %bitcast3A_129 = vector.bitcast %get3A_128 : vector<16xf32> to vector<16xi32>
      %lt3A_130 = arith.cmpi slt, %bitcast3A_129, %scan3A_50#1 : vector<16xi32>
      %all_reduce_population_count3A_131 = tpu.all_reduce %lt3A_130 {dim = 0 : i64, kind = #tpu.reduction_kind<sum>} : vector<16xi1> -> vector<16xi32>
      %add3A_132 = arith.addi %add3A_122, %all_reduce_population_count3A_131 : vector<16xi32>
      %scan3A_133 = arith.constant 6 : i32
      %scan3A_134 = arith.addi %scan3A_76, %scan3A_133 : i32
      %mul3A_135 = arith.constant 16 : i32
      %mul3A_136 = arith.muli %scan3A_134, %mul3A_135 : i32
      %get3A_137 = arith.index_cast %mul3A_136 : i32 to index
      %get3A_138 = tpu.vector_load %arg4[%get3A_137] {strides = array<i32>} : memref<1024xf32, #tpu.memory_space<vmem>>, vector<16xf32>,
      %bitcast3A_139 = vector.bitcast %get3A_138 : vector<16xf32> to vector<16xi32>
      %lt3A_140 = arith.cmpi slt, %bitcast3A_139, %scan3A_50#1 : vector<16xi32>
      %all_reduce_population_count3A_141 = tpu.all_reduce %lt3A_140 {dim = 0 : i64, kind = #tpu.reduction_kind<sum>} : vector<16xi1> -> vector<16xi32>
      %add3A_142 = arith.addi %add3A_132, %all_reduce_population_count3A_141 : vector<16xi32>
      %scan3A_143 = arith.constant 7 : i32
      %scan3A_144 = arith.addi %scan3A_76, %scan3A_143 : i32
      %mul3A_145 = arith.constant 16 : i32
      %mul3A_146 = arith.muli %scan3A_144, %mul3A_145 : i32
      %get3A_147 = arith.index_cast %mul3A_146 : i32 to index
      %get3A_148 = tpu.vector_load %arg4[%get3A_147] {strides = array<i32>} : memref<1024xf32, #tpu.memory_space<vmem>>, vector<16xf32>,
      %bitcast3A_149 = vector.bitcast %get3A_148 : vector<16xf32> to vector<16xi32>
      %lt3A_150 = arith.cmpi slt, %bitcast3A_149, %scan3A_50#1 : vector<16xi32>
      %all_reduce_population_count3A_151 = tpu.all_reduce %lt3A_150 {dim = 0 : i64, kind = #tpu.reduction_kind<sum>} : vector<16xi1> -> vector<16xi32>
      %add3A_152 = arith.addi %add3A_142, %all_reduce_population_count3A_151 : vector<16xi32>
      scf.yield %add3A_152 : vector<16xi32>
    }
    %scan3A_57 = arith.constant 64 : i32
    %sub3A_58 = arith.subi %broadcast_in_dim3A_7, %scan3A_56 : vector<16xi32>
    %broadcast_in_dim3A_59 = arith.constant 513 : i32
    %broadcast_in_dim3A_60 = vector.broadcast %broadcast_in_dim3A_59 : i32 to vector<16xi32>
    %add3A_61 = arith.addi %broadcast_in_dim3A_60, %iota3A : vector<16xi32>
    %broadcast_in_dim3A_62 = arith.constant 7 : i32
    %broadcast_in_dim3A_63 = vector.broadcast %broadcast_in_dim3A_62 : i32 to vector<16xi32>
    %lt3A_64 = arith.cmpi slt, %iota3A, %broadcast_in_dim3A_63 : vector<16xi32>
    tpu.vector_store_idx %arg5[%add3A_61], %broadcast_in_dim3A_3 masked %lt3A_64 : memref<520xi32, #tpu.memory_space<vmem>>[vector<16xi32>], vector<16xi32>, vector<16xi1>
    %eq3A_65 = arith.cmpi eq, %iota3A, %broadcast_in_dim3A_3 : vector<16xi32>
    tpu.vector_store_idx %arg5[%broadcast_in_dim3A_3], %broadcast_in_dim3A_3 masked %eq3A_65 : memref<520xi32, #tpu.memory_space<vmem>>[vector<16xi32>], vector<16xi32>, vector<16xi1>
    %scan3A_66 = arith.constant 0 : i32
    %scan3A_67 = arith.constant 64 : i32
    %scan3A_68 = arith.addi %scan3A_66, %scan3A_67 : i32
    %scan3A_69 = arith.constant 1 : i32
    %scan3A_70:2 = scf.for %scan3A_76 = %scan3A_66 to %scan3A_68 step %scan3A_69 iter_args(%scan3A_77 = %broadcast_in_dim3A_3, %scan3A_78 = %broadcast_in_dim3A_3) -> (vector<16xi32>, vector<16xi32>)  : i32 {
      %mul3A_79 = arith.constant 16 : i32
      %mul3A_80 = arith.muli %scan3A_76, %mul3A_79 : i32
      %get3A = arith.index_cast %mul3A_80 : i32 to index
      %get3A_81 = tpu.vector_load %arg4[%get3A] {strides = array<i32>} : memref<1024xf32, #tpu.memory_space<vmem>>, vector<16xf32>,
      %bitcast3A = vector.bitcast %get3A_81 : vector<16xf32> to vector<16xi32>
      %lt3A_82 = arith.cmpi slt, %bitcast3A, %scan3A_50#1 : vector<16xi32>
      %eq3A_83 = arith.cmpi eq, %bitcast3A, %scan3A_50#1 : vector<16xi32>
      %select_n3A = arith.select %eq3A_83, %broadcast_in_dim3A_5, %broadcast_in_dim3A_3 : vector<16xi1>, vector<16xi32>
      %broadcast_in_dim3A_84 = arith.constant true
      %broadcast_in_dim3A_85 = vector.broadcast %broadcast_in_dim3A_84 : i1 to vector<16xi1>
      %masked_cumsum3A = tpu.scan <sum>, %select_n3A masked %broadcast_in_dim3A_85 : vector<16xi32>, vector<16xi1> -> vector<16xi32>
      %sub3A_86 = arith.subi %masked_cumsum3A, %select_n3A : vector<16xi32>
      %add3A_87 = arith.addi %sub3A_86, %scan3A_78 : vector<16xi32>
      %lt3A_88 = arith.cmpi slt, %add3A_87, %sub3A_58 : vector<16xi32>
      %and3A = arith.andi %eq3A_83, %lt3A_88 : vector<16xi1>
      %or3A = arith.ori %lt3A_82, %and3A : vector<16xi1>
      %select_n3A_89 = arith.select %or3A, %broadcast_in_dim3A_5, %broadcast_in_dim3A_3 : vector<16xi1>, vector<16xi32>
      %broadcast_in_dim3A_90 = arith.constant true
      %broadcast_in_dim3A_91 = vector.broadcast %broadcast_in_dim3A_90 : i1 to vector<16xi1>
      %masked_cumsum3A_92 = tpu.scan <sum>, %select_n3A_89 masked %broadcast_in_dim3A_91 : vector<16xi32>, vector<16xi1> -> vector<16xi32>
      %sub3A_93 = arith.subi %masked_cumsum3A_92, %select_n3A_89 : vector<16xi32>
      %add3A_94 = arith.addi %sub3A_93, %scan3A_77 : vector<16xi32>
      %mul3A_95 = arith.constant 16 : i32
      %mul3A_96 = arith.muli %scan3A_76, %mul3A_95 : i32
      %add3A_97 = vector.broadcast %mul3A_96 : i32 to vector<16xi32>
      %add3A_98 = arith.addi %add3A_97, %iota3A : vector<16xi32>
      %add3A_99 = arith.constant 1 : i32
      %add3A_100 = vector.broadcast %add3A_99 : i32 to vector<16xi32>
      %add3A_101 = arith.addi %add3A_94, %add3A_100 : vector<16xi32>
      tpu.vector_store_idx %arg5[%add3A_101], %add3A_98 masked %or3A : memref<520xi32, #tpu.memory_space<vmem>>[vector<16xi32>], vector<16xi32>, vector<16xi1>
      %all_reduce_population_count3A = tpu.all_reduce %or3A {dim = 0 : i64, kind = #tpu.reduction_kind<sum>} : vector<16xi1> -> vector<16xi32>
      %add3A_102 = arith.addi %scan3A_77, %all_reduce_population_count3A : vector<16xi32>
      %all_reduce_population_count3A_103 = tpu.all_reduce %eq3A_83 {dim = 0 : i64, kind = #tpu.reduction_kind<sum>} : vector<16xi1> -> vector<16xi32>
      %add3A_104 = arith.addi %scan3A_78, %all_reduce_population_count3A_103 : vector<16xi32>
      scf.yield %add3A_102, %add3A_104 : vector<16xi32>, vector<16xi32>
    }
    %scan3A_71 = arith.constant 64 : i32
    %add3A_72 = arith.constant 1 : i32
    %add3A_73 = arith.addi %mul3A_2, %add3A_72 : i32
    %mul3A_74 = arith.constant 1024 : i32
    %mul3A_75 = arith.muli %add3A_73, %mul3A_74 : i32
    "tpu.region"() ({
      %run_scoped3A = tpu.sem_alloc : memref<!tpu.dma_semaphore, #tpu.memory_space<semaphore_mem>>
      %dma_start3A = tpu.memref_slice %arg3[%mul3A_75] : memref<65536xi32, #tpu.memory_space<hbm>> -> memref<520xi32, #tpu.memory_space<hbm>>
      %dma_start3A_76 = tpu.memref_slice %arg3[%mul3A_75] : memref<65536xi32, #tpu.memory_space<hbm>> -> memref<520xi32, #tpu.memory_space<hbm>>
      tpu.enqueue_dma source(%arg5 : memref<520xi32, #tpu.memory_space<vmem>>) target(%dma_start3A_76 : memref<520xi32, #tpu.memory_space<hbm>>) target_semaphore(%run_scoped3A : memref<!tpu.dma_semaphore, #tpu.memory_space<semaphore_mem>>)
      %dma_wait3A = tpu.memref_slice %arg3[%mul3A_75] : memref<65536xi32, #tpu.memory_space<hbm>> -> memref<520xi32, #tpu.memory_space<hbm>>
      %dma_wait3A_77 = tpu.memref_slice %arg3[%mul3A_75] : memref<65536xi32, #tpu.memory_space<hbm>> -> memref<520xi32, #tpu.memory_space<hbm>>
      tpu.wait_dma2 semaphore(%run_scoped3A : memref<!tpu.dma_semaphore, #tpu.memory_space<semaphore_mem>>) src(%arg5 : memref<520xi32, #tpu.memory_space<vmem>>) dst(%dma_wait3A_77 : memref<520xi32, #tpu.memory_space<hbm>>)
      tpu.yield
    }) : () -> ()
    return
  }
}

#map = affine_map<(d0, d1) -> (0, 0)>
module attributes {stable_mosaic.version = 14 : i64} {
  func.func @_gat_body(%arg0: i32, %arg1: i32, %arg2: memref<65600x768xf32, #tpu.memory_space<hbm>>, %arg3: memref<1024x64xi32, #tpu.memory_space<hbm>>, %arg4: memref<32832x768xf32, #tpu.memory_space<hbm>>, %arg5: memref<16x64xi32, #tpu.memory_space<vmem>>, %arg6: memref<16xi32, #tpu.memory_space<vmem>>, %arg7: memref<16xi32, #tpu.memory_space<vmem>>, %arg8: memref<16xi32, #tpu.memory_space<vmem>>, %arg9: memref<16xi32, #tpu.memory_space<vmem>>, %arg10: memref<16xi32, #tpu.memory_space<vmem>>, %arg11: memref<16xi32, #tpu.memory_space<vmem>>, %arg12: memref<16xi32, #tpu.memory_space<vmem>>, %arg13: memref<16xi32, #tpu.memory_space<vmem>>, %arg14: memref<64x768xf32, #tpu.memory_space<vmem>>, %arg15: memref<64x768xf32, #tpu.memory_space<vmem>>, %arg16: memref<!tpu.dma_semaphore, #tpu.memory_space<semaphore_mem>>, %arg17: memref<!tpu.dma_semaphore, #tpu.memory_space<semaphore_mem>>, %arg18: memref<!tpu.dma_semaphore, #tpu.memory_space<semaphore_mem>>, %arg19: memref<!tpu.dma_semaphore, #tpu.memory_space<semaphore_mem>>, %arg20: memref<!tpu.dma_semaphore, #tpu.memory_space<semaphore_mem>>, %arg21: memref<!tpu.dma_semaphore, #tpu.memory_space<semaphore_mem>>, %arg22: memref<!tpu.dma_semaphore, #tpu.memory_space<semaphore_mem>>, %arg23: memref<!tpu.dma_semaphore, #tpu.memory_space<semaphore_mem>>, %arg24: memref<!tpu.dma_semaphore, #tpu.memory_space<semaphore_mem>>, %arg25: memref<!tpu.dma_semaphore, #tpu.memory_space<semaphore_mem>>) attributes {dimension_semantics = [#tpu.dimension_semantics<core_parallel>, #tpu.dimension_semantics<subcore_parallel>], iteration_bounds = array<i64: 2, 16>, scalar_prefetch = 0 : i64, scratch_operands = 21 : i64, tpu.core_type = #tpu.core_type<sc_vector_subcore>, window_params = [{transform_indices = #map}, {transform_indices = #map}, {transform_indices = #map}]} {
    %mul3A = arith.constant 2 : i32
    %mul3A_0 = arith.muli %arg1, %mul3A : i32
    %add3A = arith.addi %mul3A_0, %arg0 : i32
    %mul3A_1 = arith.constant 16 : i32
    %mul3A_2 = arith.muli %add3A, %mul3A_1 : i32
    %iota3A = tpu.iota {dimensions = array<i32: 0>} : vector<16xi32>
    "tpu.region"() ({
      %run_scoped3A = tpu.sem_alloc : memref<!tpu.dma_semaphore, #tpu.memory_space<semaphore_mem>>
      %dma_start3A_1792 = arith.constant 0 : i32
      %dma_start3A_1793 = tpu.memref_slice %arg3[%mul3A_2, %dma_start3A_1792] : memref<1024x64xi32, #tpu.memory_space<hbm>> -> memref<16x64xi32, #tpu.memory_space<hbm>>
      %dma_start3A_1794 = arith.constant 0 : i32
      %dma_start3A_1795 = tpu.memref_slice %arg3[%mul3A_2, %dma_start3A_1794] : memref<1024x64xi32, #tpu.memory_space<hbm>> -> memref<16x64xi32, #tpu.memory_space<hbm>>
      tpu.enqueue_dma source(%dma_start3A_1795 : memref<16x64xi32, #tpu.memory_space<hbm>>) target(%arg5 : memref<16x64xi32, #tpu.memory_space<vmem>>) target_semaphore(%run_scoped3A : memref<!tpu.dma_semaphore, #tpu.memory_space<semaphore_mem>>)
      %dma_wait3A_1796 = arith.constant 0 : i32
      %dma_wait3A_1797 = tpu.memref_slice %arg3[%mul3A_2, %dma_wait3A_1796] : memref<1024x64xi32, #tpu.memory_space<hbm>> -> memref<16x64xi32, #tpu.memory_space<hbm>>
      %dma_wait3A_1798 = arith.constant 0 : i32
      %dma_wait3A_1799 = tpu.memref_slice %arg3[%mul3A_2, %dma_wait3A_1798] : memref<1024x64xi32, #tpu.memory_space<hbm>> -> memref<16x64xi32, #tpu.memory_space<hbm>>
      tpu.wait_dma2 semaphore(%run_scoped3A : memref<!tpu.dma_semaphore, #tpu.memory_space<semaphore_mem>>) src(%dma_wait3A_1799 : memref<16x64xi32, #tpu.memory_space<hbm>>) dst(%arg5 : memref<16x64xi32, #tpu.memory_space<vmem>>)
      tpu.yield
    }) : () -> ()
    %broadcast_in_dim3A = arith.constant 0 : i32
    %broadcast_in_dim3A_3 = vector.broadcast %broadcast_in_dim3A : i32 to vector<16xi32>
    %add3A_4 = arith.addi %broadcast_in_dim3A_3, %iota3A : vector<16xi32>
    %broadcast_in_dim3A_5 = arith.constant 0 : i32
    %broadcast_in_dim3A_6 = vector.broadcast %broadcast_in_dim3A_5 : i32 to vector<16xi32>
    %gather3A = tpu.vector_load_idx %arg5[%broadcast_in_dim3A_6, %add3A_4] : memref<16x64xi32, #tpu.memory_space<vmem>>[vector<16xi32>, vector<16xi32>], vector<16xi32>,
    %mul3A_7 = arith.constant 64 : i32
    %mul3A_8 = vector.broadcast %mul3A_7 : i32 to vector<16xi32>
    %mul3A_9 = arith.muli %gather3A, %mul3A_8 : vector<16xi32>
    %add3A_10 = arith.addi %mul3A_9, %add3A_4 : vector<16xi32>
    %swap3A = arith.constant 0 : index
    %swap3A_11 = tpu.vector_load %arg6[%swap3A] {strides = array<i32>} : memref<16xi32, #tpu.memory_space<vmem>>, vector<16xi32>,
    tpu.vector_store %arg6[%swap3A], %add3A_10 {strides = array<i32>} : memref<16xi32, #tpu.memory_space<vmem>>, vector<16xi32>,
    %dma_start3A = arith.constant 0 : i32
    %dma_start3A_12 = arith.constant 0 : i32
    %dma_start3A_13 = tpu.memref_slice %arg14[%dma_start3A, %dma_start3A_12] : memref<64x768xf32, #tpu.memory_space<vmem>> -> memref<16x768xf32, #tpu.memory_space<vmem>>
    %dma_start3A_14 = arith.constant 0 : i32
    %dma_start3A_15 = arith.constant 0 : i32
    %dma_start3A_16 = tpu.memref_slice %arg2[%dma_start3A_14, %dma_start3A_15] : memref<65600x768xf32, #tpu.memory_space<hbm>> -> memref<65600x768xf32, #tpu.memory_space<hbm>>
    tpu.enqueue_indirect_dma source(%dma_start3A_16 : memref<65600x768xf32, #tpu.memory_space<hbm>>) target(%dma_start3A_13 : memref<16x768xf32, #tpu.memory_space<vmem>>) offsets(%arg6 : memref<16xi32, #tpu.memory_space<vmem>>) semaphore(%arg16 : memref<!tpu.dma_semaphore, #tpu.memory_space<semaphore_mem>>)
    %broadcast_in_dim3A_17 = arith.constant 16 : i32
    %broadcast_in_dim3A_18 = vector.broadcast %broadcast_in_dim3A_17 : i32 to vector<16xi32>
    %add3A_19 = arith.addi %broadcast_in_dim3A_18, %iota3A : vector<16xi32>
    %broadcast_in_dim3A_20 = arith.constant 0 : i32
    %broadcast_in_dim3A_21 = vector.broadcast %broadcast_in_dim3A_20 : i32 to vector<16xi32>
    %gather3A_22 = tpu.vector_load_idx %arg5[%broadcast_in_dim3A_21, %add3A_19] : memref<16x64xi32, #tpu.memory_space<vmem>>[vector<16xi32>, vector<16xi32>], vector<16xi32>,
    %mul3A_23 = arith.constant 64 : i32
    %mul3A_24 = vector.broadcast %mul3A_23 : i32 to vector<16xi32>
    %mul3A_25 = arith.muli %gather3A_22, %mul3A_24 : vector<16xi32>
    %add3A_26 = arith.addi %mul3A_25, %add3A_19 : vector<16xi32>
    %swap3A_27 = arith.constant 0 : index
    %swap3A_28 = tpu.vector_load %arg7[%swap3A_27] {strides = array<i32>} : memref<16xi32, #tpu.memory_space<vmem>>, vector<16xi32>,
    tpu.vector_store %arg7[%swap3A_27], %add3A_26 {strides = array<i32>} : memref<16xi32, #tpu.memory_space<vmem>>, vector<16xi32>,
    %dma_start3A_29 = arith.constant 16 : i32
    %dma_start3A_30 = arith.constant 0 : i32
    %dma_start3A_31 = tpu.memref_slice %arg14[%dma_start3A_29, %dma_start3A_30] : memref<64x768xf32, #tpu.memory_space<vmem>> -> memref<16x768xf32, #tpu.memory_space<vmem>>
    %dma_start3A_32 = arith.constant 0 : i32
    %dma_start3A_33 = arith.constant 0 : i32
    %dma_start3A_34 = tpu.memref_slice %arg2[%dma_start3A_32, %dma_start3A_33] : memref<65600x768xf32, #tpu.memory_space<hbm>> -> memref<65600x768xf32, #tpu.memory_space<hbm>>
    tpu.enqueue_indirect_dma source(%dma_start3A_34 : memref<65600x768xf32, #tpu.memory_space<hbm>>) target(%dma_start3A_31 : memref<16x768xf32, #tpu.memory_space<vmem>>) offsets(%arg7 : memref<16xi32, #tpu.memory_space<vmem>>) semaphore(%arg17 : memref<!tpu.dma_semaphore, #tpu.memory_space<semaphore_mem>>)
    %broadcast_in_dim3A_35 = arith.constant 32 : i32
    %broadcast_in_dim3A_36 = vector.broadcast %broadcast_in_dim3A_35 : i32 to vector<16xi32>
    %add3A_37 = arith.addi %broadcast_in_dim3A_36, %iota3A : vector<16xi32>
    %broadcast_in_dim3A_38 = arith.constant 0 : i32
    %broadcast_in_dim3A_39 = vector.broadcast %broadcast_in_dim3A_38 : i32 to vector<16xi32>
    %gather3A_40 = tpu.vector_load_idx %arg5[%broadcast_in_dim3A_39, %add3A_37] : memref<16x64xi32, #tpu.memory_space<vmem>>[vector<16xi32>, vector<16xi32>], vector<16xi32>,
    %mul3A_41 = arith.constant 64 : i32
    %mul3A_42 = vector.broadcast %mul3A_41 : i32 to vector<16xi32>
    %mul3A_43 = arith.muli %gather3A_40, %mul3A_42 : vector<16xi32>
    %add3A_44 = arith.addi %mul3A_43, %add3A_37 : vector<16xi32>
    %swap3A_45 = arith.constant 0 : index
    %swap3A_46 = tpu.vector_load %arg8[%swap3A_45] {strides = array<i32>} : memref<16xi32, #tpu.memory_space<vmem>>, vector<16xi32>,
    tpu.vector_store %arg8[%swap3A_45], %add3A_44 {strides = array<i32>} : memref<16xi32, #tpu.memory_space<vmem>>, vector<16xi32>,
    %dma_start3A_47 = arith.constant 32 : i32
    %dma_start3A_48 = arith.constant 0 : i32
    %dma_start3A_49 = tpu.memref_slice %arg14[%dma_start3A_47, %dma_start3A_48] : memref<64x768xf32, #tpu.memory_space<vmem>> -> memref<16x768xf32, #tpu.memory_space<vmem>>
    %dma_start3A_50 = arith.constant 0 : i32
    %dma_start3A_51 = arith.constant 0 : i32
    %dma_start3A_52 = tpu.memref_slice %arg2[%dma_start3A_50, %dma_start3A_51] : memref<65600x768xf32, #tpu.memory_space<hbm>> -> memref<65600x768xf32, #tpu.memory_space<hbm>>
    tpu.enqueue_indirect_dma source(%dma_start3A_52 : memref<65600x768xf32, #tpu.memory_space<hbm>>) target(%dma_start3A_49 : memref<16x768xf32, #tpu.memory_space<vmem>>) offsets(%arg8 : memref<16xi32, #tpu.memory_space<vmem>>) semaphore(%arg18 : memref<!tpu.dma_semaphore, #tpu.memory_space<semaphore_mem>>)
    %broadcast_in_dim3A_53 = arith.constant 48 : i32
    %broadcast_in_dim3A_54 = vector.broadcast %broadcast_in_dim3A_53 : i32 to vector<16xi32>
    %add3A_55 = arith.addi %broadcast_in_dim3A_54, %iota3A : vector<16xi32>
    %broadcast_in_dim3A_56 = arith.constant 0 : i32
    %broadcast_in_dim3A_57 = vector.broadcast %broadcast_in_dim3A_56 : i32 to vector<16xi32>
    %gather3A_58 = tpu.vector_load_idx %arg5[%broadcast_in_dim3A_57, %add3A_55] : memref<16x64xi32, #tpu.memory_space<vmem>>[vector<16xi32>, vector<16xi32>], vector<16xi32>,
    %mul3A_59 = arith.constant 64 : i32
    %mul3A_60 = vector.broadcast %mul3A_59 : i32 to vector<16xi32>
    %mul3A_61 = arith.muli %gather3A_58, %mul3A_60 : vector<16xi32>
    %add3A_62 = arith.addi %mul3A_61, %add3A_55 : vector<16xi32>
    %swap3A_63 = arith.constant 0 : index
    %swap3A_64 = tpu.vector_load %arg9[%swap3A_63] {strides = array<i32>} : memref<16xi32, #tpu.memory_space<vmem>>, vector<16xi32>,
    tpu.vector_store %arg9[%swap3A_63], %add3A_62 {strides = array<i32>} : memref<16xi32, #tpu.memory_space<vmem>>, vector<16xi32>,
    %dma_start3A_65 = arith.constant 48 : i32
    %dma_start3A_66 = arith.constant 0 : i32
    %dma_start3A_67 = tpu.memref_slice %arg14[%dma_start3A_65, %dma_start3A_66] : memref<64x768xf32, #tpu.memory_space<vmem>> -> memref<16x768xf32, #tpu.memory_space<vmem>>
    %dma_start3A_68 = arith.constant 0 : i32
    %dma_start3A_69 = arith.constant 0 : i32
    %dma_start3A_70 = tpu.memref_slice %arg2[%dma_start3A_68, %dma_start3A_69] : memref<65600x768xf32, #tpu.memory_space<hbm>> -> memref<65600x768xf32, #tpu.memory_space<hbm>>
    tpu.enqueue_indirect_dma source(%dma_start3A_70 : memref<65600x768xf32, #tpu.memory_space<hbm>>) target(%dma_start3A_67 : memref<16x768xf32, #tpu.memory_space<vmem>>) offsets(%arg9 : memref<16xi32, #tpu.memory_space<vmem>>) semaphore(%arg19 : memref<!tpu.dma_semaphore, #tpu.memory_space<semaphore_mem>>)
    %broadcast_in_dim3A_71 = arith.constant 0 : i32
    %broadcast_in_dim3A_72 = vector.broadcast %broadcast_in_dim3A_71 : i32 to vector<16xi32>
    %add3A_73 = arith.addi %broadcast_in_dim3A_72, %iota3A : vector<16xi32>
    %broadcast_in_dim3A_74 = arith.constant 1 : i32
    %broadcast_in_dim3A_75 = vector.broadcast %broadcast_in_dim3A_74 : i32 to vector<16xi32>
    %gather3A_76 = tpu.vector_load_idx %arg5[%broadcast_in_dim3A_75, %add3A_73] : memref<16x64xi32, #tpu.memory_space<vmem>>[vector<16xi32>, vector<16xi32>], vector<16xi32>,
    %mul3A_77 = arith.constant 64 : i32
    %mul3A_78 = vector.broadcast %mul3A_77 : i32 to vector<16xi32>
    %mul3A_79 = arith.muli %gather3A_76, %mul3A_78 : vector<16xi32>
    %add3A_80 = arith.addi %mul3A_79, %add3A_73 : vector<16xi32>
    %swap3A_81 = arith.constant 0 : index
    %swap3A_82 = tpu.vector_load %arg10[%swap3A_81] {strides = array<i32>} : memref<16xi32, #tpu.memory_space<vmem>>, vector<16xi32>,
    tpu.vector_store %arg10[%swap3A_81], %add3A_80 {strides = array<i32>} : memref<16xi32, #tpu.memory_space<vmem>>, vector<16xi32>,
    %dma_start3A_83 = arith.constant 0 : i32
    %dma_start3A_84 = arith.constant 0 : i32
    %dma_start3A_85 = tpu.memref_slice %arg15[%dma_start3A_83, %dma_start3A_84] : memref<64x768xf32, #tpu.memory_space<vmem>> -> memref<16x768xf32, #tpu.memory_space<vmem>>
    %dma_start3A_86 = arith.constant 0 : i32
    %dma_start3A_87 = arith.constant 0 : i32
    %dma_start3A_88 = tpu.memref_slice %arg2[%dma_start3A_86, %dma_start3A_87] : memref<65600x768xf32, #tpu.memory_space<hbm>> -> memref<65600x768xf32, #tpu.memory_space<hbm>>
    tpu.enqueue_indirect_dma source(%dma_start3A_88 : memref<65600x768xf32, #tpu.memory_space<hbm>>) target(%dma_start3A_85 : memref<16x768xf32, #tpu.memory_space<vmem>>) offsets(%arg10 : memref<16xi32, #tpu.memory_space<vmem>>) semaphore(%arg20 : memref<!tpu.dma_semaphore, #tpu.memory_space<semaphore_mem>>)
    %broadcast_in_dim3A_89 = arith.constant 16 : i32
    %broadcast_in_dim3A_90 = vector.broadcast %broadcast_in_dim3A_89 : i32 to vector<16xi32>
    %add3A_91 = arith.addi %broadcast_in_dim3A_90, %iota3A : vector<16xi32>
    %broadcast_in_dim3A_92 = arith.constant 1 : i32
    %broadcast_in_dim3A_93 = vector.broadcast %broadcast_in_dim3A_92 : i32 to vector<16xi32>
    %gather3A_94 = tpu.vector_load_idx %arg5[%broadcast_in_dim3A_93, %add3A_91] : memref<16x64xi32, #tpu.memory_space<vmem>>[vector<16xi32>, vector<16xi32>], vector<16xi32>,
    %mul3A_95 = arith.constant 64 : i32
    %mul3A_96 = vector.broadcast %mul3A_95 : i32 to vector<16xi32>
    %mul3A_97 = arith.muli %gather3A_94, %mul3A_96 : vector<16xi32>
    %add3A_98 = arith.addi %mul3A_97, %add3A_91 : vector<16xi32>
    %swap3A_99 = arith.constant 0 : index
    %swap3A_100 = tpu.vector_load %arg11[%swap3A_99] {strides = array<i32>} : memref<16xi32, #tpu.memory_space<vmem>>, vector<16xi32>,
    tpu.vector_store %arg11[%swap3A_99], %add3A_98 {strides = array<i32>} : memref<16xi32, #tpu.memory_space<vmem>>, vector<16xi32>,
    %dma_start3A_101 = arith.constant 16 : i32
    %dma_start3A_102 = arith.constant 0 : i32
    %dma_start3A_103 = tpu.memref_slice %arg15[%dma_start3A_101, %dma_start3A_102] : memref<64x768xf32, #tpu.memory_space<vmem>> -> memref<16x768xf32, #tpu.memory_space<vmem>>
    %dma_start3A_104 = arith.constant 0 : i32
    %dma_start3A_105 = arith.constant 0 : i32
    %dma_start3A_106 = tpu.memref_slice %arg2[%dma_start3A_104, %dma_start3A_105] : memref<65600x768xf32, #tpu.memory_space<hbm>> -> memref<65600x768xf32, #tpu.memory_space<hbm>>
    tpu.enqueue_indirect_dma source(%dma_start3A_106 : memref<65600x768xf32, #tpu.memory_space<hbm>>) target(%dma_start3A_103 : memref<16x768xf32, #tpu.memory_space<vmem>>) offsets(%arg11 : memref<16xi32, #tpu.memory_space<vmem>>) semaphore(%arg21 : memref<!tpu.dma_semaphore, #tpu.memory_space<semaphore_mem>>)
    %broadcast_in_dim3A_107 = arith.constant 32 : i32
    %broadcast_in_dim3A_108 = vector.broadcast %broadcast_in_dim3A_107 : i32 to vector<16xi32>
    %add3A_109 = arith.addi %broadcast_in_dim3A_108, %iota3A : vector<16xi32>
    %broadcast_in_dim3A_110 = arith.constant 1 : i32
    %broadcast_in_dim3A_111 = vector.broadcast %broadcast_in_dim3A_110 : i32 to vector<16xi32>
    %gather3A_112 = tpu.vector_load_idx %arg5[%broadcast_in_dim3A_111, %add3A_109] : memref<16x64xi32, #tpu.memory_space<vmem>>[vector<16xi32>, vector<16xi32>], vector<16xi32>,
    %mul3A_113 = arith.constant 64 : i32
    %mul3A_114 = vector.broadcast %mul3A_113 : i32 to vector<16xi32>
    %mul3A_115 = arith.muli %gather3A_112, %mul3A_114 : vector<16xi32>
    %add3A_116 = arith.addi %mul3A_115, %add3A_109 : vector<16xi32>
    %swap3A_117 = arith.constant 0 : index
    %swap3A_118 = tpu.vector_load %arg12[%swap3A_117] {strides = array<i32>} : memref<16xi32, #tpu.memory_space<vmem>>, vector<16xi32>,
    tpu.vector_store %arg12[%swap3A_117], %add3A_116 {strides = array<i32>} : memref<16xi32, #tpu.memory_space<vmem>>, vector<16xi32>,
    %dma_start3A_119 = arith.constant 32 : i32
    %dma_start3A_120 = arith.constant 0 : i32
    %dma_start3A_121 = tpu.memref_slice %arg15[%dma_start3A_119, %dma_start3A_120] : memref<64x768xf32, #tpu.memory_space<vmem>> -> memref<16x768xf32, #tpu.memory_space<vmem>>
    %dma_start3A_122 = arith.constant 0 : i32
    %dma_start3A_123 = arith.constant 0 : i32
    %dma_start3A_124 = tpu.memref_slice %arg2[%dma_start3A_122, %dma_start3A_123] : memref<65600x768xf32, #tpu.memory_space<hbm>> -> memref<65600x768xf32, #tpu.memory_space<hbm>>
    tpu.enqueue_indirect_dma source(%dma_start3A_124 : memref<65600x768xf32, #tpu.memory_space<hbm>>) target(%dma_start3A_121 : memref<16x768xf32, #tpu.memory_space<vmem>>) offsets(%arg12 : memref<16xi32, #tpu.memory_space<vmem>>) semaphore(%arg22 : memref<!tpu.dma_semaphore, #tpu.memory_space<semaphore_mem>>)
    %broadcast_in_dim3A_125 = arith.constant 48 : i32
    %broadcast_in_dim3A_126 = vector.broadcast %broadcast_in_dim3A_125 : i32 to vector<16xi32>
    %add3A_127 = arith.addi %broadcast_in_dim3A_126, %iota3A : vector<16xi32>
    %broadcast_in_dim3A_128 = arith.constant 1 : i32
    %broadcast_in_dim3A_129 = vector.broadcast %broadcast_in_dim3A_128 : i32 to vector<16xi32>
    %gather3A_130 = tpu.vector_load_idx %arg5[%broadcast_in_dim3A_129, %add3A_127] : memref<16x64xi32, #tpu.memory_space<vmem>>[vector<16xi32>, vector<16xi32>], vector<16xi32>,
    %mul3A_131 = arith.constant 64 : i32
    %mul3A_132 = vector.broadcast %mul3A_131 : i32 to vector<16xi32>
    %mul3A_133 = arith.muli %gather3A_130, %mul3A_132 : vector<16xi32>
    %add3A_134 = arith.addi %mul3A_133, %add3A_127 : vector<16xi32>
    %swap3A_135 = arith.constant 0 : index
    %swap3A_136 = tpu.vector_load %arg13[%swap3A_135] {strides = array<i32>} : memref<16xi32, #tpu.memory_space<vmem>>, vector<16xi32>,
    tpu.vector_store %arg13[%swap3A_135], %add3A_134 {strides = array<i32>} : memref<16xi32, #tpu.memory_space<vmem>>, vector<16xi32>,
    %dma_start3A_137 = arith.constant 48 : i32
    %dma_start3A_138 = arith.constant 0 : i32
    %dma_start3A_139 = tpu.memref_slice %arg15[%dma_start3A_137, %dma_start3A_138] : memref<64x768xf32, #tpu.memory_space<vmem>> -> memref<16x768xf32, #tpu.memory_space<vmem>>
    %dma_start3A_140 = arith.constant 0 : i32
    %dma_start3A_141 = arith.constant 0 : i32
    %dma_start3A_142 = tpu.memref_slice %arg2[%dma_start3A_140, %dma_start3A_141] : memref<65600x768xf32, #tpu.memory_space<hbm>> -> memref<65600x768xf32, #tpu.memory_space<hbm>>
    tpu.enqueue_indirect_dma source(%dma_start3A_142 : memref<65600x768xf32, #tpu.memory_space<hbm>>) target(%dma_start3A_139 : memref<16x768xf32, #tpu.memory_space<vmem>>) offsets(%arg13 : memref<16xi32, #tpu.memory_space<vmem>>) semaphore(%arg23 : memref<!tpu.dma_semaphore, #tpu.memory_space<semaphore_mem>>)
    %dma_wait3A = arith.constant 0 : i32
    %dma_wait3A_143 = arith.constant 0 : i32
    %dma_wait3A_144 = tpu.memref_slice %arg14[%dma_wait3A, %dma_wait3A_143] : memref<64x768xf32, #tpu.memory_space<vmem>> -> memref<16x768xf32, #tpu.memory_space<vmem>>
    %dma_wait3A_145 = arith.constant 0 : i32
    %dma_wait3A_146 = arith.constant 0 : i32
    %dma_wait3A_147 = tpu.memref_slice %arg2[%dma_wait3A_145, %dma_wait3A_146] : memref<65600x768xf32, #tpu.memory_space<hbm>> -> memref<65600x768xf32, #tpu.memory_space<hbm>>
    tpu.wait_indirect_dma semaphore(%arg16 : memref<!tpu.dma_semaphore, #tpu.memory_space<semaphore_mem>>) src(%dma_wait3A_147 : memref<65600x768xf32, #tpu.memory_space<hbm>>) dst(%dma_wait3A_144 : memref<16x768xf32, #tpu.memory_space<vmem>>)
    %dma_wait3A_148 = arith.constant 16 : i32
    %dma_wait3A_149 = arith.constant 0 : i32
    %dma_wait3A_150 = tpu.memref_slice %arg14[%dma_wait3A_148, %dma_wait3A_149] : memref<64x768xf32, #tpu.memory_space<vmem>> -> memref<16x768xf32, #tpu.memory_space<vmem>>
    %dma_wait3A_151 = arith.constant 0 : i32
    %dma_wait3A_152 = arith.constant 0 : i32
    %dma_wait3A_153 = tpu.memref_slice %arg2[%dma_wait3A_151, %dma_wait3A_152] : memref<65600x768xf32, #tpu.memory_space<hbm>> -> memref<65600x768xf32, #tpu.memory_space<hbm>>
    tpu.wait_indirect_dma semaphore(%arg17 : memref<!tpu.dma_semaphore, #tpu.memory_space<semaphore_mem>>) src(%dma_wait3A_153 : memref<65600x768xf32, #tpu.memory_space<hbm>>) dst(%dma_wait3A_150 : memref<16x768xf32, #tpu.memory_space<vmem>>)
    %dma_wait3A_154 = arith.constant 32 : i32
    %dma_wait3A_155 = arith.constant 0 : i32
    %dma_wait3A_156 = tpu.memref_slice %arg14[%dma_wait3A_154, %dma_wait3A_155] : memref<64x768xf32, #tpu.memory_space<vmem>> -> memref<16x768xf32, #tpu.memory_space<vmem>>
    %dma_wait3A_157 = arith.constant 0 : i32
    %dma_wait3A_158 = arith.constant 0 : i32
    %dma_wait3A_159 = tpu.memref_slice %arg2[%dma_wait3A_157, %dma_wait3A_158] : memref<65600x768xf32, #tpu.memory_space<hbm>> -> memref<65600x768xf32, #tpu.memory_space<hbm>>
    tpu.wait_indirect_dma semaphore(%arg18 : memref<!tpu.dma_semaphore, #tpu.memory_space<semaphore_mem>>) src(%dma_wait3A_159 : memref<65600x768xf32, #tpu.memory_space<hbm>>) dst(%dma_wait3A_156 : memref<16x768xf32, #tpu.memory_space<vmem>>)
    %dma_wait3A_160 = arith.constant 48 : i32
    %dma_wait3A_161 = arith.constant 0 : i32
    %dma_wait3A_162 = tpu.memref_slice %arg14[%dma_wait3A_160, %dma_wait3A_161] : memref<64x768xf32, #tpu.memory_space<vmem>> -> memref<16x768xf32, #tpu.memory_space<vmem>>
    %dma_wait3A_163 = arith.constant 0 : i32
    %dma_wait3A_164 = arith.constant 0 : i32
    %dma_wait3A_165 = tpu.memref_slice %arg2[%dma_wait3A_163, %dma_wait3A_164] : memref<65600x768xf32, #tpu.memory_space<hbm>> -> memref<65600x768xf32, #tpu.memory_space<hbm>>
    tpu.wait_indirect_dma semaphore(%arg19 : memref<!tpu.dma_semaphore, #tpu.memory_space<semaphore_mem>>) src(%dma_wait3A_165 : memref<65600x768xf32, #tpu.memory_space<hbm>>) dst(%dma_wait3A_162 : memref<16x768xf32, #tpu.memory_space<vmem>>)
    %add3A_166 = arith.constant 0 : i32
    %add3A_167 = arith.addi %mul3A_2, %add3A_166 : i32
    %mul3A_168 = arith.constant 64 : i32
    %mul3A_169 = arith.muli %add3A_167, %mul3A_168 : i32
    %dma_start3A_170 = arith.constant 0 : i32
    %dma_start3A_171 = tpu.memref_slice %arg4[%mul3A_169, %dma_start3A_170] : memref<32832x768xf32, #tpu.memory_space<hbm>> -> memref<64x768xf32, #tpu.memory_space<hbm>>
    %dma_start3A_172 = arith.constant 0 : i32
    %dma_start3A_173 = tpu.memref_slice %arg4[%mul3A_169, %dma_start3A_172] : memref<32832x768xf32, #tpu.memory_space<hbm>> -> memref<64x768xf32, #tpu.memory_space<hbm>>
    tpu.enqueue_dma source(%arg14 : memref<64x768xf32, #tpu.memory_space<vmem>>) target(%dma_start3A_173 : memref<64x768xf32, #tpu.memory_space<hbm>>) target_semaphore(%arg24 : memref<!tpu.dma_semaphore, #tpu.memory_space<semaphore_mem>>)
    %add3A_174 = arith.constant 0 : i32
    %add3A_175 = arith.addi %mul3A_2, %add3A_174 : i32
    %mul3A_176 = arith.constant 64 : i32
    %mul3A_177 = arith.muli %add3A_175, %mul3A_176 : i32
    %dma_wait3A_178 = arith.constant 0 : i32
    %dma_wait3A_179 = tpu.memref_slice %arg4[%mul3A_177, %dma_wait3A_178] : memref<32832x768xf32, #tpu.memory_space<hbm>> -> memref<64x768xf32, #tpu.memory_space<hbm>>
    %dma_wait3A_180 = arith.constant 0 : i32
    %dma_wait3A_181 = tpu.memref_slice %arg4[%mul3A_177, %dma_wait3A_180] : memref<32832x768xf32, #tpu.memory_space<hbm>> -> memref<64x768xf32, #tpu.memory_space<hbm>>
    tpu.wait_dma2 semaphore(%arg24 : memref<!tpu.dma_semaphore, #tpu.memory_space<semaphore_mem>>) src(%arg14 : memref<64x768xf32, #tpu.memory_space<vmem>>) dst(%dma_wait3A_181 : memref<64x768xf32, #tpu.memory_space<hbm>>)
    %broadcast_in_dim3A_182 = arith.constant 0 : i32
    %broadcast_in_dim3A_183 = vector.broadcast %broadcast_in_dim3A_182 : i32 to vector<16xi32>
    %add3A_184 = arith.addi %broadcast_in_dim3A_183, %iota3A : vector<16xi32>
    %broadcast_in_dim3A_185 = arith.constant 2 : i32
    %broadcast_in_dim3A_186 = vector.broadcast %broadcast_in_dim3A_185 : i32 to vector<16xi32>
    %gather3A_187 = tpu.vector_load_idx %arg5[%broadcast_in_dim3A_186, %add3A_184] : memref<16x64xi32, #tpu.memory_space<vmem>>[vector<16xi32>, vector<16xi32>], vector<16xi32>,
    %mul3A_188 = arith.constant 64 : i32
    %mul3A_189 = vector.broadcast %mul3A_188 : i32 to vector<16xi32>
    %mul3A_190 = arith.muli %gather3A_187, %mul3A_189 : vector<16xi32>
    %add3A_191 = arith.addi %mul3A_190, %add3A_184 : vector<16xi32>
    %swap3A_192 = arith.constant 0 : index
    %swap3A_193 = tpu.vector_load %arg6[%swap3A_192] {strides = array<i32>} : memref<16xi32, #tpu.memory_space<vmem>>, vector<16xi32>,
    tpu.vector_store %arg6[%swap3A_192], %add3A_191 {strides = array<i32>} : memref<16xi32, #tpu.memory_space<vmem>>, vector<16xi32>,
    %dma_start3A_194 = arith.constant 0 : i32
    %dma_start3A_195 = arith.constant 0 : i32
    %dma_start3A_196 = tpu.memref_slice %arg14[%dma_start3A_194, %dma_start3A_195] : memref<64x768xf32, #tpu.memory_space<vmem>> -> memref<16x768xf32, #tpu.memory_space<vmem>>
    %dma_start3A_197 = arith.constant 0 : i32
    %dma_start3A_198 = arith.constant 0 : i32
    %dma_start3A_199 = tpu.memref_slice %arg2[%dma_start3A_197, %dma_start3A_198] : memref<65600x768xf32, #tpu.memory_space<hbm>> -> memref<65600x768xf32, #tpu.memory_space<hbm>>
    tpu.enqueue_indirect_dma source(%dma_start3A_199 : memref<65600x768xf32, #tpu.memory_space<hbm>>) target(%dma_start3A_196 : memref<16x768xf32, #tpu.memory_space<vmem>>) offsets(%arg6 : memref<16xi32, #tpu.memory_space<vmem>>) semaphore(%arg16 : memref<!tpu.dma_semaphore, #tpu.memory_space<semaphore_mem>>)
    %broadcast_in_dim3A_200 = arith.constant 16 : i32
    %broadcast_in_dim3A_201 = vector.broadcast %broadcast_in_dim3A_200 : i32 to vector<16xi32>
    %add3A_202 = arith.addi %broadcast_in_dim3A_201, %iota3A : vector<16xi32>
    %broadcast_in_dim3A_203 = arith.constant 2 : i32
    %broadcast_in_dim3A_204 = vector.broadcast %broadcast_in_dim3A_203 : i32 to vector<16xi32>
    %gather3A_205 = tpu.vector_load_idx %arg5[%broadcast_in_dim3A_204, %add3A_202] : memref<16x64xi32, #tpu.memory_space<vmem>>[vector<16xi32>, vector<16xi32>], vector<16xi32>,
    %mul3A_206 = arith.constant 64 : i32
    %mul3A_207 = vector.broadcast %mul3A_206 : i32 to vector<16xi32>
    %mul3A_208 = arith.muli %gather3A_205, %mul3A_207 : vector<16xi32>
    %add3A_209 = arith.addi %mul3A_208, %add3A_202 : vector<16xi32>
    %swap3A_210 = arith.constant 0 : index
    %swap3A_211 = tpu.vector_load %arg7[%swap3A_210] {strides = array<i32>} : memref<16xi32, #tpu.memory_space<vmem>>, vector<16xi32>,
    tpu.vector_store %arg7[%swap3A_210], %add3A_209 {strides = array<i32>} : memref<16xi32, #tpu.memory_space<vmem>>, vector<16xi32>,
    %dma_start3A_212 = arith.constant 16 : i32
    %dma_start3A_213 = arith.constant 0 : i32
    %dma_start3A_214 = tpu.memref_slice %arg14[%dma_start3A_212, %dma_start3A_213] : memref<64x768xf32, #tpu.memory_space<vmem>> -> memref<16x768xf32, #tpu.memory_space<vmem>>
    %dma_start3A_215 = arith.constant 0 : i32
    %dma_start3A_216 = arith.constant 0 : i32
    %dma_start3A_217 = tpu.memref_slice %arg2[%dma_start3A_215, %dma_start3A_216] : memref<65600x768xf32, #tpu.memory_space<hbm>> -> memref<65600x768xf32, #tpu.memory_space<hbm>>
    tpu.enqueue_indirect_dma source(%dma_start3A_217 : memref<65600x768xf32, #tpu.memory_space<hbm>>) target(%dma_start3A_214 : memref<16x768xf32, #tpu.memory_space<vmem>>) offsets(%arg7 : memref<16xi32, #tpu.memory_space<vmem>>) semaphore(%arg17 : memref<!tpu.dma_semaphore, #tpu.memory_space<semaphore_mem>>)
    %broadcast_in_dim3A_218 = arith.constant 32 : i32
    %broadcast_in_dim3A_219 = vector.broadcast %broadcast_in_dim3A_218 : i32 to vector<16xi32>
    %add3A_220 = arith.addi %broadcast_in_dim3A_219, %iota3A : vector<16xi32>
    %broadcast_in_dim3A_221 = arith.constant 2 : i32
    %broadcast_in_dim3A_222 = vector.broadcast %broadcast_in_dim3A_221 : i32 to vector<16xi32>
    %gather3A_223 = tpu.vector_load_idx %arg5[%broadcast_in_dim3A_222, %add3A_220] : memref<16x64xi32, #tpu.memory_space<vmem>>[vector<16xi32>, vector<16xi32>], vector<16xi32>,
    %mul3A_224 = arith.constant 64 : i32
    %mul3A_225 = vector.broadcast %mul3A_224 : i32 to vector<16xi32>
    %mul3A_226 = arith.muli %gather3A_223, %mul3A_225 : vector<16xi32>
    %add3A_227 = arith.addi %mul3A_226, %add3A_220 : vector<16xi32>
    %swap3A_228 = arith.constant 0 : index
    %swap3A_229 = tpu.vector_load %arg8[%swap3A_228] {strides = array<i32>} : memref<16xi32, #tpu.memory_space<vmem>>, vector<16xi32>,
    tpu.vector_store %arg8[%swap3A_228], %add3A_227 {strides = array<i32>} : memref<16xi32, #tpu.memory_space<vmem>>, vector<16xi32>,
    %dma_start3A_230 = arith.constant 32 : i32
    %dma_start3A_231 = arith.constant 0 : i32
    %dma_start3A_232 = tpu.memref_slice %arg14[%dma_start3A_230, %dma_start3A_231] : memref<64x768xf32, #tpu.memory_space<vmem>> -> memref<16x768xf32, #tpu.memory_space<vmem>>
    %dma_start3A_233 = arith.constant 0 : i32
    %dma_start3A_234 = arith.constant 0 : i32
    %dma_start3A_235 = tpu.memref_slice %arg2[%dma_start3A_233, %dma_start3A_234] : memref<65600x768xf32, #tpu.memory_space<hbm>> -> memref<65600x768xf32, #tpu.memory_space<hbm>>
    tpu.enqueue_indirect_dma source(%dma_start3A_235 : memref<65600x768xf32, #tpu.memory_space<hbm>>) target(%dma_start3A_232 : memref<16x768xf32, #tpu.memory_space<vmem>>) offsets(%arg8 : memref<16xi32, #tpu.memory_space<vmem>>) semaphore(%arg18 : memref<!tpu.dma_semaphore, #tpu.memory_space<semaphore_mem>>)
    %broadcast_in_dim3A_236 = arith.constant 48 : i32
    %broadcast_in_dim3A_237 = vector.broadcast %broadcast_in_dim3A_236 : i32 to vector<16xi32>
    %add3A_238 = arith.addi %broadcast_in_dim3A_237, %iota3A : vector<16xi32>
    %broadcast_in_dim3A_239 = arith.constant 2 : i32
    %broadcast_in_dim3A_240 = vector.broadcast %broadcast_in_dim3A_239 : i32 to vector<16xi32>
    %gather3A_241 = tpu.vector_load_idx %arg5[%broadcast_in_dim3A_240, %add3A_238] : memref<16x64xi32, #tpu.memory_space<vmem>>[vector<16xi32>, vector<16xi32>], vector<16xi32>,
    %mul3A_242 = arith.constant 64 : i32
    %mul3A_243 = vector.broadcast %mul3A_242 : i32 to vector<16xi32>
    %mul3A_244 = arith.muli %gather3A_241, %mul3A_243 : vector<16xi32>
    %add3A_245 = arith.addi %mul3A_244, %add3A_238 : vector<16xi32>
    %swap3A_246 = arith.constant 0 : index
    %swap3A_247 = tpu.vector_load %arg9[%swap3A_246] {strides = array<i32>} : memref<16xi32, #tpu.memory_space<vmem>>, vector<16xi32>,
    tpu.vector_store %arg9[%swap3A_246], %add3A_245 {strides = array<i32>} : memref<16xi32, #tpu.memory_space<vmem>>, vector<16xi32>,
    %dma_start3A_248 = arith.constant 48 : i32
    %dma_start3A_249 = arith.constant 0 : i32
    %dma_start3A_250 = tpu.memref_slice %arg14[%dma_start3A_248, %dma_start3A_249] : memref<64x768xf32, #tpu.memory_space<vmem>> -> memref<16x768xf32, #tpu.memory_space<vmem>>
    %dma_start3A_251 = arith.constant 0 : i32
    %dma_start3A_252 = arith.constant 0 : i32
    %dma_start3A_253 = tpu.memref_slice %arg2[%dma_start3A_251, %dma_start3A_252] : memref<65600x768xf32, #tpu.memory_space<hbm>> -> memref<65600x768xf32, #tpu.memory_space<hbm>>
    tpu.enqueue_indirect_dma source(%dma_start3A_253 : memref<65600x768xf32, #tpu.memory_space<hbm>>) target(%dma_start3A_250 : memref<16x768xf32, #tpu.memory_space<vmem>>) offsets(%arg9 : memref<16xi32, #tpu.memory_space<vmem>>) semaphore(%arg19 : memref<!tpu.dma_semaphore, #tpu.memory_space<semaphore_mem>>)
    %dma_wait3A_254 = arith.constant 0 : i32
    %dma_wait3A_255 = arith.constant 0 : i32
    %dma_wait3A_256 = tpu.memref_slice %arg15[%dma_wait3A_254, %dma_wait3A_255] : memref<64x768xf32, #tpu.memory_space<vmem>> -> memref<16x768xf32, #tpu.memory_space<vmem>>
    %dma_wait3A_257 = arith.constant 0 : i32
    %dma_wait3A_258 = arith.constant 0 : i32
    %dma_wait3A_259 = tpu.memref_slice %arg2[%dma_wait3A_257, %dma_wait3A_258] : memref<65600x768xf32, #tpu.memory_space<hbm>> -> memref<65600x768xf32, #tpu.memory_space<hbm>>
    tpu.wait_indirect_dma semaphore(%arg20 : memref<!tpu.dma_semaphore, #tpu.memory_space<semaphore_mem>>) src(%dma_wait3A_259 : memref<65600x768xf32, #tpu.memory_space<hbm>>) dst(%dma_wait3A_256 : memref<16x768xf32, #tpu.memory_space<vmem>>)
    %dma_wait3A_260 = arith.constant 16 : i32
    %dma_wait3A_261 = arith.constant 0 : i32
    %dma_wait3A_262 = tpu.memref_slice %arg15[%dma_wait3A_260, %dma_wait3A_261] : memref<64x768xf32, #tpu.memory_space<vmem>> -> memref<16x768xf32, #tpu.memory_space<vmem>>
    %dma_wait3A_263 = arith.constant 0 : i32
    %dma_wait3A_264 = arith.constant 0 : i32
    %dma_wait3A_265 = tpu.memref_slice %arg2[%dma_wait3A_263, %dma_wait3A_264] : memref<65600x768xf32, #tpu.memory_space<hbm>> -> memref<65600x768xf32, #tpu.memory_space<hbm>>
    tpu.wait_indirect_dma semaphore(%arg21 : memref<!tpu.dma_semaphore, #tpu.memory_space<semaphore_mem>>) src(%dma_wait3A_265 : memref<65600x768xf32, #tpu.memory_space<hbm>>) dst(%dma_wait3A_262 : memref<16x768xf32, #tpu.memory_space<vmem>>)
    %dma_wait3A_266 = arith.constant 32 : i32
    %dma_wait3A_267 = arith.constant 0 : i32
    %dma_wait3A_268 = tpu.memref_slice %arg15[%dma_wait3A_266, %dma_wait3A_267] : memref<64x768xf32, #tpu.memory_space<vmem>> -> memref<16x768xf32, #tpu.memory_space<vmem>>
    %dma_wait3A_269 = arith.constant 0 : i32
    %dma_wait3A_270 = arith.constant 0 : i32
    %dma_wait3A_271 = tpu.memref_slice %arg2[%dma_wait3A_269, %dma_wait3A_270] : memref<65600x768xf32, #tpu.memory_space<hbm>> -> memref<65600x768xf32, #tpu.memory_space<hbm>>
    tpu.wait_indirect_dma semaphore(%arg22 : memref<!tpu.dma_semaphore, #tpu.memory_space<semaphore_mem>>) src(%dma_wait3A_271 : memref<65600x768xf32, #tpu.memory_space<hbm>>) dst(%dma_wait3A_268 : memref<16x768xf32, #tpu.memory_space<vmem>>)
    %dma_wait3A_272 = arith.constant 48 : i32
    %dma_wait3A_273 = arith.constant 0 : i32
    %dma_wait3A_274 = tpu.memref_slice %arg15[%dma_wait3A_272, %dma_wait3A_273] : memref<64x768xf32, #tpu.memory_space<vmem>> -> memref<16x768xf32, #tpu.memory_space<vmem>>
    %dma_wait3A_275 = arith.constant 0 : i32
    %dma_wait3A_276 = arith.constant 0 : i32
    %dma_wait3A_277 = tpu.memref_slice %arg2[%dma_wait3A_275, %dma_wait3A_276] : memref<65600x768xf32, #tpu.memory_space<hbm>> -> memref<65600x768xf32, #tpu.memory_space<hbm>>
    tpu.wait_indirect_dma semaphore(%arg23 : memref<!tpu.dma_semaphore, #tpu.memory_space<semaphore_mem>>) src(%dma_wait3A_277 : memref<65600x768xf32, #tpu.memory_space<hbm>>) dst(%dma_wait3A_274 : memref<16x768xf32, #tpu.memory_space<vmem>>)
    %add3A_278 = arith.constant 1 : i32
    %add3A_279 = arith.addi %mul3A_2, %add3A_278 : i32
    %mul3A_280 = arith.constant 64 : i32
    %mul3A_281 = arith.muli %add3A_279, %mul3A_280 : i32
    %dma_start3A_282 = arith.constant 0 : i32
    %dma_start3A_283 = tpu.memref_slice %arg4[%mul3A_281, %dma_start3A_282] : memref<32832x768xf32, #tpu.memory_space<hbm>> -> memref<64x768xf32, #tpu.memory_space<hbm>>
    %dma_start3A_284 = arith.constant 0 : i32
    %dma_start3A_285 = tpu.memref_slice %arg4[%mul3A_281, %dma_start3A_284] : memref<32832x768xf32, #tpu.memory_space<hbm>> -> memref<64x768xf32, #tpu.memory_space<hbm>>
    tpu.enqueue_dma source(%arg15 : memref<64x768xf32, #tpu.memory_space<vmem>>) target(%dma_start3A_285 : memref<64x768xf32, #tpu.memory_space<hbm>>) target_semaphore(%arg25 : memref<!tpu.dma_semaphore, #tpu.memory_space<semaphore_mem>>)
    %add3A_286 = arith.constant 1 : i32
    %add3A_287 = arith.addi %mul3A_2, %add3A_286 : i32
    %mul3A_288 = arith.constant 64 : i32
    %mul3A_289 = arith.muli %add3A_287, %mul3A_288 : i32
    %dma_wait3A_290 = arith.constant 0 : i32
    %dma_wait3A_291 = tpu.memref_slice %arg4[%mul3A_289, %dma_wait3A_290] : memref<32832x768xf32, #tpu.memory_space<hbm>> -> memref<64x768xf32, #tpu.memory_space<hbm>>
    %dma_wait3A_292 = arith.constant 0 : i32
    %dma_wait3A_293 = tpu.memref_slice %arg4[%mul3A_289, %dma_wait3A_292] : memref<32832x768xf32, #tpu.memory_space<hbm>> -> memref<64x768xf32, #tpu.memory_space<hbm>>
    tpu.wait_dma2 semaphore(%arg25 : memref<!tpu.dma_semaphore, #tpu.memory_space<semaphore_mem>>) src(%arg15 : memref<64x768xf32, #tpu.memory_space<vmem>>) dst(%dma_wait3A_293 : memref<64x768xf32, #tpu.memory_space<hbm>>)
    %broadcast_in_dim3A_294 = arith.constant 0 : i32
    %broadcast_in_dim3A_295 = vector.broadcast %broadcast_in_dim3A_294 : i32 to vector<16xi32>
    %add3A_296 = arith.addi %broadcast_in_dim3A_295, %iota3A : vector<16xi32>
    %broadcast_in_dim3A_297 = arith.constant 3 : i32
    %broadcast_in_dim3A_298 = vector.broadcast %broadcast_in_dim3A_297 : i32 to vector<16xi32>
    %gather3A_299 = tpu.vector_load_idx %arg5[%broadcast_in_dim3A_298, %add3A_296] : memref<16x64xi32, #tpu.memory_space<vmem>>[vector<16xi32>, vector<16xi32>], vector<16xi32>,
    %mul3A_300 = arith.constant 64 : i32
    %mul3A_301 = vector.broadcast %mul3A_300 : i32 to vector<16xi32>
    %mul3A_302 = arith.muli %gather3A_299, %mul3A_301 : vector<16xi32>
    %add3A_303 = arith.addi %mul3A_302, %add3A_296 : vector<16xi32>
    %swap3A_304 = arith.constant 0 : index
    %swap3A_305 = tpu.vector_load %arg10[%swap3A_304] {strides = array<i32>} : memref<16xi32, #tpu.memory_space<vmem>>, vector<16xi32>,
    tpu.vector_store %arg10[%swap3A_304], %add3A_303 {strides = array<i32>} : memref<16xi32, #tpu.memory_space<vmem>>, vector<16xi32>,
    %dma_start3A_306 = arith.constant 0 : i32
    %dma_start3A_307 = arith.constant 0 : i32
    %dma_start3A_308 = tpu.memref_slice %arg15[%dma_start3A_306, %dma_start3A_307] : memref<64x768xf32, #tpu.memory_space<vmem>> -> memref<16x768xf32, #tpu.memory_space<vmem>>
    %dma_start3A_309 = arith.constant 0 : i32
    %dma_start3A_310 = arith.constant 0 : i32
    %dma_start3A_311 = tpu.memref_slice %arg2[%dma_start3A_309, %dma_start3A_310] : memref<65600x768xf32, #tpu.memory_space<hbm>> -> memref<65600x768xf32, #tpu.memory_space<hbm>>
    tpu.enqueue_indirect_dma source(%dma_start3A_311 : memref<65600x768xf32, #tpu.memory_space<hbm>>) target(%dma_start3A_308 : memref<16x768xf32, #tpu.memory_space<vmem>>) offsets(%arg10 : memref<16xi32, #tpu.memory_space<vmem>>) semaphore(%arg20 : memref<!tpu.dma_semaphore, #tpu.memory_space<semaphore_mem>>)
    %broadcast_in_dim3A_312 = arith.constant 16 : i32
    %broadcast_in_dim3A_313 = vector.broadcast %broadcast_in_dim3A_312 : i32 to vector<16xi32>
    %add3A_314 = arith.addi %broadcast_in_dim3A_313, %iota3A : vector<16xi32>
    %broadcast_in_dim3A_315 = arith.constant 3 : i32
    %broadcast_in_dim3A_316 = vector.broadcast %broadcast_in_dim3A_315 : i32 to vector<16xi32>
    %gather3A_317 = tpu.vector_load_idx %arg5[%broadcast_in_dim3A_316, %add3A_314] : memref<16x64xi32, #tpu.memory_space<vmem>>[vector<16xi32>, vector<16xi32>], vector<16xi32>,
    %mul3A_318 = arith.constant 64 : i32
    %mul3A_319 = vector.broadcast %mul3A_318 : i32 to vector<16xi32>
    %mul3A_320 = arith.muli %gather3A_317, %mul3A_319 : vector<16xi32>
    %add3A_321 = arith.addi %mul3A_320, %add3A_314 : vector<16xi32>
    %swap3A_322 = arith.constant 0 : index
    %swap3A_323 = tpu.vector_load %arg11[%swap3A_322] {strides = array<i32>} : memref<16xi32, #tpu.memory_space<vmem>>, vector<16xi32>,
    tpu.vector_store %arg11[%swap3A_322], %add3A_321 {strides = array<i32>} : memref<16xi32, #tpu.memory_space<vmem>>, vector<16xi32>,
    %dma_start3A_324 = arith.constant 16 : i32
    %dma_start3A_325 = arith.constant 0 : i32
    %dma_start3A_326 = tpu.memref_slice %arg15[%dma_start3A_324, %dma_start3A_325] : memref<64x768xf32, #tpu.memory_space<vmem>> -> memref<16x768xf32, #tpu.memory_space<vmem>>
    %dma_start3A_327 = arith.constant 0 : i32
    %dma_start3A_328 = arith.constant 0 : i32
    %dma_start3A_329 = tpu.memref_slice %arg2[%dma_start3A_327, %dma_start3A_328] : memref<65600x768xf32, #tpu.memory_space<hbm>> -> memref<65600x768xf32, #tpu.memory_space<hbm>>
    tpu.enqueue_indirect_dma source(%dma_start3A_329 : memref<65600x768xf32, #tpu.memory_space<hbm>>) target(%dma_start3A_326 : memref<16x768xf32, #tpu.memory_space<vmem>>) offsets(%arg11 : memref<16xi32, #tpu.memory_space<vmem>>) semaphore(%arg21 : memref<!tpu.dma_semaphore, #tpu.memory_space<semaphore_mem>>)
    %broadcast_in_dim3A_330 = arith.constant 32 : i32
    %broadcast_in_dim3A_331 = vector.broadcast %broadcast_in_dim3A_330 : i32 to vector<16xi32>
    %add3A_332 = arith.addi %broadcast_in_dim3A_331, %iota3A : vector<16xi32>
    %broadcast_in_dim3A_333 = arith.constant 3 : i32
    %broadcast_in_dim3A_334 = vector.broadcast %broadcast_in_dim3A_333 : i32 to vector<16xi32>
    %gather3A_335 = tpu.vector_load_idx %arg5[%broadcast_in_dim3A_334, %add3A_332] : memref<16x64xi32, #tpu.memory_space<vmem>>[vector<16xi32>, vector<16xi32>], vector<16xi32>,
    %mul3A_336 = arith.constant 64 : i32
    %mul3A_337 = vector.broadcast %mul3A_336 : i32 to vector<16xi32>
    %mul3A_338 = arith.muli %gather3A_335, %mul3A_337 : vector<16xi32>
    %add3A_339 = arith.addi %mul3A_338, %add3A_332 : vector<16xi32>
    %swap3A_340 = arith.constant 0 : index
    %swap3A_341 = tpu.vector_load %arg12[%swap3A_340] {strides = array<i32>} : memref<16xi32, #tpu.memory_space<vmem>>, vector<16xi32>,
    tpu.vector_store %arg12[%swap3A_340], %add3A_339 {strides = array<i32>} : memref<16xi32, #tpu.memory_space<vmem>>, vector<16xi32>,
    %dma_start3A_342 = arith.constant 32 : i32
    %dma_start3A_343 = arith.constant 0 : i32
    %dma_start3A_344 = tpu.memref_slice %arg15[%dma_start3A_342, %dma_start3A_343] : memref<64x768xf32, #tpu.memory_space<vmem>> -> memref<16x768xf32, #tpu.memory_space<vmem>>
    %dma_start3A_345 = arith.constant 0 : i32
    %dma_start3A_346 = arith.constant 0 : i32
    %dma_start3A_347 = tpu.memref_slice %arg2[%dma_start3A_345, %dma_start3A_346] : memref<65600x768xf32, #tpu.memory_space<hbm>> -> memref<65600x768xf32, #tpu.memory_space<hbm>>
    tpu.enqueue_indirect_dma source(%dma_start3A_347 : memref<65600x768xf32, #tpu.memory_space<hbm>>) target(%dma_start3A_344 : memref<16x768xf32, #tpu.memory_space<vmem>>) offsets(%arg12 : memref<16xi32, #tpu.memory_space<vmem>>) semaphore(%arg22 : memref<!tpu.dma_semaphore, #tpu.memory_space<semaphore_mem>>)
    %broadcast_in_dim3A_348 = arith.constant 48 : i32
    %broadcast_in_dim3A_349 = vector.broadcast %broadcast_in_dim3A_348 : i32 to vector<16xi32>
    %add3A_350 = arith.addi %broadcast_in_dim3A_349, %iota3A : vector<16xi32>
    %broadcast_in_dim3A_351 = arith.constant 3 : i32
    %broadcast_in_dim3A_352 = vector.broadcast %broadcast_in_dim3A_351 : i32 to vector<16xi32>
    %gather3A_353 = tpu.vector_load_idx %arg5[%broadcast_in_dim3A_352, %add3A_350] : memref<16x64xi32, #tpu.memory_space<vmem>>[vector<16xi32>, vector<16xi32>], vector<16xi32>,
    %mul3A_354 = arith.constant 64 : i32
    %mul3A_355 = vector.broadcast %mul3A_354 : i32 to vector<16xi32>
    %mul3A_356 = arith.muli %gather3A_353, %mul3A_355 : vector<16xi32>
    %add3A_357 = arith.addi %mul3A_356, %add3A_350 : vector<16xi32>
    %swap3A_358 = arith.constant 0 : index
    %swap3A_359 = tpu.vector_load %arg13[%swap3A_358] {strides = array<i32>} : memref<16xi32, #tpu.memory_space<vmem>>, vector<16xi32>,
    tpu.vector_store %arg13[%swap3A_358], %add3A_357 {strides = array<i32>} : memref<16xi32, #tpu.memory_space<vmem>>, vector<16xi32>,
    %dma_start3A_360 = arith.constant 48 : i32
    %dma_start3A_361 = arith.constant 0 : i32
    %dma_start3A_362 = tpu.memref_slice %arg15[%dma_start3A_360, %dma_start3A_361] : memref<64x768xf32, #tpu.memory_space<vmem>> -> memref<16x768xf32, #tpu.memory_space<vmem>>
    %dma_start3A_363 = arith.constant 0 : i32
    %dma_start3A_364 = arith.constant 0 : i32
    %dma_start3A_365 = tpu.memref_slice %arg2[%dma_start3A_363, %dma_start3A_364] : memref<65600x768xf32, #tpu.memory_space<hbm>> -> memref<65600x768xf32, #tpu.memory_space<hbm>>
    tpu.enqueue_indirect_dma source(%dma_start3A_365 : memref<65600x768xf32, #tpu.memory_space<hbm>>) target(%dma_start3A_362 : memref<16x768xf32, #tpu.memory_space<vmem>>) offsets(%arg13 : memref<16xi32, #tpu.memory_space<vmem>>) semaphore(%arg23 : memref<!tpu.dma_semaphore, #tpu.memory_space<semaphore_mem>>)
    %dma_wait3A_366 = arith.constant 0 : i32
    %dma_wait3A_367 = arith.constant 0 : i32
    %dma_wait3A_368 = tpu.memref_slice %arg14[%dma_wait3A_366, %dma_wait3A_367] : memref<64x768xf32, #tpu.memory_space<vmem>> -> memref<16x768xf32, #tpu.memory_space<vmem>>
    %dma_wait3A_369 = arith.constant 0 : i32
    %dma_wait3A_370 = arith.constant 0 : i32
    %dma_wait3A_371 = tpu.memref_slice %arg2[%dma_wait3A_369, %dma_wait3A_370] : memref<65600x768xf32, #tpu.memory_space<hbm>> -> memref<65600x768xf32, #tpu.memory_space<hbm>>
    tpu.wait_indirect_dma semaphore(%arg16 : memref<!tpu.dma_semaphore, #tpu.memory_space<semaphore_mem>>) src(%dma_wait3A_371 : memref<65600x768xf32, #tpu.memory_space<hbm>>) dst(%dma_wait3A_368 : memref<16x768xf32, #tpu.memory_space<vmem>>)
    %dma_wait3A_372 = arith.constant 16 : i32
    %dma_wait3A_373 = arith.constant 0 : i32
    %dma_wait3A_374 = tpu.memref_slice %arg14[%dma_wait3A_372, %dma_wait3A_373] : memref<64x768xf32, #tpu.memory_space<vmem>> -> memref<16x768xf32, #tpu.memory_space<vmem>>
    %dma_wait3A_375 = arith.constant 0 : i32
    %dma_wait3A_376 = arith.constant 0 : i32
    %dma_wait3A_377 = tpu.memref_slice %arg2[%dma_wait3A_375, %dma_wait3A_376] : memref<65600x768xf32, #tpu.memory_space<hbm>> -> memref<65600x768xf32, #tpu.memory_space<hbm>>
    tpu.wait_indirect_dma semaphore(%arg17 : memref<!tpu.dma_semaphore, #tpu.memory_space<semaphore_mem>>) src(%dma_wait3A_377 : memref<65600x768xf32, #tpu.memory_space<hbm>>) dst(%dma_wait3A_374 : memref<16x768xf32, #tpu.memory_space<vmem>>)
    %dma_wait3A_378 = arith.constant 32 : i32
    %dma_wait3A_379 = arith.constant 0 : i32
    %dma_wait3A_380 = tpu.memref_slice %arg14[%dma_wait3A_378, %dma_wait3A_379] : memref<64x768xf32, #tpu.memory_space<vmem>> -> memref<16x768xf32, #tpu.memory_space<vmem>>
    %dma_wait3A_381 = arith.constant 0 : i32
    %dma_wait3A_382 = arith.constant 0 : i32
    %dma_wait3A_383 = tpu.memref_slice %arg2[%dma_wait3A_381, %dma_wait3A_382] : memref<65600x768xf32, #tpu.memory_space<hbm>> -> memref<65600x768xf32, #tpu.memory_space<hbm>>
    tpu.wait_indirect_dma semaphore(%arg18 : memref<!tpu.dma_semaphore, #tpu.memory_space<semaphore_mem>>) src(%dma_wait3A_383 : memref<65600x768xf32, #tpu.memory_space<hbm>>) dst(%dma_wait3A_380 : memref<16x768xf32, #tpu.memory_space<vmem>>)
    %dma_wait3A_384 = arith.constant 48 : i32
    %dma_wait3A_385 = arith.constant 0 : i32
    %dma_wait3A_386 = tpu.memref_slice %arg14[%dma_wait3A_384, %dma_wait3A_385] : memref<64x768xf32, #tpu.memory_space<vmem>> -> memref<16x768xf32, #tpu.memory_space<vmem>>
    %dma_wait3A_387 = arith.constant 0 : i32
    %dma_wait3A_388 = arith.constant 0 : i32
    %dma_wait3A_389 = tpu.memref_slice %arg2[%dma_wait3A_387, %dma_wait3A_388] : memref<65600x768xf32, #tpu.memory_space<hbm>> -> memref<65600x768xf32, #tpu.memory_space<hbm>>
    tpu.wait_indirect_dma semaphore(%arg19 : memref<!tpu.dma_semaphore, #tpu.memory_space<semaphore_mem>>) src(%dma_wait3A_389 : memref<65600x768xf32, #tpu.memory_space<hbm>>) dst(%dma_wait3A_386 : memref<16x768xf32, #tpu.memory_space<vmem>>)
    %add3A_390 = arith.constant 2 : i32
    %add3A_391 = arith.addi %mul3A_2, %add3A_390 : i32
    %mul3A_392 = arith.constant 64 : i32
    %mul3A_393 = arith.muli %add3A_391, %mul3A_392 : i32
    %dma_start3A_394 = arith.constant 0 : i32
    %dma_start3A_395 = tpu.memref_slice %arg4[%mul3A_393, %dma_start3A_394] : memref<32832x768xf32, #tpu.memory_space<hbm>> -> memref<64x768xf32, #tpu.memory_space<hbm>>
    %dma_start3A_396 = arith.constant 0 : i32
    %dma_start3A_397 = tpu.memref_slice %arg4[%mul3A_393, %dma_start3A_396] : memref<32832x768xf32, #tpu.memory_space<hbm>> -> memref<64x768xf32, #tpu.memory_space<hbm>>
    tpu.enqueue_dma source(%arg14 : memref<64x768xf32, #tpu.memory_space<vmem>>) target(%dma_start3A_397 : memref<64x768xf32, #tpu.memory_space<hbm>>) target_semaphore(%arg24 : memref<!tpu.dma_semaphore, #tpu.memory_space<semaphore_mem>>)
    %add3A_398 = arith.constant 2 : i32
    %add3A_399 = arith.addi %mul3A_2, %add3A_398 : i32
    %mul3A_400 = arith.constant 64 : i32
    %mul3A_401 = arith.muli %add3A_399, %mul3A_400 : i32
    %dma_wait3A_402 = arith.constant 0 : i32
    %dma_wait3A_403 = tpu.memref_slice %arg4[%mul3A_401, %dma_wait3A_402] : memref<32832x768xf32, #tpu.memory_space<hbm>> -> memref<64x768xf32, #tpu.memory_space<hbm>>
    %dma_wait3A_404 = arith.constant 0 : i32
    %dma_wait3A_405 = tpu.memref_slice %arg4[%mul3A_401, %dma_wait3A_404] : memref<32832x768xf32, #tpu.memory_space<hbm>> -> memref<64x768xf32, #tpu.memory_space<hbm>>
    tpu.wait_dma2 semaphore(%arg24 : memref<!tpu.dma_semaphore, #tpu.memory_space<semaphore_mem>>) src(%arg14 : memref<64x768xf32, #tpu.memory_space<vmem>>) dst(%dma_wait3A_405 : memref<64x768xf32, #tpu.memory_space<hbm>>)
    %broadcast_in_dim3A_406 = arith.constant 0 : i32
    %broadcast_in_dim3A_407 = vector.broadcast %broadcast_in_dim3A_406 : i32 to vector<16xi32>
    %add3A_408 = arith.addi %broadcast_in_dim3A_407, %iota3A : vector<16xi32>
    %broadcast_in_dim3A_409 = arith.constant 4 : i32
    %broadcast_in_dim3A_410 = vector.broadcast %broadcast_in_dim3A_409 : i32 to vector<16xi32>
    %gather3A_411 = tpu.vector_load_idx %arg5[%broadcast_in_dim3A_410, %add3A_408] : memref<16x64xi32, #tpu.memory_space<vmem>>[vector<16xi32>, vector<16xi32>], vector<16xi32>,
    %mul3A_412 = arith.constant 64 : i32
    %mul3A_413 = vector.broadcast %mul3A_412 : i32 to vector<16xi32>
    %mul3A_414 = arith.muli %gather3A_411, %mul3A_413 : vector<16xi32>
    %add3A_415 = arith.addi %mul3A_414, %add3A_408 : vector<16xi32>
    %swap3A_416 = arith.constant 0 : index
    %swap3A_417 = tpu.vector_load %arg6[%swap3A_416] {strides = array<i32>} : memref<16xi32, #tpu.memory_space<vmem>>, vector<16xi32>,
    tpu.vector_store %arg6[%swap3A_416], %add3A_415 {strides = array<i32>} : memref<16xi32, #tpu.memory_space<vmem>>, vector<16xi32>,
    %dma_start3A_418 = arith.constant 0 : i32
    %dma_start3A_419 = arith.constant 0 : i32
    %dma_start3A_420 = tpu.memref_slice %arg14[%dma_start3A_418, %dma_start3A_419] : memref<64x768xf32, #tpu.memory_space<vmem>> -> memref<16x768xf32, #tpu.memory_space<vmem>>
    %dma_start3A_421 = arith.constant 0 : i32
    %dma_start3A_422 = arith.constant 0 : i32
    %dma_start3A_423 = tpu.memref_slice %arg2[%dma_start3A_421, %dma_start3A_422] : memref<65600x768xf32, #tpu.memory_space<hbm>> -> memref<65600x768xf32, #tpu.memory_space<hbm>>
    tpu.enqueue_indirect_dma source(%dma_start3A_423 : memref<65600x768xf32, #tpu.memory_space<hbm>>) target(%dma_start3A_420 : memref<16x768xf32, #tpu.memory_space<vmem>>) offsets(%arg6 : memref<16xi32, #tpu.memory_space<vmem>>) semaphore(%arg16 : memref<!tpu.dma_semaphore, #tpu.memory_space<semaphore_mem>>)
    %broadcast_in_dim3A_424 = arith.constant 16 : i32
    %broadcast_in_dim3A_425 = vector.broadcast %broadcast_in_dim3A_424 : i32 to vector<16xi32>
    %add3A_426 = arith.addi %broadcast_in_dim3A_425, %iota3A : vector<16xi32>
    %broadcast_in_dim3A_427 = arith.constant 4 : i32
    %broadcast_in_dim3A_428 = vector.broadcast %broadcast_in_dim3A_427 : i32 to vector<16xi32>
    %gather3A_429 = tpu.vector_load_idx %arg5[%broadcast_in_dim3A_428, %add3A_426] : memref<16x64xi32, #tpu.memory_space<vmem>>[vector<16xi32>, vector<16xi32>], vector<16xi32>,
    %mul3A_430 = arith.constant 64 : i32
    %mul3A_431 = vector.broadcast %mul3A_430 : i32 to vector<16xi32>
    %mul3A_432 = arith.muli %gather3A_429, %mul3A_431 : vector<16xi32>
    %add3A_433 = arith.addi %mul3A_432, %add3A_426 : vector<16xi32>
    %swap3A_434 = arith.constant 0 : index
    %swap3A_435 = tpu.vector_load %arg7[%swap3A_434] {strides = array<i32>} : memref<16xi32, #tpu.memory_space<vmem>>, vector<16xi32>,
    tpu.vector_store %arg7[%swap3A_434], %add3A_433 {strides = array<i32>} : memref<16xi32, #tpu.memory_space<vmem>>, vector<16xi32>,
    %dma_start3A_436 = arith.constant 16 : i32
    %dma_start3A_437 = arith.constant 0 : i32
    %dma_start3A_438 = tpu.memref_slice %arg14[%dma_start3A_436, %dma_start3A_437] : memref<64x768xf32, #tpu.memory_space<vmem>> -> memref<16x768xf32, #tpu.memory_space<vmem>>
    %dma_start3A_439 = arith.constant 0 : i32
    %dma_start3A_440 = arith.constant 0 : i32
    %dma_start3A_441 = tpu.memref_slice %arg2[%dma_start3A_439, %dma_start3A_440] : memref<65600x768xf32, #tpu.memory_space<hbm>> -> memref<65600x768xf32, #tpu.memory_space<hbm>>
    tpu.enqueue_indirect_dma source(%dma_start3A_441 : memref<65600x768xf32, #tpu.memory_space<hbm>>) target(%dma_start3A_438 : memref<16x768xf32, #tpu.memory_space<vmem>>) offsets(%arg7 : memref<16xi32, #tpu.memory_space<vmem>>) semaphore(%arg17 : memref<!tpu.dma_semaphore, #tpu.memory_space<semaphore_mem>>)
    %broadcast_in_dim3A_442 = arith.constant 32 : i32
    %broadcast_in_dim3A_443 = vector.broadcast %broadcast_in_dim3A_442 : i32 to vector<16xi32>
    %add3A_444 = arith.addi %broadcast_in_dim3A_443, %iota3A : vector<16xi32>
    %broadcast_in_dim3A_445 = arith.constant 4 : i32
    %broadcast_in_dim3A_446 = vector.broadcast %broadcast_in_dim3A_445 : i32 to vector<16xi32>
    %gather3A_447 = tpu.vector_load_idx %arg5[%broadcast_in_dim3A_446, %add3A_444] : memref<16x64xi32, #tpu.memory_space<vmem>>[vector<16xi32>, vector<16xi32>], vector<16xi32>,
    %mul3A_448 = arith.constant 64 : i32
    %mul3A_449 = vector.broadcast %mul3A_448 : i32 to vector<16xi32>
    %mul3A_450 = arith.muli %gather3A_447, %mul3A_449 : vector<16xi32>
    %add3A_451 = arith.addi %mul3A_450, %add3A_444 : vector<16xi32>
    %swap3A_452 = arith.constant 0 : index
    %swap3A_453 = tpu.vector_load %arg8[%swap3A_452] {strides = array<i32>} : memref<16xi32, #tpu.memory_space<vmem>>, vector<16xi32>,
    tpu.vector_store %arg8[%swap3A_452], %add3A_451 {strides = array<i32>} : memref<16xi32, #tpu.memory_space<vmem>>, vector<16xi32>,
    %dma_start3A_454 = arith.constant 32 : i32
    %dma_start3A_455 = arith.constant 0 : i32
    %dma_start3A_456 = tpu.memref_slice %arg14[%dma_start3A_454, %dma_start3A_455] : memref<64x768xf32, #tpu.memory_space<vmem>> -> memref<16x768xf32, #tpu.memory_space<vmem>>
    %dma_start3A_457 = arith.constant 0 : i32
    %dma_start3A_458 = arith.constant 0 : i32
    %dma_start3A_459 = tpu.memref_slice %arg2[%dma_start3A_457, %dma_start3A_458] : memref<65600x768xf32, #tpu.memory_space<hbm>> -> memref<65600x768xf32, #tpu.memory_space<hbm>>
    tpu.enqueue_indirect_dma source(%dma_start3A_459 : memref<65600x768xf32, #tpu.memory_space<hbm>>) target(%dma_start3A_456 : memref<16x768xf32, #tpu.memory_space<vmem>>) offsets(%arg8 : memref<16xi32, #tpu.memory_space<vmem>>) semaphore(%arg18 : memref<!tpu.dma_semaphore, #tpu.memory_space<semaphore_mem>>)
    %broadcast_in_dim3A_460 = arith.constant 48 : i32
    %broadcast_in_dim3A_461 = vector.broadcast %broadcast_in_dim3A_460 : i32 to vector<16xi32>
    %add3A_462 = arith.addi %broadcast_in_dim3A_461, %iota3A : vector<16xi32>
    %broadcast_in_dim3A_463 = arith.constant 4 : i32
    %broadcast_in_dim3A_464 = vector.broadcast %broadcast_in_dim3A_463 : i32 to vector<16xi32>
    %gather3A_465 = tpu.vector_load_idx %arg5[%broadcast_in_dim3A_464, %add3A_462] : memref<16x64xi32, #tpu.memory_space<vmem>>[vector<16xi32>, vector<16xi32>], vector<16xi32>,
    %mul3A_466 = arith.constant 64 : i32
    %mul3A_467 = vector.broadcast %mul3A_466 : i32 to vector<16xi32>
    %mul3A_468 = arith.muli %gather3A_465, %mul3A_467 : vector<16xi32>
    %add3A_469 = arith.addi %mul3A_468, %add3A_462 : vector<16xi32>
    %swap3A_470 = arith.constant 0 : index
    %swap3A_471 = tpu.vector_load %arg9[%swap3A_470] {strides = array<i32>} : memref<16xi32, #tpu.memory_space<vmem>>, vector<16xi32>,
    tpu.vector_store %arg9[%swap3A_470], %add3A_469 {strides = array<i32>} : memref<16xi32, #tpu.memory_space<vmem>>, vector<16xi32>,
    %dma_start3A_472 = arith.constant 48 : i32
    %dma_start3A_473 = arith.constant 0 : i32
    %dma_start3A_474 = tpu.memref_slice %arg14[%dma_start3A_472, %dma_start3A_473] : memref<64x768xf32, #tpu.memory_space<vmem>> -> memref<16x768xf32, #tpu.memory_space<vmem>>
    %dma_start3A_475 = arith.constant 0 : i32
    %dma_start3A_476 = arith.constant 0 : i32
    %dma_start3A_477 = tpu.memref_slice %arg2[%dma_start3A_475, %dma_start3A_476] : memref<65600x768xf32, #tpu.memory_space<hbm>> -> memref<65600x768xf32, #tpu.memory_space<hbm>>
    tpu.enqueue_indirect_dma source(%dma_start3A_477 : memref<65600x768xf32, #tpu.memory_space<hbm>>) target(%dma_start3A_474 : memref<16x768xf32, #tpu.memory_space<vmem>>) offsets(%arg9 : memref<16xi32, #tpu.memory_space<vmem>>) semaphore(%arg19 : memref<!tpu.dma_semaphore, #tpu.memory_space<semaphore_mem>>)
    %dma_wait3A_478 = arith.constant 0 : i32
    %dma_wait3A_479 = arith.constant 0 : i32
    %dma_wait3A_480 = tpu.memref_slice %arg15[%dma_wait3A_478, %dma_wait3A_479] : memref<64x768xf32, #tpu.memory_space<vmem>> -> memref<16x768xf32, #tpu.memory_space<vmem>>
    %dma_wait3A_481 = arith.constant 0 : i32
    %dma_wait3A_482 = arith.constant 0 : i32
    %dma_wait3A_483 = tpu.memref_slice %arg2[%dma_wait3A_481, %dma_wait3A_482] : memref<65600x768xf32, #tpu.memory_space<hbm>> -> memref<65600x768xf32, #tpu.memory_space<hbm>>
    tpu.wait_indirect_dma semaphore(%arg20 : memref<!tpu.dma_semaphore, #tpu.memory_space<semaphore_mem>>) src(%dma_wait3A_483 : memref<65600x768xf32, #tpu.memory_space<hbm>>) dst(%dma_wait3A_480 : memref<16x768xf32, #tpu.memory_space<vmem>>)
    %dma_wait3A_484 = arith.constant 16 : i32
    %dma_wait3A_485 = arith.constant 0 : i32
    %dma_wait3A_486 = tpu.memref_slice %arg15[%dma_wait3A_484, %dma_wait3A_485] : memref<64x768xf32, #tpu.memory_space<vmem>> -> memref<16x768xf32, #tpu.memory_space<vmem>>
    %dma_wait3A_487 = arith.constant 0 : i32
    %dma_wait3A_488 = arith.constant 0 : i32
    %dma_wait3A_489 = tpu.memref_slice %arg2[%dma_wait3A_487, %dma_wait3A_488] : memref<65600x768xf32, #tpu.memory_space<hbm>> -> memref<65600x768xf32, #tpu.memory_space<hbm>>
    tpu.wait_indirect_dma semaphore(%arg21 : memref<!tpu.dma_semaphore, #tpu.memory_space<semaphore_mem>>) src(%dma_wait3A_489 : memref<65600x768xf32, #tpu.memory_space<hbm>>) dst(%dma_wait3A_486 : memref<16x768xf32, #tpu.memory_space<vmem>>)
    %dma_wait3A_490 = arith.constant 32 : i32
    %dma_wait3A_491 = arith.constant 0 : i32
    %dma_wait3A_492 = tpu.memref_slice %arg15[%dma_wait3A_490, %dma_wait3A_491] : memref<64x768xf32, #tpu.memory_space<vmem>> -> memref<16x768xf32, #tpu.memory_space<vmem>>
    %dma_wait3A_493 = arith.constant 0 : i32
    %dma_wait3A_494 = arith.constant 0 : i32
    %dma_wait3A_495 = tpu.memref_slice %arg2[%dma_wait3A_493, %dma_wait3A_494] : memref<65600x768xf32, #tpu.memory_space<hbm>> -> memref<65600x768xf32, #tpu.memory_space<hbm>>
    tpu.wait_indirect_dma semaphore(%arg22 : memref<!tpu.dma_semaphore, #tpu.memory_space<semaphore_mem>>) src(%dma_wait3A_495 : memref<65600x768xf32, #tpu.memory_space<hbm>>) dst(%dma_wait3A_492 : memref<16x768xf32, #tpu.memory_space<vmem>>)
    %dma_wait3A_496 = arith.constant 48 : i32
    %dma_wait3A_497 = arith.constant 0 : i32
    %dma_wait3A_498 = tpu.memref_slice %arg15[%dma_wait3A_496, %dma_wait3A_497] : memref<64x768xf32, #tpu.memory_space<vmem>> -> memref<16x768xf32, #tpu.memory_space<vmem>>
    %dma_wait3A_499 = arith.constant 0 : i32
    %dma_wait3A_500 = arith.constant 0 : i32
    %dma_wait3A_501 = tpu.memref_slice %arg2[%dma_wait3A_499, %dma_wait3A_500] : memref<65600x768xf32, #tpu.memory_space<hbm>> -> memref<65600x768xf32, #tpu.memory_space<hbm>>
    tpu.wait_indirect_dma semaphore(%arg23 : memref<!tpu.dma_semaphore, #tpu.memory_space<semaphore_mem>>) src(%dma_wait3A_501 : memref<65600x768xf32, #tpu.memory_space<hbm>>) dst(%dma_wait3A_498 : memref<16x768xf32, #tpu.memory_space<vmem>>)
    %add3A_502 = arith.constant 3 : i32
    %add3A_503 = arith.addi %mul3A_2, %add3A_502 : i32
    %mul3A_504 = arith.constant 64 : i32
    %mul3A_505 = arith.muli %add3A_503, %mul3A_504 : i32
    %dma_start3A_506 = arith.constant 0 : i32
    %dma_start3A_507 = tpu.memref_slice %arg4[%mul3A_505, %dma_start3A_506] : memref<32832x768xf32, #tpu.memory_space<hbm>> -> memref<64x768xf32, #tpu.memory_space<hbm>>
    %dma_start3A_508 = arith.constant 0 : i32
    %dma_start3A_509 = tpu.memref_slice %arg4[%mul3A_505, %dma_start3A_508] : memref<32832x768xf32, #tpu.memory_space<hbm>> -> memref<64x768xf32, #tpu.memory_space<hbm>>
    tpu.enqueue_dma source(%arg15 : memref<64x768xf32, #tpu.memory_space<vmem>>) target(%dma_start3A_509 : memref<64x768xf32, #tpu.memory_space<hbm>>) target_semaphore(%arg25 : memref<!tpu.dma_semaphore, #tpu.memory_space<semaphore_mem>>)
    %add3A_510 = arith.constant 3 : i32
    %add3A_511 = arith.addi %mul3A_2, %add3A_510 : i32
    %mul3A_512 = arith.constant 64 : i32
    %mul3A_513 = arith.muli %add3A_511, %mul3A_512 : i32
    %dma_wait3A_514 = arith.constant 0 : i32
    %dma_wait3A_515 = tpu.memref_slice %arg4[%mul3A_513, %dma_wait3A_514] : memref<32832x768xf32, #tpu.memory_space<hbm>> -> memref<64x768xf32, #tpu.memory_space<hbm>>
    %dma_wait3A_516 = arith.constant 0 : i32
    %dma_wait3A_517 = tpu.memref_slice %arg4[%mul3A_513, %dma_wait3A_516] : memref<32832x768xf32, #tpu.memory_space<hbm>> -> memref<64x768xf32, #tpu.memory_space<hbm>>
    tpu.wait_dma2 semaphore(%arg25 : memref<!tpu.dma_semaphore, #tpu.memory_space<semaphore_mem>>) src(%arg15 : memref<64x768xf32, #tpu.memory_space<vmem>>) dst(%dma_wait3A_517 : memref<64x768xf32, #tpu.memory_space<hbm>>)
    %broadcast_in_dim3A_518 = arith.constant 0 : i32
    %broadcast_in_dim3A_519 = vector.broadcast %broadcast_in_dim3A_518 : i32 to vector<16xi32>
    %add3A_520 = arith.addi %broadcast_in_dim3A_519, %iota3A : vector<16xi32>
    %broadcast_in_dim3A_521 = arith.constant 5 : i32
    %broadcast_in_dim3A_522 = vector.broadcast %broadcast_in_dim3A_521 : i32 to vector<16xi32>
    %gather3A_523 = tpu.vector_load_idx %arg5[%broadcast_in_dim3A_522, %add3A_520] : memref<16x64xi32, #tpu.memory_space<vmem>>[vector<16xi32>, vector<16xi32>], vector<16xi32>,
    %mul3A_524 = arith.constant 64 : i32
    %mul3A_525 = vector.broadcast %mul3A_524 : i32 to vector<16xi32>
    %mul3A_526 = arith.muli %gather3A_523, %mul3A_525 : vector<16xi32>
    %add3A_527 = arith.addi %mul3A_526, %add3A_520 : vector<16xi32>
    %swap3A_528 = arith.constant 0 : index
    %swap3A_529 = tpu.vector_load %arg10[%swap3A_528] {strides = array<i32>} : memref<16xi32, #tpu.memory_space<vmem>>, vector<16xi32>,
    tpu.vector_store %arg10[%swap3A_528], %add3A_527 {strides = array<i32>} : memref<16xi32, #tpu.memory_space<vmem>>, vector<16xi32>,
    %dma_start3A_530 = arith.constant 0 : i32
    %dma_start3A_531 = arith.constant 0 : i32
    %dma_start3A_532 = tpu.memref_slice %arg15[%dma_start3A_530, %dma_start3A_531] : memref<64x768xf32, #tpu.memory_space<vmem>> -> memref<16x768xf32, #tpu.memory_space<vmem>>
    %dma_start3A_533 = arith.constant 0 : i32
    %dma_start3A_534 = arith.constant 0 : i32
    %dma_start3A_535 = tpu.memref_slice %arg2[%dma_start3A_533, %dma_start3A_534] : memref<65600x768xf32, #tpu.memory_space<hbm>> -> memref<65600x768xf32, #tpu.memory_space<hbm>>
    tpu.enqueue_indirect_dma source(%dma_start3A_535 : memref<65600x768xf32, #tpu.memory_space<hbm>>) target(%dma_start3A_532 : memref<16x768xf32, #tpu.memory_space<vmem>>) offsets(%arg10 : memref<16xi32, #tpu.memory_space<vmem>>) semaphore(%arg20 : memref<!tpu.dma_semaphore, #tpu.memory_space<semaphore_mem>>)
    %broadcast_in_dim3A_536 = arith.constant 16 : i32
    %broadcast_in_dim3A_537 = vector.broadcast %broadcast_in_dim3A_536 : i32 to vector<16xi32>
    %add3A_538 = arith.addi %broadcast_in_dim3A_537, %iota3A : vector<16xi32>
    %broadcast_in_dim3A_539 = arith.constant 5 : i32
    %broadcast_in_dim3A_540 = vector.broadcast %broadcast_in_dim3A_539 : i32 to vector<16xi32>
    %gather3A_541 = tpu.vector_load_idx %arg5[%broadcast_in_dim3A_540, %add3A_538] : memref<16x64xi32, #tpu.memory_space<vmem>>[vector<16xi32>, vector<16xi32>], vector<16xi32>,
    %mul3A_542 = arith.constant 64 : i32
    %mul3A_543 = vector.broadcast %mul3A_542 : i32 to vector<16xi32>
    %mul3A_544 = arith.muli %gather3A_541, %mul3A_543 : vector<16xi32>
    %add3A_545 = arith.addi %mul3A_544, %add3A_538 : vector<16xi32>
    %swap3A_546 = arith.constant 0 : index
    %swap3A_547 = tpu.vector_load %arg11[%swap3A_546] {strides = array<i32>} : memref<16xi32, #tpu.memory_space<vmem>>, vector<16xi32>,
    tpu.vector_store %arg11[%swap3A_546], %add3A_545 {strides = array<i32>} : memref<16xi32, #tpu.memory_space<vmem>>, vector<16xi32>,
    %dma_start3A_548 = arith.constant 16 : i32
    %dma_start3A_549 = arith.constant 0 : i32
    %dma_start3A_550 = tpu.memref_slice %arg15[%dma_start3A_548, %dma_start3A_549] : memref<64x768xf32, #tpu.memory_space<vmem>> -> memref<16x768xf32, #tpu.memory_space<vmem>>
    %dma_start3A_551 = arith.constant 0 : i32
    %dma_start3A_552 = arith.constant 0 : i32
    %dma_start3A_553 = tpu.memref_slice %arg2[%dma_start3A_551, %dma_start3A_552] : memref<65600x768xf32, #tpu.memory_space<hbm>> -> memref<65600x768xf32, #tpu.memory_space<hbm>>
    tpu.enqueue_indirect_dma source(%dma_start3A_553 : memref<65600x768xf32, #tpu.memory_space<hbm>>) target(%dma_start3A_550 : memref<16x768xf32, #tpu.memory_space<vmem>>) offsets(%arg11 : memref<16xi32, #tpu.memory_space<vmem>>) semaphore(%arg21 : memref<!tpu.dma_semaphore, #tpu.memory_space<semaphore_mem>>)
    %broadcast_in_dim3A_554 = arith.constant 32 : i32
    %broadcast_in_dim3A_555 = vector.broadcast %broadcast_in_dim3A_554 : i32 to vector<16xi32>
    %add3A_556 = arith.addi %broadcast_in_dim3A_555, %iota3A : vector<16xi32>
    %broadcast_in_dim3A_557 = arith.constant 5 : i32
    %broadcast_in_dim3A_558 = vector.broadcast %broadcast_in_dim3A_557 : i32 to vector<16xi32>
    %gather3A_559 = tpu.vector_load_idx %arg5[%broadcast_in_dim3A_558, %add3A_556] : memref<16x64xi32, #tpu.memory_space<vmem>>[vector<16xi32>, vector<16xi32>], vector<16xi32>,
    %mul3A_560 = arith.constant 64 : i32
    %mul3A_561 = vector.broadcast %mul3A_560 : i32 to vector<16xi32>
    %mul3A_562 = arith.muli %gather3A_559, %mul3A_561 : vector<16xi32>
    %add3A_563 = arith.addi %mul3A_562, %add3A_556 : vector<16xi32>
    %swap3A_564 = arith.constant 0 : index
    %swap3A_565 = tpu.vector_load %arg12[%swap3A_564] {strides = array<i32>} : memref<16xi32, #tpu.memory_space<vmem>>, vector<16xi32>,
    tpu.vector_store %arg12[%swap3A_564], %add3A_563 {strides = array<i32>} : memref<16xi32, #tpu.memory_space<vmem>>, vector<16xi32>,
    %dma_start3A_566 = arith.constant 32 : i32
    %dma_start3A_567 = arith.constant 0 : i32
    %dma_start3A_568 = tpu.memref_slice %arg15[%dma_start3A_566, %dma_start3A_567] : memref<64x768xf32, #tpu.memory_space<vmem>> -> memref<16x768xf32, #tpu.memory_space<vmem>>
    %dma_start3A_569 = arith.constant 0 : i32
    %dma_start3A_570 = arith.constant 0 : i32
    %dma_start3A_571 = tpu.memref_slice %arg2[%dma_start3A_569, %dma_start3A_570] : memref<65600x768xf32, #tpu.memory_space<hbm>> -> memref<65600x768xf32, #tpu.memory_space<hbm>>
    tpu.enqueue_indirect_dma source(%dma_start3A_571 : memref<65600x768xf32, #tpu.memory_space<hbm>>) target(%dma_start3A_568 : memref<16x768xf32, #tpu.memory_space<vmem>>) offsets(%arg12 : memref<16xi32, #tpu.memory_space<vmem>>) semaphore(%arg22 : memref<!tpu.dma_semaphore, #tpu.memory_space<semaphore_mem>>)
    %broadcast_in_dim3A_572 = arith.constant 48 : i32
    %broadcast_in_dim3A_573 = vector.broadcast %broadcast_in_dim3A_572 : i32 to vector<16xi32>
    %add3A_574 = arith.addi %broadcast_in_dim3A_573, %iota3A : vector<16xi32>
    %broadcast_in_dim3A_575 = arith.constant 5 : i32
    %broadcast_in_dim3A_576 = vector.broadcast %broadcast_in_dim3A_575 : i32 to vector<16xi32>
    %gather3A_577 = tpu.vector_load_idx %arg5[%broadcast_in_dim3A_576, %add3A_574] : memref<16x64xi32, #tpu.memory_space<vmem>>[vector<16xi32>, vector<16xi32>], vector<16xi32>,
    %mul3A_578 = arith.constant 64 : i32
    %mul3A_579 = vector.broadcast %mul3A_578 : i32 to vector<16xi32>
    %mul3A_580 = arith.muli %gather3A_577, %mul3A_579 : vector<16xi32>
    %add3A_581 = arith.addi %mul3A_580, %add3A_574 : vector<16xi32>
    %swap3A_582 = arith.constant 0 : index
    %swap3A_583 = tpu.vector_load %arg13[%swap3A_582] {strides = array<i32>} : memref<16xi32, #tpu.memory_space<vmem>>, vector<16xi32>,
    tpu.vector_store %arg13[%swap3A_582], %add3A_581 {strides = array<i32>} : memref<16xi32, #tpu.memory_space<vmem>>, vector<16xi32>,
    %dma_start3A_584 = arith.constant 48 : i32
    %dma_start3A_585 = arith.constant 0 : i32
    %dma_start3A_586 = tpu.memref_slice %arg15[%dma_start3A_584, %dma_start3A_585] : memref<64x768xf32, #tpu.memory_space<vmem>> -> memref<16x768xf32, #tpu.memory_space<vmem>>
    %dma_start3A_587 = arith.constant 0 : i32
    %dma_start3A_588 = arith.constant 0 : i32
    %dma_start3A_589 = tpu.memref_slice %arg2[%dma_start3A_587, %dma_start3A_588] : memref<65600x768xf32, #tpu.memory_space<hbm>> -> memref<65600x768xf32, #tpu.memory_space<hbm>>
    tpu.enqueue_indirect_dma source(%dma_start3A_589 : memref<65600x768xf32, #tpu.memory_space<hbm>>) target(%dma_start3A_586 : memref<16x768xf32, #tpu.memory_space<vmem>>) offsets(%arg13 : memref<16xi32, #tpu.memory_space<vmem>>) semaphore(%arg23 : memref<!tpu.dma_semaphore, #tpu.memory_space<semaphore_mem>>)
    %dma_wait3A_590 = arith.constant 0 : i32
    %dma_wait3A_591 = arith.constant 0 : i32
    %dma_wait3A_592 = tpu.memref_slice %arg14[%dma_wait3A_590, %dma_wait3A_591] : memref<64x768xf32, #tpu.memory_space<vmem>> -> memref<16x768xf32, #tpu.memory_space<vmem>>
    %dma_wait3A_593 = arith.constant 0 : i32
    %dma_wait3A_594 = arith.constant 0 : i32
    %dma_wait3A_595 = tpu.memref_slice %arg2[%dma_wait3A_593, %dma_wait3A_594] : memref<65600x768xf32, #tpu.memory_space<hbm>> -> memref<65600x768xf32, #tpu.memory_space<hbm>>
    tpu.wait_indirect_dma semaphore(%arg16 : memref<!tpu.dma_semaphore, #tpu.memory_space<semaphore_mem>>) src(%dma_wait3A_595 : memref<65600x768xf32, #tpu.memory_space<hbm>>) dst(%dma_wait3A_592 : memref<16x768xf32, #tpu.memory_space<vmem>>)
    %dma_wait3A_596 = arith.constant 16 : i32
    %dma_wait3A_597 = arith.constant 0 : i32
    %dma_wait3A_598 = tpu.memref_slice %arg14[%dma_wait3A_596, %dma_wait3A_597] : memref<64x768xf32, #tpu.memory_space<vmem>> -> memref<16x768xf32, #tpu.memory_space<vmem>>
    %dma_wait3A_599 = arith.constant 0 : i32
    %dma_wait3A_600 = arith.constant 0 : i32
    %dma_wait3A_601 = tpu.memref_slice %arg2[%dma_wait3A_599, %dma_wait3A_600] : memref<65600x768xf32, #tpu.memory_space<hbm>> -> memref<65600x768xf32, #tpu.memory_space<hbm>>
    tpu.wait_indirect_dma semaphore(%arg17 : memref<!tpu.dma_semaphore, #tpu.memory_space<semaphore_mem>>) src(%dma_wait3A_601 : memref<65600x768xf32, #tpu.memory_space<hbm>>) dst(%dma_wait3A_598 : memref<16x768xf32, #tpu.memory_space<vmem>>)
    %dma_wait3A_602 = arith.constant 32 : i32
    %dma_wait3A_603 = arith.constant 0 : i32
    %dma_wait3A_604 = tpu.memref_slice %arg14[%dma_wait3A_602, %dma_wait3A_603] : memref<64x768xf32, #tpu.memory_space<vmem>> -> memref<16x768xf32, #tpu.memory_space<vmem>>
    %dma_wait3A_605 = arith.constant 0 : i32
    %dma_wait3A_606 = arith.constant 0 : i32
    %dma_wait3A_607 = tpu.memref_slice %arg2[%dma_wait3A_605, %dma_wait3A_606] : memref<65600x768xf32, #tpu.memory_space<hbm>> -> memref<65600x768xf32, #tpu.memory_space<hbm>>
    tpu.wait_indirect_dma semaphore(%arg18 : memref<!tpu.dma_semaphore, #tpu.memory_space<semaphore_mem>>) src(%dma_wait3A_607 : memref<65600x768xf32, #tpu.memory_space<hbm>>) dst(%dma_wait3A_604 : memref<16x768xf32, #tpu.memory_space<vmem>>)
    %dma_wait3A_608 = arith.constant 48 : i32
    %dma_wait3A_609 = arith.constant 0 : i32
    %dma_wait3A_610 = tpu.memref_slice %arg14[%dma_wait3A_608, %dma_wait3A_609] : memref<64x768xf32, #tpu.memory_space<vmem>> -> memref<16x768xf32, #tpu.memory_space<vmem>>
    %dma_wait3A_611 = arith.constant 0 : i32
    %dma_wait3A_612 = arith.constant 0 : i32
    %dma_wait3A_613 = tpu.memref_slice %arg2[%dma_wait3A_611, %dma_wait3A_612] : memref<65600x768xf32, #tpu.memory_space<hbm>> -> memref<65600x768xf32, #tpu.memory_space<hbm>>
    tpu.wait_indirect_dma semaphore(%arg19 : memref<!tpu.dma_semaphore, #tpu.memory_space<semaphore_mem>>) src(%dma_wait3A_613 : memref<65600x768xf32, #tpu.memory_space<hbm>>) dst(%dma_wait3A_610 : memref<16x768xf32, #tpu.memory_space<vmem>>)
    %add3A_614 = arith.constant 4 : i32
    %add3A_615 = arith.addi %mul3A_2, %add3A_614 : i32
    %mul3A_616 = arith.constant 64 : i32
    %mul3A_617 = arith.muli %add3A_615, %mul3A_616 : i32
    %dma_start3A_618 = arith.constant 0 : i32
    %dma_start3A_619 = tpu.memref_slice %arg4[%mul3A_617, %dma_start3A_618] : memref<32832x768xf32, #tpu.memory_space<hbm>> -> memref<64x768xf32, #tpu.memory_space<hbm>>
    %dma_start3A_620 = arith.constant 0 : i32
    %dma_start3A_621 = tpu.memref_slice %arg4[%mul3A_617, %dma_start3A_620] : memref<32832x768xf32, #tpu.memory_space<hbm>> -> memref<64x768xf32, #tpu.memory_space<hbm>>
    tpu.enqueue_dma source(%arg14 : memref<64x768xf32, #tpu.memory_space<vmem>>) target(%dma_start3A_621 : memref<64x768xf32, #tpu.memory_space<hbm>>) target_semaphore(%arg24 : memref<!tpu.dma_semaphore, #tpu.memory_space<semaphore_mem>>)
    %add3A_622 = arith.constant 4 : i32
    %add3A_623 = arith.addi %mul3A_2, %add3A_622 : i32
    %mul3A_624 = arith.constant 64 : i32
    %mul3A_625 = arith.muli %add3A_623, %mul3A_624 : i32
    %dma_wait3A_626 = arith.constant 0 : i32
    %dma_wait3A_627 = tpu.memref_slice %arg4[%mul3A_625, %dma_wait3A_626] : memref<32832x768xf32, #tpu.memory_space<hbm>> -> memref<64x768xf32, #tpu.memory_space<hbm>>
    %dma_wait3A_628 = arith.constant 0 : i32
    %dma_wait3A_629 = tpu.memref_slice %arg4[%mul3A_625, %dma_wait3A_628] : memref<32832x768xf32, #tpu.memory_space<hbm>> -> memref<64x768xf32, #tpu.memory_space<hbm>>
    tpu.wait_dma2 semaphore(%arg24 : memref<!tpu.dma_semaphore, #tpu.memory_space<semaphore_mem>>) src(%arg14 : memref<64x768xf32, #tpu.memory_space<vmem>>) dst(%dma_wait3A_629 : memref<64x768xf32, #tpu.memory_space<hbm>>)
    %broadcast_in_dim3A_630 = arith.constant 0 : i32
    %broadcast_in_dim3A_631 = vector.broadcast %broadcast_in_dim3A_630 : i32 to vector<16xi32>
    %add3A_632 = arith.addi %broadcast_in_dim3A_631, %iota3A : vector<16xi32>
    %broadcast_in_dim3A_633 = arith.constant 6 : i32
    %broadcast_in_dim3A_634 = vector.broadcast %broadcast_in_dim3A_633 : i32 to vector<16xi32>
    %gather3A_635 = tpu.vector_load_idx %arg5[%broadcast_in_dim3A_634, %add3A_632] : memref<16x64xi32, #tpu.memory_space<vmem>>[vector<16xi32>, vector<16xi32>], vector<16xi32>,
    %mul3A_636 = arith.constant 64 : i32
    %mul3A_637 = vector.broadcast %mul3A_636 : i32 to vector<16xi32>
    %mul3A_638 = arith.muli %gather3A_635, %mul3A_637 : vector<16xi32>
    %add3A_639 = arith.addi %mul3A_638, %add3A_632 : vector<16xi32>
    %swap3A_640 = arith.constant 0 : index
    %swap3A_641 = tpu.vector_load %arg6[%swap3A_640] {strides = array<i32>} : memref<16xi32, #tpu.memory_space<vmem>>, vector<16xi32>,
    tpu.vector_store %arg6[%swap3A_640], %add3A_639 {strides = array<i32>} : memref<16xi32, #tpu.memory_space<vmem>>, vector<16xi32>,
    %dma_start3A_642 = arith.constant 0 : i32
    %dma_start3A_643 = arith.constant 0 : i32
    %dma_start3A_644 = tpu.memref_slice %arg14[%dma_start3A_642, %dma_start3A_643] : memref<64x768xf32, #tpu.memory_space<vmem>> -> memref<16x768xf32, #tpu.memory_space<vmem>>
    %dma_start3A_645 = arith.constant 0 : i32
    %dma_start3A_646 = arith.constant 0 : i32
    %dma_start3A_647 = tpu.memref_slice %arg2[%dma_start3A_645, %dma_start3A_646] : memref<65600x768xf32, #tpu.memory_space<hbm>> -> memref<65600x768xf32, #tpu.memory_space<hbm>>
    tpu.enqueue_indirect_dma source(%dma_start3A_647 : memref<65600x768xf32, #tpu.memory_space<hbm>>) target(%dma_start3A_644 : memref<16x768xf32, #tpu.memory_space<vmem>>) offsets(%arg6 : memref<16xi32, #tpu.memory_space<vmem>>) semaphore(%arg16 : memref<!tpu.dma_semaphore, #tpu.memory_space<semaphore_mem>>)
    %broadcast_in_dim3A_648 = arith.constant 16 : i32
    %broadcast_in_dim3A_649 = vector.broadcast %broadcast_in_dim3A_648 : i32 to vector<16xi32>
    %add3A_650 = arith.addi %broadcast_in_dim3A_649, %iota3A : vector<16xi32>
    %broadcast_in_dim3A_651 = arith.constant 6 : i32
    %broadcast_in_dim3A_652 = vector.broadcast %broadcast_in_dim3A_651 : i32 to vector<16xi32>
    %gather3A_653 = tpu.vector_load_idx %arg5[%broadcast_in_dim3A_652, %add3A_650] : memref<16x64xi32, #tpu.memory_space<vmem>>[vector<16xi32>, vector<16xi32>], vector<16xi32>,
    %mul3A_654 = arith.constant 64 : i32
    %mul3A_655 = vector.broadcast %mul3A_654 : i32 to vector<16xi32>
    %mul3A_656 = arith.muli %gather3A_653, %mul3A_655 : vector<16xi32>
    %add3A_657 = arith.addi %mul3A_656, %add3A_650 : vector<16xi32>
    %swap3A_658 = arith.constant 0 : index
    %swap3A_659 = tpu.vector_load %arg7[%swap3A_658] {strides = array<i32>} : memref<16xi32, #tpu.memory_space<vmem>>, vector<16xi32>,
    tpu.vector_store %arg7[%swap3A_658], %add3A_657 {strides = array<i32>} : memref<16xi32, #tpu.memory_space<vmem>>, vector<16xi32>,
    %dma_start3A_660 = arith.constant 16 : i32
    %dma_start3A_661 = arith.constant 0 : i32
    %dma_start3A_662 = tpu.memref_slice %arg14[%dma_start3A_660, %dma_start3A_661] : memref<64x768xf32, #tpu.memory_space<vmem>> -> memref<16x768xf32, #tpu.memory_space<vmem>>
    %dma_start3A_663 = arith.constant 0 : i32
    %dma_start3A_664 = arith.constant 0 : i32
    %dma_start3A_665 = tpu.memref_slice %arg2[%dma_start3A_663, %dma_start3A_664] : memref<65600x768xf32, #tpu.memory_space<hbm>> -> memref<65600x768xf32, #tpu.memory_space<hbm>>
    tpu.enqueue_indirect_dma source(%dma_start3A_665 : memref<65600x768xf32, #tpu.memory_space<hbm>>) target(%dma_start3A_662 : memref<16x768xf32, #tpu.memory_space<vmem>>) offsets(%arg7 : memref<16xi32, #tpu.memory_space<vmem>>) semaphore(%arg17 : memref<!tpu.dma_semaphore, #tpu.memory_space<semaphore_mem>>)
    %broadcast_in_dim3A_666 = arith.constant 32 : i32
    %broadcast_in_dim3A_667 = vector.broadcast %broadcast_in_dim3A_666 : i32 to vector<16xi32>
    %add3A_668 = arith.addi %broadcast_in_dim3A_667, %iota3A : vector<16xi32>
    %broadcast_in_dim3A_669 = arith.constant 6 : i32
    %broadcast_in_dim3A_670 = vector.broadcast %broadcast_in_dim3A_669 : i32 to vector<16xi32>
    %gather3A_671 = tpu.vector_load_idx %arg5[%broadcast_in_dim3A_670, %add3A_668] : memref<16x64xi32, #tpu.memory_space<vmem>>[vector<16xi32>, vector<16xi32>], vector<16xi32>,
    %mul3A_672 = arith.constant 64 : i32
    %mul3A_673 = vector.broadcast %mul3A_672 : i32 to vector<16xi32>
    %mul3A_674 = arith.muli %gather3A_671, %mul3A_673 : vector<16xi32>
    %add3A_675 = arith.addi %mul3A_674, %add3A_668 : vector<16xi32>
    %swap3A_676 = arith.constant 0 : index
    %swap3A_677 = tpu.vector_load %arg8[%swap3A_676] {strides = array<i32>} : memref<16xi32, #tpu.memory_space<vmem>>, vector<16xi32>,
    tpu.vector_store %arg8[%swap3A_676], %add3A_675 {strides = array<i32>} : memref<16xi32, #tpu.memory_space<vmem>>, vector<16xi32>,
    %dma_start3A_678 = arith.constant 32 : i32
    %dma_start3A_679 = arith.constant 0 : i32
    %dma_start3A_680 = tpu.memref_slice %arg14[%dma_start3A_678, %dma_start3A_679] : memref<64x768xf32, #tpu.memory_space<vmem>> -> memref<16x768xf32, #tpu.memory_space<vmem>>
    %dma_start3A_681 = arith.constant 0 : i32
    %dma_start3A_682 = arith.constant 0 : i32
    %dma_start3A_683 = tpu.memref_slice %arg2[%dma_start3A_681, %dma_start3A_682] : memref<65600x768xf32, #tpu.memory_space<hbm>> -> memref<65600x768xf32, #tpu.memory_space<hbm>>
    tpu.enqueue_indirect_dma source(%dma_start3A_683 : memref<65600x768xf32, #tpu.memory_space<hbm>>) target(%dma_start3A_680 : memref<16x768xf32, #tpu.memory_space<vmem>>) offsets(%arg8 : memref<16xi32, #tpu.memory_space<vmem>>) semaphore(%arg18 : memref<!tpu.dma_semaphore, #tpu.memory_space<semaphore_mem>>)
    %broadcast_in_dim3A_684 = arith.constant 48 : i32
    %broadcast_in_dim3A_685 = vector.broadcast %broadcast_in_dim3A_684 : i32 to vector<16xi32>
    %add3A_686 = arith.addi %broadcast_in_dim3A_685, %iota3A : vector<16xi32>
    %broadcast_in_dim3A_687 = arith.constant 6 : i32
    %broadcast_in_dim3A_688 = vector.broadcast %broadcast_in_dim3A_687 : i32 to vector<16xi32>
    %gather3A_689 = tpu.vector_load_idx %arg5[%broadcast_in_dim3A_688, %add3A_686] : memref<16x64xi32, #tpu.memory_space<vmem>>[vector<16xi32>, vector<16xi32>], vector<16xi32>,
    %mul3A_690 = arith.constant 64 : i32
    %mul3A_691 = vector.broadcast %mul3A_690 : i32 to vector<16xi32>
    %mul3A_692 = arith.muli %gather3A_689, %mul3A_691 : vector<16xi32>
    %add3A_693 = arith.addi %mul3A_692, %add3A_686 : vector<16xi32>
    %swap3A_694 = arith.constant 0 : index
    %swap3A_695 = tpu.vector_load %arg9[%swap3A_694] {strides = array<i32>} : memref<16xi32, #tpu.memory_space<vmem>>, vector<16xi32>,
    tpu.vector_store %arg9[%swap3A_694], %add3A_693 {strides = array<i32>} : memref<16xi32, #tpu.memory_space<vmem>>, vector<16xi32>,
    %dma_start3A_696 = arith.constant 48 : i32
    %dma_start3A_697 = arith.constant 0 : i32
    %dma_start3A_698 = tpu.memref_slice %arg14[%dma_start3A_696, %dma_start3A_697] : memref<64x768xf32, #tpu.memory_space<vmem>> -> memref<16x768xf32, #tpu.memory_space<vmem>>
    %dma_start3A_699 = arith.constant 0 : i32
    %dma_start3A_700 = arith.constant 0 : i32
    %dma_start3A_701 = tpu.memref_slice %arg2[%dma_start3A_699, %dma_start3A_700] : memref<65600x768xf32, #tpu.memory_space<hbm>> -> memref<65600x768xf32, #tpu.memory_space<hbm>>
    tpu.enqueue_indirect_dma source(%dma_start3A_701 : memref<65600x768xf32, #tpu.memory_space<hbm>>) target(%dma_start3A_698 : memref<16x768xf32, #tpu.memory_space<vmem>>) offsets(%arg9 : memref<16xi32, #tpu.memory_space<vmem>>) semaphore(%arg19 : memref<!tpu.dma_semaphore, #tpu.memory_space<semaphore_mem>>)
    %dma_wait3A_702 = arith.constant 0 : i32
    %dma_wait3A_703 = arith.constant 0 : i32
    %dma_wait3A_704 = tpu.memref_slice %arg15[%dma_wait3A_702, %dma_wait3A_703] : memref<64x768xf32, #tpu.memory_space<vmem>> -> memref<16x768xf32, #tpu.memory_space<vmem>>
    %dma_wait3A_705 = arith.constant 0 : i32
    %dma_wait3A_706 = arith.constant 0 : i32
    %dma_wait3A_707 = tpu.memref_slice %arg2[%dma_wait3A_705, %dma_wait3A_706] : memref<65600x768xf32, #tpu.memory_space<hbm>> -> memref<65600x768xf32, #tpu.memory_space<hbm>>
    tpu.wait_indirect_dma semaphore(%arg20 : memref<!tpu.dma_semaphore, #tpu.memory_space<semaphore_mem>>) src(%dma_wait3A_707 : memref<65600x768xf32, #tpu.memory_space<hbm>>) dst(%dma_wait3A_704 : memref<16x768xf32, #tpu.memory_space<vmem>>)
    %dma_wait3A_708 = arith.constant 16 : i32
    %dma_wait3A_709 = arith.constant 0 : i32
    %dma_wait3A_710 = tpu.memref_slice %arg15[%dma_wait3A_708, %dma_wait3A_709] : memref<64x768xf32, #tpu.memory_space<vmem>> -> memref<16x768xf32, #tpu.memory_space<vmem>>
    %dma_wait3A_711 = arith.constant 0 : i32
    %dma_wait3A_712 = arith.constant 0 : i32
    %dma_wait3A_713 = tpu.memref_slice %arg2[%dma_wait3A_711, %dma_wait3A_712] : memref<65600x768xf32, #tpu.memory_space<hbm>> -> memref<65600x768xf32, #tpu.memory_space<hbm>>
    tpu.wait_indirect_dma semaphore(%arg21 : memref<!tpu.dma_semaphore, #tpu.memory_space<semaphore_mem>>) src(%dma_wait3A_713 : memref<65600x768xf32, #tpu.memory_space<hbm>>) dst(%dma_wait3A_710 : memref<16x768xf32, #tpu.memory_space<vmem>>)
    %dma_wait3A_714 = arith.constant 32 : i32
    %dma_wait3A_715 = arith.constant 0 : i32
    %dma_wait3A_716 = tpu.memref_slice %arg15[%dma_wait3A_714, %dma_wait3A_715] : memref<64x768xf32, #tpu.memory_space<vmem>> -> memref<16x768xf32, #tpu.memory_space<vmem>>
    %dma_wait3A_717 = arith.constant 0 : i32
    %dma_wait3A_718 = arith.constant 0 : i32
    %dma_wait3A_719 = tpu.memref_slice %arg2[%dma_wait3A_717, %dma_wait3A_718] : memref<65600x768xf32, #tpu.memory_space<hbm>> -> memref<65600x768xf32, #tpu.memory_space<hbm>>
    tpu.wait_indirect_dma semaphore(%arg22 : memref<!tpu.dma_semaphore, #tpu.memory_space<semaphore_mem>>) src(%dma_wait3A_719 : memref<65600x768xf32, #tpu.memory_space<hbm>>) dst(%dma_wait3A_716 : memref<16x768xf32, #tpu.memory_space<vmem>>)
    %dma_wait3A_720 = arith.constant 48 : i32
    %dma_wait3A_721 = arith.constant 0 : i32
    %dma_wait3A_722 = tpu.memref_slice %arg15[%dma_wait3A_720, %dma_wait3A_721] : memref<64x768xf32, #tpu.memory_space<vmem>> -> memref<16x768xf32, #tpu.memory_space<vmem>>
    %dma_wait3A_723 = arith.constant 0 : i32
    %dma_wait3A_724 = arith.constant 0 : i32
    %dma_wait3A_725 = tpu.memref_slice %arg2[%dma_wait3A_723, %dma_wait3A_724] : memref<65600x768xf32, #tpu.memory_space<hbm>> -> memref<65600x768xf32, #tpu.memory_space<hbm>>
    tpu.wait_indirect_dma semaphore(%arg23 : memref<!tpu.dma_semaphore, #tpu.memory_space<semaphore_mem>>) src(%dma_wait3A_725 : memref<65600x768xf32, #tpu.memory_space<hbm>>) dst(%dma_wait3A_722 : memref<16x768xf32, #tpu.memory_space<vmem>>)
    %add3A_726 = arith.constant 5 : i32
    %add3A_727 = arith.addi %mul3A_2, %add3A_726 : i32
    %mul3A_728 = arith.constant 64 : i32
    %mul3A_729 = arith.muli %add3A_727, %mul3A_728 : i32
    %dma_start3A_730 = arith.constant 0 : i32
    %dma_start3A_731 = tpu.memref_slice %arg4[%mul3A_729, %dma_start3A_730] : memref<32832x768xf32, #tpu.memory_space<hbm>> -> memref<64x768xf32, #tpu.memory_space<hbm>>
    %dma_start3A_732 = arith.constant 0 : i32
    %dma_start3A_733 = tpu.memref_slice %arg4[%mul3A_729, %dma_start3A_732] : memref<32832x768xf32, #tpu.memory_space<hbm>> -> memref<64x768xf32, #tpu.memory_space<hbm>>
    tpu.enqueue_dma source(%arg15 : memref<64x768xf32, #tpu.memory_space<vmem>>) target(%dma_start3A_733 : memref<64x768xf32, #tpu.memory_space<hbm>>) target_semaphore(%arg25 : memref<!tpu.dma_semaphore, #tpu.memory_space<semaphore_mem>>)
    %add3A_734 = arith.constant 5 : i32
    %add3A_735 = arith.addi %mul3A_2, %add3A_734 : i32
    %mul3A_736 = arith.constant 64 : i32
    %mul3A_737 = arith.muli %add3A_735, %mul3A_736 : i32
    %dma_wait3A_738 = arith.constant 0 : i32
    %dma_wait3A_739 = tpu.memref_slice %arg4[%mul3A_737, %dma_wait3A_738] : memref<32832x768xf32, #tpu.memory_space<hbm>> -> memref<64x768xf32, #tpu.memory_space<hbm>>
    %dma_wait3A_740 = arith.constant 0 : i32
    %dma_wait3A_741 = tpu.memref_slice %arg4[%mul3A_737, %dma_wait3A_740] : memref<32832x768xf32, #tpu.memory_space<hbm>> -> memref<64x768xf32, #tpu.memory_space<hbm>>
    tpu.wait_dma2 semaphore(%arg25 : memref<!tpu.dma_semaphore, #tpu.memory_space<semaphore_mem>>) src(%arg15 : memref<64x768xf32, #tpu.memory_space<vmem>>) dst(%dma_wait3A_741 : memref<64x768xf32, #tpu.memory_space<hbm>>)
    %broadcast_in_dim3A_742 = arith.constant 0 : i32
    %broadcast_in_dim3A_743 = vector.broadcast %broadcast_in_dim3A_742 : i32 to vector<16xi32>
    %add3A_744 = arith.addi %broadcast_in_dim3A_743, %iota3A : vector<16xi32>
    %broadcast_in_dim3A_745 = arith.constant 7 : i32
    %broadcast_in_dim3A_746 = vector.broadcast %broadcast_in_dim3A_745 : i32 to vector<16xi32>
    %gather3A_747 = tpu.vector_load_idx %arg5[%broadcast_in_dim3A_746, %add3A_744] : memref<16x64xi32, #tpu.memory_space<vmem>>[vector<16xi32>, vector<16xi32>], vector<16xi32>,
    %mul3A_748 = arith.constant 64 : i32
    %mul3A_749 = vector.broadcast %mul3A_748 : i32 to vector<16xi32>
    %mul3A_750 = arith.muli %gather3A_747, %mul3A_749 : vector<16xi32>
    %add3A_751 = arith.addi %mul3A_750, %add3A_744 : vector<16xi32>
    %swap3A_752 = arith.constant 0 : index
    %swap3A_753 = tpu.vector_load %arg10[%swap3A_752] {strides = array<i32>} : memref<16xi32, #tpu.memory_space<vmem>>, vector<16xi32>,
    tpu.vector_store %arg10[%swap3A_752], %add3A_751 {strides = array<i32>} : memref<16xi32, #tpu.memory_space<vmem>>, vector<16xi32>,
    %dma_start3A_754 = arith.constant 0 : i32
    %dma_start3A_755 = arith.constant 0 : i32
    %dma_start3A_756 = tpu.memref_slice %arg15[%dma_start3A_754, %dma_start3A_755] : memref<64x768xf32, #tpu.memory_space<vmem>> -> memref<16x768xf32, #tpu.memory_space<vmem>>
    %dma_start3A_757 = arith.constant 0 : i32
    %dma_start3A_758 = arith.constant 0 : i32
    %dma_start3A_759 = tpu.memref_slice %arg2[%dma_start3A_757, %dma_start3A_758] : memref<65600x768xf32, #tpu.memory_space<hbm>> -> memref<65600x768xf32, #tpu.memory_space<hbm>>
    tpu.enqueue_indirect_dma source(%dma_start3A_759 : memref<65600x768xf32, #tpu.memory_space<hbm>>) target(%dma_start3A_756 : memref<16x768xf32, #tpu.memory_space<vmem>>) offsets(%arg10 : memref<16xi32, #tpu.memory_space<vmem>>) semaphore(%arg20 : memref<!tpu.dma_semaphore, #tpu.memory_space<semaphore_mem>>)
    %broadcast_in_dim3A_760 = arith.constant 16 : i32
    %broadcast_in_dim3A_761 = vector.broadcast %broadcast_in_dim3A_760 : i32 to vector<16xi32>
    %add3A_762 = arith.addi %broadcast_in_dim3A_761, %iota3A : vector<16xi32>
    %broadcast_in_dim3A_763 = arith.constant 7 : i32
    %broadcast_in_dim3A_764 = vector.broadcast %broadcast_in_dim3A_763 : i32 to vector<16xi32>
    %gather3A_765 = tpu.vector_load_idx %arg5[%broadcast_in_dim3A_764, %add3A_762] : memref<16x64xi32, #tpu.memory_space<vmem>>[vector<16xi32>, vector<16xi32>], vector<16xi32>,
    %mul3A_766 = arith.constant 64 : i32
    %mul3A_767 = vector.broadcast %mul3A_766 : i32 to vector<16xi32>
    %mul3A_768 = arith.muli %gather3A_765, %mul3A_767 : vector<16xi32>
    %add3A_769 = arith.addi %mul3A_768, %add3A_762 : vector<16xi32>
    %swap3A_770 = arith.constant 0 : index
    %swap3A_771 = tpu.vector_load %arg11[%swap3A_770] {strides = array<i32>} : memref<16xi32, #tpu.memory_space<vmem>>, vector<16xi32>,
    tpu.vector_store %arg11[%swap3A_770], %add3A_769 {strides = array<i32>} : memref<16xi32, #tpu.memory_space<vmem>>, vector<16xi32>,
    %dma_start3A_772 = arith.constant 16 : i32
    %dma_start3A_773 = arith.constant 0 : i32
    %dma_start3A_774 = tpu.memref_slice %arg15[%dma_start3A_772, %dma_start3A_773] : memref<64x768xf32, #tpu.memory_space<vmem>> -> memref<16x768xf32, #tpu.memory_space<vmem>>
    %dma_start3A_775 = arith.constant 0 : i32
    %dma_start3A_776 = arith.constant 0 : i32
    %dma_start3A_777 = tpu.memref_slice %arg2[%dma_start3A_775, %dma_start3A_776] : memref<65600x768xf32, #tpu.memory_space<hbm>> -> memref<65600x768xf32, #tpu.memory_space<hbm>>
    tpu.enqueue_indirect_dma source(%dma_start3A_777 : memref<65600x768xf32, #tpu.memory_space<hbm>>) target(%dma_start3A_774 : memref<16x768xf32, #tpu.memory_space<vmem>>) offsets(%arg11 : memref<16xi32, #tpu.memory_space<vmem>>) semaphore(%arg21 : memref<!tpu.dma_semaphore, #tpu.memory_space<semaphore_mem>>)
    %broadcast_in_dim3A_778 = arith.constant 32 : i32
    %broadcast_in_dim3A_779 = vector.broadcast %broadcast_in_dim3A_778 : i32 to vector<16xi32>
    %add3A_780 = arith.addi %broadcast_in_dim3A_779, %iota3A : vector<16xi32>
    %broadcast_in_dim3A_781 = arith.constant 7 : i32
    %broadcast_in_dim3A_782 = vector.broadcast %broadcast_in_dim3A_781 : i32 to vector<16xi32>
    %gather3A_783 = tpu.vector_load_idx %arg5[%broadcast_in_dim3A_782, %add3A_780] : memref<16x64xi32, #tpu.memory_space<vmem>>[vector<16xi32>, vector<16xi32>], vector<16xi32>,
    %mul3A_784 = arith.constant 64 : i32
    %mul3A_785 = vector.broadcast %mul3A_784 : i32 to vector<16xi32>
    %mul3A_786 = arith.muli %gather3A_783, %mul3A_785 : vector<16xi32>
    %add3A_787 = arith.addi %mul3A_786, %add3A_780 : vector<16xi32>
    %swap3A_788 = arith.constant 0 : index
    %swap3A_789 = tpu.vector_load %arg12[%swap3A_788] {strides = array<i32>} : memref<16xi32, #tpu.memory_space<vmem>>, vector<16xi32>,
    tpu.vector_store %arg12[%swap3A_788], %add3A_787 {strides = array<i32>} : memref<16xi32, #tpu.memory_space<vmem>>, vector<16xi32>,
    %dma_start3A_790 = arith.constant 32 : i32
    %dma_start3A_791 = arith.constant 0 : i32
    %dma_start3A_792 = tpu.memref_slice %arg15[%dma_start3A_790, %dma_start3A_791] : memref<64x768xf32, #tpu.memory_space<vmem>> -> memref<16x768xf32, #tpu.memory_space<vmem>>
    %dma_start3A_793 = arith.constant 0 : i32
    %dma_start3A_794 = arith.constant 0 : i32
    %dma_start3A_795 = tpu.memref_slice %arg2[%dma_start3A_793, %dma_start3A_794] : memref<65600x768xf32, #tpu.memory_space<hbm>> -> memref<65600x768xf32, #tpu.memory_space<hbm>>
    tpu.enqueue_indirect_dma source(%dma_start3A_795 : memref<65600x768xf32, #tpu.memory_space<hbm>>) target(%dma_start3A_792 : memref<16x768xf32, #tpu.memory_space<vmem>>) offsets(%arg12 : memref<16xi32, #tpu.memory_space<vmem>>) semaphore(%arg22 : memref<!tpu.dma_semaphore, #tpu.memory_space<semaphore_mem>>)
    %broadcast_in_dim3A_796 = arith.constant 48 : i32
    %broadcast_in_dim3A_797 = vector.broadcast %broadcast_in_dim3A_796 : i32 to vector<16xi32>
    %add3A_798 = arith.addi %broadcast_in_dim3A_797, %iota3A : vector<16xi32>
    %broadcast_in_dim3A_799 = arith.constant 7 : i32
    %broadcast_in_dim3A_800 = vector.broadcast %broadcast_in_dim3A_799 : i32 to vector<16xi32>
    %gather3A_801 = tpu.vector_load_idx %arg5[%broadcast_in_dim3A_800, %add3A_798] : memref<16x64xi32, #tpu.memory_space<vmem>>[vector<16xi32>, vector<16xi32>], vector<16xi32>,
    %mul3A_802 = arith.constant 64 : i32
    %mul3A_803 = vector.broadcast %mul3A_802 : i32 to vector<16xi32>
    %mul3A_804 = arith.muli %gather3A_801, %mul3A_803 : vector<16xi32>
    %add3A_805 = arith.addi %mul3A_804, %add3A_798 : vector<16xi32>
    %swap3A_806 = arith.constant 0 : index
    %swap3A_807 = tpu.vector_load %arg13[%swap3A_806] {strides = array<i32>} : memref<16xi32, #tpu.memory_space<vmem>>, vector<16xi32>,
    tpu.vector_store %arg13[%swap3A_806], %add3A_805 {strides = array<i32>} : memref<16xi32, #tpu.memory_space<vmem>>, vector<16xi32>,
    %dma_start3A_808 = arith.constant 48 : i32
    %dma_start3A_809 = arith.constant 0 : i32
    %dma_start3A_810 = tpu.memref_slice %arg15[%dma_start3A_808, %dma_start3A_809] : memref<64x768xf32, #tpu.memory_space<vmem>> -> memref<16x768xf32, #tpu.memory_space<vmem>>
    %dma_start3A_811 = arith.constant 0 : i32
    %dma_start3A_812 = arith.constant 0 : i32
    %dma_start3A_813 = tpu.memref_slice %arg2[%dma_start3A_811, %dma_start3A_812] : memref<65600x768xf32, #tpu.memory_space<hbm>> -> memref<65600x768xf32, #tpu.memory_space<hbm>>
    tpu.enqueue_indirect_dma source(%dma_start3A_813 : memref<65600x768xf32, #tpu.memory_space<hbm>>) target(%dma_start3A_810 : memref<16x768xf32, #tpu.memory_space<vmem>>) offsets(%arg13 : memref<16xi32, #tpu.memory_space<vmem>>) semaphore(%arg23 : memref<!tpu.dma_semaphore, #tpu.memory_space<semaphore_mem>>)
    %dma_wait3A_814 = arith.constant 0 : i32
    %dma_wait3A_815 = arith.constant 0 : i32
    %dma_wait3A_816 = tpu.memref_slice %arg14[%dma_wait3A_814, %dma_wait3A_815] : memref<64x768xf32, #tpu.memory_space<vmem>> -> memref<16x768xf32, #tpu.memory_space<vmem>>
    %dma_wait3A_817 = arith.constant 0 : i32
    %dma_wait3A_818 = arith.constant 0 : i32
    %dma_wait3A_819 = tpu.memref_slice %arg2[%dma_wait3A_817, %dma_wait3A_818] : memref<65600x768xf32, #tpu.memory_space<hbm>> -> memref<65600x768xf32, #tpu.memory_space<hbm>>
    tpu.wait_indirect_dma semaphore(%arg16 : memref<!tpu.dma_semaphore, #tpu.memory_space<semaphore_mem>>) src(%dma_wait3A_819 : memref<65600x768xf32, #tpu.memory_space<hbm>>) dst(%dma_wait3A_816 : memref<16x768xf32, #tpu.memory_space<vmem>>)
    %dma_wait3A_820 = arith.constant 16 : i32
    %dma_wait3A_821 = arith.constant 0 : i32
    %dma_wait3A_822 = tpu.memref_slice %arg14[%dma_wait3A_820, %dma_wait3A_821] : memref<64x768xf32, #tpu.memory_space<vmem>> -> memref<16x768xf32, #tpu.memory_space<vmem>>
    %dma_wait3A_823 = arith.constant 0 : i32
    %dma_wait3A_824 = arith.constant 0 : i32
    %dma_wait3A_825 = tpu.memref_slice %arg2[%dma_wait3A_823, %dma_wait3A_824] : memref<65600x768xf32, #tpu.memory_space<hbm>> -> memref<65600x768xf32, #tpu.memory_space<hbm>>
    tpu.wait_indirect_dma semaphore(%arg17 : memref<!tpu.dma_semaphore, #tpu.memory_space<semaphore_mem>>) src(%dma_wait3A_825 : memref<65600x768xf32, #tpu.memory_space<hbm>>) dst(%dma_wait3A_822 : memref<16x768xf32, #tpu.memory_space<vmem>>)
    %dma_wait3A_826 = arith.constant 32 : i32
    %dma_wait3A_827 = arith.constant 0 : i32
    %dma_wait3A_828 = tpu.memref_slice %arg14[%dma_wait3A_826, %dma_wait3A_827] : memref<64x768xf32, #tpu.memory_space<vmem>> -> memref<16x768xf32, #tpu.memory_space<vmem>>
    %dma_wait3A_829 = arith.constant 0 : i32
    %dma_wait3A_830 = arith.constant 0 : i32
    %dma_wait3A_831 = tpu.memref_slice %arg2[%dma_wait3A_829, %dma_wait3A_830] : memref<65600x768xf32, #tpu.memory_space<hbm>> -> memref<65600x768xf32, #tpu.memory_space<hbm>>
    tpu.wait_indirect_dma semaphore(%arg18 : memref<!tpu.dma_semaphore, #tpu.memory_space<semaphore_mem>>) src(%dma_wait3A_831 : memref<65600x768xf32, #tpu.memory_space<hbm>>) dst(%dma_wait3A_828 : memref<16x768xf32, #tpu.memory_space<vmem>>)
    %dma_wait3A_832 = arith.constant 48 : i32
    %dma_wait3A_833 = arith.constant 0 : i32
    %dma_wait3A_834 = tpu.memref_slice %arg14[%dma_wait3A_832, %dma_wait3A_833] : memref<64x768xf32, #tpu.memory_space<vmem>> -> memref<16x768xf32, #tpu.memory_space<vmem>>
    %dma_wait3A_835 = arith.constant 0 : i32
    %dma_wait3A_836 = arith.constant 0 : i32
    %dma_wait3A_837 = tpu.memref_slice %arg2[%dma_wait3A_835, %dma_wait3A_836] : memref<65600x768xf32, #tpu.memory_space<hbm>> -> memref<65600x768xf32, #tpu.memory_space<hbm>>
    tpu.wait_indirect_dma semaphore(%arg19 : memref<!tpu.dma_semaphore, #tpu.memory_space<semaphore_mem>>) src(%dma_wait3A_837 : memref<65600x768xf32, #tpu.memory_space<hbm>>) dst(%dma_wait3A_834 : memref<16x768xf32, #tpu.memory_space<vmem>>)
    %add3A_838 = arith.constant 6 : i32
    %add3A_839 = arith.addi %mul3A_2, %add3A_838 : i32
    %mul3A_840 = arith.constant 64 : i32
    %mul3A_841 = arith.muli %add3A_839, %mul3A_840 : i32
    %dma_start3A_842 = arith.constant 0 : i32
    %dma_start3A_843 = tpu.memref_slice %arg4[%mul3A_841, %dma_start3A_842] : memref<32832x768xf32, #tpu.memory_space<hbm>> -> memref<64x768xf32, #tpu.memory_space<hbm>>
    %dma_start3A_844 = arith.constant 0 : i32
    %dma_start3A_845 = tpu.memref_slice %arg4[%mul3A_841, %dma_start3A_844] : memref<32832x768xf32, #tpu.memory_space<hbm>> -> memref<64x768xf32, #tpu.memory_space<hbm>>
    tpu.enqueue_dma source(%arg14 : memref<64x768xf32, #tpu.memory_space<vmem>>) target(%dma_start3A_845 : memref<64x768xf32, #tpu.memory_space<hbm>>) target_semaphore(%arg24 : memref<!tpu.dma_semaphore, #tpu.memory_space<semaphore_mem>>)
    %add3A_846 = arith.constant 6 : i32
    %add3A_847 = arith.addi %mul3A_2, %add3A_846 : i32
    %mul3A_848 = arith.constant 64 : i32
    %mul3A_849 = arith.muli %add3A_847, %mul3A_848 : i32
    %dma_wait3A_850 = arith.constant 0 : i32
    %dma_wait3A_851 = tpu.memref_slice %arg4[%mul3A_849, %dma_wait3A_850] : memref<32832x768xf32, #tpu.memory_space<hbm>> -> memref<64x768xf32, #tpu.memory_space<hbm>>
    %dma_wait3A_852 = arith.constant 0 : i32
    %dma_wait3A_853 = tpu.memref_slice %arg4[%mul3A_849, %dma_wait3A_852] : memref<32832x768xf32, #tpu.memory_space<hbm>> -> memref<64x768xf32, #tpu.memory_space<hbm>>
    tpu.wait_dma2 semaphore(%arg24 : memref<!tpu.dma_semaphore, #tpu.memory_space<semaphore_mem>>) src(%arg14 : memref<64x768xf32, #tpu.memory_space<vmem>>) dst(%dma_wait3A_853 : memref<64x768xf32, #tpu.memory_space<hbm>>)
    %broadcast_in_dim3A_854 = arith.constant 0 : i32
    %broadcast_in_dim3A_855 = vector.broadcast %broadcast_in_dim3A_854 : i32 to vector<16xi32>
    %add3A_856 = arith.addi %broadcast_in_dim3A_855, %iota3A : vector<16xi32>
    %broadcast_in_dim3A_857 = arith.constant 8 : i32
    %broadcast_in_dim3A_858 = vector.broadcast %broadcast_in_dim3A_857 : i32 to vector<16xi32>
    %gather3A_859 = tpu.vector_load_idx %arg5[%broadcast_in_dim3A_858, %add3A_856] : memref<16x64xi32, #tpu.memory_space<vmem>>[vector<16xi32>, vector<16xi32>], vector<16xi32>,
    %mul3A_860 = arith.constant 64 : i32
    %mul3A_861 = vector.broadcast %mul3A_860 : i32 to vector<16xi32>
    %mul3A_862 = arith.muli %gather3A_859, %mul3A_861 : vector<16xi32>
    %add3A_863 = arith.addi %mul3A_862, %add3A_856 : vector<16xi32>
    %swap3A_864 = arith.constant 0 : index
    %swap3A_865 = tpu.vector_load %arg6[%swap3A_864] {strides = array<i32>} : memref<16xi32, #tpu.memory_space<vmem>>, vector<16xi32>,
    tpu.vector_store %arg6[%swap3A_864], %add3A_863 {strides = array<i32>} : memref<16xi32, #tpu.memory_space<vmem>>, vector<16xi32>,
    %dma_start3A_866 = arith.constant 0 : i32
    %dma_start3A_867 = arith.constant 0 : i32
    %dma_start3A_868 = tpu.memref_slice %arg14[%dma_start3A_866, %dma_start3A_867] : memref<64x768xf32, #tpu.memory_space<vmem>> -> memref<16x768xf32, #tpu.memory_space<vmem>>
    %dma_start3A_869 = arith.constant 0 : i32
    %dma_start3A_870 = arith.constant 0 : i32
    %dma_start3A_871 = tpu.memref_slice %arg2[%dma_start3A_869, %dma_start3A_870] : memref<65600x768xf32, #tpu.memory_space<hbm>> -> memref<65600x768xf32, #tpu.memory_space<hbm>>
    tpu.enqueue_indirect_dma source(%dma_start3A_871 : memref<65600x768xf32, #tpu.memory_space<hbm>>) target(%dma_start3A_868 : memref<16x768xf32, #tpu.memory_space<vmem>>) offsets(%arg6 : memref<16xi32, #tpu.memory_space<vmem>>) semaphore(%arg16 : memref<!tpu.dma_semaphore, #tpu.memory_space<semaphore_mem>>)
    %broadcast_in_dim3A_872 = arith.constant 16 : i32
    %broadcast_in_dim3A_873 = vector.broadcast %broadcast_in_dim3A_872 : i32 to vector<16xi32>
    %add3A_874 = arith.addi %broadcast_in_dim3A_873, %iota3A : vector<16xi32>
    %broadcast_in_dim3A_875 = arith.constant 8 : i32
    %broadcast_in_dim3A_876 = vector.broadcast %broadcast_in_dim3A_875 : i32 to vector<16xi32>
    %gather3A_877 = tpu.vector_load_idx %arg5[%broadcast_in_dim3A_876, %add3A_874] : memref<16x64xi32, #tpu.memory_space<vmem>>[vector<16xi32>, vector<16xi32>], vector<16xi32>,
    %mul3A_878 = arith.constant 64 : i32
    %mul3A_879 = vector.broadcast %mul3A_878 : i32 to vector<16xi32>
    %mul3A_880 = arith.muli %gather3A_877, %mul3A_879 : vector<16xi32>
    %add3A_881 = arith.addi %mul3A_880, %add3A_874 : vector<16xi32>
    %swap3A_882 = arith.constant 0 : index
    %swap3A_883 = tpu.vector_load %arg7[%swap3A_882] {strides = array<i32>} : memref<16xi32, #tpu.memory_space<vmem>>, vector<16xi32>,
    tpu.vector_store %arg7[%swap3A_882], %add3A_881 {strides = array<i32>} : memref<16xi32, #tpu.memory_space<vmem>>, vector<16xi32>,
    %dma_start3A_884 = arith.constant 16 : i32
    %dma_start3A_885 = arith.constant 0 : i32
    %dma_start3A_886 = tpu.memref_slice %arg14[%dma_start3A_884, %dma_start3A_885] : memref<64x768xf32, #tpu.memory_space<vmem>> -> memref<16x768xf32, #tpu.memory_space<vmem>>
    %dma_start3A_887 = arith.constant 0 : i32
    %dma_start3A_888 = arith.constant 0 : i32
    %dma_start3A_889 = tpu.memref_slice %arg2[%dma_start3A_887, %dma_start3A_888] : memref<65600x768xf32, #tpu.memory_space<hbm>> -> memref<65600x768xf32, #tpu.memory_space<hbm>>
    tpu.enqueue_indirect_dma source(%dma_start3A_889 : memref<65600x768xf32, #tpu.memory_space<hbm>>) target(%dma_start3A_886 : memref<16x768xf32, #tpu.memory_space<vmem>>) offsets(%arg7 : memref<16xi32, #tpu.memory_space<vmem>>) semaphore(%arg17 : memref<!tpu.dma_semaphore, #tpu.memory_space<semaphore_mem>>)
    %broadcast_in_dim3A_890 = arith.constant 32 : i32
    %broadcast_in_dim3A_891 = vector.broadcast %broadcast_in_dim3A_890 : i32 to vector<16xi32>
    %add3A_892 = arith.addi %broadcast_in_dim3A_891, %iota3A : vector<16xi32>
    %broadcast_in_dim3A_893 = arith.constant 8 : i32
    %broadcast_in_dim3A_894 = vector.broadcast %broadcast_in_dim3A_893 : i32 to vector<16xi32>
    %gather3A_895 = tpu.vector_load_idx %arg5[%broadcast_in_dim3A_894, %add3A_892] : memref<16x64xi32, #tpu.memory_space<vmem>>[vector<16xi32>, vector<16xi32>], vector<16xi32>,
    %mul3A_896 = arith.constant 64 : i32
    %mul3A_897 = vector.broadcast %mul3A_896 : i32 to vector<16xi32>
    %mul3A_898 = arith.muli %gather3A_895, %mul3A_897 : vector<16xi32>
    %add3A_899 = arith.addi %mul3A_898, %add3A_892 : vector<16xi32>
    %swap3A_900 = arith.constant 0 : index
    %swap3A_901 = tpu.vector_load %arg8[%swap3A_900] {strides = array<i32>} : memref<16xi32, #tpu.memory_space<vmem>>, vector<16xi32>,
    tpu.vector_store %arg8[%swap3A_900], %add3A_899 {strides = array<i32>} : memref<16xi32, #tpu.memory_space<vmem>>, vector<16xi32>,
    %dma_start3A_902 = arith.constant 32 : i32
    %dma_start3A_903 = arith.constant 0 : i32
    %dma_start3A_904 = tpu.memref_slice %arg14[%dma_start3A_902, %dma_start3A_903] : memref<64x768xf32, #tpu.memory_space<vmem>> -> memref<16x768xf32, #tpu.memory_space<vmem>>
    %dma_start3A_905 = arith.constant 0 : i32
    %dma_start3A_906 = arith.constant 0 : i32
    %dma_start3A_907 = tpu.memref_slice %arg2[%dma_start3A_905, %dma_start3A_906] : memref<65600x768xf32, #tpu.memory_space<hbm>> -> memref<65600x768xf32, #tpu.memory_space<hbm>>
    tpu.enqueue_indirect_dma source(%dma_start3A_907 : memref<65600x768xf32, #tpu.memory_space<hbm>>) target(%dma_start3A_904 : memref<16x768xf32, #tpu.memory_space<vmem>>) offsets(%arg8 : memref<16xi32, #tpu.memory_space<vmem>>) semaphore(%arg18 : memref<!tpu.dma_semaphore, #tpu.memory_space<semaphore_mem>>)
    %broadcast_in_dim3A_908 = arith.constant 48 : i32
    %broadcast_in_dim3A_909 = vector.broadcast %broadcast_in_dim3A_908 : i32 to vector<16xi32>
    %add3A_910 = arith.addi %broadcast_in_dim3A_909, %iota3A : vector<16xi32>
    %broadcast_in_dim3A_911 = arith.constant 8 : i32
    %broadcast_in_dim3A_912 = vector.broadcast %broadcast_in_dim3A_911 : i32 to vector<16xi32>
    %gather3A_913 = tpu.vector_load_idx %arg5[%broadcast_in_dim3A_912, %add3A_910] : memref<16x64xi32, #tpu.memory_space<vmem>>[vector<16xi32>, vector<16xi32>], vector<16xi32>,
    %mul3A_914 = arith.constant 64 : i32
    %mul3A_915 = vector.broadcast %mul3A_914 : i32 to vector<16xi32>
    %mul3A_916 = arith.muli %gather3A_913, %mul3A_915 : vector<16xi32>
    %add3A_917 = arith.addi %mul3A_916, %add3A_910 : vector<16xi32>
    %swap3A_918 = arith.constant 0 : index
    %swap3A_919 = tpu.vector_load %arg9[%swap3A_918] {strides = array<i32>} : memref<16xi32, #tpu.memory_space<vmem>>, vector<16xi32>,
    tpu.vector_store %arg9[%swap3A_918], %add3A_917 {strides = array<i32>} : memref<16xi32, #tpu.memory_space<vmem>>, vector<16xi32>,
    %dma_start3A_920 = arith.constant 48 : i32
    %dma_start3A_921 = arith.constant 0 : i32
    %dma_start3A_922 = tpu.memref_slice %arg14[%dma_start3A_920, %dma_start3A_921] : memref<64x768xf32, #tpu.memory_space<vmem>> -> memref<16x768xf32, #tpu.memory_space<vmem>>
    %dma_start3A_923 = arith.constant 0 : i32
    %dma_start3A_924 = arith.constant 0 : i32
    %dma_start3A_925 = tpu.memref_slice %arg2[%dma_start3A_923, %dma_start3A_924] : memref<65600x768xf32, #tpu.memory_space<hbm>> -> memref<65600x768xf32, #tpu.memory_space<hbm>>
    tpu.enqueue_indirect_dma source(%dma_start3A_925 : memref<65600x768xf32, #tpu.memory_space<hbm>>) target(%dma_start3A_922 : memref<16x768xf32, #tpu.memory_space<vmem>>) offsets(%arg9 : memref<16xi32, #tpu.memory_space<vmem>>) semaphore(%arg19 : memref<!tpu.dma_semaphore, #tpu.memory_space<semaphore_mem>>)
    %dma_wait3A_926 = arith.constant 0 : i32
    %dma_wait3A_927 = arith.constant 0 : i32
    %dma_wait3A_928 = tpu.memref_slice %arg15[%dma_wait3A_926, %dma_wait3A_927] : memref<64x768xf32, #tpu.memory_space<vmem>> -> memref<16x768xf32, #tpu.memory_space<vmem>>
    %dma_wait3A_929 = arith.constant 0 : i32
    %dma_wait3A_930 = arith.constant 0 : i32
    %dma_wait3A_931 = tpu.memref_slice %arg2[%dma_wait3A_929, %dma_wait3A_930] : memref<65600x768xf32, #tpu.memory_space<hbm>> -> memref<65600x768xf32, #tpu.memory_space<hbm>>
    tpu.wait_indirect_dma semaphore(%arg20 : memref<!tpu.dma_semaphore, #tpu.memory_space<semaphore_mem>>) src(%dma_wait3A_931 : memref<65600x768xf32, #tpu.memory_space<hbm>>) dst(%dma_wait3A_928 : memref<16x768xf32, #tpu.memory_space<vmem>>)
    %dma_wait3A_932 = arith.constant 16 : i32
    %dma_wait3A_933 = arith.constant 0 : i32
    %dma_wait3A_934 = tpu.memref_slice %arg15[%dma_wait3A_932, %dma_wait3A_933] : memref<64x768xf32, #tpu.memory_space<vmem>> -> memref<16x768xf32, #tpu.memory_space<vmem>>
    %dma_wait3A_935 = arith.constant 0 : i32
    %dma_wait3A_936 = arith.constant 0 : i32
    %dma_wait3A_937 = tpu.memref_slice %arg2[%dma_wait3A_935, %dma_wait3A_936] : memref<65600x768xf32, #tpu.memory_space<hbm>> -> memref<65600x768xf32, #tpu.memory_space<hbm>>
    tpu.wait_indirect_dma semaphore(%arg21 : memref<!tpu.dma_semaphore, #tpu.memory_space<semaphore_mem>>) src(%dma_wait3A_937 : memref<65600x768xf32, #tpu.memory_space<hbm>>) dst(%dma_wait3A_934 : memref<16x768xf32, #tpu.memory_space<vmem>>)
    %dma_wait3A_938 = arith.constant 32 : i32
    %dma_wait3A_939 = arith.constant 0 : i32
    %dma_wait3A_940 = tpu.memref_slice %arg15[%dma_wait3A_938, %dma_wait3A_939] : memref<64x768xf32, #tpu.memory_space<vmem>> -> memref<16x768xf32, #tpu.memory_space<vmem>>
    %dma_wait3A_941 = arith.constant 0 : i32
    %dma_wait3A_942 = arith.constant 0 : i32
    %dma_wait3A_943 = tpu.memref_slice %arg2[%dma_wait3A_941, %dma_wait3A_942] : memref<65600x768xf32, #tpu.memory_space<hbm>> -> memref<65600x768xf32, #tpu.memory_space<hbm>>
    tpu.wait_indirect_dma semaphore(%arg22 : memref<!tpu.dma_semaphore, #tpu.memory_space<semaphore_mem>>) src(%dma_wait3A_943 : memref<65600x768xf32, #tpu.memory_space<hbm>>) dst(%dma_wait3A_940 : memref<16x768xf32, #tpu.memory_space<vmem>>)
    %dma_wait3A_944 = arith.constant 48 : i32
    %dma_wait3A_945 = arith.constant 0 : i32
    %dma_wait3A_946 = tpu.memref_slice %arg15[%dma_wait3A_944, %dma_wait3A_945] : memref<64x768xf32, #tpu.memory_space<vmem>> -> memref<16x768xf32, #tpu.memory_space<vmem>>
    %dma_wait3A_947 = arith.constant 0 : i32
    %dma_wait3A_948 = arith.constant 0 : i32
    %dma_wait3A_949 = tpu.memref_slice %arg2[%dma_wait3A_947, %dma_wait3A_948] : memref<65600x768xf32, #tpu.memory_space<hbm>> -> memref<65600x768xf32, #tpu.memory_space<hbm>>
    tpu.wait_indirect_dma semaphore(%arg23 : memref<!tpu.dma_semaphore, #tpu.memory_space<semaphore_mem>>) src(%dma_wait3A_949 : memref<65600x768xf32, #tpu.memory_space<hbm>>) dst(%dma_wait3A_946 : memref<16x768xf32, #tpu.memory_space<vmem>>)
    %add3A_950 = arith.constant 7 : i32
    %add3A_951 = arith.addi %mul3A_2, %add3A_950 : i32
    %mul3A_952 = arith.constant 64 : i32
    %mul3A_953 = arith.muli %add3A_951, %mul3A_952 : i32
    %dma_start3A_954 = arith.constant 0 : i32
    %dma_start3A_955 = tpu.memref_slice %arg4[%mul3A_953, %dma_start3A_954] : memref<32832x768xf32, #tpu.memory_space<hbm>> -> memref<64x768xf32, #tpu.memory_space<hbm>>
    %dma_start3A_956 = arith.constant 0 : i32
    %dma_start3A_957 = tpu.memref_slice %arg4[%mul3A_953, %dma_start3A_956] : memref<32832x768xf32, #tpu.memory_space<hbm>> -> memref<64x768xf32, #tpu.memory_space<hbm>>
    tpu.enqueue_dma source(%arg15 : memref<64x768xf32, #tpu.memory_space<vmem>>) target(%dma_start3A_957 : memref<64x768xf32, #tpu.memory_space<hbm>>) target_semaphore(%arg25 : memref<!tpu.dma_semaphore, #tpu.memory_space<semaphore_mem>>)
    %add3A_958 = arith.constant 7 : i32
    %add3A_959 = arith.addi %mul3A_2, %add3A_958 : i32
    %mul3A_960 = arith.constant 64 : i32
    %mul3A_961 = arith.muli %add3A_959, %mul3A_960 : i32
    %dma_wait3A_962 = arith.constant 0 : i32
    %dma_wait3A_963 = tpu.memref_slice %arg4[%mul3A_961, %dma_wait3A_962] : memref<32832x768xf32, #tpu.memory_space<hbm>> -> memref<64x768xf32, #tpu.memory_space<hbm>>
    %dma_wait3A_964 = arith.constant 0 : i32
    %dma_wait3A_965 = tpu.memref_slice %arg4[%mul3A_961, %dma_wait3A_964] : memref<32832x768xf32, #tpu.memory_space<hbm>> -> memref<64x768xf32, #tpu.memory_space<hbm>>
    tpu.wait_dma2 semaphore(%arg25 : memref<!tpu.dma_semaphore, #tpu.memory_space<semaphore_mem>>) src(%arg15 : memref<64x768xf32, #tpu.memory_space<vmem>>) dst(%dma_wait3A_965 : memref<64x768xf32, #tpu.memory_space<hbm>>)
    %broadcast_in_dim3A_966 = arith.constant 0 : i32
    %broadcast_in_dim3A_967 = vector.broadcast %broadcast_in_dim3A_966 : i32 to vector<16xi32>
    %add3A_968 = arith.addi %broadcast_in_dim3A_967, %iota3A : vector<16xi32>
    %broadcast_in_dim3A_969 = arith.constant 9 : i32
    %broadcast_in_dim3A_970 = vector.broadcast %broadcast_in_dim3A_969 : i32 to vector<16xi32>
    %gather3A_971 = tpu.vector_load_idx %arg5[%broadcast_in_dim3A_970, %add3A_968] : memref<16x64xi32, #tpu.memory_space<vmem>>[vector<16xi32>, vector<16xi32>], vector<16xi32>,
    %mul3A_972 = arith.constant 64 : i32
    %mul3A_973 = vector.broadcast %mul3A_972 : i32 to vector<16xi32>
    %mul3A_974 = arith.muli %gather3A_971, %mul3A_973 : vector<16xi32>
    %add3A_975 = arith.addi %mul3A_974, %add3A_968 : vector<16xi32>
    %swap3A_976 = arith.constant 0 : index
    %swap3A_977 = tpu.vector_load %arg10[%swap3A_976] {strides = array<i32>} : memref<16xi32, #tpu.memory_space<vmem>>, vector<16xi32>,
    tpu.vector_store %arg10[%swap3A_976], %add3A_975 {strides = array<i32>} : memref<16xi32, #tpu.memory_space<vmem>>, vector<16xi32>,
    %dma_start3A_978 = arith.constant 0 : i32
    %dma_start3A_979 = arith.constant 0 : i32
    %dma_start3A_980 = tpu.memref_slice %arg15[%dma_start3A_978, %dma_start3A_979] : memref<64x768xf32, #tpu.memory_space<vmem>> -> memref<16x768xf32, #tpu.memory_space<vmem>>
    %dma_start3A_981 = arith.constant 0 : i32
    %dma_start3A_982 = arith.constant 0 : i32
    %dma_start3A_983 = tpu.memref_slice %arg2[%dma_start3A_981, %dma_start3A_982] : memref<65600x768xf32, #tpu.memory_space<hbm>> -> memref<65600x768xf32, #tpu.memory_space<hbm>>
    tpu.enqueue_indirect_dma source(%dma_start3A_983 : memref<65600x768xf32, #tpu.memory_space<hbm>>) target(%dma_start3A_980 : memref<16x768xf32, #tpu.memory_space<vmem>>) offsets(%arg10 : memref<16xi32, #tpu.memory_space<vmem>>) semaphore(%arg20 : memref<!tpu.dma_semaphore, #tpu.memory_space<semaphore_mem>>)
    %broadcast_in_dim3A_984 = arith.constant 16 : i32
    %broadcast_in_dim3A_985 = vector.broadcast %broadcast_in_dim3A_984 : i32 to vector<16xi32>
    %add3A_986 = arith.addi %broadcast_in_dim3A_985, %iota3A : vector<16xi32>
    %broadcast_in_dim3A_987 = arith.constant 9 : i32
    %broadcast_in_dim3A_988 = vector.broadcast %broadcast_in_dim3A_987 : i32 to vector<16xi32>
    %gather3A_989 = tpu.vector_load_idx %arg5[%broadcast_in_dim3A_988, %add3A_986] : memref<16x64xi32, #tpu.memory_space<vmem>>[vector<16xi32>, vector<16xi32>], vector<16xi32>,
    %mul3A_990 = arith.constant 64 : i32
    %mul3A_991 = vector.broadcast %mul3A_990 : i32 to vector<16xi32>
    %mul3A_992 = arith.muli %gather3A_989, %mul3A_991 : vector<16xi32>
    %add3A_993 = arith.addi %mul3A_992, %add3A_986 : vector<16xi32>
    %swap3A_994 = arith.constant 0 : index
    %swap3A_995 = tpu.vector_load %arg11[%swap3A_994] {strides = array<i32>} : memref<16xi32, #tpu.memory_space<vmem>>, vector<16xi32>,
    tpu.vector_store %arg11[%swap3A_994], %add3A_993 {strides = array<i32>} : memref<16xi32, #tpu.memory_space<vmem>>, vector<16xi32>,
    %dma_start3A_996 = arith.constant 16 : i32
    %dma_start3A_997 = arith.constant 0 : i32
    %dma_start3A_998 = tpu.memref_slice %arg15[%dma_start3A_996, %dma_start3A_997] : memref<64x768xf32, #tpu.memory_space<vmem>> -> memref<16x768xf32, #tpu.memory_space<vmem>>
    %dma_start3A_999 = arith.constant 0 : i32
    %dma_start3A_1000 = arith.constant 0 : i32
    %dma_start3A_1001 = tpu.memref_slice %arg2[%dma_start3A_999, %dma_start3A_1000] : memref<65600x768xf32, #tpu.memory_space<hbm>> -> memref<65600x768xf32, #tpu.memory_space<hbm>>
    tpu.enqueue_indirect_dma source(%dma_start3A_1001 : memref<65600x768xf32, #tpu.memory_space<hbm>>) target(%dma_start3A_998 : memref<16x768xf32, #tpu.memory_space<vmem>>) offsets(%arg11 : memref<16xi32, #tpu.memory_space<vmem>>) semaphore(%arg21 : memref<!tpu.dma_semaphore, #tpu.memory_space<semaphore_mem>>)
    %broadcast_in_dim3A_1002 = arith.constant 32 : i32
    %broadcast_in_dim3A_1003 = vector.broadcast %broadcast_in_dim3A_1002 : i32 to vector<16xi32>
    %add3A_1004 = arith.addi %broadcast_in_dim3A_1003, %iota3A : vector<16xi32>
    %broadcast_in_dim3A_1005 = arith.constant 9 : i32
    %broadcast_in_dim3A_1006 = vector.broadcast %broadcast_in_dim3A_1005 : i32 to vector<16xi32>
    %gather3A_1007 = tpu.vector_load_idx %arg5[%broadcast_in_dim3A_1006, %add3A_1004] : memref<16x64xi32, #tpu.memory_space<vmem>>[vector<16xi32>, vector<16xi32>], vector<16xi32>,
    %mul3A_1008 = arith.constant 64 : i32
    %mul3A_1009 = vector.broadcast %mul3A_1008 : i32 to vector<16xi32>
    %mul3A_1010 = arith.muli %gather3A_1007, %mul3A_1009 : vector<16xi32>
    %add3A_1011 = arith.addi %mul3A_1010, %add3A_1004 : vector<16xi32>
    %swap3A_1012 = arith.constant 0 : index
    %swap3A_1013 = tpu.vector_load %arg12[%swap3A_1012] {strides = array<i32>} : memref<16xi32, #tpu.memory_space<vmem>>, vector<16xi32>,
    tpu.vector_store %arg12[%swap3A_1012], %add3A_1011 {strides = array<i32>} : memref<16xi32, #tpu.memory_space<vmem>>, vector<16xi32>,
    %dma_start3A_1014 = arith.constant 32 : i32
    %dma_start3A_1015 = arith.constant 0 : i32
    %dma_start3A_1016 = tpu.memref_slice %arg15[%dma_start3A_1014, %dma_start3A_1015] : memref<64x768xf32, #tpu.memory_space<vmem>> -> memref<16x768xf32, #tpu.memory_space<vmem>>
    %dma_start3A_1017 = arith.constant 0 : i32
    %dma_start3A_1018 = arith.constant 0 : i32
    %dma_start3A_1019 = tpu.memref_slice %arg2[%dma_start3A_1017, %dma_start3A_1018] : memref<65600x768xf32, #tpu.memory_space<hbm>> -> memref<65600x768xf32, #tpu.memory_space<hbm>>
    tpu.enqueue_indirect_dma source(%dma_start3A_1019 : memref<65600x768xf32, #tpu.memory_space<hbm>>) target(%dma_start3A_1016 : memref<16x768xf32, #tpu.memory_space<vmem>>) offsets(%arg12 : memref<16xi32, #tpu.memory_space<vmem>>) semaphore(%arg22 : memref<!tpu.dma_semaphore, #tpu.memory_space<semaphore_mem>>)
    %broadcast_in_dim3A_1020 = arith.constant 48 : i32
    %broadcast_in_dim3A_1021 = vector.broadcast %broadcast_in_dim3A_1020 : i32 to vector<16xi32>
    %add3A_1022 = arith.addi %broadcast_in_dim3A_1021, %iota3A : vector<16xi32>
    %broadcast_in_dim3A_1023 = arith.constant 9 : i32
    %broadcast_in_dim3A_1024 = vector.broadcast %broadcast_in_dim3A_1023 : i32 to vector<16xi32>
    %gather3A_1025 = tpu.vector_load_idx %arg5[%broadcast_in_dim3A_1024, %add3A_1022] : memref<16x64xi32, #tpu.memory_space<vmem>>[vector<16xi32>, vector<16xi32>], vector<16xi32>,
    %mul3A_1026 = arith.constant 64 : i32
    %mul3A_1027 = vector.broadcast %mul3A_1026 : i32 to vector<16xi32>
    %mul3A_1028 = arith.muli %gather3A_1025, %mul3A_1027 : vector<16xi32>
    %add3A_1029 = arith.addi %mul3A_1028, %add3A_1022 : vector<16xi32>
    %swap3A_1030 = arith.constant 0 : index
    %swap3A_1031 = tpu.vector_load %arg13[%swap3A_1030] {strides = array<i32>} : memref<16xi32, #tpu.memory_space<vmem>>, vector<16xi32>,
    tpu.vector_store %arg13[%swap3A_1030], %add3A_1029 {strides = array<i32>} : memref<16xi32, #tpu.memory_space<vmem>>, vector<16xi32>,
    %dma_start3A_1032 = arith.constant 48 : i32
    %dma_start3A_1033 = arith.constant 0 : i32
    %dma_start3A_1034 = tpu.memref_slice %arg15[%dma_start3A_1032, %dma_start3A_1033] : memref<64x768xf32, #tpu.memory_space<vmem>> -> memref<16x768xf32, #tpu.memory_space<vmem>>
    %dma_start3A_1035 = arith.constant 0 : i32
    %dma_start3A_1036 = arith.constant 0 : i32
    %dma_start3A_1037 = tpu.memref_slice %arg2[%dma_start3A_1035, %dma_start3A_1036] : memref<65600x768xf32, #tpu.memory_space<hbm>> -> memref<65600x768xf32, #tpu.memory_space<hbm>>
    tpu.enqueue_indirect_dma source(%dma_start3A_1037 : memref<65600x768xf32, #tpu.memory_space<hbm>>) target(%dma_start3A_1034 : memref<16x768xf32, #tpu.memory_space<vmem>>) offsets(%arg13 : memref<16xi32, #tpu.memory_space<vmem>>) semaphore(%arg23 : memref<!tpu.dma_semaphore, #tpu.memory_space<semaphore_mem>>)
    %dma_wait3A_1038 = arith.constant 0 : i32
    %dma_wait3A_1039 = arith.constant 0 : i32
    %dma_wait3A_1040 = tpu.memref_slice %arg14[%dma_wait3A_1038, %dma_wait3A_1039] : memref<64x768xf32, #tpu.memory_space<vmem>> -> memref<16x768xf32, #tpu.memory_space<vmem>>
    %dma_wait3A_1041 = arith.constant 0 : i32
    %dma_wait3A_1042 = arith.constant 0 : i32
    %dma_wait3A_1043 = tpu.memref_slice %arg2[%dma_wait3A_1041, %dma_wait3A_1042] : memref<65600x768xf32, #tpu.memory_space<hbm>> -> memref<65600x768xf32, #tpu.memory_space<hbm>>
    tpu.wait_indirect_dma semaphore(%arg16 : memref<!tpu.dma_semaphore, #tpu.memory_space<semaphore_mem>>) src(%dma_wait3A_1043 : memref<65600x768xf32, #tpu.memory_space<hbm>>) dst(%dma_wait3A_1040 : memref<16x768xf32, #tpu.memory_space<vmem>>)
    %dma_wait3A_1044 = arith.constant 16 : i32
    %dma_wait3A_1045 = arith.constant 0 : i32
    %dma_wait3A_1046 = tpu.memref_slice %arg14[%dma_wait3A_1044, %dma_wait3A_1045] : memref<64x768xf32, #tpu.memory_space<vmem>> -> memref<16x768xf32, #tpu.memory_space<vmem>>
    %dma_wait3A_1047 = arith.constant 0 : i32
    %dma_wait3A_1048 = arith.constant 0 : i32
    %dma_wait3A_1049 = tpu.memref_slice %arg2[%dma_wait3A_1047, %dma_wait3A_1048] : memref<65600x768xf32, #tpu.memory_space<hbm>> -> memref<65600x768xf32, #tpu.memory_space<hbm>>
    tpu.wait_indirect_dma semaphore(%arg17 : memref<!tpu.dma_semaphore, #tpu.memory_space<semaphore_mem>>) src(%dma_wait3A_1049 : memref<65600x768xf32, #tpu.memory_space<hbm>>) dst(%dma_wait3A_1046 : memref<16x768xf32, #tpu.memory_space<vmem>>)
    %dma_wait3A_1050 = arith.constant 32 : i32
    %dma_wait3A_1051 = arith.constant 0 : i32
    %dma_wait3A_1052 = tpu.memref_slice %arg14[%dma_wait3A_1050, %dma_wait3A_1051] : memref<64x768xf32, #tpu.memory_space<vmem>> -> memref<16x768xf32, #tpu.memory_space<vmem>>
    %dma_wait3A_1053 = arith.constant 0 : i32
    %dma_wait3A_1054 = arith.constant 0 : i32
    %dma_wait3A_1055 = tpu.memref_slice %arg2[%dma_wait3A_1053, %dma_wait3A_1054] : memref<65600x768xf32, #tpu.memory_space<hbm>> -> memref<65600x768xf32, #tpu.memory_space<hbm>>
    tpu.wait_indirect_dma semaphore(%arg18 : memref<!tpu.dma_semaphore, #tpu.memory_space<semaphore_mem>>) src(%dma_wait3A_1055 : memref<65600x768xf32, #tpu.memory_space<hbm>>) dst(%dma_wait3A_1052 : memref<16x768xf32, #tpu.memory_space<vmem>>)
    %dma_wait3A_1056 = arith.constant 48 : i32
    %dma_wait3A_1057 = arith.constant 0 : i32
    %dma_wait3A_1058 = tpu.memref_slice %arg14[%dma_wait3A_1056, %dma_wait3A_1057] : memref<64x768xf32, #tpu.memory_space<vmem>> -> memref<16x768xf32, #tpu.memory_space<vmem>>
    %dma_wait3A_1059 = arith.constant 0 : i32
    %dma_wait3A_1060 = arith.constant 0 : i32
    %dma_wait3A_1061 = tpu.memref_slice %arg2[%dma_wait3A_1059, %dma_wait3A_1060] : memref<65600x768xf32, #tpu.memory_space<hbm>> -> memref<65600x768xf32, #tpu.memory_space<hbm>>
    tpu.wait_indirect_dma semaphore(%arg19 : memref<!tpu.dma_semaphore, #tpu.memory_space<semaphore_mem>>) src(%dma_wait3A_1061 : memref<65600x768xf32, #tpu.memory_space<hbm>>) dst(%dma_wait3A_1058 : memref<16x768xf32, #tpu.memory_space<vmem>>)
    %add3A_1062 = arith.constant 8 : i32
    %add3A_1063 = arith.addi %mul3A_2, %add3A_1062 : i32
    %mul3A_1064 = arith.constant 64 : i32
    %mul3A_1065 = arith.muli %add3A_1063, %mul3A_1064 : i32
    %dma_start3A_1066 = arith.constant 0 : i32
    %dma_start3A_1067 = tpu.memref_slice %arg4[%mul3A_1065, %dma_start3A_1066] : memref<32832x768xf32, #tpu.memory_space<hbm>> -> memref<64x768xf32, #tpu.memory_space<hbm>>
    %dma_start3A_1068 = arith.constant 0 : i32
    %dma_start3A_1069 = tpu.memref_slice %arg4[%mul3A_1065, %dma_start3A_1068] : memref<32832x768xf32, #tpu.memory_space<hbm>> -> memref<64x768xf32, #tpu.memory_space<hbm>>
    tpu.enqueue_dma source(%arg14 : memref<64x768xf32, #tpu.memory_space<vmem>>) target(%dma_start3A_1069 : memref<64x768xf32, #tpu.memory_space<hbm>>) target_semaphore(%arg24 : memref<!tpu.dma_semaphore, #tpu.memory_space<semaphore_mem>>)
    %add3A_1070 = arith.constant 8 : i32
    %add3A_1071 = arith.addi %mul3A_2, %add3A_1070 : i32
    %mul3A_1072 = arith.constant 64 : i32
    %mul3A_1073 = arith.muli %add3A_1071, %mul3A_1072 : i32
    %dma_wait3A_1074 = arith.constant 0 : i32
    %dma_wait3A_1075 = tpu.memref_slice %arg4[%mul3A_1073, %dma_wait3A_1074] : memref<32832x768xf32, #tpu.memory_space<hbm>> -> memref<64x768xf32, #tpu.memory_space<hbm>>
    %dma_wait3A_1076 = arith.constant 0 : i32
    %dma_wait3A_1077 = tpu.memref_slice %arg4[%mul3A_1073, %dma_wait3A_1076] : memref<32832x768xf32, #tpu.memory_space<hbm>> -> memref<64x768xf32, #tpu.memory_space<hbm>>
    tpu.wait_dma2 semaphore(%arg24 : memref<!tpu.dma_semaphore, #tpu.memory_space<semaphore_mem>>) src(%arg14 : memref<64x768xf32, #tpu.memory_space<vmem>>) dst(%dma_wait3A_1077 : memref<64x768xf32, #tpu.memory_space<hbm>>)
    %broadcast_in_dim3A_1078 = arith.constant 0 : i32
    %broadcast_in_dim3A_1079 = vector.broadcast %broadcast_in_dim3A_1078 : i32 to vector<16xi32>
    %add3A_1080 = arith.addi %broadcast_in_dim3A_1079, %iota3A : vector<16xi32>
    %broadcast_in_dim3A_1081 = arith.constant 10 : i32
    %broadcast_in_dim3A_1082 = vector.broadcast %broadcast_in_dim3A_1081 : i32 to vector<16xi32>
    %gather3A_1083 = tpu.vector_load_idx %arg5[%broadcast_in_dim3A_1082, %add3A_1080] : memref<16x64xi32, #tpu.memory_space<vmem>>[vector<16xi32>, vector<16xi32>], vector<16xi32>,
    %mul3A_1084 = arith.constant 64 : i32
    %mul3A_1085 = vector.broadcast %mul3A_1084 : i32 to vector<16xi32>
    %mul3A_1086 = arith.muli %gather3A_1083, %mul3A_1085 : vector<16xi32>
    %add3A_1087 = arith.addi %mul3A_1086, %add3A_1080 : vector<16xi32>
    %swap3A_1088 = arith.constant 0 : index
    %swap3A_1089 = tpu.vector_load %arg6[%swap3A_1088] {strides = array<i32>} : memref<16xi32, #tpu.memory_space<vmem>>, vector<16xi32>,
    tpu.vector_store %arg6[%swap3A_1088], %add3A_1087 {strides = array<i32>} : memref<16xi32, #tpu.memory_space<vmem>>, vector<16xi32>,
    %dma_start3A_1090 = arith.constant 0 : i32
    %dma_start3A_1091 = arith.constant 0 : i32
    %dma_start3A_1092 = tpu.memref_slice %arg14[%dma_start3A_1090, %dma_start3A_1091] : memref<64x768xf32, #tpu.memory_space<vmem>> -> memref<16x768xf32, #tpu.memory_space<vmem>>
    %dma_start3A_1093 = arith.constant 0 : i32
    %dma_start3A_1094 = arith.constant 0 : i32
    %dma_start3A_1095 = tpu.memref_slice %arg2[%dma_start3A_1093, %dma_start3A_1094] : memref<65600x768xf32, #tpu.memory_space<hbm>> -> memref<65600x768xf32, #tpu.memory_space<hbm>>
    tpu.enqueue_indirect_dma source(%dma_start3A_1095 : memref<65600x768xf32, #tpu.memory_space<hbm>>) target(%dma_start3A_1092 : memref<16x768xf32, #tpu.memory_space<vmem>>) offsets(%arg6 : memref<16xi32, #tpu.memory_space<vmem>>) semaphore(%arg16 : memref<!tpu.dma_semaphore, #tpu.memory_space<semaphore_mem>>)
    %broadcast_in_dim3A_1096 = arith.constant 16 : i32
    %broadcast_in_dim3A_1097 = vector.broadcast %broadcast_in_dim3A_1096 : i32 to vector<16xi32>
    %add3A_1098 = arith.addi %broadcast_in_dim3A_1097, %iota3A : vector<16xi32>
    %broadcast_in_dim3A_1099 = arith.constant 10 : i32
    %broadcast_in_dim3A_1100 = vector.broadcast %broadcast_in_dim3A_1099 : i32 to vector<16xi32>
    %gather3A_1101 = tpu.vector_load_idx %arg5[%broadcast_in_dim3A_1100, %add3A_1098] : memref<16x64xi32, #tpu.memory_space<vmem>>[vector<16xi32>, vector<16xi32>], vector<16xi32>,
    %mul3A_1102 = arith.constant 64 : i32
    %mul3A_1103 = vector.broadcast %mul3A_1102 : i32 to vector<16xi32>
    %mul3A_1104 = arith.muli %gather3A_1101, %mul3A_1103 : vector<16xi32>
    %add3A_1105 = arith.addi %mul3A_1104, %add3A_1098 : vector<16xi32>
    %swap3A_1106 = arith.constant 0 : index
    %swap3A_1107 = tpu.vector_load %arg7[%swap3A_1106] {strides = array<i32>} : memref<16xi32, #tpu.memory_space<vmem>>, vector<16xi32>,
    tpu.vector_store %arg7[%swap3A_1106], %add3A_1105 {strides = array<i32>} : memref<16xi32, #tpu.memory_space<vmem>>, vector<16xi32>,
    %dma_start3A_1108 = arith.constant 16 : i32
    %dma_start3A_1109 = arith.constant 0 : i32
    %dma_start3A_1110 = tpu.memref_slice %arg14[%dma_start3A_1108, %dma_start3A_1109] : memref<64x768xf32, #tpu.memory_space<vmem>> -> memref<16x768xf32, #tpu.memory_space<vmem>>
    %dma_start3A_1111 = arith.constant 0 : i32
    %dma_start3A_1112 = arith.constant 0 : i32
    %dma_start3A_1113 = tpu.memref_slice %arg2[%dma_start3A_1111, %dma_start3A_1112] : memref<65600x768xf32, #tpu.memory_space<hbm>> -> memref<65600x768xf32, #tpu.memory_space<hbm>>
    tpu.enqueue_indirect_dma source(%dma_start3A_1113 : memref<65600x768xf32, #tpu.memory_space<hbm>>) target(%dma_start3A_1110 : memref<16x768xf32, #tpu.memory_space<vmem>>) offsets(%arg7 : memref<16xi32, #tpu.memory_space<vmem>>) semaphore(%arg17 : memref<!tpu.dma_semaphore, #tpu.memory_space<semaphore_mem>>)
    %broadcast_in_dim3A_1114 = arith.constant 32 : i32
    %broadcast_in_dim3A_1115 = vector.broadcast %broadcast_in_dim3A_1114 : i32 to vector<16xi32>
    %add3A_1116 = arith.addi %broadcast_in_dim3A_1115, %iota3A : vector<16xi32>
    %broadcast_in_dim3A_1117 = arith.constant 10 : i32
    %broadcast_in_dim3A_1118 = vector.broadcast %broadcast_in_dim3A_1117 : i32 to vector<16xi32>
    %gather3A_1119 = tpu.vector_load_idx %arg5[%broadcast_in_dim3A_1118, %add3A_1116] : memref<16x64xi32, #tpu.memory_space<vmem>>[vector<16xi32>, vector<16xi32>], vector<16xi32>,
    %mul3A_1120 = arith.constant 64 : i32
    %mul3A_1121 = vector.broadcast %mul3A_1120 : i32 to vector<16xi32>
    %mul3A_1122 = arith.muli %gather3A_1119, %mul3A_1121 : vector<16xi32>
    %add3A_1123 = arith.addi %mul3A_1122, %add3A_1116 : vector<16xi32>
    %swap3A_1124 = arith.constant 0 : index
    %swap3A_1125 = tpu.vector_load %arg8[%swap3A_1124] {strides = array<i32>} : memref<16xi32, #tpu.memory_space<vmem>>, vector<16xi32>,
    tpu.vector_store %arg8[%swap3A_1124], %add3A_1123 {strides = array<i32>} : memref<16xi32, #tpu.memory_space<vmem>>, vector<16xi32>,
    %dma_start3A_1126 = arith.constant 32 : i32
    %dma_start3A_1127 = arith.constant 0 : i32
    %dma_start3A_1128 = tpu.memref_slice %arg14[%dma_start3A_1126, %dma_start3A_1127] : memref<64x768xf32, #tpu.memory_space<vmem>> -> memref<16x768xf32, #tpu.memory_space<vmem>>
    %dma_start3A_1129 = arith.constant 0 : i32
    %dma_start3A_1130 = arith.constant 0 : i32
    %dma_start3A_1131 = tpu.memref_slice %arg2[%dma_start3A_1129, %dma_start3A_1130] : memref<65600x768xf32, #tpu.memory_space<hbm>> -> memref<65600x768xf32, #tpu.memory_space<hbm>>
    tpu.enqueue_indirect_dma source(%dma_start3A_1131 : memref<65600x768xf32, #tpu.memory_space<hbm>>) target(%dma_start3A_1128 : memref<16x768xf32, #tpu.memory_space<vmem>>) offsets(%arg8 : memref<16xi32, #tpu.memory_space<vmem>>) semaphore(%arg18 : memref<!tpu.dma_semaphore, #tpu.memory_space<semaphore_mem>>)
    %broadcast_in_dim3A_1132 = arith.constant 48 : i32
    %broadcast_in_dim3A_1133 = vector.broadcast %broadcast_in_dim3A_1132 : i32 to vector<16xi32>
    %add3A_1134 = arith.addi %broadcast_in_dim3A_1133, %iota3A : vector<16xi32>
    %broadcast_in_dim3A_1135 = arith.constant 10 : i32
    %broadcast_in_dim3A_1136 = vector.broadcast %broadcast_in_dim3A_1135 : i32 to vector<16xi32>
    %gather3A_1137 = tpu.vector_load_idx %arg5[%broadcast_in_dim3A_1136, %add3A_1134] : memref<16x64xi32, #tpu.memory_space<vmem>>[vector<16xi32>, vector<16xi32>], vector<16xi32>,
    %mul3A_1138 = arith.constant 64 : i32
    %mul3A_1139 = vector.broadcast %mul3A_1138 : i32 to vector<16xi32>
    %mul3A_1140 = arith.muli %gather3A_1137, %mul3A_1139 : vector<16xi32>
    %add3A_1141 = arith.addi %mul3A_1140, %add3A_1134 : vector<16xi32>
    %swap3A_1142 = arith.constant 0 : index
    %swap3A_1143 = tpu.vector_load %arg9[%swap3A_1142] {strides = array<i32>} : memref<16xi32, #tpu.memory_space<vmem>>, vector<16xi32>,
    tpu.vector_store %arg9[%swap3A_1142], %add3A_1141 {strides = array<i32>} : memref<16xi32, #tpu.memory_space<vmem>>, vector<16xi32>,
    %dma_start3A_1144 = arith.constant 48 : i32
    %dma_start3A_1145 = arith.constant 0 : i32
    %dma_start3A_1146 = tpu.memref_slice %arg14[%dma_start3A_1144, %dma_start3A_1145] : memref<64x768xf32, #tpu.memory_space<vmem>> -> memref<16x768xf32, #tpu.memory_space<vmem>>
    %dma_start3A_1147 = arith.constant 0 : i32
    %dma_start3A_1148 = arith.constant 0 : i32
    %dma_start3A_1149 = tpu.memref_slice %arg2[%dma_start3A_1147, %dma_start3A_1148] : memref<65600x768xf32, #tpu.memory_space<hbm>> -> memref<65600x768xf32, #tpu.memory_space<hbm>>
    tpu.enqueue_indirect_dma source(%dma_start3A_1149 : memref<65600x768xf32, #tpu.memory_space<hbm>>) target(%dma_start3A_1146 : memref<16x768xf32, #tpu.memory_space<vmem>>) offsets(%arg9 : memref<16xi32, #tpu.memory_space<vmem>>) semaphore(%arg19 : memref<!tpu.dma_semaphore, #tpu.memory_space<semaphore_mem>>)
    %dma_wait3A_1150 = arith.constant 0 : i32
    %dma_wait3A_1151 = arith.constant 0 : i32
    %dma_wait3A_1152 = tpu.memref_slice %arg15[%dma_wait3A_1150, %dma_wait3A_1151] : memref<64x768xf32, #tpu.memory_space<vmem>> -> memref<16x768xf32, #tpu.memory_space<vmem>>
    %dma_wait3A_1153 = arith.constant 0 : i32
    %dma_wait3A_1154 = arith.constant 0 : i32
    %dma_wait3A_1155 = tpu.memref_slice %arg2[%dma_wait3A_1153, %dma_wait3A_1154] : memref<65600x768xf32, #tpu.memory_space<hbm>> -> memref<65600x768xf32, #tpu.memory_space<hbm>>
    tpu.wait_indirect_dma semaphore(%arg20 : memref<!tpu.dma_semaphore, #tpu.memory_space<semaphore_mem>>) src(%dma_wait3A_1155 : memref<65600x768xf32, #tpu.memory_space<hbm>>) dst(%dma_wait3A_1152 : memref<16x768xf32, #tpu.memory_space<vmem>>)
    %dma_wait3A_1156 = arith.constant 16 : i32
    %dma_wait3A_1157 = arith.constant 0 : i32
    %dma_wait3A_1158 = tpu.memref_slice %arg15[%dma_wait3A_1156, %dma_wait3A_1157] : memref<64x768xf32, #tpu.memory_space<vmem>> -> memref<16x768xf32, #tpu.memory_space<vmem>>
    %dma_wait3A_1159 = arith.constant 0 : i32
    %dma_wait3A_1160 = arith.constant 0 : i32
    %dma_wait3A_1161 = tpu.memref_slice %arg2[%dma_wait3A_1159, %dma_wait3A_1160] : memref<65600x768xf32, #tpu.memory_space<hbm>> -> memref<65600x768xf32, #tpu.memory_space<hbm>>
    tpu.wait_indirect_dma semaphore(%arg21 : memref<!tpu.dma_semaphore, #tpu.memory_space<semaphore_mem>>) src(%dma_wait3A_1161 : memref<65600x768xf32, #tpu.memory_space<hbm>>) dst(%dma_wait3A_1158 : memref<16x768xf32, #tpu.memory_space<vmem>>)
    %dma_wait3A_1162 = arith.constant 32 : i32
    %dma_wait3A_1163 = arith.constant 0 : i32
    %dma_wait3A_1164 = tpu.memref_slice %arg15[%dma_wait3A_1162, %dma_wait3A_1163] : memref<64x768xf32, #tpu.memory_space<vmem>> -> memref<16x768xf32, #tpu.memory_space<vmem>>
    %dma_wait3A_1165 = arith.constant 0 : i32
    %dma_wait3A_1166 = arith.constant 0 : i32
    %dma_wait3A_1167 = tpu.memref_slice %arg2[%dma_wait3A_1165, %dma_wait3A_1166] : memref<65600x768xf32, #tpu.memory_space<hbm>> -> memref<65600x768xf32, #tpu.memory_space<hbm>>
    tpu.wait_indirect_dma semaphore(%arg22 : memref<!tpu.dma_semaphore, #tpu.memory_space<semaphore_mem>>) src(%dma_wait3A_1167 : memref<65600x768xf32, #tpu.memory_space<hbm>>) dst(%dma_wait3A_1164 : memref<16x768xf32, #tpu.memory_space<vmem>>)
    %dma_wait3A_1168 = arith.constant 48 : i32
    %dma_wait3A_1169 = arith.constant 0 : i32
    %dma_wait3A_1170 = tpu.memref_slice %arg15[%dma_wait3A_1168, %dma_wait3A_1169] : memref<64x768xf32, #tpu.memory_space<vmem>> -> memref<16x768xf32, #tpu.memory_space<vmem>>
    %dma_wait3A_1171 = arith.constant 0 : i32
    %dma_wait3A_1172 = arith.constant 0 : i32
    %dma_wait3A_1173 = tpu.memref_slice %arg2[%dma_wait3A_1171, %dma_wait3A_1172] : memref<65600x768xf32, #tpu.memory_space<hbm>> -> memref<65600x768xf32, #tpu.memory_space<hbm>>
    tpu.wait_indirect_dma semaphore(%arg23 : memref<!tpu.dma_semaphore, #tpu.memory_space<semaphore_mem>>) src(%dma_wait3A_1173 : memref<65600x768xf32, #tpu.memory_space<hbm>>) dst(%dma_wait3A_1170 : memref<16x768xf32, #tpu.memory_space<vmem>>)
    %add3A_1174 = arith.constant 9 : i32
    %add3A_1175 = arith.addi %mul3A_2, %add3A_1174 : i32
    %mul3A_1176 = arith.constant 64 : i32
    %mul3A_1177 = arith.muli %add3A_1175, %mul3A_1176 : i32
    %dma_start3A_1178 = arith.constant 0 : i32
    %dma_start3A_1179 = tpu.memref_slice %arg4[%mul3A_1177, %dma_start3A_1178] : memref<32832x768xf32, #tpu.memory_space<hbm>> -> memref<64x768xf32, #tpu.memory_space<hbm>>
    %dma_start3A_1180 = arith.constant 0 : i32
    %dma_start3A_1181 = tpu.memref_slice %arg4[%mul3A_1177, %dma_start3A_1180] : memref<32832x768xf32, #tpu.memory_space<hbm>> -> memref<64x768xf32, #tpu.memory_space<hbm>>
    tpu.enqueue_dma source(%arg15 : memref<64x768xf32, #tpu.memory_space<vmem>>) target(%dma_start3A_1181 : memref<64x768xf32, #tpu.memory_space<hbm>>) target_semaphore(%arg25 : memref<!tpu.dma_semaphore, #tpu.memory_space<semaphore_mem>>)
    %add3A_1182 = arith.constant 9 : i32
    %add3A_1183 = arith.addi %mul3A_2, %add3A_1182 : i32
    %mul3A_1184 = arith.constant 64 : i32
    %mul3A_1185 = arith.muli %add3A_1183, %mul3A_1184 : i32
    %dma_wait3A_1186 = arith.constant 0 : i32
    %dma_wait3A_1187 = tpu.memref_slice %arg4[%mul3A_1185, %dma_wait3A_1186] : memref<32832x768xf32, #tpu.memory_space<hbm>> -> memref<64x768xf32, #tpu.memory_space<hbm>>
    %dma_wait3A_1188 = arith.constant 0 : i32
    %dma_wait3A_1189 = tpu.memref_slice %arg4[%mul3A_1185, %dma_wait3A_1188] : memref<32832x768xf32, #tpu.memory_space<hbm>> -> memref<64x768xf32, #tpu.memory_space<hbm>>
    tpu.wait_dma2 semaphore(%arg25 : memref<!tpu.dma_semaphore, #tpu.memory_space<semaphore_mem>>) src(%arg15 : memref<64x768xf32, #tpu.memory_space<vmem>>) dst(%dma_wait3A_1189 : memref<64x768xf32, #tpu.memory_space<hbm>>)
    %broadcast_in_dim3A_1190 = arith.constant 0 : i32
    %broadcast_in_dim3A_1191 = vector.broadcast %broadcast_in_dim3A_1190 : i32 to vector<16xi32>
    %add3A_1192 = arith.addi %broadcast_in_dim3A_1191, %iota3A : vector<16xi32>
    %broadcast_in_dim3A_1193 = arith.constant 11 : i32
    %broadcast_in_dim3A_1194 = vector.broadcast %broadcast_in_dim3A_1193 : i32 to vector<16xi32>
    %gather3A_1195 = tpu.vector_load_idx %arg5[%broadcast_in_dim3A_1194, %add3A_1192] : memref<16x64xi32, #tpu.memory_space<vmem>>[vector<16xi32>, vector<16xi32>], vector<16xi32>,
    %mul3A_1196 = arith.constant 64 : i32
    %mul3A_1197 = vector.broadcast %mul3A_1196 : i32 to vector<16xi32>
    %mul3A_1198 = arith.muli %gather3A_1195, %mul3A_1197 : vector<16xi32>
    %add3A_1199 = arith.addi %mul3A_1198, %add3A_1192 : vector<16xi32>
    %swap3A_1200 = arith.constant 0 : index
    %swap3A_1201 = tpu.vector_load %arg10[%swap3A_1200] {strides = array<i32>} : memref<16xi32, #tpu.memory_space<vmem>>, vector<16xi32>,
    tpu.vector_store %arg10[%swap3A_1200], %add3A_1199 {strides = array<i32>} : memref<16xi32, #tpu.memory_space<vmem>>, vector<16xi32>,
    %dma_start3A_1202 = arith.constant 0 : i32
    %dma_start3A_1203 = arith.constant 0 : i32
    %dma_start3A_1204 = tpu.memref_slice %arg15[%dma_start3A_1202, %dma_start3A_1203] : memref<64x768xf32, #tpu.memory_space<vmem>> -> memref<16x768xf32, #tpu.memory_space<vmem>>
    %dma_start3A_1205 = arith.constant 0 : i32
    %dma_start3A_1206 = arith.constant 0 : i32
    %dma_start3A_1207 = tpu.memref_slice %arg2[%dma_start3A_1205, %dma_start3A_1206] : memref<65600x768xf32, #tpu.memory_space<hbm>> -> memref<65600x768xf32, #tpu.memory_space<hbm>>
    tpu.enqueue_indirect_dma source(%dma_start3A_1207 : memref<65600x768xf32, #tpu.memory_space<hbm>>) target(%dma_start3A_1204 : memref<16x768xf32, #tpu.memory_space<vmem>>) offsets(%arg10 : memref<16xi32, #tpu.memory_space<vmem>>) semaphore(%arg20 : memref<!tpu.dma_semaphore, #tpu.memory_space<semaphore_mem>>)
    %broadcast_in_dim3A_1208 = arith.constant 16 : i32
    %broadcast_in_dim3A_1209 = vector.broadcast %broadcast_in_dim3A_1208 : i32 to vector<16xi32>
    %add3A_1210 = arith.addi %broadcast_in_dim3A_1209, %iota3A : vector<16xi32>
    %broadcast_in_dim3A_1211 = arith.constant 11 : i32
    %broadcast_in_dim3A_1212 = vector.broadcast %broadcast_in_dim3A_1211 : i32 to vector<16xi32>
    %gather3A_1213 = tpu.vector_load_idx %arg5[%broadcast_in_dim3A_1212, %add3A_1210] : memref<16x64xi32, #tpu.memory_space<vmem>>[vector<16xi32>, vector<16xi32>], vector<16xi32>,
    %mul3A_1214 = arith.constant 64 : i32
    %mul3A_1215 = vector.broadcast %mul3A_1214 : i32 to vector<16xi32>
    %mul3A_1216 = arith.muli %gather3A_1213, %mul3A_1215 : vector<16xi32>
    %add3A_1217 = arith.addi %mul3A_1216, %add3A_1210 : vector<16xi32>
    %swap3A_1218 = arith.constant 0 : index
    %swap3A_1219 = tpu.vector_load %arg11[%swap3A_1218] {strides = array<i32>} : memref<16xi32, #tpu.memory_space<vmem>>, vector<16xi32>,
    tpu.vector_store %arg11[%swap3A_1218], %add3A_1217 {strides = array<i32>} : memref<16xi32, #tpu.memory_space<vmem>>, vector<16xi32>,
    %dma_start3A_1220 = arith.constant 16 : i32
    %dma_start3A_1221 = arith.constant 0 : i32
    %dma_start3A_1222 = tpu.memref_slice %arg15[%dma_start3A_1220, %dma_start3A_1221] : memref<64x768xf32, #tpu.memory_space<vmem>> -> memref<16x768xf32, #tpu.memory_space<vmem>>
    %dma_start3A_1223 = arith.constant 0 : i32
    %dma_start3A_1224 = arith.constant 0 : i32
    %dma_start3A_1225 = tpu.memref_slice %arg2[%dma_start3A_1223, %dma_start3A_1224] : memref<65600x768xf32, #tpu.memory_space<hbm>> -> memref<65600x768xf32, #tpu.memory_space<hbm>>
    tpu.enqueue_indirect_dma source(%dma_start3A_1225 : memref<65600x768xf32, #tpu.memory_space<hbm>>) target(%dma_start3A_1222 : memref<16x768xf32, #tpu.memory_space<vmem>>) offsets(%arg11 : memref<16xi32, #tpu.memory_space<vmem>>) semaphore(%arg21 : memref<!tpu.dma_semaphore, #tpu.memory_space<semaphore_mem>>)
    %broadcast_in_dim3A_1226 = arith.constant 32 : i32
    %broadcast_in_dim3A_1227 = vector.broadcast %broadcast_in_dim3A_1226 : i32 to vector<16xi32>
    %add3A_1228 = arith.addi %broadcast_in_dim3A_1227, %iota3A : vector<16xi32>
    %broadcast_in_dim3A_1229 = arith.constant 11 : i32
    %broadcast_in_dim3A_1230 = vector.broadcast %broadcast_in_dim3A_1229 : i32 to vector<16xi32>
    %gather3A_1231 = tpu.vector_load_idx %arg5[%broadcast_in_dim3A_1230, %add3A_1228] : memref<16x64xi32, #tpu.memory_space<vmem>>[vector<16xi32>, vector<16xi32>], vector<16xi32>,
    %mul3A_1232 = arith.constant 64 : i32
    %mul3A_1233 = vector.broadcast %mul3A_1232 : i32 to vector<16xi32>
    %mul3A_1234 = arith.muli %gather3A_1231, %mul3A_1233 : vector<16xi32>
    %add3A_1235 = arith.addi %mul3A_1234, %add3A_1228 : vector<16xi32>
    %swap3A_1236 = arith.constant 0 : index
    %swap3A_1237 = tpu.vector_load %arg12[%swap3A_1236] {strides = array<i32>} : memref<16xi32, #tpu.memory_space<vmem>>, vector<16xi32>,
    tpu.vector_store %arg12[%swap3A_1236], %add3A_1235 {strides = array<i32>} : memref<16xi32, #tpu.memory_space<vmem>>, vector<16xi32>,
    %dma_start3A_1238 = arith.constant 32 : i32
    %dma_start3A_1239 = arith.constant 0 : i32
    %dma_start3A_1240 = tpu.memref_slice %arg15[%dma_start3A_1238, %dma_start3A_1239] : memref<64x768xf32, #tpu.memory_space<vmem>> -> memref<16x768xf32, #tpu.memory_space<vmem>>
    %dma_start3A_1241 = arith.constant 0 : i32
    %dma_start3A_1242 = arith.constant 0 : i32
    %dma_start3A_1243 = tpu.memref_slice %arg2[%dma_start3A_1241, %dma_start3A_1242] : memref<65600x768xf32, #tpu.memory_space<hbm>> -> memref<65600x768xf32, #tpu.memory_space<hbm>>
    tpu.enqueue_indirect_dma source(%dma_start3A_1243 : memref<65600x768xf32, #tpu.memory_space<hbm>>) target(%dma_start3A_1240 : memref<16x768xf32, #tpu.memory_space<vmem>>) offsets(%arg12 : memref<16xi32, #tpu.memory_space<vmem>>) semaphore(%arg22 : memref<!tpu.dma_semaphore, #tpu.memory_space<semaphore_mem>>)
    %broadcast_in_dim3A_1244 = arith.constant 48 : i32
    %broadcast_in_dim3A_1245 = vector.broadcast %broadcast_in_dim3A_1244 : i32 to vector<16xi32>
    %add3A_1246 = arith.addi %broadcast_in_dim3A_1245, %iota3A : vector<16xi32>
    %broadcast_in_dim3A_1247 = arith.constant 11 : i32
    %broadcast_in_dim3A_1248 = vector.broadcast %broadcast_in_dim3A_1247 : i32 to vector<16xi32>
    %gather3A_1249 = tpu.vector_load_idx %arg5[%broadcast_in_dim3A_1248, %add3A_1246] : memref<16x64xi32, #tpu.memory_space<vmem>>[vector<16xi32>, vector<16xi32>], vector<16xi32>,
    %mul3A_1250 = arith.constant 64 : i32
    %mul3A_1251 = vector.broadcast %mul3A_1250 : i32 to vector<16xi32>
    %mul3A_1252 = arith.muli %gather3A_1249, %mul3A_1251 : vector<16xi32>
    %add3A_1253 = arith.addi %mul3A_1252, %add3A_1246 : vector<16xi32>
    %swap3A_1254 = arith.constant 0 : index
    %swap3A_1255 = tpu.vector_load %arg13[%swap3A_1254] {strides = array<i32>} : memref<16xi32, #tpu.memory_space<vmem>>, vector<16xi32>,
    tpu.vector_store %arg13[%swap3A_1254], %add3A_1253 {strides = array<i32>} : memref<16xi32, #tpu.memory_space<vmem>>, vector<16xi32>,
    %dma_start3A_1256 = arith.constant 48 : i32
    %dma_start3A_1257 = arith.constant 0 : i32
    %dma_start3A_1258 = tpu.memref_slice %arg15[%dma_start3A_1256, %dma_start3A_1257] : memref<64x768xf32, #tpu.memory_space<vmem>> -> memref<16x768xf32, #tpu.memory_space<vmem>>
    %dma_start3A_1259 = arith.constant 0 : i32
    %dma_start3A_1260 = arith.constant 0 : i32
    %dma_start3A_1261 = tpu.memref_slice %arg2[%dma_start3A_1259, %dma_start3A_1260] : memref<65600x768xf32, #tpu.memory_space<hbm>> -> memref<65600x768xf32, #tpu.memory_space<hbm>>
    tpu.enqueue_indirect_dma source(%dma_start3A_1261 : memref<65600x768xf32, #tpu.memory_space<hbm>>) target(%dma_start3A_1258 : memref<16x768xf32, #tpu.memory_space<vmem>>) offsets(%arg13 : memref<16xi32, #tpu.memory_space<vmem>>) semaphore(%arg23 : memref<!tpu.dma_semaphore, #tpu.memory_space<semaphore_mem>>)
    %dma_wait3A_1262 = arith.constant 0 : i32
    %dma_wait3A_1263 = arith.constant 0 : i32
    %dma_wait3A_1264 = tpu.memref_slice %arg14[%dma_wait3A_1262, %dma_wait3A_1263] : memref<64x768xf32, #tpu.memory_space<vmem>> -> memref<16x768xf32, #tpu.memory_space<vmem>>
    %dma_wait3A_1265 = arith.constant 0 : i32
    %dma_wait3A_1266 = arith.constant 0 : i32
    %dma_wait3A_1267 = tpu.memref_slice %arg2[%dma_wait3A_1265, %dma_wait3A_1266] : memref<65600x768xf32, #tpu.memory_space<hbm>> -> memref<65600x768xf32, #tpu.memory_space<hbm>>
    tpu.wait_indirect_dma semaphore(%arg16 : memref<!tpu.dma_semaphore, #tpu.memory_space<semaphore_mem>>) src(%dma_wait3A_1267 : memref<65600x768xf32, #tpu.memory_space<hbm>>) dst(%dma_wait3A_1264 : memref<16x768xf32, #tpu.memory_space<vmem>>)
    %dma_wait3A_1268 = arith.constant 16 : i32
    %dma_wait3A_1269 = arith.constant 0 : i32
    %dma_wait3A_1270 = tpu.memref_slice %arg14[%dma_wait3A_1268, %dma_wait3A_1269] : memref<64x768xf32, #tpu.memory_space<vmem>> -> memref<16x768xf32, #tpu.memory_space<vmem>>
    %dma_wait3A_1271 = arith.constant 0 : i32
    %dma_wait3A_1272 = arith.constant 0 : i32
    %dma_wait3A_1273 = tpu.memref_slice %arg2[%dma_wait3A_1271, %dma_wait3A_1272] : memref<65600x768xf32, #tpu.memory_space<hbm>> -> memref<65600x768xf32, #tpu.memory_space<hbm>>
    tpu.wait_indirect_dma semaphore(%arg17 : memref<!tpu.dma_semaphore, #tpu.memory_space<semaphore_mem>>) src(%dma_wait3A_1273 : memref<65600x768xf32, #tpu.memory_space<hbm>>) dst(%dma_wait3A_1270 : memref<16x768xf32, #tpu.memory_space<vmem>>)
    %dma_wait3A_1274 = arith.constant 32 : i32
    %dma_wait3A_1275 = arith.constant 0 : i32
    %dma_wait3A_1276 = tpu.memref_slice %arg14[%dma_wait3A_1274, %dma_wait3A_1275] : memref<64x768xf32, #tpu.memory_space<vmem>> -> memref<16x768xf32, #tpu.memory_space<vmem>>
    %dma_wait3A_1277 = arith.constant 0 : i32
    %dma_wait3A_1278 = arith.constant 0 : i32
    %dma_wait3A_1279 = tpu.memref_slice %arg2[%dma_wait3A_1277, %dma_wait3A_1278] : memref<65600x768xf32, #tpu.memory_space<hbm>> -> memref<65600x768xf32, #tpu.memory_space<hbm>>
    tpu.wait_indirect_dma semaphore(%arg18 : memref<!tpu.dma_semaphore, #tpu.memory_space<semaphore_mem>>) src(%dma_wait3A_1279 : memref<65600x768xf32, #tpu.memory_space<hbm>>) dst(%dma_wait3A_1276 : memref<16x768xf32, #tpu.memory_space<vmem>>)
    %dma_wait3A_1280 = arith.constant 48 : i32
    %dma_wait3A_1281 = arith.constant 0 : i32
    %dma_wait3A_1282 = tpu.memref_slice %arg14[%dma_wait3A_1280, %dma_wait3A_1281] : memref<64x768xf32, #tpu.memory_space<vmem>> -> memref<16x768xf32, #tpu.memory_space<vmem>>
    %dma_wait3A_1283 = arith.constant 0 : i32
    %dma_wait3A_1284 = arith.constant 0 : i32
    %dma_wait3A_1285 = tpu.memref_slice %arg2[%dma_wait3A_1283, %dma_wait3A_1284] : memref<65600x768xf32, #tpu.memory_space<hbm>> -> memref<65600x768xf32, #tpu.memory_space<hbm>>
    tpu.wait_indirect_dma semaphore(%arg19 : memref<!tpu.dma_semaphore, #tpu.memory_space<semaphore_mem>>) src(%dma_wait3A_1285 : memref<65600x768xf32, #tpu.memory_space<hbm>>) dst(%dma_wait3A_1282 : memref<16x768xf32, #tpu.memory_space<vmem>>)
    %add3A_1286 = arith.constant 10 : i32
    %add3A_1287 = arith.addi %mul3A_2, %add3A_1286 : i32
    %mul3A_1288 = arith.constant 64 : i32
    %mul3A_1289 = arith.muli %add3A_1287, %mul3A_1288 : i32
    %dma_start3A_1290 = arith.constant 0 : i32
    %dma_start3A_1291 = tpu.memref_slice %arg4[%mul3A_1289, %dma_start3A_1290] : memref<32832x768xf32, #tpu.memory_space<hbm>> -> memref<64x768xf32, #tpu.memory_space<hbm>>
    %dma_start3A_1292 = arith.constant 0 : i32
    %dma_start3A_1293 = tpu.memref_slice %arg4[%mul3A_1289, %dma_start3A_1292] : memref<32832x768xf32, #tpu.memory_space<hbm>> -> memref<64x768xf32, #tpu.memory_space<hbm>>
    tpu.enqueue_dma source(%arg14 : memref<64x768xf32, #tpu.memory_space<vmem>>) target(%dma_start3A_1293 : memref<64x768xf32, #tpu.memory_space<hbm>>) target_semaphore(%arg24 : memref<!tpu.dma_semaphore, #tpu.memory_space<semaphore_mem>>)
    %add3A_1294 = arith.constant 10 : i32
    %add3A_1295 = arith.addi %mul3A_2, %add3A_1294 : i32
    %mul3A_1296 = arith.constant 64 : i32
    %mul3A_1297 = arith.muli %add3A_1295, %mul3A_1296 : i32
    %dma_wait3A_1298 = arith.constant 0 : i32
    %dma_wait3A_1299 = tpu.memref_slice %arg4[%mul3A_1297, %dma_wait3A_1298] : memref<32832x768xf32, #tpu.memory_space<hbm>> -> memref<64x768xf32, #tpu.memory_space<hbm>>
    %dma_wait3A_1300 = arith.constant 0 : i32
    %dma_wait3A_1301 = tpu.memref_slice %arg4[%mul3A_1297, %dma_wait3A_1300] : memref<32832x768xf32, #tpu.memory_space<hbm>> -> memref<64x768xf32, #tpu.memory_space<hbm>>
    tpu.wait_dma2 semaphore(%arg24 : memref<!tpu.dma_semaphore, #tpu.memory_space<semaphore_mem>>) src(%arg14 : memref<64x768xf32, #tpu.memory_space<vmem>>) dst(%dma_wait3A_1301 : memref<64x768xf32, #tpu.memory_space<hbm>>)
    %broadcast_in_dim3A_1302 = arith.constant 0 : i32
    %broadcast_in_dim3A_1303 = vector.broadcast %broadcast_in_dim3A_1302 : i32 to vector<16xi32>
    %add3A_1304 = arith.addi %broadcast_in_dim3A_1303, %iota3A : vector<16xi32>
    %broadcast_in_dim3A_1305 = arith.constant 12 : i32
    %broadcast_in_dim3A_1306 = vector.broadcast %broadcast_in_dim3A_1305 : i32 to vector<16xi32>
    %gather3A_1307 = tpu.vector_load_idx %arg5[%broadcast_in_dim3A_1306, %add3A_1304] : memref<16x64xi32, #tpu.memory_space<vmem>>[vector<16xi32>, vector<16xi32>], vector<16xi32>,
    %mul3A_1308 = arith.constant 64 : i32
    %mul3A_1309 = vector.broadcast %mul3A_1308 : i32 to vector<16xi32>
    %mul3A_1310 = arith.muli %gather3A_1307, %mul3A_1309 : vector<16xi32>
    %add3A_1311 = arith.addi %mul3A_1310, %add3A_1304 : vector<16xi32>
    %swap3A_1312 = arith.constant 0 : index
    %swap3A_1313 = tpu.vector_load %arg6[%swap3A_1312] {strides = array<i32>} : memref<16xi32, #tpu.memory_space<vmem>>, vector<16xi32>,
    tpu.vector_store %arg6[%swap3A_1312], %add3A_1311 {strides = array<i32>} : memref<16xi32, #tpu.memory_space<vmem>>, vector<16xi32>,
    %dma_start3A_1314 = arith.constant 0 : i32
    %dma_start3A_1315 = arith.constant 0 : i32
    %dma_start3A_1316 = tpu.memref_slice %arg14[%dma_start3A_1314, %dma_start3A_1315] : memref<64x768xf32, #tpu.memory_space<vmem>> -> memref<16x768xf32, #tpu.memory_space<vmem>>
    %dma_start3A_1317 = arith.constant 0 : i32
    %dma_start3A_1318 = arith.constant 0 : i32
    %dma_start3A_1319 = tpu.memref_slice %arg2[%dma_start3A_1317, %dma_start3A_1318] : memref<65600x768xf32, #tpu.memory_space<hbm>> -> memref<65600x768xf32, #tpu.memory_space<hbm>>
    tpu.enqueue_indirect_dma source(%dma_start3A_1319 : memref<65600x768xf32, #tpu.memory_space<hbm>>) target(%dma_start3A_1316 : memref<16x768xf32, #tpu.memory_space<vmem>>) offsets(%arg6 : memref<16xi32, #tpu.memory_space<vmem>>) semaphore(%arg16 : memref<!tpu.dma_semaphore, #tpu.memory_space<semaphore_mem>>)
    %broadcast_in_dim3A_1320 = arith.constant 16 : i32
    %broadcast_in_dim3A_1321 = vector.broadcast %broadcast_in_dim3A_1320 : i32 to vector<16xi32>
    %add3A_1322 = arith.addi %broadcast_in_dim3A_1321, %iota3A : vector<16xi32>
    %broadcast_in_dim3A_1323 = arith.constant 12 : i32
    %broadcast_in_dim3A_1324 = vector.broadcast %broadcast_in_dim3A_1323 : i32 to vector<16xi32>
    %gather3A_1325 = tpu.vector_load_idx %arg5[%broadcast_in_dim3A_1324, %add3A_1322] : memref<16x64xi32, #tpu.memory_space<vmem>>[vector<16xi32>, vector<16xi32>], vector<16xi32>,
    %mul3A_1326 = arith.constant 64 : i32
    %mul3A_1327 = vector.broadcast %mul3A_1326 : i32 to vector<16xi32>
    %mul3A_1328 = arith.muli %gather3A_1325, %mul3A_1327 : vector<16xi32>
    %add3A_1329 = arith.addi %mul3A_1328, %add3A_1322 : vector<16xi32>
    %swap3A_1330 = arith.constant 0 : index
    %swap3A_1331 = tpu.vector_load %arg7[%swap3A_1330] {strides = array<i32>} : memref<16xi32, #tpu.memory_space<vmem>>, vector<16xi32>,
    tpu.vector_store %arg7[%swap3A_1330], %add3A_1329 {strides = array<i32>} : memref<16xi32, #tpu.memory_space<vmem>>, vector<16xi32>,
    %dma_start3A_1332 = arith.constant 16 : i32
    %dma_start3A_1333 = arith.constant 0 : i32
    %dma_start3A_1334 = tpu.memref_slice %arg14[%dma_start3A_1332, %dma_start3A_1333] : memref<64x768xf32, #tpu.memory_space<vmem>> -> memref<16x768xf32, #tpu.memory_space<vmem>>
    %dma_start3A_1335 = arith.constant 0 : i32
    %dma_start3A_1336 = arith.constant 0 : i32
    %dma_start3A_1337 = tpu.memref_slice %arg2[%dma_start3A_1335, %dma_start3A_1336] : memref<65600x768xf32, #tpu.memory_space<hbm>> -> memref<65600x768xf32, #tpu.memory_space<hbm>>
    tpu.enqueue_indirect_dma source(%dma_start3A_1337 : memref<65600x768xf32, #tpu.memory_space<hbm>>) target(%dma_start3A_1334 : memref<16x768xf32, #tpu.memory_space<vmem>>) offsets(%arg7 : memref<16xi32, #tpu.memory_space<vmem>>) semaphore(%arg17 : memref<!tpu.dma_semaphore, #tpu.memory_space<semaphore_mem>>)
    %broadcast_in_dim3A_1338 = arith.constant 32 : i32
    %broadcast_in_dim3A_1339 = vector.broadcast %broadcast_in_dim3A_1338 : i32 to vector<16xi32>
    %add3A_1340 = arith.addi %broadcast_in_dim3A_1339, %iota3A : vector<16xi32>
    %broadcast_in_dim3A_1341 = arith.constant 12 : i32
    %broadcast_in_dim3A_1342 = vector.broadcast %broadcast_in_dim3A_1341 : i32 to vector<16xi32>
    %gather3A_1343 = tpu.vector_load_idx %arg5[%broadcast_in_dim3A_1342, %add3A_1340] : memref<16x64xi32, #tpu.memory_space<vmem>>[vector<16xi32>, vector<16xi32>], vector<16xi32>,
    %mul3A_1344 = arith.constant 64 : i32
    %mul3A_1345 = vector.broadcast %mul3A_1344 : i32 to vector<16xi32>
    %mul3A_1346 = arith.muli %gather3A_1343, %mul3A_1345 : vector<16xi32>
    %add3A_1347 = arith.addi %mul3A_1346, %add3A_1340 : vector<16xi32>
    %swap3A_1348 = arith.constant 0 : index
    %swap3A_1349 = tpu.vector_load %arg8[%swap3A_1348] {strides = array<i32>} : memref<16xi32, #tpu.memory_space<vmem>>, vector<16xi32>,
    tpu.vector_store %arg8[%swap3A_1348], %add3A_1347 {strides = array<i32>} : memref<16xi32, #tpu.memory_space<vmem>>, vector<16xi32>,
    %dma_start3A_1350 = arith.constant 32 : i32
    %dma_start3A_1351 = arith.constant 0 : i32
    %dma_start3A_1352 = tpu.memref_slice %arg14[%dma_start3A_1350, %dma_start3A_1351] : memref<64x768xf32, #tpu.memory_space<vmem>> -> memref<16x768xf32, #tpu.memory_space<vmem>>
    %dma_start3A_1353 = arith.constant 0 : i32
    %dma_start3A_1354 = arith.constant 0 : i32
    %dma_start3A_1355 = tpu.memref_slice %arg2[%dma_start3A_1353, %dma_start3A_1354] : memref<65600x768xf32, #tpu.memory_space<hbm>> -> memref<65600x768xf32, #tpu.memory_space<hbm>>
    tpu.enqueue_indirect_dma source(%dma_start3A_1355 : memref<65600x768xf32, #tpu.memory_space<hbm>>) target(%dma_start3A_1352 : memref<16x768xf32, #tpu.memory_space<vmem>>) offsets(%arg8 : memref<16xi32, #tpu.memory_space<vmem>>) semaphore(%arg18 : memref<!tpu.dma_semaphore, #tpu.memory_space<semaphore_mem>>)
    %broadcast_in_dim3A_1356 = arith.constant 48 : i32
    %broadcast_in_dim3A_1357 = vector.broadcast %broadcast_in_dim3A_1356 : i32 to vector<16xi32>
    %add3A_1358 = arith.addi %broadcast_in_dim3A_1357, %iota3A : vector<16xi32>
    %broadcast_in_dim3A_1359 = arith.constant 12 : i32
    %broadcast_in_dim3A_1360 = vector.broadcast %broadcast_in_dim3A_1359 : i32 to vector<16xi32>
    %gather3A_1361 = tpu.vector_load_idx %arg5[%broadcast_in_dim3A_1360, %add3A_1358] : memref<16x64xi32, #tpu.memory_space<vmem>>[vector<16xi32>, vector<16xi32>], vector<16xi32>,
    %mul3A_1362 = arith.constant 64 : i32
    %mul3A_1363 = vector.broadcast %mul3A_1362 : i32 to vector<16xi32>
    %mul3A_1364 = arith.muli %gather3A_1361, %mul3A_1363 : vector<16xi32>
    %add3A_1365 = arith.addi %mul3A_1364, %add3A_1358 : vector<16xi32>
    %swap3A_1366 = arith.constant 0 : index
    %swap3A_1367 = tpu.vector_load %arg9[%swap3A_1366] {strides = array<i32>} : memref<16xi32, #tpu.memory_space<vmem>>, vector<16xi32>,
    tpu.vector_store %arg9[%swap3A_1366], %add3A_1365 {strides = array<i32>} : memref<16xi32, #tpu.memory_space<vmem>>, vector<16xi32>,
    %dma_start3A_1368 = arith.constant 48 : i32
    %dma_start3A_1369 = arith.constant 0 : i32
    %dma_start3A_1370 = tpu.memref_slice %arg14[%dma_start3A_1368, %dma_start3A_1369] : memref<64x768xf32, #tpu.memory_space<vmem>> -> memref<16x768xf32, #tpu.memory_space<vmem>>
    %dma_start3A_1371 = arith.constant 0 : i32
    %dma_start3A_1372 = arith.constant 0 : i32
    %dma_start3A_1373 = tpu.memref_slice %arg2[%dma_start3A_1371, %dma_start3A_1372] : memref<65600x768xf32, #tpu.memory_space<hbm>> -> memref<65600x768xf32, #tpu.memory_space<hbm>>
    tpu.enqueue_indirect_dma source(%dma_start3A_1373 : memref<65600x768xf32, #tpu.memory_space<hbm>>) target(%dma_start3A_1370 : memref<16x768xf32, #tpu.memory_space<vmem>>) offsets(%arg9 : memref<16xi32, #tpu.memory_space<vmem>>) semaphore(%arg19 : memref<!tpu.dma_semaphore, #tpu.memory_space<semaphore_mem>>)
    %dma_wait3A_1374 = arith.constant 0 : i32
    %dma_wait3A_1375 = arith.constant 0 : i32
    %dma_wait3A_1376 = tpu.memref_slice %arg15[%dma_wait3A_1374, %dma_wait3A_1375] : memref<64x768xf32, #tpu.memory_space<vmem>> -> memref<16x768xf32, #tpu.memory_space<vmem>>
    %dma_wait3A_1377 = arith.constant 0 : i32
    %dma_wait3A_1378 = arith.constant 0 : i32
    %dma_wait3A_1379 = tpu.memref_slice %arg2[%dma_wait3A_1377, %dma_wait3A_1378] : memref<65600x768xf32, #tpu.memory_space<hbm>> -> memref<65600x768xf32, #tpu.memory_space<hbm>>
    tpu.wait_indirect_dma semaphore(%arg20 : memref<!tpu.dma_semaphore, #tpu.memory_space<semaphore_mem>>) src(%dma_wait3A_1379 : memref<65600x768xf32, #tpu.memory_space<hbm>>) dst(%dma_wait3A_1376 : memref<16x768xf32, #tpu.memory_space<vmem>>)
    %dma_wait3A_1380 = arith.constant 16 : i32
    %dma_wait3A_1381 = arith.constant 0 : i32
    %dma_wait3A_1382 = tpu.memref_slice %arg15[%dma_wait3A_1380, %dma_wait3A_1381] : memref<64x768xf32, #tpu.memory_space<vmem>> -> memref<16x768xf32, #tpu.memory_space<vmem>>
    %dma_wait3A_1383 = arith.constant 0 : i32
    %dma_wait3A_1384 = arith.constant 0 : i32
    %dma_wait3A_1385 = tpu.memref_slice %arg2[%dma_wait3A_1383, %dma_wait3A_1384] : memref<65600x768xf32, #tpu.memory_space<hbm>> -> memref<65600x768xf32, #tpu.memory_space<hbm>>
    tpu.wait_indirect_dma semaphore(%arg21 : memref<!tpu.dma_semaphore, #tpu.memory_space<semaphore_mem>>) src(%dma_wait3A_1385 : memref<65600x768xf32, #tpu.memory_space<hbm>>) dst(%dma_wait3A_1382 : memref<16x768xf32, #tpu.memory_space<vmem>>)
    %dma_wait3A_1386 = arith.constant 32 : i32
    %dma_wait3A_1387 = arith.constant 0 : i32
    %dma_wait3A_1388 = tpu.memref_slice %arg15[%dma_wait3A_1386, %dma_wait3A_1387] : memref<64x768xf32, #tpu.memory_space<vmem>> -> memref<16x768xf32, #tpu.memory_space<vmem>>
    %dma_wait3A_1389 = arith.constant 0 : i32
    %dma_wait3A_1390 = arith.constant 0 : i32
    %dma_wait3A_1391 = tpu.memref_slice %arg2[%dma_wait3A_1389, %dma_wait3A_1390] : memref<65600x768xf32, #tpu.memory_space<hbm>> -> memref<65600x768xf32, #tpu.memory_space<hbm>>
    tpu.wait_indirect_dma semaphore(%arg22 : memref<!tpu.dma_semaphore, #tpu.memory_space<semaphore_mem>>) src(%dma_wait3A_1391 : memref<65600x768xf32, #tpu.memory_space<hbm>>) dst(%dma_wait3A_1388 : memref<16x768xf32, #tpu.memory_space<vmem>>)
    %dma_wait3A_1392 = arith.constant 48 : i32
    %dma_wait3A_1393 = arith.constant 0 : i32
    %dma_wait3A_1394 = tpu.memref_slice %arg15[%dma_wait3A_1392, %dma_wait3A_1393] : memref<64x768xf32, #tpu.memory_space<vmem>> -> memref<16x768xf32, #tpu.memory_space<vmem>>
    %dma_wait3A_1395 = arith.constant 0 : i32
    %dma_wait3A_1396 = arith.constant 0 : i32
    %dma_wait3A_1397 = tpu.memref_slice %arg2[%dma_wait3A_1395, %dma_wait3A_1396] : memref<65600x768xf32, #tpu.memory_space<hbm>> -> memref<65600x768xf32, #tpu.memory_space<hbm>>
    tpu.wait_indirect_dma semaphore(%arg23 : memref<!tpu.dma_semaphore, #tpu.memory_space<semaphore_mem>>) src(%dma_wait3A_1397 : memref<65600x768xf32, #tpu.memory_space<hbm>>) dst(%dma_wait3A_1394 : memref<16x768xf32, #tpu.memory_space<vmem>>)
    %add3A_1398 = arith.constant 11 : i32
    %add3A_1399 = arith.addi %mul3A_2, %add3A_1398 : i32
    %mul3A_1400 = arith.constant 64 : i32
    %mul3A_1401 = arith.muli %add3A_1399, %mul3A_1400 : i32
    %dma_start3A_1402 = arith.constant 0 : i32
    %dma_start3A_1403 = tpu.memref_slice %arg4[%mul3A_1401, %dma_start3A_1402] : memref<32832x768xf32, #tpu.memory_space<hbm>> -> memref<64x768xf32, #tpu.memory_space<hbm>>
    %dma_start3A_1404 = arith.constant 0 : i32
    %dma_start3A_1405 = tpu.memref_slice %arg4[%mul3A_1401, %dma_start3A_1404] : memref<32832x768xf32, #tpu.memory_space<hbm>> -> memref<64x768xf32, #tpu.memory_space<hbm>>
    tpu.enqueue_dma source(%arg15 : memref<64x768xf32, #tpu.memory_space<vmem>>) target(%dma_start3A_1405 : memref<64x768xf32, #tpu.memory_space<hbm>>) target_semaphore(%arg25 : memref<!tpu.dma_semaphore, #tpu.memory_space<semaphore_mem>>)
    %add3A_1406 = arith.constant 11 : i32
    %add3A_1407 = arith.addi %mul3A_2, %add3A_1406 : i32
    %mul3A_1408 = arith.constant 64 : i32
    %mul3A_1409 = arith.muli %add3A_1407, %mul3A_1408 : i32
    %dma_wait3A_1410 = arith.constant 0 : i32
    %dma_wait3A_1411 = tpu.memref_slice %arg4[%mul3A_1409, %dma_wait3A_1410] : memref<32832x768xf32, #tpu.memory_space<hbm>> -> memref<64x768xf32, #tpu.memory_space<hbm>>
    %dma_wait3A_1412 = arith.constant 0 : i32
    %dma_wait3A_1413 = tpu.memref_slice %arg4[%mul3A_1409, %dma_wait3A_1412] : memref<32832x768xf32, #tpu.memory_space<hbm>> -> memref<64x768xf32, #tpu.memory_space<hbm>>
    tpu.wait_dma2 semaphore(%arg25 : memref<!tpu.dma_semaphore, #tpu.memory_space<semaphore_mem>>) src(%arg15 : memref<64x768xf32, #tpu.memory_space<vmem>>) dst(%dma_wait3A_1413 : memref<64x768xf32, #tpu.memory_space<hbm>>)
    %broadcast_in_dim3A_1414 = arith.constant 0 : i32
    %broadcast_in_dim3A_1415 = vector.broadcast %broadcast_in_dim3A_1414 : i32 to vector<16xi32>
    %add3A_1416 = arith.addi %broadcast_in_dim3A_1415, %iota3A : vector<16xi32>
    %broadcast_in_dim3A_1417 = arith.constant 13 : i32
    %broadcast_in_dim3A_1418 = vector.broadcast %broadcast_in_dim3A_1417 : i32 to vector<16xi32>
    %gather3A_1419 = tpu.vector_load_idx %arg5[%broadcast_in_dim3A_1418, %add3A_1416] : memref<16x64xi32, #tpu.memory_space<vmem>>[vector<16xi32>, vector<16xi32>], vector<16xi32>,
    %mul3A_1420 = arith.constant 64 : i32
    %mul3A_1421 = vector.broadcast %mul3A_1420 : i32 to vector<16xi32>
    %mul3A_1422 = arith.muli %gather3A_1419, %mul3A_1421 : vector<16xi32>
    %add3A_1423 = arith.addi %mul3A_1422, %add3A_1416 : vector<16xi32>
    %swap3A_1424 = arith.constant 0 : index
    %swap3A_1425 = tpu.vector_load %arg10[%swap3A_1424] {strides = array<i32>} : memref<16xi32, #tpu.memory_space<vmem>>, vector<16xi32>,
    tpu.vector_store %arg10[%swap3A_1424], %add3A_1423 {strides = array<i32>} : memref<16xi32, #tpu.memory_space<vmem>>, vector<16xi32>,
    %dma_start3A_1426 = arith.constant 0 : i32
    %dma_start3A_1427 = arith.constant 0 : i32
    %dma_start3A_1428 = tpu.memref_slice %arg15[%dma_start3A_1426, %dma_start3A_1427] : memref<64x768xf32, #tpu.memory_space<vmem>> -> memref<16x768xf32, #tpu.memory_space<vmem>>
    %dma_start3A_1429 = arith.constant 0 : i32
    %dma_start3A_1430 = arith.constant 0 : i32
    %dma_start3A_1431 = tpu.memref_slice %arg2[%dma_start3A_1429, %dma_start3A_1430] : memref<65600x768xf32, #tpu.memory_space<hbm>> -> memref<65600x768xf32, #tpu.memory_space<hbm>>
    tpu.enqueue_indirect_dma source(%dma_start3A_1431 : memref<65600x768xf32, #tpu.memory_space<hbm>>) target(%dma_start3A_1428 : memref<16x768xf32, #tpu.memory_space<vmem>>) offsets(%arg10 : memref<16xi32, #tpu.memory_space<vmem>>) semaphore(%arg20 : memref<!tpu.dma_semaphore, #tpu.memory_space<semaphore_mem>>)
    %broadcast_in_dim3A_1432 = arith.constant 16 : i32
    %broadcast_in_dim3A_1433 = vector.broadcast %broadcast_in_dim3A_1432 : i32 to vector<16xi32>
    %add3A_1434 = arith.addi %broadcast_in_dim3A_1433, %iota3A : vector<16xi32>
    %broadcast_in_dim3A_1435 = arith.constant 13 : i32
    %broadcast_in_dim3A_1436 = vector.broadcast %broadcast_in_dim3A_1435 : i32 to vector<16xi32>
    %gather3A_1437 = tpu.vector_load_idx %arg5[%broadcast_in_dim3A_1436, %add3A_1434] : memref<16x64xi32, #tpu.memory_space<vmem>>[vector<16xi32>, vector<16xi32>], vector<16xi32>,
    %mul3A_1438 = arith.constant 64 : i32
    %mul3A_1439 = vector.broadcast %mul3A_1438 : i32 to vector<16xi32>
    %mul3A_1440 = arith.muli %gather3A_1437, %mul3A_1439 : vector<16xi32>
    %add3A_1441 = arith.addi %mul3A_1440, %add3A_1434 : vector<16xi32>
    %swap3A_1442 = arith.constant 0 : index
    %swap3A_1443 = tpu.vector_load %arg11[%swap3A_1442] {strides = array<i32>} : memref<16xi32, #tpu.memory_space<vmem>>, vector<16xi32>,
    tpu.vector_store %arg11[%swap3A_1442], %add3A_1441 {strides = array<i32>} : memref<16xi32, #tpu.memory_space<vmem>>, vector<16xi32>,
    %dma_start3A_1444 = arith.constant 16 : i32
    %dma_start3A_1445 = arith.constant 0 : i32
    %dma_start3A_1446 = tpu.memref_slice %arg15[%dma_start3A_1444, %dma_start3A_1445] : memref<64x768xf32, #tpu.memory_space<vmem>> -> memref<16x768xf32, #tpu.memory_space<vmem>>
    %dma_start3A_1447 = arith.constant 0 : i32
    %dma_start3A_1448 = arith.constant 0 : i32
    %dma_start3A_1449 = tpu.memref_slice %arg2[%dma_start3A_1447, %dma_start3A_1448] : memref<65600x768xf32, #tpu.memory_space<hbm>> -> memref<65600x768xf32, #tpu.memory_space<hbm>>
    tpu.enqueue_indirect_dma source(%dma_start3A_1449 : memref<65600x768xf32, #tpu.memory_space<hbm>>) target(%dma_start3A_1446 : memref<16x768xf32, #tpu.memory_space<vmem>>) offsets(%arg11 : memref<16xi32, #tpu.memory_space<vmem>>) semaphore(%arg21 : memref<!tpu.dma_semaphore, #tpu.memory_space<semaphore_mem>>)
    %broadcast_in_dim3A_1450 = arith.constant 32 : i32
    %broadcast_in_dim3A_1451 = vector.broadcast %broadcast_in_dim3A_1450 : i32 to vector<16xi32>
    %add3A_1452 = arith.addi %broadcast_in_dim3A_1451, %iota3A : vector<16xi32>
    %broadcast_in_dim3A_1453 = arith.constant 13 : i32
    %broadcast_in_dim3A_1454 = vector.broadcast %broadcast_in_dim3A_1453 : i32 to vector<16xi32>
    %gather3A_1455 = tpu.vector_load_idx %arg5[%broadcast_in_dim3A_1454, %add3A_1452] : memref<16x64xi32, #tpu.memory_space<vmem>>[vector<16xi32>, vector<16xi32>], vector<16xi32>,
    %mul3A_1456 = arith.constant 64 : i32
    %mul3A_1457 = vector.broadcast %mul3A_1456 : i32 to vector<16xi32>
    %mul3A_1458 = arith.muli %gather3A_1455, %mul3A_1457 : vector<16xi32>
    %add3A_1459 = arith.addi %mul3A_1458, %add3A_1452 : vector<16xi32>
    %swap3A_1460 = arith.constant 0 : index
    %swap3A_1461 = tpu.vector_load %arg12[%swap3A_1460] {strides = array<i32>} : memref<16xi32, #tpu.memory_space<vmem>>, vector<16xi32>,
    tpu.vector_store %arg12[%swap3A_1460], %add3A_1459 {strides = array<i32>} : memref<16xi32, #tpu.memory_space<vmem>>, vector<16xi32>,
    %dma_start3A_1462 = arith.constant 32 : i32
    %dma_start3A_1463 = arith.constant 0 : i32
    %dma_start3A_1464 = tpu.memref_slice %arg15[%dma_start3A_1462, %dma_start3A_1463] : memref<64x768xf32, #tpu.memory_space<vmem>> -> memref<16x768xf32, #tpu.memory_space<vmem>>
    %dma_start3A_1465 = arith.constant 0 : i32
    %dma_start3A_1466 = arith.constant 0 : i32
    %dma_start3A_1467 = tpu.memref_slice %arg2[%dma_start3A_1465, %dma_start3A_1466] : memref<65600x768xf32, #tpu.memory_space<hbm>> -> memref<65600x768xf32, #tpu.memory_space<hbm>>
    tpu.enqueue_indirect_dma source(%dma_start3A_1467 : memref<65600x768xf32, #tpu.memory_space<hbm>>) target(%dma_start3A_1464 : memref<16x768xf32, #tpu.memory_space<vmem>>) offsets(%arg12 : memref<16xi32, #tpu.memory_space<vmem>>) semaphore(%arg22 : memref<!tpu.dma_semaphore, #tpu.memory_space<semaphore_mem>>)
    %broadcast_in_dim3A_1468 = arith.constant 48 : i32
    %broadcast_in_dim3A_1469 = vector.broadcast %broadcast_in_dim3A_1468 : i32 to vector<16xi32>
    %add3A_1470 = arith.addi %broadcast_in_dim3A_1469, %iota3A : vector<16xi32>
    %broadcast_in_dim3A_1471 = arith.constant 13 : i32
    %broadcast_in_dim3A_1472 = vector.broadcast %broadcast_in_dim3A_1471 : i32 to vector<16xi32>
    %gather3A_1473 = tpu.vector_load_idx %arg5[%broadcast_in_dim3A_1472, %add3A_1470] : memref<16x64xi32, #tpu.memory_space<vmem>>[vector<16xi32>, vector<16xi32>], vector<16xi32>,
    %mul3A_1474 = arith.constant 64 : i32
    %mul3A_1475 = vector.broadcast %mul3A_1474 : i32 to vector<16xi32>
    %mul3A_1476 = arith.muli %gather3A_1473, %mul3A_1475 : vector<16xi32>
    %add3A_1477 = arith.addi %mul3A_1476, %add3A_1470 : vector<16xi32>
    %swap3A_1478 = arith.constant 0 : index
    %swap3A_1479 = tpu.vector_load %arg13[%swap3A_1478] {strides = array<i32>} : memref<16xi32, #tpu.memory_space<vmem>>, vector<16xi32>,
    tpu.vector_store %arg13[%swap3A_1478], %add3A_1477 {strides = array<i32>} : memref<16xi32, #tpu.memory_space<vmem>>, vector<16xi32>,
    %dma_start3A_1480 = arith.constant 48 : i32
    %dma_start3A_1481 = arith.constant 0 : i32
    %dma_start3A_1482 = tpu.memref_slice %arg15[%dma_start3A_1480, %dma_start3A_1481] : memref<64x768xf32, #tpu.memory_space<vmem>> -> memref<16x768xf32, #tpu.memory_space<vmem>>
    %dma_start3A_1483 = arith.constant 0 : i32
    %dma_start3A_1484 = arith.constant 0 : i32
    %dma_start3A_1485 = tpu.memref_slice %arg2[%dma_start3A_1483, %dma_start3A_1484] : memref<65600x768xf32, #tpu.memory_space<hbm>> -> memref<65600x768xf32, #tpu.memory_space<hbm>>
    tpu.enqueue_indirect_dma source(%dma_start3A_1485 : memref<65600x768xf32, #tpu.memory_space<hbm>>) target(%dma_start3A_1482 : memref<16x768xf32, #tpu.memory_space<vmem>>) offsets(%arg13 : memref<16xi32, #tpu.memory_space<vmem>>) semaphore(%arg23 : memref<!tpu.dma_semaphore, #tpu.memory_space<semaphore_mem>>)
    %dma_wait3A_1486 = arith.constant 0 : i32
    %dma_wait3A_1487 = arith.constant 0 : i32
    %dma_wait3A_1488 = tpu.memref_slice %arg14[%dma_wait3A_1486, %dma_wait3A_1487] : memref<64x768xf32, #tpu.memory_space<vmem>> -> memref<16x768xf32, #tpu.memory_space<vmem>>
    %dma_wait3A_1489 = arith.constant 0 : i32
    %dma_wait3A_1490 = arith.constant 0 : i32
    %dma_wait3A_1491 = tpu.memref_slice %arg2[%dma_wait3A_1489, %dma_wait3A_1490] : memref<65600x768xf32, #tpu.memory_space<hbm>> -> memref<65600x768xf32, #tpu.memory_space<hbm>>
    tpu.wait_indirect_dma semaphore(%arg16 : memref<!tpu.dma_semaphore, #tpu.memory_space<semaphore_mem>>) src(%dma_wait3A_1491 : memref<65600x768xf32, #tpu.memory_space<hbm>>) dst(%dma_wait3A_1488 : memref<16x768xf32, #tpu.memory_space<vmem>>)
    %dma_wait3A_1492 = arith.constant 16 : i32
    %dma_wait3A_1493 = arith.constant 0 : i32
    %dma_wait3A_1494 = tpu.memref_slice %arg14[%dma_wait3A_1492, %dma_wait3A_1493] : memref<64x768xf32, #tpu.memory_space<vmem>> -> memref<16x768xf32, #tpu.memory_space<vmem>>
    %dma_wait3A_1495 = arith.constant 0 : i32
    %dma_wait3A_1496 = arith.constant 0 : i32
    %dma_wait3A_1497 = tpu.memref_slice %arg2[%dma_wait3A_1495, %dma_wait3A_1496] : memref<65600x768xf32, #tpu.memory_space<hbm>> -> memref<65600x768xf32, #tpu.memory_space<hbm>>
    tpu.wait_indirect_dma semaphore(%arg17 : memref<!tpu.dma_semaphore, #tpu.memory_space<semaphore_mem>>) src(%dma_wait3A_1497 : memref<65600x768xf32, #tpu.memory_space<hbm>>) dst(%dma_wait3A_1494 : memref<16x768xf32, #tpu.memory_space<vmem>>)
    %dma_wait3A_1498 = arith.constant 32 : i32
    %dma_wait3A_1499 = arith.constant 0 : i32
    %dma_wait3A_1500 = tpu.memref_slice %arg14[%dma_wait3A_1498, %dma_wait3A_1499] : memref<64x768xf32, #tpu.memory_space<vmem>> -> memref<16x768xf32, #tpu.memory_space<vmem>>
    %dma_wait3A_1501 = arith.constant 0 : i32
    %dma_wait3A_1502 = arith.constant 0 : i32
    %dma_wait3A_1503 = tpu.memref_slice %arg2[%dma_wait3A_1501, %dma_wait3A_1502] : memref<65600x768xf32, #tpu.memory_space<hbm>> -> memref<65600x768xf32, #tpu.memory_space<hbm>>
    tpu.wait_indirect_dma semaphore(%arg18 : memref<!tpu.dma_semaphore, #tpu.memory_space<semaphore_mem>>) src(%dma_wait3A_1503 : memref<65600x768xf32, #tpu.memory_space<hbm>>) dst(%dma_wait3A_1500 : memref<16x768xf32, #tpu.memory_space<vmem>>)
    %dma_wait3A_1504 = arith.constant 48 : i32
    %dma_wait3A_1505 = arith.constant 0 : i32
    %dma_wait3A_1506 = tpu.memref_slice %arg14[%dma_wait3A_1504, %dma_wait3A_1505] : memref<64x768xf32, #tpu.memory_space<vmem>> -> memref<16x768xf32, #tpu.memory_space<vmem>>
    %dma_wait3A_1507 = arith.constant 0 : i32
    %dma_wait3A_1508 = arith.constant 0 : i32
    %dma_wait3A_1509 = tpu.memref_slice %arg2[%dma_wait3A_1507, %dma_wait3A_1508] : memref<65600x768xf32, #tpu.memory_space<hbm>> -> memref<65600x768xf32, #tpu.memory_space<hbm>>
    tpu.wait_indirect_dma semaphore(%arg19 : memref<!tpu.dma_semaphore, #tpu.memory_space<semaphore_mem>>) src(%dma_wait3A_1509 : memref<65600x768xf32, #tpu.memory_space<hbm>>) dst(%dma_wait3A_1506 : memref<16x768xf32, #tpu.memory_space<vmem>>)
    %add3A_1510 = arith.constant 12 : i32
    %add3A_1511 = arith.addi %mul3A_2, %add3A_1510 : i32
    %mul3A_1512 = arith.constant 64 : i32
    %mul3A_1513 = arith.muli %add3A_1511, %mul3A_1512 : i32
    %dma_start3A_1514 = arith.constant 0 : i32
    %dma_start3A_1515 = tpu.memref_slice %arg4[%mul3A_1513, %dma_start3A_1514] : memref<32832x768xf32, #tpu.memory_space<hbm>> -> memref<64x768xf32, #tpu.memory_space<hbm>>
    %dma_start3A_1516 = arith.constant 0 : i32
    %dma_start3A_1517 = tpu.memref_slice %arg4[%mul3A_1513, %dma_start3A_1516] : memref<32832x768xf32, #tpu.memory_space<hbm>> -> memref<64x768xf32, #tpu.memory_space<hbm>>
    tpu.enqueue_dma source(%arg14 : memref<64x768xf32, #tpu.memory_space<vmem>>) target(%dma_start3A_1517 : memref<64x768xf32, #tpu.memory_space<hbm>>) target_semaphore(%arg24 : memref<!tpu.dma_semaphore, #tpu.memory_space<semaphore_mem>>)
    %add3A_1518 = arith.constant 12 : i32
    %add3A_1519 = arith.addi %mul3A_2, %add3A_1518 : i32
    %mul3A_1520 = arith.constant 64 : i32
    %mul3A_1521 = arith.muli %add3A_1519, %mul3A_1520 : i32
    %dma_wait3A_1522 = arith.constant 0 : i32
    %dma_wait3A_1523 = tpu.memref_slice %arg4[%mul3A_1521, %dma_wait3A_1522] : memref<32832x768xf32, #tpu.memory_space<hbm>> -> memref<64x768xf32, #tpu.memory_space<hbm>>
    %dma_wait3A_1524 = arith.constant 0 : i32
    %dma_wait3A_1525 = tpu.memref_slice %arg4[%mul3A_1521, %dma_wait3A_1524] : memref<32832x768xf32, #tpu.memory_space<hbm>> -> memref<64x768xf32, #tpu.memory_space<hbm>>
    tpu.wait_dma2 semaphore(%arg24 : memref<!tpu.dma_semaphore, #tpu.memory_space<semaphore_mem>>) src(%arg14 : memref<64x768xf32, #tpu.memory_space<vmem>>) dst(%dma_wait3A_1525 : memref<64x768xf32, #tpu.memory_space<hbm>>)
    %broadcast_in_dim3A_1526 = arith.constant 0 : i32
    %broadcast_in_dim3A_1527 = vector.broadcast %broadcast_in_dim3A_1526 : i32 to vector<16xi32>
    %add3A_1528 = arith.addi %broadcast_in_dim3A_1527, %iota3A : vector<16xi32>
    %broadcast_in_dim3A_1529 = arith.constant 14 : i32
    %broadcast_in_dim3A_1530 = vector.broadcast %broadcast_in_dim3A_1529 : i32 to vector<16xi32>
    %gather3A_1531 = tpu.vector_load_idx %arg5[%broadcast_in_dim3A_1530, %add3A_1528] : memref<16x64xi32, #tpu.memory_space<vmem>>[vector<16xi32>, vector<16xi32>], vector<16xi32>,
    %mul3A_1532 = arith.constant 64 : i32
    %mul3A_1533 = vector.broadcast %mul3A_1532 : i32 to vector<16xi32>
    %mul3A_1534 = arith.muli %gather3A_1531, %mul3A_1533 : vector<16xi32>
    %add3A_1535 = arith.addi %mul3A_1534, %add3A_1528 : vector<16xi32>
    %swap3A_1536 = arith.constant 0 : index
    %swap3A_1537 = tpu.vector_load %arg6[%swap3A_1536] {strides = array<i32>} : memref<16xi32, #tpu.memory_space<vmem>>, vector<16xi32>,
    tpu.vector_store %arg6[%swap3A_1536], %add3A_1535 {strides = array<i32>} : memref<16xi32, #tpu.memory_space<vmem>>, vector<16xi32>,
    %dma_start3A_1538 = arith.constant 0 : i32
    %dma_start3A_1539 = arith.constant 0 : i32
    %dma_start3A_1540 = tpu.memref_slice %arg14[%dma_start3A_1538, %dma_start3A_1539] : memref<64x768xf32, #tpu.memory_space<vmem>> -> memref<16x768xf32, #tpu.memory_space<vmem>>
    %dma_start3A_1541 = arith.constant 0 : i32
    %dma_start3A_1542 = arith.constant 0 : i32
    %dma_start3A_1543 = tpu.memref_slice %arg2[%dma_start3A_1541, %dma_start3A_1542] : memref<65600x768xf32, #tpu.memory_space<hbm>> -> memref<65600x768xf32, #tpu.memory_space<hbm>>
    tpu.enqueue_indirect_dma source(%dma_start3A_1543 : memref<65600x768xf32, #tpu.memory_space<hbm>>) target(%dma_start3A_1540 : memref<16x768xf32, #tpu.memory_space<vmem>>) offsets(%arg6 : memref<16xi32, #tpu.memory_space<vmem>>) semaphore(%arg16 : memref<!tpu.dma_semaphore, #tpu.memory_space<semaphore_mem>>)
    %broadcast_in_dim3A_1544 = arith.constant 16 : i32
    %broadcast_in_dim3A_1545 = vector.broadcast %broadcast_in_dim3A_1544 : i32 to vector<16xi32>
    %add3A_1546 = arith.addi %broadcast_in_dim3A_1545, %iota3A : vector<16xi32>
    %broadcast_in_dim3A_1547 = arith.constant 14 : i32
    %broadcast_in_dim3A_1548 = vector.broadcast %broadcast_in_dim3A_1547 : i32 to vector<16xi32>
    %gather3A_1549 = tpu.vector_load_idx %arg5[%broadcast_in_dim3A_1548, %add3A_1546] : memref<16x64xi32, #tpu.memory_space<vmem>>[vector<16xi32>, vector<16xi32>], vector<16xi32>,
    %mul3A_1550 = arith.constant 64 : i32
    %mul3A_1551 = vector.broadcast %mul3A_1550 : i32 to vector<16xi32>
    %mul3A_1552 = arith.muli %gather3A_1549, %mul3A_1551 : vector<16xi32>
    %add3A_1553 = arith.addi %mul3A_1552, %add3A_1546 : vector<16xi32>
    %swap3A_1554 = arith.constant 0 : index
    %swap3A_1555 = tpu.vector_load %arg7[%swap3A_1554] {strides = array<i32>} : memref<16xi32, #tpu.memory_space<vmem>>, vector<16xi32>,
    tpu.vector_store %arg7[%swap3A_1554], %add3A_1553 {strides = array<i32>} : memref<16xi32, #tpu.memory_space<vmem>>, vector<16xi32>,
    %dma_start3A_1556 = arith.constant 16 : i32
    %dma_start3A_1557 = arith.constant 0 : i32
    %dma_start3A_1558 = tpu.memref_slice %arg14[%dma_start3A_1556, %dma_start3A_1557] : memref<64x768xf32, #tpu.memory_space<vmem>> -> memref<16x768xf32, #tpu.memory_space<vmem>>
    %dma_start3A_1559 = arith.constant 0 : i32
    %dma_start3A_1560 = arith.constant 0 : i32
    %dma_start3A_1561 = tpu.memref_slice %arg2[%dma_start3A_1559, %dma_start3A_1560] : memref<65600x768xf32, #tpu.memory_space<hbm>> -> memref<65600x768xf32, #tpu.memory_space<hbm>>
    tpu.enqueue_indirect_dma source(%dma_start3A_1561 : memref<65600x768xf32, #tpu.memory_space<hbm>>) target(%dma_start3A_1558 : memref<16x768xf32, #tpu.memory_space<vmem>>) offsets(%arg7 : memref<16xi32, #tpu.memory_space<vmem>>) semaphore(%arg17 : memref<!tpu.dma_semaphore, #tpu.memory_space<semaphore_mem>>)
    %broadcast_in_dim3A_1562 = arith.constant 32 : i32
    %broadcast_in_dim3A_1563 = vector.broadcast %broadcast_in_dim3A_1562 : i32 to vector<16xi32>
    %add3A_1564 = arith.addi %broadcast_in_dim3A_1563, %iota3A : vector<16xi32>
    %broadcast_in_dim3A_1565 = arith.constant 14 : i32
    %broadcast_in_dim3A_1566 = vector.broadcast %broadcast_in_dim3A_1565 : i32 to vector<16xi32>
    %gather3A_1567 = tpu.vector_load_idx %arg5[%broadcast_in_dim3A_1566, %add3A_1564] : memref<16x64xi32, #tpu.memory_space<vmem>>[vector<16xi32>, vector<16xi32>], vector<16xi32>,
    %mul3A_1568 = arith.constant 64 : i32
    %mul3A_1569 = vector.broadcast %mul3A_1568 : i32 to vector<16xi32>
    %mul3A_1570 = arith.muli %gather3A_1567, %mul3A_1569 : vector<16xi32>
    %add3A_1571 = arith.addi %mul3A_1570, %add3A_1564 : vector<16xi32>
    %swap3A_1572 = arith.constant 0 : index
    %swap3A_1573 = tpu.vector_load %arg8[%swap3A_1572] {strides = array<i32>} : memref<16xi32, #tpu.memory_space<vmem>>, vector<16xi32>,
    tpu.vector_store %arg8[%swap3A_1572], %add3A_1571 {strides = array<i32>} : memref<16xi32, #tpu.memory_space<vmem>>, vector<16xi32>,
    %dma_start3A_1574 = arith.constant 32 : i32
    %dma_start3A_1575 = arith.constant 0 : i32
    %dma_start3A_1576 = tpu.memref_slice %arg14[%dma_start3A_1574, %dma_start3A_1575] : memref<64x768xf32, #tpu.memory_space<vmem>> -> memref<16x768xf32, #tpu.memory_space<vmem>>
    %dma_start3A_1577 = arith.constant 0 : i32
    %dma_start3A_1578 = arith.constant 0 : i32
    %dma_start3A_1579 = tpu.memref_slice %arg2[%dma_start3A_1577, %dma_start3A_1578] : memref<65600x768xf32, #tpu.memory_space<hbm>> -> memref<65600x768xf32, #tpu.memory_space<hbm>>
    tpu.enqueue_indirect_dma source(%dma_start3A_1579 : memref<65600x768xf32, #tpu.memory_space<hbm>>) target(%dma_start3A_1576 : memref<16x768xf32, #tpu.memory_space<vmem>>) offsets(%arg8 : memref<16xi32, #tpu.memory_space<vmem>>) semaphore(%arg18 : memref<!tpu.dma_semaphore, #tpu.memory_space<semaphore_mem>>)
    %broadcast_in_dim3A_1580 = arith.constant 48 : i32
    %broadcast_in_dim3A_1581 = vector.broadcast %broadcast_in_dim3A_1580 : i32 to vector<16xi32>
    %add3A_1582 = arith.addi %broadcast_in_dim3A_1581, %iota3A : vector<16xi32>
    %broadcast_in_dim3A_1583 = arith.constant 14 : i32
    %broadcast_in_dim3A_1584 = vector.broadcast %broadcast_in_dim3A_1583 : i32 to vector<16xi32>
    %gather3A_1585 = tpu.vector_load_idx %arg5[%broadcast_in_dim3A_1584, %add3A_1582] : memref<16x64xi32, #tpu.memory_space<vmem>>[vector<16xi32>, vector<16xi32>], vector<16xi32>,
    %mul3A_1586 = arith.constant 64 : i32
    %mul3A_1587 = vector.broadcast %mul3A_1586 : i32 to vector<16xi32>
    %mul3A_1588 = arith.muli %gather3A_1585, %mul3A_1587 : vector<16xi32>
    %add3A_1589 = arith.addi %mul3A_1588, %add3A_1582 : vector<16xi32>
    %swap3A_1590 = arith.constant 0 : index
    %swap3A_1591 = tpu.vector_load %arg9[%swap3A_1590] {strides = array<i32>} : memref<16xi32, #tpu.memory_space<vmem>>, vector<16xi32>,
    tpu.vector_store %arg9[%swap3A_1590], %add3A_1589 {strides = array<i32>} : memref<16xi32, #tpu.memory_space<vmem>>, vector<16xi32>,
    %dma_start3A_1592 = arith.constant 48 : i32
    %dma_start3A_1593 = arith.constant 0 : i32
    %dma_start3A_1594 = tpu.memref_slice %arg14[%dma_start3A_1592, %dma_start3A_1593] : memref<64x768xf32, #tpu.memory_space<vmem>> -> memref<16x768xf32, #tpu.memory_space<vmem>>
    %dma_start3A_1595 = arith.constant 0 : i32
    %dma_start3A_1596 = arith.constant 0 : i32
    %dma_start3A_1597 = tpu.memref_slice %arg2[%dma_start3A_1595, %dma_start3A_1596] : memref<65600x768xf32, #tpu.memory_space<hbm>> -> memref<65600x768xf32, #tpu.memory_space<hbm>>
    tpu.enqueue_indirect_dma source(%dma_start3A_1597 : memref<65600x768xf32, #tpu.memory_space<hbm>>) target(%dma_start3A_1594 : memref<16x768xf32, #tpu.memory_space<vmem>>) offsets(%arg9 : memref<16xi32, #tpu.memory_space<vmem>>) semaphore(%arg19 : memref<!tpu.dma_semaphore, #tpu.memory_space<semaphore_mem>>)
    %dma_wait3A_1598 = arith.constant 0 : i32
    %dma_wait3A_1599 = arith.constant 0 : i32
    %dma_wait3A_1600 = tpu.memref_slice %arg15[%dma_wait3A_1598, %dma_wait3A_1599] : memref<64x768xf32, #tpu.memory_space<vmem>> -> memref<16x768xf32, #tpu.memory_space<vmem>>
    %dma_wait3A_1601 = arith.constant 0 : i32
    %dma_wait3A_1602 = arith.constant 0 : i32
    %dma_wait3A_1603 = tpu.memref_slice %arg2[%dma_wait3A_1601, %dma_wait3A_1602] : memref<65600x768xf32, #tpu.memory_space<hbm>> -> memref<65600x768xf32, #tpu.memory_space<hbm>>
    tpu.wait_indirect_dma semaphore(%arg20 : memref<!tpu.dma_semaphore, #tpu.memory_space<semaphore_mem>>) src(%dma_wait3A_1603 : memref<65600x768xf32, #tpu.memory_space<hbm>>) dst(%dma_wait3A_1600 : memref<16x768xf32, #tpu.memory_space<vmem>>)
    %dma_wait3A_1604 = arith.constant 16 : i32
    %dma_wait3A_1605 = arith.constant 0 : i32
    %dma_wait3A_1606 = tpu.memref_slice %arg15[%dma_wait3A_1604, %dma_wait3A_1605] : memref<64x768xf32, #tpu.memory_space<vmem>> -> memref<16x768xf32, #tpu.memory_space<vmem>>
    %dma_wait3A_1607 = arith.constant 0 : i32
    %dma_wait3A_1608 = arith.constant 0 : i32
    %dma_wait3A_1609 = tpu.memref_slice %arg2[%dma_wait3A_1607, %dma_wait3A_1608] : memref<65600x768xf32, #tpu.memory_space<hbm>> -> memref<65600x768xf32, #tpu.memory_space<hbm>>
    tpu.wait_indirect_dma semaphore(%arg21 : memref<!tpu.dma_semaphore, #tpu.memory_space<semaphore_mem>>) src(%dma_wait3A_1609 : memref<65600x768xf32, #tpu.memory_space<hbm>>) dst(%dma_wait3A_1606 : memref<16x768xf32, #tpu.memory_space<vmem>>)
    %dma_wait3A_1610 = arith.constant 32 : i32
    %dma_wait3A_1611 = arith.constant 0 : i32
    %dma_wait3A_1612 = tpu.memref_slice %arg15[%dma_wait3A_1610, %dma_wait3A_1611] : memref<64x768xf32, #tpu.memory_space<vmem>> -> memref<16x768xf32, #tpu.memory_space<vmem>>
    %dma_wait3A_1613 = arith.constant 0 : i32
    %dma_wait3A_1614 = arith.constant 0 : i32
    %dma_wait3A_1615 = tpu.memref_slice %arg2[%dma_wait3A_1613, %dma_wait3A_1614] : memref<65600x768xf32, #tpu.memory_space<hbm>> -> memref<65600x768xf32, #tpu.memory_space<hbm>>
    tpu.wait_indirect_dma semaphore(%arg22 : memref<!tpu.dma_semaphore, #tpu.memory_space<semaphore_mem>>) src(%dma_wait3A_1615 : memref<65600x768xf32, #tpu.memory_space<hbm>>) dst(%dma_wait3A_1612 : memref<16x768xf32, #tpu.memory_space<vmem>>)
    %dma_wait3A_1616 = arith.constant 48 : i32
    %dma_wait3A_1617 = arith.constant 0 : i32
    %dma_wait3A_1618 = tpu.memref_slice %arg15[%dma_wait3A_1616, %dma_wait3A_1617] : memref<64x768xf32, #tpu.memory_space<vmem>> -> memref<16x768xf32, #tpu.memory_space<vmem>>
    %dma_wait3A_1619 = arith.constant 0 : i32
    %dma_wait3A_1620 = arith.constant 0 : i32
    %dma_wait3A_1621 = tpu.memref_slice %arg2[%dma_wait3A_1619, %dma_wait3A_1620] : memref<65600x768xf32, #tpu.memory_space<hbm>> -> memref<65600x768xf32, #tpu.memory_space<hbm>>
    tpu.wait_indirect_dma semaphore(%arg23 : memref<!tpu.dma_semaphore, #tpu.memory_space<semaphore_mem>>) src(%dma_wait3A_1621 : memref<65600x768xf32, #tpu.memory_space<hbm>>) dst(%dma_wait3A_1618 : memref<16x768xf32, #tpu.memory_space<vmem>>)
    %add3A_1622 = arith.constant 13 : i32
    %add3A_1623 = arith.addi %mul3A_2, %add3A_1622 : i32
    %mul3A_1624 = arith.constant 64 : i32
    %mul3A_1625 = arith.muli %add3A_1623, %mul3A_1624 : i32
    %dma_start3A_1626 = arith.constant 0 : i32
    %dma_start3A_1627 = tpu.memref_slice %arg4[%mul3A_1625, %dma_start3A_1626] : memref<32832x768xf32, #tpu.memory_space<hbm>> -> memref<64x768xf32, #tpu.memory_space<hbm>>
    %dma_start3A_1628 = arith.constant 0 : i32
    %dma_start3A_1629 = tpu.memref_slice %arg4[%mul3A_1625, %dma_start3A_1628] : memref<32832x768xf32, #tpu.memory_space<hbm>> -> memref<64x768xf32, #tpu.memory_space<hbm>>
    tpu.enqueue_dma source(%arg15 : memref<64x768xf32, #tpu.memory_space<vmem>>) target(%dma_start3A_1629 : memref<64x768xf32, #tpu.memory_space<hbm>>) target_semaphore(%arg25 : memref<!tpu.dma_semaphore, #tpu.memory_space<semaphore_mem>>)
    %add3A_1630 = arith.constant 13 : i32
    %add3A_1631 = arith.addi %mul3A_2, %add3A_1630 : i32
    %mul3A_1632 = arith.constant 64 : i32
    %mul3A_1633 = arith.muli %add3A_1631, %mul3A_1632 : i32
    %dma_wait3A_1634 = arith.constant 0 : i32
    %dma_wait3A_1635 = tpu.memref_slice %arg4[%mul3A_1633, %dma_wait3A_1634] : memref<32832x768xf32, #tpu.memory_space<hbm>> -> memref<64x768xf32, #tpu.memory_space<hbm>>
    %dma_wait3A_1636 = arith.constant 0 : i32
    %dma_wait3A_1637 = tpu.memref_slice %arg4[%mul3A_1633, %dma_wait3A_1636] : memref<32832x768xf32, #tpu.memory_space<hbm>> -> memref<64x768xf32, #tpu.memory_space<hbm>>
    tpu.wait_dma2 semaphore(%arg25 : memref<!tpu.dma_semaphore, #tpu.memory_space<semaphore_mem>>) src(%arg15 : memref<64x768xf32, #tpu.memory_space<vmem>>) dst(%dma_wait3A_1637 : memref<64x768xf32, #tpu.memory_space<hbm>>)
    %broadcast_in_dim3A_1638 = arith.constant 0 : i32
    %broadcast_in_dim3A_1639 = vector.broadcast %broadcast_in_dim3A_1638 : i32 to vector<16xi32>
    %add3A_1640 = arith.addi %broadcast_in_dim3A_1639, %iota3A : vector<16xi32>
    %broadcast_in_dim3A_1641 = arith.constant 15 : i32
    %broadcast_in_dim3A_1642 = vector.broadcast %broadcast_in_dim3A_1641 : i32 to vector<16xi32>
    %gather3A_1643 = tpu.vector_load_idx %arg5[%broadcast_in_dim3A_1642, %add3A_1640] : memref<16x64xi32, #tpu.memory_space<vmem>>[vector<16xi32>, vector<16xi32>], vector<16xi32>,
    %mul3A_1644 = arith.constant 64 : i32
    %mul3A_1645 = vector.broadcast %mul3A_1644 : i32 to vector<16xi32>
    %mul3A_1646 = arith.muli %gather3A_1643, %mul3A_1645 : vector<16xi32>
    %add3A_1647 = arith.addi %mul3A_1646, %add3A_1640 : vector<16xi32>
    %swap3A_1648 = arith.constant 0 : index
    %swap3A_1649 = tpu.vector_load %arg10[%swap3A_1648] {strides = array<i32>} : memref<16xi32, #tpu.memory_space<vmem>>, vector<16xi32>,
    tpu.vector_store %arg10[%swap3A_1648], %add3A_1647 {strides = array<i32>} : memref<16xi32, #tpu.memory_space<vmem>>, vector<16xi32>,
    %dma_start3A_1650 = arith.constant 0 : i32
    %dma_start3A_1651 = arith.constant 0 : i32
    %dma_start3A_1652 = tpu.memref_slice %arg15[%dma_start3A_1650, %dma_start3A_1651] : memref<64x768xf32, #tpu.memory_space<vmem>> -> memref<16x768xf32, #tpu.memory_space<vmem>>
    %dma_start3A_1653 = arith.constant 0 : i32
    %dma_start3A_1654 = arith.constant 0 : i32
    %dma_start3A_1655 = tpu.memref_slice %arg2[%dma_start3A_1653, %dma_start3A_1654] : memref<65600x768xf32, #tpu.memory_space<hbm>> -> memref<65600x768xf32, #tpu.memory_space<hbm>>
    tpu.enqueue_indirect_dma source(%dma_start3A_1655 : memref<65600x768xf32, #tpu.memory_space<hbm>>) target(%dma_start3A_1652 : memref<16x768xf32, #tpu.memory_space<vmem>>) offsets(%arg10 : memref<16xi32, #tpu.memory_space<vmem>>) semaphore(%arg20 : memref<!tpu.dma_semaphore, #tpu.memory_space<semaphore_mem>>)
    %broadcast_in_dim3A_1656 = arith.constant 16 : i32
    %broadcast_in_dim3A_1657 = vector.broadcast %broadcast_in_dim3A_1656 : i32 to vector<16xi32>
    %add3A_1658 = arith.addi %broadcast_in_dim3A_1657, %iota3A : vector<16xi32>
    %broadcast_in_dim3A_1659 = arith.constant 15 : i32
    %broadcast_in_dim3A_1660 = vector.broadcast %broadcast_in_dim3A_1659 : i32 to vector<16xi32>
    %gather3A_1661 = tpu.vector_load_idx %arg5[%broadcast_in_dim3A_1660, %add3A_1658] : memref<16x64xi32, #tpu.memory_space<vmem>>[vector<16xi32>, vector<16xi32>], vector<16xi32>,
    %mul3A_1662 = arith.constant 64 : i32
    %mul3A_1663 = vector.broadcast %mul3A_1662 : i32 to vector<16xi32>
    %mul3A_1664 = arith.muli %gather3A_1661, %mul3A_1663 : vector<16xi32>
    %add3A_1665 = arith.addi %mul3A_1664, %add3A_1658 : vector<16xi32>
    %swap3A_1666 = arith.constant 0 : index
    %swap3A_1667 = tpu.vector_load %arg11[%swap3A_1666] {strides = array<i32>} : memref<16xi32, #tpu.memory_space<vmem>>, vector<16xi32>,
    tpu.vector_store %arg11[%swap3A_1666], %add3A_1665 {strides = array<i32>} : memref<16xi32, #tpu.memory_space<vmem>>, vector<16xi32>,
    %dma_start3A_1668 = arith.constant 16 : i32
    %dma_start3A_1669 = arith.constant 0 : i32
    %dma_start3A_1670 = tpu.memref_slice %arg15[%dma_start3A_1668, %dma_start3A_1669] : memref<64x768xf32, #tpu.memory_space<vmem>> -> memref<16x768xf32, #tpu.memory_space<vmem>>
    %dma_start3A_1671 = arith.constant 0 : i32
    %dma_start3A_1672 = arith.constant 0 : i32
    %dma_start3A_1673 = tpu.memref_slice %arg2[%dma_start3A_1671, %dma_start3A_1672] : memref<65600x768xf32, #tpu.memory_space<hbm>> -> memref<65600x768xf32, #tpu.memory_space<hbm>>
    tpu.enqueue_indirect_dma source(%dma_start3A_1673 : memref<65600x768xf32, #tpu.memory_space<hbm>>) target(%dma_start3A_1670 : memref<16x768xf32, #tpu.memory_space<vmem>>) offsets(%arg11 : memref<16xi32, #tpu.memory_space<vmem>>) semaphore(%arg21 : memref<!tpu.dma_semaphore, #tpu.memory_space<semaphore_mem>>)
    %broadcast_in_dim3A_1674 = arith.constant 32 : i32
    %broadcast_in_dim3A_1675 = vector.broadcast %broadcast_in_dim3A_1674 : i32 to vector<16xi32>
    %add3A_1676 = arith.addi %broadcast_in_dim3A_1675, %iota3A : vector<16xi32>
    %broadcast_in_dim3A_1677 = arith.constant 15 : i32
    %broadcast_in_dim3A_1678 = vector.broadcast %broadcast_in_dim3A_1677 : i32 to vector<16xi32>
    %gather3A_1679 = tpu.vector_load_idx %arg5[%broadcast_in_dim3A_1678, %add3A_1676] : memref<16x64xi32, #tpu.memory_space<vmem>>[vector<16xi32>, vector<16xi32>], vector<16xi32>,
    %mul3A_1680 = arith.constant 64 : i32
    %mul3A_1681 = vector.broadcast %mul3A_1680 : i32 to vector<16xi32>
    %mul3A_1682 = arith.muli %gather3A_1679, %mul3A_1681 : vector<16xi32>
    %add3A_1683 = arith.addi %mul3A_1682, %add3A_1676 : vector<16xi32>
    %swap3A_1684 = arith.constant 0 : index
    %swap3A_1685 = tpu.vector_load %arg12[%swap3A_1684] {strides = array<i32>} : memref<16xi32, #tpu.memory_space<vmem>>, vector<16xi32>,
    tpu.vector_store %arg12[%swap3A_1684], %add3A_1683 {strides = array<i32>} : memref<16xi32, #tpu.memory_space<vmem>>, vector<16xi32>,
    %dma_start3A_1686 = arith.constant 32 : i32
    %dma_start3A_1687 = arith.constant 0 : i32
    %dma_start3A_1688 = tpu.memref_slice %arg15[%dma_start3A_1686, %dma_start3A_1687] : memref<64x768xf32, #tpu.memory_space<vmem>> -> memref<16x768xf32, #tpu.memory_space<vmem>>
    %dma_start3A_1689 = arith.constant 0 : i32
    %dma_start3A_1690 = arith.constant 0 : i32
    %dma_start3A_1691 = tpu.memref_slice %arg2[%dma_start3A_1689, %dma_start3A_1690] : memref<65600x768xf32, #tpu.memory_space<hbm>> -> memref<65600x768xf32, #tpu.memory_space<hbm>>
    tpu.enqueue_indirect_dma source(%dma_start3A_1691 : memref<65600x768xf32, #tpu.memory_space<hbm>>) target(%dma_start3A_1688 : memref<16x768xf32, #tpu.memory_space<vmem>>) offsets(%arg12 : memref<16xi32, #tpu.memory_space<vmem>>) semaphore(%arg22 : memref<!tpu.dma_semaphore, #tpu.memory_space<semaphore_mem>>)
    %broadcast_in_dim3A_1692 = arith.constant 48 : i32
    %broadcast_in_dim3A_1693 = vector.broadcast %broadcast_in_dim3A_1692 : i32 to vector<16xi32>
    %add3A_1694 = arith.addi %broadcast_in_dim3A_1693, %iota3A : vector<16xi32>
    %broadcast_in_dim3A_1695 = arith.constant 15 : i32
    %broadcast_in_dim3A_1696 = vector.broadcast %broadcast_in_dim3A_1695 : i32 to vector<16xi32>
    %gather3A_1697 = tpu.vector_load_idx %arg5[%broadcast_in_dim3A_1696, %add3A_1694] : memref<16x64xi32, #tpu.memory_space<vmem>>[vector<16xi32>, vector<16xi32>], vector<16xi32>,
    %mul3A_1698 = arith.constant 64 : i32
    %mul3A_1699 = vector.broadcast %mul3A_1698 : i32 to vector<16xi32>
    %mul3A_1700 = arith.muli %gather3A_1697, %mul3A_1699 : vector<16xi32>
    %add3A_1701 = arith.addi %mul3A_1700, %add3A_1694 : vector<16xi32>
    %swap3A_1702 = arith.constant 0 : index
    %swap3A_1703 = tpu.vector_load %arg13[%swap3A_1702] {strides = array<i32>} : memref<16xi32, #tpu.memory_space<vmem>>, vector<16xi32>,
    tpu.vector_store %arg13[%swap3A_1702], %add3A_1701 {strides = array<i32>} : memref<16xi32, #tpu.memory_space<vmem>>, vector<16xi32>,
    %dma_start3A_1704 = arith.constant 48 : i32
    %dma_start3A_1705 = arith.constant 0 : i32
    %dma_start3A_1706 = tpu.memref_slice %arg15[%dma_start3A_1704, %dma_start3A_1705] : memref<64x768xf32, #tpu.memory_space<vmem>> -> memref<16x768xf32, #tpu.memory_space<vmem>>
    %dma_start3A_1707 = arith.constant 0 : i32
    %dma_start3A_1708 = arith.constant 0 : i32
    %dma_start3A_1709 = tpu.memref_slice %arg2[%dma_start3A_1707, %dma_start3A_1708] : memref<65600x768xf32, #tpu.memory_space<hbm>> -> memref<65600x768xf32, #tpu.memory_space<hbm>>
    tpu.enqueue_indirect_dma source(%dma_start3A_1709 : memref<65600x768xf32, #tpu.memory_space<hbm>>) target(%dma_start3A_1706 : memref<16x768xf32, #tpu.memory_space<vmem>>) offsets(%arg13 : memref<16xi32, #tpu.memory_space<vmem>>) semaphore(%arg23 : memref<!tpu.dma_semaphore, #tpu.memory_space<semaphore_mem>>)
    %dma_wait3A_1710 = arith.constant 0 : i32
    %dma_wait3A_1711 = arith.constant 0 : i32
    %dma_wait3A_1712 = tpu.memref_slice %arg14[%dma_wait3A_1710, %dma_wait3A_1711] : memref<64x768xf32, #tpu.memory_space<vmem>> -> memref<16x768xf32, #tpu.memory_space<vmem>>
    %dma_wait3A_1713 = arith.constant 0 : i32
    %dma_wait3A_1714 = arith.constant 0 : i32
    %dma_wait3A_1715 = tpu.memref_slice %arg2[%dma_wait3A_1713, %dma_wait3A_1714] : memref<65600x768xf32, #tpu.memory_space<hbm>> -> memref<65600x768xf32, #tpu.memory_space<hbm>>
    tpu.wait_indirect_dma semaphore(%arg16 : memref<!tpu.dma_semaphore, #tpu.memory_space<semaphore_mem>>) src(%dma_wait3A_1715 : memref<65600x768xf32, #tpu.memory_space<hbm>>) dst(%dma_wait3A_1712 : memref<16x768xf32, #tpu.memory_space<vmem>>)
    %dma_wait3A_1716 = arith.constant 16 : i32
    %dma_wait3A_1717 = arith.constant 0 : i32
    %dma_wait3A_1718 = tpu.memref_slice %arg14[%dma_wait3A_1716, %dma_wait3A_1717] : memref<64x768xf32, #tpu.memory_space<vmem>> -> memref<16x768xf32, #tpu.memory_space<vmem>>
    %dma_wait3A_1719 = arith.constant 0 : i32
    %dma_wait3A_1720 = arith.constant 0 : i32
    %dma_wait3A_1721 = tpu.memref_slice %arg2[%dma_wait3A_1719, %dma_wait3A_1720] : memref<65600x768xf32, #tpu.memory_space<hbm>> -> memref<65600x768xf32, #tpu.memory_space<hbm>>
    tpu.wait_indirect_dma semaphore(%arg17 : memref<!tpu.dma_semaphore, #tpu.memory_space<semaphore_mem>>) src(%dma_wait3A_1721 : memref<65600x768xf32, #tpu.memory_space<hbm>>) dst(%dma_wait3A_1718 : memref<16x768xf32, #tpu.memory_space<vmem>>)
    %dma_wait3A_1722 = arith.constant 32 : i32
    %dma_wait3A_1723 = arith.constant 0 : i32
    %dma_wait3A_1724 = tpu.memref_slice %arg14[%dma_wait3A_1722, %dma_wait3A_1723] : memref<64x768xf32, #tpu.memory_space<vmem>> -> memref<16x768xf32, #tpu.memory_space<vmem>>
    %dma_wait3A_1725 = arith.constant 0 : i32
    %dma_wait3A_1726 = arith.constant 0 : i32
    %dma_wait3A_1727 = tpu.memref_slice %arg2[%dma_wait3A_1725, %dma_wait3A_1726] : memref<65600x768xf32, #tpu.memory_space<hbm>> -> memref<65600x768xf32, #tpu.memory_space<hbm>>
    tpu.wait_indirect_dma semaphore(%arg18 : memref<!tpu.dma_semaphore, #tpu.memory_space<semaphore_mem>>) src(%dma_wait3A_1727 : memref<65600x768xf32, #tpu.memory_space<hbm>>) dst(%dma_wait3A_1724 : memref<16x768xf32, #tpu.memory_space<vmem>>)
    %dma_wait3A_1728 = arith.constant 48 : i32
    %dma_wait3A_1729 = arith.constant 0 : i32
    %dma_wait3A_1730 = tpu.memref_slice %arg14[%dma_wait3A_1728, %dma_wait3A_1729] : memref<64x768xf32, #tpu.memory_space<vmem>> -> memref<16x768xf32, #tpu.memory_space<vmem>>
    %dma_wait3A_1731 = arith.constant 0 : i32
    %dma_wait3A_1732 = arith.constant 0 : i32
    %dma_wait3A_1733 = tpu.memref_slice %arg2[%dma_wait3A_1731, %dma_wait3A_1732] : memref<65600x768xf32, #tpu.memory_space<hbm>> -> memref<65600x768xf32, #tpu.memory_space<hbm>>
    tpu.wait_indirect_dma semaphore(%arg19 : memref<!tpu.dma_semaphore, #tpu.memory_space<semaphore_mem>>) src(%dma_wait3A_1733 : memref<65600x768xf32, #tpu.memory_space<hbm>>) dst(%dma_wait3A_1730 : memref<16x768xf32, #tpu.memory_space<vmem>>)
    %add3A_1734 = arith.constant 14 : i32
    %add3A_1735 = arith.addi %mul3A_2, %add3A_1734 : i32
    %mul3A_1736 = arith.constant 64 : i32
    %mul3A_1737 = arith.muli %add3A_1735, %mul3A_1736 : i32
    %dma_start3A_1738 = arith.constant 0 : i32
    %dma_start3A_1739 = tpu.memref_slice %arg4[%mul3A_1737, %dma_start3A_1738] : memref<32832x768xf32, #tpu.memory_space<hbm>> -> memref<64x768xf32, #tpu.memory_space<hbm>>
    %dma_start3A_1740 = arith.constant 0 : i32
    %dma_start3A_1741 = tpu.memref_slice %arg4[%mul3A_1737, %dma_start3A_1740] : memref<32832x768xf32, #tpu.memory_space<hbm>> -> memref<64x768xf32, #tpu.memory_space<hbm>>
    tpu.enqueue_dma source(%arg14 : memref<64x768xf32, #tpu.memory_space<vmem>>) target(%dma_start3A_1741 : memref<64x768xf32, #tpu.memory_space<hbm>>) target_semaphore(%arg24 : memref<!tpu.dma_semaphore, #tpu.memory_space<semaphore_mem>>)
    %dma_wait3A_1742 = arith.constant 0 : i32
    %dma_wait3A_1743 = arith.constant 0 : i32
    %dma_wait3A_1744 = tpu.memref_slice %arg15[%dma_wait3A_1742, %dma_wait3A_1743] : memref<64x768xf32, #tpu.memory_space<vmem>> -> memref<16x768xf32, #tpu.memory_space<vmem>>
    %dma_wait3A_1745 = arith.constant 0 : i32
    %dma_wait3A_1746 = arith.constant 0 : i32
    %dma_wait3A_1747 = tpu.memref_slice %arg2[%dma_wait3A_1745, %dma_wait3A_1746] : memref<65600x768xf32, #tpu.memory_space<hbm>> -> memref<65600x768xf32, #tpu.memory_space<hbm>>
    tpu.wait_indirect_dma semaphore(%arg20 : memref<!tpu.dma_semaphore, #tpu.memory_space<semaphore_mem>>) src(%dma_wait3A_1747 : memref<65600x768xf32, #tpu.memory_space<hbm>>) dst(%dma_wait3A_1744 : memref<16x768xf32, #tpu.memory_space<vmem>>)
    %dma_wait3A_1748 = arith.constant 16 : i32
    %dma_wait3A_1749 = arith.constant 0 : i32
    %dma_wait3A_1750 = tpu.memref_slice %arg15[%dma_wait3A_1748, %dma_wait3A_1749] : memref<64x768xf32, #tpu.memory_space<vmem>> -> memref<16x768xf32, #tpu.memory_space<vmem>>
    %dma_wait3A_1751 = arith.constant 0 : i32
    %dma_wait3A_1752 = arith.constant 0 : i32
    %dma_wait3A_1753 = tpu.memref_slice %arg2[%dma_wait3A_1751, %dma_wait3A_1752] : memref<65600x768xf32, #tpu.memory_space<hbm>> -> memref<65600x768xf32, #tpu.memory_space<hbm>>
    tpu.wait_indirect_dma semaphore(%arg21 : memref<!tpu.dma_semaphore, #tpu.memory_space<semaphore_mem>>) src(%dma_wait3A_1753 : memref<65600x768xf32, #tpu.memory_space<hbm>>) dst(%dma_wait3A_1750 : memref<16x768xf32, #tpu.memory_space<vmem>>)
    %dma_wait3A_1754 = arith.constant 32 : i32
    %dma_wait3A_1755 = arith.constant 0 : i32
    %dma_wait3A_1756 = tpu.memref_slice %arg15[%dma_wait3A_1754, %dma_wait3A_1755] : memref<64x768xf32, #tpu.memory_space<vmem>> -> memref<16x768xf32, #tpu.memory_space<vmem>>
    %dma_wait3A_1757 = arith.constant 0 : i32
    %dma_wait3A_1758 = arith.constant 0 : i32
    %dma_wait3A_1759 = tpu.memref_slice %arg2[%dma_wait3A_1757, %dma_wait3A_1758] : memref<65600x768xf32, #tpu.memory_space<hbm>> -> memref<65600x768xf32, #tpu.memory_space<hbm>>
    tpu.wait_indirect_dma semaphore(%arg22 : memref<!tpu.dma_semaphore, #tpu.memory_space<semaphore_mem>>) src(%dma_wait3A_1759 : memref<65600x768xf32, #tpu.memory_space<hbm>>) dst(%dma_wait3A_1756 : memref<16x768xf32, #tpu.memory_space<vmem>>)
    %dma_wait3A_1760 = arith.constant 48 : i32
    %dma_wait3A_1761 = arith.constant 0 : i32
    %dma_wait3A_1762 = tpu.memref_slice %arg15[%dma_wait3A_1760, %dma_wait3A_1761] : memref<64x768xf32, #tpu.memory_space<vmem>> -> memref<16x768xf32, #tpu.memory_space<vmem>>
    %dma_wait3A_1763 = arith.constant 0 : i32
    %dma_wait3A_1764 = arith.constant 0 : i32
    %dma_wait3A_1765 = tpu.memref_slice %arg2[%dma_wait3A_1763, %dma_wait3A_1764] : memref<65600x768xf32, #tpu.memory_space<hbm>> -> memref<65600x768xf32, #tpu.memory_space<hbm>>
    tpu.wait_indirect_dma semaphore(%arg23 : memref<!tpu.dma_semaphore, #tpu.memory_space<semaphore_mem>>) src(%dma_wait3A_1765 : memref<65600x768xf32, #tpu.memory_space<hbm>>) dst(%dma_wait3A_1762 : memref<16x768xf32, #tpu.memory_space<vmem>>)
    %add3A_1766 = arith.constant 15 : i32
    %add3A_1767 = arith.addi %mul3A_2, %add3A_1766 : i32
    %mul3A_1768 = arith.constant 64 : i32
    %mul3A_1769 = arith.muli %add3A_1767, %mul3A_1768 : i32
    %dma_start3A_1770 = arith.constant 0 : i32
    %dma_start3A_1771 = tpu.memref_slice %arg4[%mul3A_1769, %dma_start3A_1770] : memref<32832x768xf32, #tpu.memory_space<hbm>> -> memref<64x768xf32, #tpu.memory_space<hbm>>
    %dma_start3A_1772 = arith.constant 0 : i32
    %dma_start3A_1773 = tpu.memref_slice %arg4[%mul3A_1769, %dma_start3A_1772] : memref<32832x768xf32, #tpu.memory_space<hbm>> -> memref<64x768xf32, #tpu.memory_space<hbm>>
    tpu.enqueue_dma source(%arg15 : memref<64x768xf32, #tpu.memory_space<vmem>>) target(%dma_start3A_1773 : memref<64x768xf32, #tpu.memory_space<hbm>>) target_semaphore(%arg25 : memref<!tpu.dma_semaphore, #tpu.memory_space<semaphore_mem>>)
    %add3A_1774 = arith.constant 14 : i32
    %add3A_1775 = arith.addi %mul3A_2, %add3A_1774 : i32
    %mul3A_1776 = arith.constant 64 : i32
    %mul3A_1777 = arith.muli %add3A_1775, %mul3A_1776 : i32
    %dma_wait3A_1778 = arith.constant 0 : i32
    %dma_wait3A_1779 = tpu.memref_slice %arg4[%mul3A_1777, %dma_wait3A_1778] : memref<32832x768xf32, #tpu.memory_space<hbm>> -> memref<64x768xf32, #tpu.memory_space<hbm>>
    %dma_wait3A_1780 = arith.constant 0 : i32
    %dma_wait3A_1781 = tpu.memref_slice %arg4[%mul3A_1777, %dma_wait3A_1780] : memref<32832x768xf32, #tpu.memory_space<hbm>> -> memref<64x768xf32, #tpu.memory_space<hbm>>
    tpu.wait_dma2 semaphore(%arg24 : memref<!tpu.dma_semaphore, #tpu.memory_space<semaphore_mem>>) src(%arg14 : memref<64x768xf32, #tpu.memory_space<vmem>>) dst(%dma_wait3A_1781 : memref<64x768xf32, #tpu.memory_space<hbm>>)
    %add3A_1782 = arith.constant 15 : i32
    %add3A_1783 = arith.addi %mul3A_2, %add3A_1782 : i32
    %mul3A_1784 = arith.constant 64 : i32
    %mul3A_1785 = arith.muli %add3A_1783, %mul3A_1784 : i32
    %dma_wait3A_1786 = arith.constant 0 : i32
    %dma_wait3A_1787 = tpu.memref_slice %arg4[%mul3A_1785, %dma_wait3A_1786] : memref<32832x768xf32, #tpu.memory_space<hbm>> -> memref<64x768xf32, #tpu.memory_space<hbm>>
    %dma_wait3A_1788 = arith.constant 0 : i32
    %dma_wait3A_1789 = tpu.memref_slice %arg4[%mul3A_1785, %dma_wait3A_1788] : memref<32832x768xf32, #tpu.memory_space<hbm>> -> memref<64x768xf32, #tpu.memory_space<hbm>>
    tpu.wait_dma2 semaphore(%arg25 : memref<!tpu.dma_semaphore, #tpu.memory_space<semaphore_mem>>) src(%arg15 : memref<64x768xf32, #tpu.memory_space<vmem>>) dst(%dma_wait3A_1789 : memref<64x768xf32, #tpu.memory_space<hbm>>)
    %lt3A = arith.constant 8 : i32
    %lt3A_1790 = arith.cmpi slt, %add3A, %lt3A : i32
    %convert_element_type3A = arith.extui %lt3A_1790 : i1 to i32
    %cond3A = arith.constant 0 : i32
    %cond3A_1791 = arith.cmpi ne, %convert_element_type3A, %cond3A : i32
    scf.if %cond3A_1791 {
      "tpu.region"() ({
        %run_scoped3A = tpu.sem_alloc : memref<!tpu.dma_semaphore, #tpu.memory_space<semaphore_mem>>
        %dma_start3A_1848 = arith.constant 0 : i32
        %dma_start3A_1849 = arith.constant 0 : i32
        %dma_start3A_1850 = tpu.memref_slice %arg5[%dma_start3A_1848, %dma_start3A_1849] : memref<16x64xi32, #tpu.memory_space<vmem>> -> memref<8x64xi32, #tpu.memory_space<vmem>>
        %dma_start3A_1851 = arith.constant 512 : i32
        %dma_start3A_1852 = arith.constant 0 : i32
        %dma_start3A_1853 = tpu.memref_slice %arg3[%dma_start3A_1851, %dma_start3A_1852] : memref<1024x64xi32, #tpu.memory_space<hbm>> -> memref<8x64xi32, #tpu.memory_space<hbm>>
        %dma_start3A_1854 = arith.constant 0 : i32
        %dma_start3A_1855 = arith.constant 0 : i32
        %dma_start3A_1856 = tpu.memref_slice %arg5[%dma_start3A_1854, %dma_start3A_1855] : memref<16x64xi32, #tpu.memory_space<vmem>> -> memref<8x64xi32, #tpu.memory_space<vmem>>
        %dma_start3A_1857 = arith.constant 512 : i32
        %dma_start3A_1858 = arith.constant 0 : i32
        %dma_start3A_1859 = tpu.memref_slice %arg3[%dma_start3A_1857, %dma_start3A_1858] : memref<1024x64xi32, #tpu.memory_space<hbm>> -> memref<8x64xi32, #tpu.memory_space<hbm>>
        tpu.enqueue_dma source(%dma_start3A_1859 : memref<8x64xi32, #tpu.memory_space<hbm>>) target(%dma_start3A_1856 : memref<8x64xi32, #tpu.memory_space<vmem>>) target_semaphore(%run_scoped3A : memref<!tpu.dma_semaphore, #tpu.memory_space<semaphore_mem>>)
        %dma_wait3A_1860 = arith.constant 0 : i32
        %dma_wait3A_1861 = arith.constant 0 : i32
        %dma_wait3A_1862 = tpu.memref_slice %arg5[%dma_wait3A_1860, %dma_wait3A_1861] : memref<16x64xi32, #tpu.memory_space<vmem>> -> memref<8x64xi32, #tpu.memory_space<vmem>>
        %dma_wait3A_1863 = arith.constant 512 : i32
        %dma_wait3A_1864 = arith.constant 0 : i32
        %dma_wait3A_1865 = tpu.memref_slice %arg3[%dma_wait3A_1863, %dma_wait3A_1864] : memref<1024x64xi32, #tpu.memory_space<hbm>> -> memref<8x64xi32, #tpu.memory_space<hbm>>
        %dma_wait3A_1866 = arith.constant 0 : i32
        %dma_wait3A_1867 = arith.constant 0 : i32
        %dma_wait3A_1868 = tpu.memref_slice %arg5[%dma_wait3A_1866, %dma_wait3A_1867] : memref<16x64xi32, #tpu.memory_space<vmem>> -> memref<8x64xi32, #tpu.memory_space<vmem>>
        %dma_wait3A_1869 = arith.constant 512 : i32
        %dma_wait3A_1870 = arith.constant 0 : i32
        %dma_wait3A_1871 = tpu.memref_slice %arg3[%dma_wait3A_1869, %dma_wait3A_1870] : memref<1024x64xi32, #tpu.memory_space<hbm>> -> memref<8x64xi32, #tpu.memory_space<hbm>>
        tpu.wait_dma2 semaphore(%run_scoped3A : memref<!tpu.dma_semaphore, #tpu.memory_space<semaphore_mem>>) src(%dma_wait3A_1871 : memref<8x64xi32, #tpu.memory_space<hbm>>) dst(%dma_wait3A_1868 : memref<8x64xi32, #tpu.memory_space<vmem>>)
        tpu.yield
      }) : () -> ()
      %mul3A_1792 = arith.constant 8 : i32
      %mul3A_1793 = arith.muli %add3A, %mul3A_1792 : i32
      %add3A_1794 = vector.broadcast %mul3A_1793 : i32 to vector<16xi32>
      %add3A_1795 = arith.addi %add3A_1794, %iota3A : vector<16xi32>
      %broadcast_in_dim3A_1796 = arith.constant 0 : i32
      %broadcast_in_dim3A_1797 = vector.broadcast %broadcast_in_dim3A_1796 : i32 to vector<16xi32>
      %broadcast_in_dim3A_1798 = arith.constant 8 : i32
      %broadcast_in_dim3A_1799 = vector.broadcast %broadcast_in_dim3A_1798 : i32 to vector<16xi32>
      %lt3A_1800 = arith.cmpi slt, %iota3A, %broadcast_in_dim3A_1799 : vector<16xi32>
      %gather3A_1801 = tpu.vector_load_idx %arg5[%broadcast_in_dim3A_1797, %add3A_1795] masked %lt3A_1800 : memref<16x64xi32, #tpu.memory_space<vmem>>[vector<16xi32>, vector<16xi32>], vector<16xi32>, vector<16xi1>
      %mul3A_1802 = arith.constant 64 : i32
      %mul3A_1803 = vector.broadcast %mul3A_1802 : i32 to vector<16xi32>
      %mul3A_1804 = arith.muli %gather3A_1801, %mul3A_1803 : vector<16xi32>
      %add3A_1805 = arith.addi %mul3A_1804, %add3A_1795 : vector<16xi32>
      %swap3A_1806 = arith.constant 0 : index
      %swap3A_1807 = tpu.vector_load %arg6[%swap3A_1806] {strides = array<i32>} : memref<16xi32, #tpu.memory_space<vmem>>, vector<16xi32>,
      tpu.vector_store %arg6[%swap3A_1806], %add3A_1805 {strides = array<i32>} : memref<16xi32, #tpu.memory_space<vmem>>, vector<16xi32>,
      %dma_start3A_1808 = arith.constant 0 : i32
      %dma_start3A_1809 = arith.constant 0 : i32
      %dma_start3A_1810 = tpu.memref_slice %arg14[%dma_start3A_1808, %dma_start3A_1809] : memref<64x768xf32, #tpu.memory_space<vmem>> -> memref<8x768xf32, #tpu.memory_space<vmem>>
      %dma_start3A_1811 = arith.constant 0 : i32
      %dma_start3A_1812 = tpu.memref_slice %arg6[%dma_start3A_1811] : memref<16xi32, #tpu.memory_space<vmem>> -> memref<8xi32, #tpu.memory_space<vmem>>
      %dma_start3A_1813 = arith.constant 0 : i32
      %dma_start3A_1814 = arith.constant 0 : i32
      %dma_start3A_1815 = tpu.memref_slice %arg2[%dma_start3A_1813, %dma_start3A_1814] : memref<65600x768xf32, #tpu.memory_space<hbm>> -> memref<65600x768xf32, #tpu.memory_space<hbm>>
      tpu.enqueue_indirect_dma source(%dma_start3A_1815 : memref<65600x768xf32, #tpu.memory_space<hbm>>) target(%dma_start3A_1810 : memref<8x768xf32, #tpu.memory_space<vmem>>) offsets(%dma_start3A_1812 : memref<8xi32, #tpu.memory_space<vmem>>) semaphore(%arg16 : memref<!tpu.dma_semaphore, #tpu.memory_space<semaphore_mem>>)
      %dma_wait3A_1816 = arith.constant 0 : i32
      %dma_wait3A_1817 = arith.constant 0 : i32
      %dma_wait3A_1818 = tpu.memref_slice %arg14[%dma_wait3A_1816, %dma_wait3A_1817] : memref<64x768xf32, #tpu.memory_space<vmem>> -> memref<8x768xf32, #tpu.memory_space<vmem>>
      %dma_wait3A_1819 = arith.constant 0 : i32
      %dma_wait3A_1820 = tpu.memref_slice %arg6[%dma_wait3A_1819] : memref<16xi32, #tpu.memory_space<vmem>> -> memref<8xi32, #tpu.memory_space<vmem>>
      %dma_wait3A_1821 = arith.constant 0 : i32
      %dma_wait3A_1822 = arith.constant 0 : i32
      %dma_wait3A_1823 = tpu.memref_slice %arg2[%dma_wait3A_1821, %dma_wait3A_1822] : memref<65600x768xf32, #tpu.memory_space<hbm>> -> memref<65600x768xf32, #tpu.memory_space<hbm>>
      tpu.wait_indirect_dma semaphore(%arg16 : memref<!tpu.dma_semaphore, #tpu.memory_space<semaphore_mem>>) src(%dma_wait3A_1823 : memref<65600x768xf32, #tpu.memory_space<hbm>>) dst(%dma_wait3A_1818 : memref<8x768xf32, #tpu.memory_space<vmem>>)
      %mul3A_1824 = arith.constant 8 : i32
      %mul3A_1825 = arith.muli %add3A, %mul3A_1824 : i32
      %add3A_1826 = arith.constant 32768 : i32
      %add3A_1827 = arith.addi %add3A_1826, %mul3A_1825 : i32
      %dma_start3A_1828 = arith.constant 0 : i32
      %dma_start3A_1829 = arith.constant 0 : i32
      %dma_start3A_1830 = tpu.memref_slice %arg14[%dma_start3A_1828, %dma_start3A_1829] : memref<64x768xf32, #tpu.memory_space<vmem>> -> memref<8x768xf32, #tpu.memory_space<vmem>>
      %dma_start3A_1831 = arith.constant 0 : i32
      %dma_start3A_1832 = tpu.memref_slice %arg4[%add3A_1827, %dma_start3A_1831] : memref<32832x768xf32, #tpu.memory_space<hbm>> -> memref<8x768xf32, #tpu.memory_space<hbm>>
      %dma_start3A_1833 = arith.constant 0 : i32
      %dma_start3A_1834 = tpu.memref_slice %arg4[%add3A_1827, %dma_start3A_1833] : memref<32832x768xf32, #tpu.memory_space<hbm>> -> memref<8x768xf32, #tpu.memory_space<hbm>>
      %dma_start3A_1835 = arith.constant 0 : i32
      %dma_start3A_1836 = arith.constant 0 : i32
      %dma_start3A_1837 = tpu.memref_slice %arg14[%dma_start3A_1835, %dma_start3A_1836] : memref<64x768xf32, #tpu.memory_space<vmem>> -> memref<8x768xf32, #tpu.memory_space<vmem>>
      tpu.enqueue_dma source(%dma_start3A_1837 : memref<8x768xf32, #tpu.memory_space<vmem>>) target(%dma_start3A_1834 : memref<8x768xf32, #tpu.memory_space<hbm>>) target_semaphore(%arg24 : memref<!tpu.dma_semaphore, #tpu.memory_space<semaphore_mem>>)
      %dma_wait3A_1838 = arith.constant 0 : i32
      %dma_wait3A_1839 = arith.constant 0 : i32
      %dma_wait3A_1840 = tpu.memref_slice %arg14[%dma_wait3A_1838, %dma_wait3A_1839] : memref<64x768xf32, #tpu.memory_space<vmem>> -> memref<8x768xf32, #tpu.memory_space<vmem>>
      %dma_wait3A_1841 = arith.constant 0 : i32
      %dma_wait3A_1842 = tpu.memref_slice %arg4[%add3A_1827, %dma_wait3A_1841] : memref<32832x768xf32, #tpu.memory_space<hbm>> -> memref<8x768xf32, #tpu.memory_space<hbm>>
      %dma_wait3A_1843 = arith.constant 0 : i32
      %dma_wait3A_1844 = tpu.memref_slice %arg4[%add3A_1827, %dma_wait3A_1843] : memref<32832x768xf32, #tpu.memory_space<hbm>> -> memref<8x768xf32, #tpu.memory_space<hbm>>
      %dma_wait3A_1845 = arith.constant 0 : i32
      %dma_wait3A_1846 = arith.constant 0 : i32
      %dma_wait3A_1847 = tpu.memref_slice %arg14[%dma_wait3A_1845, %dma_wait3A_1846] : memref<64x768xf32, #tpu.memory_space<vmem>> -> memref<8x768xf32, #tpu.memory_space<vmem>>
      tpu.wait_dma2 semaphore(%arg24 : memref<!tpu.dma_semaphore, #tpu.memory_space<semaphore_mem>>) src(%dma_wait3A_1847 : memref<8x768xf32, #tpu.memory_space<vmem>>) dst(%dma_wait3A_1844 : memref<8x768xf32, #tpu.memory_space<hbm>>)
    } else {
    }
    return
  }
}

</mosaic_0001>

<sc_bundles>
// kernel: _run.4.cloned.1.call-start
scs
__scs_entry_jumppad:
0x0: {  	(pc) =	sbr.rel $0x88, $3  }
0x1: {  	(tag) =	ssettag $0x0;
	lr =	simm.s32 $0x1  }
0x2: {  	[smem:$0x3F9F] =	sst lr;
	_ =	strace $0xD0000000  }
0x3: {  	_ = 	snop  }
0x4: {  	_ = 	snop  }
0x5: {  	_ = 	snop  }
0x6: {  	_ = 	snop  }
0x7: {  	_ = 	snop  }
__scs_overlays_trampoline_lowered:
0x8: {  	[smem:$0x3FAE] =	sst s0  }
0x9: {  	[smem:$0x3FAF] =	sst s1  }
0xa: {  	[smem:$0x3FB0] =	sst s2  }
0xb: {  	[smem:$0x3FB1] =	sst s3  }
0xc: {  	[smem:$0x3FB2] =	sst s4  }
0xd: {  	[smem:$0x3FB3] =	sst s5  }
0xe: {  	[smem:$0x3FB4] =	sst s6  }
0xf: {  	[smem:$0x3FB5] =	sst s7  }
0x10: {  	[smem:$0x3FB6] =	sst s8  }
0x11: {  	[smem:$0x3FB7] =	sst s9;
	s0 =	simm.s32 @!p0 $0x0  }
0x12: {  	s1 =	sld [smem:$0x3F9D];
	s0 =	simm.s32 @p0 $0x1  }
0x13: {  	[smem:$0x3FB8] =	sst s0;
	s0 =	simm.s32 @!p1 $0x0  }
0x14: {  	s2 =	sld [smem:$0x3F9C];
	s0 =	simm.s32 @p1 $0x1  }
0x15: {  	[smem:$0x3FB9] =	sst s0;
	s0 =	simm.s32 @!p2 $0x0  }
0x16: {  	s3 =	sld [smem:$0x3FDB];
	s0 =	simm.s32 @p2 $0x1  }
0x17: {  	s4 =	simm.s32 $0x1BF5;
	[smem:$0x3FBB] =	sst s0  }
0x18: {  	s0 =	sld [smem:$0x3F9E];
	_ =	swait.ge [sflag:s4], $0x0  }
0x19: {  	s7 =	sld [smem:$0x3F9F]  }
0x1a: {  	s8 =	sadd.s32 $0xFFFFE003, lr  }
0x1b: {  	s9 =	sadd.s32 $0xFFFFFEF7, lr;
	s5 =	simm.s32 $0xFFFFFFFF;
	p2 =	slt.u32 s8, $0xFFFFF086  }
0x1c: {  	p1 =	slt.u32 s9, $0xF7A;
	s5 =	simm.s32 @!p2 $0x0  }
0x1d: {  	s5 =	simm.s32 @p1 $0x1;
	p0 =	seq.s32 s7, s2  }
0x1e: {  	s7 =	smul.u32 @!p0 $0xF7A, s2;
	p2 =	seq.s32 @!p0 s5, $0x0  }
0x1f: {  	s9 =	smul.u32 $0xF7A, s1;
	s8 =	simm.s32 @!p0 $0x1BF5;
	p2 =	por !p2, p0  }
0x20: {  	[sflag:s8] =	ssyncset.s32 @!p0 $0xFFFFF086;
	s6 =	sadd.s32 @!p0 s3, s7;
	s7 =	simm.s32 @!p0 $0x108  }
0x21: {  	s3 =	sadd.s32 s3, s9;
	s6 =	sadd.s32 @!p0 $0x88, s6;
	s7 =	simm.s32 @p2 $0x1082  }
0x22: {  	[simem:s7], [sflag:s8] =	dma.local @!p0 [hbm:s6], $0xF7A  }
0x23: {  	s9 =	sor.u32 $0xD0000000, s2;
	s6 =	simm.s32 $0x108;
	_ =	swait.ge @!p0 [sflag:s8], $0x0  }
0x24: {  	s3 =	sadd.s32 $0x88, s3;
	s6 =	simm.s32 @!p1 $0x1082;
	[sflag:s4] =	ssyncset.s32 $0xFFFFF086  }
0x25: {  	[simem:s6], [sflag:s4] =	dma.local [hbm:s3], $0xF7A  }
0x26: {  	[smem:$0x3F9F] =	sst s1;
	(tag) =	ssettag s2;
	_ =	strace s9  }
0x27: {  	s1 =	sld [smem:$0x3FAF]  }
0x28: {  	s2 =	sld [smem:$0x3FB0]  }
0x29: {  	s4 =	sld [smem:$0x3FB2]  }
0x2a: {  	p0 =	seq.s32 s5, $0x0;
	s5 =	sld [smem:$0x3FB3]  }
0x2b: {  	s6 =	sld [smem:$0x3FB4]  }
0x2c: {  	s7 =	sld [smem:$0x3FB5]  }
0x2d: {  	s3 =	simm.s32 $0x108;
	s8 =	sld [smem:$0x3FB6]  }
0x2e: {  	s3 =	simm.s32 @!p0 $0x1082;
	s9 =	sld [smem:$0x3FB7]  }
0x2f: {  	lr =	sadd.s32 s0, s3;
	s0 =	sld [smem:$0x3FAE]  }
0x30: {  	s3 =	sld [smem:$0x3FB1]  }
0x31: {  	[smem:$0x3FBA] =	sst s10  }
0x32: {  	s10 =	sld [smem:$0x3FB8];
	_ =	sdelay $0x3  }
0x33: {  	p0 =	seq.s32 s10, $0x1;
	s10 =	sld [smem:$0x3FBA];
	_ =	sdelay $0x3  }
0x34: {  	[smem:$0x3FBA] =	sst s10  }
0x35: {  	s10 =	sld [smem:$0x3FB9];
	_ =	sdelay $0x3  }
0x36: {  	p1 =	seq.s32 s10, $0x1;
	s10 =	sld [smem:$0x3FBA];
	_ =	sdelay $0x3  }
0x37: {  	[smem:$0x3FBA] =	sst s10  }
0x38: {  	s10 =	sld [smem:$0x3FBB]  }
0x39: {  	_ = 	snop;
	(pc) =	sbr.ind lr, $3  }
0x3a: {  	_ = 	snop  }
0x3b: {  	_ = 	snop  }
0x3c: {  	p2 =	seq.s32 s10, $0x1;
	s10 =	sld [smem:$0x3FBA]  }
0x3d: {  	_ =	shalt  }
0x3e: {  	_ =	shalt  }
0x3f: {  	_ =	shalt  }
0x40: {  	_ =	shalt  }
0x41: {  	_ =	shalt  }
0x42: {  	_ =	shalt  }
0x43: {  	_ =	shalt  }
0x44: {  	_ =	shalt  }
0x45: {  	_ =	shalt  }
0x46: {  	_ =	shalt  }
0x47: {  	_ =	shalt  }
0x48: {  	_ =	shalt  }
0x49: {  	_ =	shalt  }
0x4a: {  	_ =	shalt  }
0x4b: {  	_ =	shalt  }
0x4c: {  	_ =	shalt  }
0x4d: {  	_ =	shalt  }
0x4e: {  	_ =	shalt  }
0x4f: {  	_ =	shalt  }
0x50: {  	_ =	shalt  }
0x51: {  	_ =	shalt  }
0x52: {  	_ =	shalt  }
0x53: {  	_ =	shalt  }
0x54: {  	_ =	shalt  }
0x55: {  	_ =	shalt  }
0x56: {  	_ =	shalt  }
0x57: {  	_ =	shalt  }
0x58: {  	_ =	shalt  }
0x59: {  	_ =	shalt  }
0x5a: {  	_ =	shalt  }
0x5b: {  	_ =	shalt  }
0x5c: {  	_ =	shalt  }
0x5d: {  	_ =	shalt  }
0x5e: {  	_ =	shalt  }
0x5f: {  	_ =	shalt  }
0x60: {  	_ =	shalt  }
0x61: {  	_ =	shalt  }
0x62: {  	_ =	shalt  }
0x63: {  	_ =	shalt  }
0x64: {  	_ =	shalt  }
0x65: {  	_ =	shalt  }
0x66: {  	_ =	shalt  }
0x67: {  	_ =	shalt  }
0x68: {  	_ =	shalt  }
0x69: {  	_ =	shalt  }
0x6a: {  	_ =	shalt  }
0x6b: {  	_ =	shalt  }
0x6c: {  	_ =	shalt  }
0x6d: {  	_ =	shalt  }
0x6e: {  	_ =	shalt  }
0x6f: {  	_ =	shalt  }
0x70: {  	_ =	shalt  }
0x71: {  	_ =	shalt  }
0x72: {  	_ =	shalt  }
0x73: {  	_ =	shalt  }
0x74: {  	_ =	shalt  }
0x75: {  	_ =	shalt  }
0x76: {  	_ =	shalt  }
0x77: {  	_ =	shalt  }
0x78: {  	_ =	shalt  }
0x79: {  	_ =	shalt  }
0x7a: {  	_ =	shalt  }
0x7b: {  	_ =	shalt  }
0x7c: {  	_ =	shalt  }
0x7d: {  	_ =	shalt  }
0x7e: {  	_ =	shalt  }
0x7f: {  	_ =	shalt  }
0x80: {  	_ =	shalt  }
0x81: {  	_ =	shalt  }
0x82: {  	_ =	shalt  }
0x83: {  	_ =	shalt  }
0x84: {  	_ =	shalt  }
0x85: {  	_ =	shalt  }
0x86: {  	_ =	shalt  }
0x87: {  	_ =	shalt  }
.Lfunc_end0:
.L_simem_size_0:
called_computation_lowered:
.L_overlay_start_0:
0x88: {  	s2 =	sld [smem:$0x3FD9]  }
0x89: {  	s3 =	sld [smem:$0x3FFE];
	_ =	sdelay $0x1  }
0x8a: {  	s1 =	srdreg.scid  }
0x8b: {  	s0 =	sand.u32 $0x1, s1  }
0x8c: {  	s17 =	sshll.u32 s0, $0xA;
	s2 =	sadd.s32 s3, s2  }
0x8d: {  	s2 =	sadd.s32 s2, s17  }
0x8e: {  	[smem:$0x3FC6] =	sst s2  }
0x8f: {  	_ = 	snop  }
0x90: {  	s2 =	sld [smem:$0x3FD0];
	(tm) =	ssettm $0x1  }
0x91: {  	s18 =	sld [smem:$0x3FFB];
	_ =	sdelay $0x3  }
0x92: {  	_ =	strace s18  }
0x93: {  	s3 =	sld [smem:$0x3FFC];
	_ =	sdelay $0x3  }
0x94: {  	_ =	strace s3  }
0x95: {  	s3 =	sld [smem:$0x3FFD];
	_ =	sdelay $0x3  }
0x96: {  	_ =	strace s3  }
0x97: {  	_ =	strace $0x8FFFFFFF  }
0x98: {  	s19 =	sld [smem:$0x3FDB];
	_ =	sdelay $0x1  }
0x99: {  	s4 =	simm.s32 $_scs_section_size  }
0x9a: {  	s5 =	simm.s32 $_size__tile_overlayer_lowered;
	s6 =	simm.s32 $_tile_overlayer_lowered  }
0x9b: {  	s22 =	simm.s32 $0x1BFF;
	s21 =	sshll.u32 s6, $0x1;
	s3 =	sadd.s32 s4, s19  }
0x9c: {  	s7 =	simm.s32 $0x0;
	s20 =	sshll.u32 s5, $0x1;
	s5 =	sadd.s32 s21, s3  }
0x9d: {  	[timem:s7], [sflag:s22] =	dma.local [hbm:s5], s20  }
0x9e: {  	_ =	swait.ge [sflag:s22], s20  }
0x9f: {  	s4 =	ssub.s32 $0x0, s20;
	[sflag:s22] =	ssyncset.done $0x0  }
0xa0: {  	[sflag:s22] =	ssyncadd.s32 s4;
	_ =	sdelay $0x1  }
0xa1: {  	s23 =	simm.s32 $0x1B8B  }
0xa2: {  	_ =	swait.ge [sflag:s23], $0x1  }
0xa3: {  	[sflag:s23] =	ssyncset.done $0x0  }
0xa4: {  	s25 =	simm.s32 $0x1B8E;
	s24 =	sld [smem:$0x3FFE];
	[sflag:s23] =	ssyncadd.s32 $0xFFFFFFFF  }
0xa5: {  	s26 =	simm.s32 $execute0_lowered;
	[smem:$0x3FD2] =	sst s25  }
0xa6: {  	s5 =	sshll.u32 s26, $0x1;
	_ =	strace $0x80000046;
	[dreg:$0x1] =	wrdreg $0xFFFFFFFF  }
0xa7: {  	s28 =	simm.s32 $_size_execute0_lowered;
	s3 =	sadd.s32 s3, s5;
	[dreg:$0x0] =	wrdreg $0x0  }
0xa8: {  	s5 =	sshll.u32 s28, $0x1;
	[dreg:$0x2] =	wrdreg s3  }
0xa9: {  	[dreg:$0x3] =	wrdreg s5  }
0xaa: {  	[dreg:$0x4] =	wrdreg $0xC0  }
0xab: {  	_ =	task [dreg:s7], $0x5FFFF  }
0xac: {  	[dreg:$0x1] =	wrdreg $0xFFFFFFFF  }
0xad: {  	[dreg:$0x0] =	wrdreg $0x60  }
0xae: {  	[dreg:$0x2] =	wrdreg s2  }
0xaf: {  	[dreg:$0x3] =	wrdreg s24  }
0xb0: {  	[dreg:$0x4] =	wrdreg $0x9  }
0xb1: {  	_ =	task.clear_ibuf [dreg:s7], $0x5FFFF;
	_ =	strace $0x90000046  }
0xb2: {  	s29 =	simm.s32 $0x9;
	_ =	strace $0x80000048  }
0xb3: {  	_ =	swait.ge [sflag:s29], $0x1  }
0xb4: {  	[sflag:s29] =	ssyncadd.s32 $0xFFFFFFFF  }
0xb5: {  	_ =	strace $0x90000048  }
0xb6: {  	_ =	sfence  }
0xb7: {  	s30 =	sld [smem:$0x0];
	_ =	sdelay $0x2  }
0xb8: {  	s31 =	sshll.u32 s1, $0xD;
	s1 =	sshrl.u32 s1, $0x2  }
0xb9: {  	s3 =	sand.u32 $0x4000, s31;
	s1 =	sadd.s32 s1, s30  }
0xba: {  	s0 =	sor.u32 s3, s0;
	s1 =	sshll.u32 s1, $0x11  }
0xbb: {  	s0 =	sor.u32 s1, s0  }
0xbc: {  	s0 =	sadd.s32 $0x8F2B, s0  }
0xbd: {  	[sflag:s0] =	ssyncadd.remote.s32 $0x1  }
0xbe: {  	_ =	sfence.sel $0xFFFF  }
0xbf: {  	[dreg:$0x0] =	wrdreg $0xFFFFFFFF;
	(pc) =	sbr.abs _section_cstart, $3  }
0xc0: {  	[dreg:$0x1] =	wrdreg $0xFFFFFFFF  }
0xc1: {  	_ =	task.clear_ibuf [dreg:s7], $0x2FFFF;
	_ =	strace $0x9FFFFFFF  }
0xc2: {  	(tm) =	ssettm $0x7FFFFFFF  }
0xc3: {  	_ =	shalt  }
tec
execute0_lowered:
.L_overlay_start_1:
0x0: {  	(tag) =	ssettag $0x1  }
0x1: {  	s5 =	rddreg [dreg:$0x0]  }
0x2: {  	s3 =	rddreg [dreg:$0x1]  }
0x3: {  	s0 =	rddreg [dreg:$0x2];
	s1 =	simm.s32 $0x0  }
0x4: {  	s2 =	srdreg.scid;
	s10 =	simm.s32 $0x0;
	[smem:$0x7FF] =	sst s1  }
0x5: {  	s4 =	sand.u32 $0x1, s2;
	s2 =	stileid.u32;
	s9 =	sadd.s32 $0x800, s3  }
0x6: {  	s6 =	ssub.s32 $0x2, s4;
	s8 =	sshll.u32 s2, $0x9;
	s4 =	sshll.u32 s4, $0x8  }
0x7: {  	_ =	strace $0x80000047;
	s7 =	sshrl.u32 s6, $0x1;
	s31 =	sor.u32 s4, s8  }
0x8: {  	s8 =	simm.s32 $0x1;
	s7 =	ssub.s32 s6, s7;
	s6 =	sor.u32 $0x80, s31  }
0x9: {  	v0 =	vlaneseq.u32;
	s3 =	sadd.s32 s5, s31;
	s4 =	sadd.s32 s9, s31;
	s5 =	sadd.s32 s5, s6  }
0xa: {  	v2 =	vimm.s32 $0x0;
	v1 =	vadd.s32 $0x201, v0;
	s6 =	sadd.s32 s9, s6;
	s7 =	smax.u32 s7, $0x1;
	s9 =	simm.s32 $0x400  }
.LBB2_1:
0xb: {  	[tilespmem:s1], [sflag:$0x1] =	stream.linear.gather [hbm4b:s3+s1], $0x400, $0x38;
	[tilespmem:$0x680] =	vst v63  }
0xc: {  	_ =	swait.ge [sflag:s8], $0x400  }
0xd: {  	[sflag:s8] =	ssyncset.done $0x0  }
0xe: {  	v3 =	vimm.s32 $0x3F800000;
	v4 =	vimm.s32 $0x0;
	s11 =	simm.s32 $0x0;
	[sflag:s8] =	ssyncadd.s32 $0xFFFFFC00  }
.LBB2_2:
0xf: {  	s13 =	simm.s32 $0x40  }
0x10: {  	v7 =	vld [tilespmem:s13+$0xFFFFFFC0]  }
0x11: {  	v8 =	vld [tilespmem:s13+$0xFFFFFFD0]  }
0x12: {  	v5 =	vsub.s32 v3, v4;
	v10 =	vld [tilespmem:s13+$0xFFFFFFE0]  }
0x13: {  	v5 =	vshrl.u32 v5, $0x1;
	v9 =	vld [tilespmem:s13+$0xFFFFFFF0]  }
0x14: {  	v6 =	vld [tilespmem:s13+$0x0];
	v5 =	vadd.s32 v4, v5  }
0x15: {  	vm0 =	vle.s32 v7, v5;
	v7 =	vld [tilespmem:s13+$0x10]  }
0x16: {  	v11 =	vmpcnt.ones.xlane vm0;
	vm0 =	vle.s32 v8, v5;
	v8 =	vld [tilespmem:s13+$0x20]  }
0x17: {  	v13 =	vimm.s32 $0x0;
	s12 =	simm.s32 $0x0;
	v12 =	vmpcnt.ones.xlane vm0;
	vm0 =	vle.s32 v10, v5;
	v10 =	vld [tilespmem:s13+$0x30];
	s13 =	simm.s32 $0xC0  }
.LBB2_3:
0x18: {  	v14 =	vld [tilespmem:s13+$0xFFFFFFC0];
	s12 =	sadd.s32 $0x8, s12;
	v11 =	vadd.s32 v13, v11;
	v13 =	vmpcnt.ones.xlane vm0;
	vm0 =	vle.s32 v9, v5  }
0x19: {  	v15 =	vld [tilespmem:s13+$0xFFFFFFD0];
	p0 =	slt.u32 s12, $0x38;
	v9 =	vadd.s32 v12, v11;
	v11 =	vmpcnt.ones.xlane vm0;
	vm0 =	vle.s32 v6, v5  }
0x1a: {  	v16 =	vld [tilespmem:s13+$0xFFFFFFE0];
	v6 =	vadd.s32 v13, v9;
	v12 =	vmpcnt.ones.xlane vm0;
	vm0 =	vle.s32 v7, v5  }
.Ltmp0:
0x1b: {  	v9 =	vld [tilespmem:s13+$0xFFFFFFF0];
	v7 =	vadd.s32 v11, v6;
	v11 =	vmpcnt.ones.xlane vm0;
	vm0 =	vle.s32 v8, v5;
	(pc) =	sbr.rel @p0 .LBB2_3-.Ltmp0, $4  }
0x1c: {  	v6 =	vld [tilespmem:s13+$0x0];
	v8 =	vadd.s32 v12, v7;
	v12 =	vmpcnt.ones.xlane vm0;
	vm0 =	vle.s32 v10, v5  }
0x1d: {  	vm1 =	vle.s32 v14, v5;
	v7 =	vld [tilespmem:s13+$0x10];
	v10 =	vadd.s32 v11, v8;
	v13 =	vmpcnt.ones.xlane vm0  }
0x1e: {  	v11 =	vmpcnt.ones.xlane vm1;
	vm0 =	vle.s32 v15, v5;
	v8 =	vld [tilespmem:s13+$0x20];
	v14 =	vadd.s32 v12, v10  }
0x1f: {  	v12 =	vmpcnt.ones.xlane vm0;
	vm0 =	vle.s32 v16, v5;
	v10 =	vld [tilespmem:s13+$0x30];
	s13 =	sadd.s32 $0x80, s13;
	v13 =	vadd.s32 v13, v14  }
0x20: {  	v11 =	vadd.s32 v13, v11;
	v60 =	vmpcnt.ones.xlane vm0;
	vm10 =	vle.s32 v9, v5  }
0x21: {  	v61 =	vadd.s32 v12, v11;
	v62 =	vmpcnt.ones.xlane vm10;
	vm11 =	vle.s32 v6, v5  }
0x22: {  	v6 =	vadd.s32 v60, v61;
	v63 =	vmpcnt.ones.xlane vm11;
	vm12 =	vle.s32 v7, v5  }
0x23: {  	s11 =	sadd.s32 $0x1, s11;
	v6 =	vadd.s32 v62, v6;
	v7 =	vmpcnt.ones.xlane vm12;
	vm13 =	vle.s32 v8, v5  }
0x24: {  	p0 =	sne.s32 s11, $0x1E;
	v6 =	vadd.s32 v63, v6;
	v8 =	vmpcnt.ones.xlane vm13;
	vm14 =	vle.s32 v10, v5  }
.Ltmp1:
0x25: {  	v6 =	vadd.s32 v7, v6;
	v7 =	vmpcnt.ones.xlane vm14;
	(pc) =	sbr.rel @p0 .LBB2_2-.Ltmp1, $4  }
0x26: {  	v6 =	vadd.s32 v8, v6  }
0x27: {  	v6 =	vadd.s32 v7, v6  }
0x28: {  	vm15 =	vgt.s32 v6, $0x1FF;
	v6 =	vadd.s32 $0x1, v5  }
0x29: {  	v4 =	vsel vm15, v4, v6;
	v3 =	vsel vm15, v5, v3  }
0x2a: {  	s12 =	simm.s32 $0x40  }
0x2b: {  	v5 =	vld [tilespmem:s12+$0xFFFFFFC0]  }
0x2c: {  	v6 =	vld [tilespmem:s12+$0xFFFFFFD0]  }
0x2d: {  	v7 =	vld [tilespmem:s12+$0xFFFFFFE0]  }
0x2e: {  	v8 =	vld [tilespmem:s12+$0xFFFFFFF0]  }
0x2f: {  	v4 =	vld [tilespmem:s12+$0x0]  }
0x30: {  	vm0 =	vlt.s32 v5, v3;
	v5 =	vld [tilespmem:s12+$0x10]  }
0x31: {  	v9 =	vmpcnt.ones.xlane vm0;
	vm0 =	vlt.s32 v6, v3;
	v6 =	vld [tilespmem:s12+$0x20]  }
0x32: {  	v11 =	vimm.s32 $0x0;
	s11 =	simm.s32 $0x0;
	v10 =	vmpcnt.ones.xlane vm0;
	vm0 =	vlt.s32 v7, v3;
	v7 =	vld [tilespmem:s12+$0x30];
	s12 =	simm.s32 $0xC0  }
.LBB2_6:
0x33: {  	v12 =	vld [tilespmem:s12+$0xFFFFFFC0];
	s11 =	sadd.s32 $0x8, s11;
	v9 =	vadd.s32 v11, v9;
	v11 =	vmpcnt.ones.xlane vm0;
	vm0 =	vlt.s32 v8, v3  }
0x34: {  	v13 =	vld [tilespmem:s12+$0xFFFFFFD0];
	p0 =	slt.u32 s11, $0x38;
	v8 =	vadd.s32 v10, v9;
	v9 =	vmpcnt.ones.xlane vm0;
	vm0 =	vlt.s32 v4, v3  }
0x35: {  	v14 =	vld [tilespmem:s12+$0xFFFFFFE0];
	v4 =	vadd.s32 v11, v8;
	v10 =	vmpcnt.ones.xlane vm0;
	vm0 =	vlt.s32 v5, v3  }
.Ltmp2:
0x36: {  	v8 =	vld [tilespmem:s12+$0xFFFFFFF0];
	v5 =	vadd.s32 v9, v4;
	v9 =	vmpcnt.ones.xlane vm0;
	vm0 =	vlt.s32 v6, v3;
	(pc) =	sbr.rel @p0 .LBB2_6-.Ltmp2, $4  }
0x37: {  	v4 =	vld [tilespmem:s12+$0x0];
	v6 =	vadd.s32 v10, v5;
	v10 =	vmpcnt.ones.xlane vm0;
	vm0 =	vlt.s32 v7, v3  }
0x38: {  	vm1 =	vlt.s32 v12, v3;
	v5 =	vld [tilespmem:s12+$0x10];
	v7 =	vadd.s32 v9, v6;
	v11 =	vmpcnt.ones.xlane vm0  }
0x39: {  	v9 =	vmpcnt.ones.xlane vm1;
	vm0 =	vlt.s32 v13, v3;
	v6 =	vld [tilespmem:s12+$0x20];
	v12 =	vadd.s32 v10, v7  }
0x3a: {  	v10 =	vmpcnt.ones.xlane vm0;
	vm0 =	vlt.s32 v14, v3;
	v7 =	vld [tilespmem:s12+$0x30];
	s12 =	sadd.s32 $0x80, s12;
	v11 =	vadd.s32 v11, v12  }
0x3b: {  	v9 =	vadd.s32 v11, v9;
	v11 =	vmpcnt.ones.xlane vm0;
	vm11 =	vlt.s32 v8, v3  }
0x3c: {  	v8 =	vadd.s32 v10, v9;
	v9 =	vmpcnt.ones.xlane vm11;
	vm12 =	vlt.s32 v4, v3  }
0x3d: {  	v4 =	vadd.s32 v11, v8;
	v8 =	vmpcnt.ones.xlane vm12  }
0x3e: {  	vm13 =	vlt.s32 v5, v3;
	v5 =	vadd.s32 v9, v4;
	v4 =	vimm.s32 $0x0  }
0x3f: {  	v9 =	vmpcnt.ones.xlane vm13;
	vm14 =	vlt.s32 v6, v3  }
0x40: {  	v5 =	vadd.s32 v8, v5;
	v6 =	vmpcnt.ones.xlane vm14;
	vm15 =	vlt.s32 v7, v3  }
0x41: {  	v5 =	vadd.s32 v9, v5;
	v7 =	vmpcnt.ones.xlane vm15  }
0x42: {  	[tilespmem:v1+s9+$0x0] =	vst.idx.msk $0x7f, v4;
	v5 =	vadd.s32 v6, v5  }
0x43: {  	s11 =	simm.s32 $0x0;
	v8 =	vimm.s32 $0x0;
	v5 =	vadd.s32 v7, v5;
	[tilespmem:v4+s9+$0x0] =	vst.idx.msk $0x1, v4  }
0x44: {  	s12 =	simm.s32 $0x10;
	s13 =	simm.s32 $0x0;
	v6 =	vimm.s32 $0x0;
	v7 =	vimm.s32 $0x0;
	v5 =	vsub.s32 $0x200, v5;
	v9 =	vld [tilespmem:s11+$0x0]  }
.LBB2_8:
0x45: {  	p0 =	sne.s32 s12, $0x3F0;
	_ =	sdelay $0x3  }
0x46: {  	vm0 =	veq.s32 v9, v3  }
0x47: {  	v10 =	vsel vm0, $0x1, v2;
	v11 =	vmpcnt.ones.xlane vm0  }
0x48: {  	(xrf0) =	vadd.scan.msk.s32 $0xffff, v10  }
0x49: {  	v4 =	vadd.s32 v4, v11;
	_ =	sdelay $0x3  }
0x4a: {  	v10 =	vsel vm0, $0xFFFFFFFF, v2  }
0x4b: {  	v10 =	vadd.s32 v10, v7;
	v7 =	vmov v4;
	v11, _, _ =	vpop (xrf0)  }
0x4c: {  	v10 =	vadd.s32 v11, v10  }
0x4d: {  	vm1 =	vlt.s32 v10, v5  }
0x4e: {  	vm2 =	vlt.s32 v9, v3;
	vm0 =	vmand vm0, vm1  }
0x4f: {  	vm0 =	vmor vm2, vm0  }
0x50: {  	v9 =	vsel vm0, $0x1, v2;
	v10 =	vmpcnt.ones.xlane vm0  }
0x51: {  	(xrf0) =	vadd.scan.msk.s32 $0xffff, v9  }
0x52: {  	v8 =	vadd.s32 v8, v10;
	_ =	sdelay $0x3  }
0x53: {  	v9 =	vsel vm0, $0xFFFFFFFF, v2  }
0x54: {  	v9 =	vadd.s32 v9, v6;
	v6 =	vmov v8;
	v10, _, _ =	vpop (xrf0)  }
0x55: {  	v9 =	vadd.s32 v10, v9  }
0x56: {  	v9 =	vadd.s32 $0x1, v9;
	_ =	sdelay $0x1  }
.Ltmp3:
0x57: {  	(pc) =	sbr.rel @p0 .LBB2_8-.Ltmp3, $4  }
0x58: {  	_ = 	snop  }
0x59: {  	v10 =	vor.u32 s11, v0;
	s11 =	smov.u32 s12  }
0x5a: {  	s13 =	sadd.s32 $0x10, s13;
	[tilespmem:v9+s9+$0x0] =	vst.idx.msk vm0, v10  }
0x5b: {  	s12 =	sadd.s32 $0x10, s12;
	v9 =	vld [tilespmem:s13+$0x0]  }
0x5c: {  	_ =	sdelay $0x3  }
0x5d: {  	vm0 =	veq.s32 v9, v3  }
0x5e: {  	v4 =	vsel vm0, $0x1, v2  }
0x5f: {  	(xrf0) =	vadd.scan.msk.s32 $0xffff, v4;
	_ =	sdelay $0x4  }
0x60: {  	v4 =	vsel vm0, $0xFFFFFFFF, v2  }
0x61: {  	v4 =	vadd.s32 v4, v7;
	v7, _, _ =	vpop (xrf0)  }
0x62: {  	v4 =	vadd.s32 v7, v4  }
0x63: {  	vm1 =	vlt.s32 v4, v5  }
0x64: {  	vm2 =	vlt.s32 v9, v3;
	vm0 =	vmand vm0, vm1  }
0x65: {  	vm0 =	vmor vm2, vm0  }
0x66: {  	v3 =	vsel vm0, $0x1, v2  }
0x67: {  	(xrf0) =	vadd.scan.msk.s32 $0xffff, v3;
	_ =	sdelay $0x4  }
0x68: {  	v3 =	vsel vm0, $0xFFFFFFFF, v2  }
0x69: {  	v3 =	vadd.s32 v3, v6;
	v4, _, _ =	vpop (xrf0)  }
0x6a: {  	v3 =	vadd.s32 v4, v3  }
0x6b: {  	v3 =	vadd.s32 $0x1, v3;
	_ =	sdelay $0x3  }
0x6c: {  	v4 =	vor.u32 s11, v0  }
0x6d: {  	s11 =	simm.s32 $0x0;
	[tilespmem:v3+s9+$0x0] =	vst.idx.msk vm0, v4  }
0x6e: {  	[hbm4b:s4+s11] =	stream.linear.scatter [tilespmem:s9], [sflag:$0x1], $0x208, $0x38;
	[tilespmem:$0x680] =	vst v63  }
0x6f: {  	_ =	swait.ge [sflag:s8], $0x208  }
0x70: {  	[sflag:s8] =	ssyncset.done $0x0  }
0x71: {  	[sflag:s8] =	ssyncadd.s32 $0xFFFFFDF8  }
0x72: {  	[tilespmem:s11], [sflag:$0x1] =	stream.linear.gather [hbm4b:s5+s11], $0x400, $0x38;
	[tilespmem:$0x680] =	vst v63  }
0x73: {  	_ =	swait.ge [sflag:s8], $0x400  }
0x74: {  	[sflag:s8] =	ssyncset.done $0x0  }
0x75: {  	v4 =	vimm.s32 $0x0;
	v3 =	vimm.s32 $0x3F800000;
	[sflag:s8] =	ssyncadd.s32 $0xFFFFFC00  }
.LBB2_10:
0x76: {  	s13 =	simm.s32 $0x40  }
0x77: {  	v7 =	vld [tilespmem:s13+$0xFFFFFFC0]  }
0x78: {  	v8 =	vld [tilespmem:s13+$0xFFFFFFD0]  }
0x79: {  	v5 =	vsub.s32 v3, v4;
	v10 =	vld [tilespmem:s13+$0xFFFFFFE0]  }
0x7a: {  	v5 =	vshrl.u32 v5, $0x1;
	v9 =	vld [tilespmem:s13+$0xFFFFFFF0]  }
0x7b: {  	v6 =	vld [tilespmem:s13+$0x0];
	v5 =	vadd.s32 v4, v5  }
0x7c: {  	vm0 =	vle.s32 v7, v5;
	v7 =	vld [tilespmem:s13+$0x10]  }
0x7d: {  	v11 =	vmpcnt.ones.xlane vm0;
	vm0 =	vle.s32 v8, v5;
	v8 =	vld [tilespmem:s13+$0x20]  }
0x7e: {  	s12 =	simm.s32 $0x0;
	v13 =	vimm.s32 $0x0;
	v12 =	vmpcnt.ones.xlane vm0;
	vm0 =	vle.s32 v10, v5;
	v10 =	vld [tilespmem:s13+$0x30];
	s13 =	simm.s32 $0xC0  }
.LBB2_11:
0x7f: {  	v14 =	vld [tilespmem:s13+$0xFFFFFFC0];
	s12 =	sadd.s32 $0x8, s12;
	v11 =	vadd.s32 v13, v11;
	v13 =	vmpcnt.ones.xlane vm0;
	vm0 =	vle.s32 v9, v5  }
0x80: {  	v15 =	vld [tilespmem:s13+$0xFFFFFFD0];
	p0 =	slt.u32 s12, $0x38;
	v9 =	vadd.s32 v12, v11;
	v11 =	vmpcnt.ones.xlane vm0;
	vm0 =	vle.s32 v6, v5  }
0x81: {  	v16 =	vld [tilespmem:s13+$0xFFFFFFE0];
	v6 =	vadd.s32 v13, v9;
	v12 =	vmpcnt.ones.xlane vm0;
	vm0 =	vle.s32 v7, v5  }
.Ltmp4:
0x82: {  	v9 =	vld [tilespmem:s13+$0xFFFFFFF0];
	v7 =	vadd.s32 v11, v6;
	v11 =	vmpcnt.ones.xlane vm0;
	vm0 =	vle.s32 v8, v5;
	(pc) =	sbr.rel @p0 .LBB2_11-.Ltmp4, $4  }
0x83: {  	v6 =	vld [tilespmem:s13+$0x0];
	v8 =	vadd.s32 v12, v7;
	v12 =	vmpcnt.ones.xlane vm0;
	vm0 =	vle.s32 v10, v5  }
0x84: {  	vm1 =	vle.s32 v14, v5;
	v7 =	vld [tilespmem:s13+$0x10];
	v10 =	vadd.s32 v11, v8;
	v13 =	vmpcnt.ones.xlane vm0  }
0x85: {  	v11 =	vmpcnt.ones.xlane vm1;
	vm0 =	vle.s32 v15, v5;
	v8 =	vld [tilespmem:s13+$0x20];
	v14 =	vadd.s32 v12, v10  }
0x86: {  	v12 =	vmpcnt.ones.xlane vm0;
	vm0 =	vle.s32 v16, v5;
	v10 =	vld [tilespmem:s13+$0x30];
	s13 =	sadd.s32 $0x80, s13;
	v13 =	vadd.s32 v13, v14  }
0x87: {  	v11 =	vadd.s32 v13, v11;
	v60 =	vmpcnt.ones.xlane vm0;
	vm10 =	vle.s32 v9, v5  }
0x88: {  	v61 =	vadd.s32 v12, v11;
	v62 =	vmpcnt.ones.xlane vm10;
	vm11 =	vle.s32 v6, v5  }
0x89: {  	v6 =	vadd.s32 v60, v61;
	v63 =	vmpcnt.ones.xlane vm11;
	vm12 =	vle.s32 v7, v5  }
0x8a: {  	s11 =	sadd.s32 $0x1, s11;
	v6 =	vadd.s32 v62, v6;
	v7 =	vmpcnt.ones.xlane vm12;
	vm13 =	vle.s32 v8, v5  }
0x8b: {  	p0 =	sne.s32 s11, $0x1E;
	v6 =	vadd.s32 v63, v6;
	v8 =	vmpcnt.ones.xlane vm13;
	vm14 =	vle.s32 v10, v5  }
.Ltmp5:
0x8c: {  	v6 =	vadd.s32 v7, v6;
	v7 =	vmpcnt.ones.xlane vm14;
	(pc) =	sbr.rel @p0 .LBB2_10-.Ltmp5, $4  }
0x8d: {  	v6 =	vadd.s32 v8, v6  }
0x8e: {  	v6 =	vadd.s32 v7, v6  }
0x8f: {  	vm15 =	vgt.s32 v6, $0x1FF;
	v6 =	vadd.s32 $0x1, v5  }
0x90: {  	v4 =	vsel vm15, v4, v6;
	v3 =	vsel vm15, v5, v3  }
0x91: {  	s12 =	simm.s32 $0x40  }
0x92: {  	v5 =	vld [tilespmem:s12+$0xFFFFFFC0]  }
0x93: {  	v6 =	vld [tilespmem:s12+$0xFFFFFFD0]  }
0x94: {  	v7 =	vld [tilespmem:s12+$0xFFFFFFE0]  }
0x95: {  	v8 =	vld [tilespmem:s12+$0xFFFFFFF0]  }
0x96: {  	v4 =	vld [tilespmem:s12+$0x0]  }
0x97: {  	vm0 =	vlt.s32 v5, v3;
	v5 =	vld [tilespmem:s12+$0x10]  }
0x98: {  	v9 =	vmpcnt.ones.xlane vm0;
	vm0 =	vlt.s32 v6, v3;
	v6 =	vld [tilespmem:s12+$0x20]  }
0x99: {  	v11 =	vimm.s32 $0x0;
	s11 =	simm.s32 $0x0;
	v10 =	vmpcnt.ones.xlane vm0;
	vm0 =	vlt.s32 v7, v3;
	v7 =	vld [tilespmem:s12+$0x30];
	s12 =	simm.s32 $0xC0  }
.LBB2_14:
0x9a: {  	v12 =	vld [tilespmem:s12+$0xFFFFFFC0];
	s11 =	sadd.s32 $0x8, s11;
	v9 =	vadd.s32 v11, v9;
	v11 =	vmpcnt.ones.xlane vm0;
	vm0 =	vlt.s32 v8, v3  }
0x9b: {  	v13 =	vld [tilespmem:s12+$0xFFFFFFD0];
	p0 =	slt.u32 s11, $0x38;
	v8 =	vadd.s32 v10, v9;
	v9 =	vmpcnt.ones.xlane vm0;
	vm0 =	vlt.s32 v4, v3  }
0x9c: {  	v14 =	vld [tilespmem:s12+$0xFFFFFFE0];
	v4 =	vadd.s32 v11, v8;
	v10 =	vmpcnt.ones.xlane vm0;
	vm0 =	vlt.s32 v5, v3  }
.Ltmp6:
0x9d: {  	v8 =	vld [tilespmem:s12+$0xFFFFFFF0];
	v5 =	vadd.s32 v9, v4;
	v9 =	vmpcnt.ones.xlane vm0;
	vm0 =	vlt.s32 v6, v3;
	(pc) =	sbr.rel @p0 .LBB2_14-.Ltmp6, $4  }
0x9e: {  	v4 =	vld [tilespmem:s12+$0x0];
	v6 =	vadd.s32 v10, v5;
	v10 =	vmpcnt.ones.xlane vm0;
	vm0 =	vlt.s32 v7, v3  }
0x9f: {  	vm1 =	vlt.s32 v12, v3;
	v5 =	vld [tilespmem:s12+$0x10];
	v7 =	vadd.s32 v9, v6;
	v11 =	vmpcnt.ones.xlane vm0  }
0xa0: {  	v9 =	vmpcnt.ones.xlane vm1;
	vm0 =	vlt.s32 v13, v3;
	v6 =	vld [tilespmem:s12+$0x20];
	v12 =	vadd.s32 v10, v7  }
0xa1: {  	v10 =	vmpcnt.ones.xlane vm0;
	vm0 =	vlt.s32 v14, v3;
	v7 =	vld [tilespmem:s12+$0x30];
	s12 =	sadd.s32 $0x80, s12;
	v11 =	vadd.s32 v11, v12  }
0xa2: {  	v9 =	vadd.s32 v11, v9;
	v11 =	vmpcnt.ones.xlane vm0;
	vm11 =	vlt.s32 v8, v3  }
0xa3: {  	v8 =	vadd.s32 v10, v9;
	v9 =	vmpcnt.ones.xlane vm11;
	vm12 =	vlt.s32 v4, v3  }
0xa4: {  	v4 =	vadd.s32 v11, v8;
	v8 =	vmpcnt.ones.xlane vm12  }
0xa5: {  	vm13 =	vlt.s32 v5, v3;
	v5 =	vadd.s32 v9, v4;
	v4 =	vimm.s32 $0x0  }
0xa6: {  	v9 =	vmpcnt.ones.xlane vm13;
	vm14 =	vlt.s32 v6, v3  }
0xa7: {  	v5 =	vadd.s32 v8, v5;
	v6 =	vmpcnt.ones.xlane vm14;
	vm15 =	vlt.s32 v7, v3  }
0xa8: {  	v5 =	vadd.s32 v9, v5;
	v7 =	vmpcnt.ones.xlane vm15  }
0xa9: {  	[tilespmem:v1+s9+$0x0] =	vst.idx.msk $0x7f, v4;
	v5 =	vadd.s32 v6, v5  }
0xaa: {  	s11 =	simm.s32 $0x0;
	v8 =	vimm.s32 $0x0;
	v5 =	vadd.s32 v7, v5;
	[tilespmem:v4+s9+$0x0] =	vst.idx.msk $0x1, v4  }
0xab: {  	s12 =	simm.s32 $0x10;
	s13 =	simm.s32 $0x0;
	v6 =	vimm.s32 $0x0;
	v7 =	vimm.s32 $0x0;
	v5 =	vsub.s32 $0x200, v5;
	v9 =	vld [tilespmem:s11+$0x0]  }
.LBB2_16:
0xac: {  	p0 =	sne.s32 s12, $0x3F0;
	_ =	sdelay $0x3  }
0xad: {  	vm0 =	veq.s32 v9, v3  }
0xae: {  	v10 =	vsel vm0, $0x1, v2;
	v11 =	vmpcnt.ones.xlane vm0  }
0xaf: {  	(xrf0) =	vadd.scan.msk.s32 $0xffff, v10  }
0xb0: {  	v4 =	vadd.s32 v4, v11;
	_ =	sdelay $0x3  }
0xb1: {  	v10 =	vsel vm0, $0xFFFFFFFF, v2  }
0xb2: {  	v10 =	vadd.s32 v10, v7;
	v7 =	vmov v4;
	v11, _, _ =	vpop (xrf0)  }
0xb3: {  	v10 =	vadd.s32 v11, v10  }
0xb4: {  	vm1 =	vlt.s32 v10, v5  }
0xb5: {  	vm2 =	vlt.s32 v9, v3;
	vm0 =	vmand vm0, vm1  }
0xb6: {  	vm0 =	vmor vm2, vm0  }
0xb7: {  	v9 =	vsel vm0, $0x1, v2;
	v10 =	vmpcnt.ones.xlane vm0  }
0xb8: {  	(xrf0) =	vadd.scan.msk.s32 $0xffff, v9  }
0xb9: {  	v8 =	vadd.s32 v8, v10;
	_ =	sdelay $0x3  }
0xba: {  	v9 =	vsel vm0, $0xFFFFFFFF, v2  }
0xbb: {  	v9 =	vadd.s32 v9, v6;
	v6 =	vmov v8;
	v10, _, _ =	vpop (xrf0)  }
0xbc: {  	v9 =	vadd.s32 v10, v9  }
0xbd: {  	v9 =	vadd.s32 $0x1, v9;
	_ =	sdelay $0x1  }
.Ltmp7:
0xbe: {  	(pc) =	sbr.rel @p0 .LBB2_16-.Ltmp7, $4  }
0xbf: {  	_ = 	snop  }
0xc0: {  	v10 =	vor.u32 s11, v0;
	s11 =	smov.u32 s12  }
0xc1: {  	s13 =	sadd.s32 $0x10, s13;
	[tilespmem:v9+s9+$0x0] =	vst.idx.msk vm0, v10  }
0xc2: {  	s12 =	sadd.s32 $0x10, s12;
	v9 =	vld [tilespmem:s13+$0x0]  }
0xc3: {  	_ =	sdelay $0x3  }
0xc4: {  	vm0 =	veq.s32 v9, v3  }
0xc5: {  	v4 =	vsel vm0, $0x1, v2  }
0xc6: {  	(xrf0) =	vadd.scan.msk.s32 $0xffff, v4;
	_ =	sdelay $0x4  }
0xc7: {  	v60 =	vsel vm0, $0xFFFFFFFF, v2  }
0xc8: {  	v4 =	vadd.s32 v60, v7;
	v61, _, _ =	vpop (xrf0)  }
0xc9: {  	v4 =	vadd.s32 v61, v4  }
0xca: {  	vm1 =	vlt.s32 v4, v5  }
0xcb: {  	vm2 =	vlt.s32 v9, v3;
	vm0 =	vmand vm0, vm1  }
0xcc: {  	vm0 =	vmor vm2, vm0  }
0xcd: {  	v3 =	vsel vm0, $0x1, v2  }
0xce: {  	(xrf0) =	vadd.scan.msk.s32 $0xffff, v3;
	_ =	sdelay $0x4  }
0xcf: {  	v3 =	vsel vm0, $0xFFFFFFFF, v2  }
0xd0: {  	v3 =	vadd.s32 v3, v6;
	v62, _, _ =	vpop (xrf0)  }
0xd1: {  	v3 =	vadd.s32 v62, v3  }
0xd2: {  	v3 =	vadd.s32 $0x1, v3;
	_ =	sdelay $0x2  }
0xd3: {  	s10 =	sadd.s32 $0x1, s10  }
0xd4: {  	v63 =	vor.u32 s11, v0;
	p0 =	sne.s32 s10, s7  }
.Ltmp8:
0xd5: {  	[tilespmem:v3+s9+$0x0] =	vst.idx.msk vm0, v63;
	(pc) =	sbr.rel @p0 .LBB2_1-.Ltmp8, $4  }
0xd6: {  	[hbm4b:s6+s1] =	stream.linear.scatter [tilespmem:s9], [sflag:$0x1], $0x208, $0x38;
	[tilespmem:$0x680] =	vst v63  }
0xd7: {  	_ =	swait.ge [sflag:s8], $0x208  }
0xd8: {  	[sflag:s8] =	ssyncset.done $0x0  }
0xd9: {  	[sflag:s8] =	ssyncadd.s32 $0xFFFFFDF8  }
0xda: {  	_ =	sfence.sel $0x180000  }
0xdb: {  	[bflag:$0x0] =	sbarrier.arrive $0xFFFF  }
0xdc: {  	p0 =	sne.s32 s2, $0x0;
	_ =	strace $0x90000047  }
0xdd: {  	s0 =	sadd.s32 @!p0 $0x100000, s0;
	[bflag:$0x2] =	sbarrier.arrive $0xFFFF  }
0xde: {  	[sflag:s0] =	ssyncadd.tile.s32 @!p0 $0x1;
	_ =	shalt  }
.Lfunc_end2:
_tile_overlayer_lowered:
.L_overlay_start_2:
0xdf: {  	(tag) =	ssettag $0x2  }
0xe0: {  	s0 =	rddreg [dreg:$0x0];
	s2 =	stileid.u32  }
0xe1: {  	s1 =	rddreg [dreg:$0x1];
	p0 =	sne.s32 s2, $0x0  }
0xe2: {  	s3 =	rddreg [dreg:$0x2];
	[bflag:$0x3] =	sbarrier.arrive $0xFFFF;
	s2 =	simm.s32 @!p0 $0x1C01  }
0xe3: {  	[timem:s3], [sflag:s2] =	dma.local @!p0 [hbm:s0], s1  }
0xe4: {  	s0 =	simm.s32 @!p0 $0x1  }
0xe5: {  	_ =	swait.ge @!p0 [sflag:s0], s1  }
0xe6: {  	s1 =	ssub.s32 @!p0 $0x0, s1;
	[sflag:s0] =	ssyncset.done @!p0 $0x0  }
0xe7: {  	[sflag:s0] =	ssyncadd.s32 @!p0 s1  }
0xe8: {  	[bflag:$0x3] =	sbarrier.arrive $0xFFFF  }
0xe9: {  	_ =	shalt  }

// kernel: _run.7.cloned.1.call-start
scs
__scs_entry_jumppad:
0x0: {  	(pc) =	sbr.rel $0x88, $3  }
0x1: {  	(tag) =	ssettag $0x0;
	lr =	simm.s32 $0x1  }
0x2: {  	[smem:$0x3F9F] =	sst lr;
	_ =	strace $0xD0000000  }
0x3: {  	_ = 	snop  }
0x4: {  	_ = 	snop  }
0x5: {  	_ = 	snop  }
0x6: {  	_ = 	snop  }
0x7: {  	_ = 	snop  }
__scs_overlays_trampoline_lowered:
0x8: {  	[smem:$0x3FAE] =	sst s0  }
0x9: {  	[smem:$0x3FAF] =	sst s1  }
0xa: {  	[smem:$0x3FB0] =	sst s2  }
0xb: {  	[smem:$0x3FB1] =	sst s3  }
0xc: {  	[smem:$0x3FB2] =	sst s4  }
0xd: {  	[smem:$0x3FB3] =	sst s5  }
0xe: {  	[smem:$0x3FB4] =	sst s6  }
0xf: {  	[smem:$0x3FB5] =	sst s7  }
0x10: {  	[smem:$0x3FB6] =	sst s8  }
0x11: {  	[smem:$0x3FB7] =	sst s9;
	s0 =	simm.s32 @!p0 $0x0  }
0x12: {  	s1 =	sld [smem:$0x3F9D];
	s0 =	simm.s32 @p0 $0x1  }
0x13: {  	[smem:$0x3FB8] =	sst s0;
	s0 =	simm.s32 @!p1 $0x0  }
0x14: {  	s2 =	sld [smem:$0x3F9C];
	s0 =	simm.s32 @p1 $0x1  }
0x15: {  	[smem:$0x3FB9] =	sst s0;
	s0 =	simm.s32 @!p2 $0x0  }
0x16: {  	s3 =	sld [smem:$0x3FDB];
	s0 =	simm.s32 @p2 $0x1  }
0x17: {  	s4 =	simm.s32 $0x1BF5;
	[smem:$0x3FBB] =	sst s0  }
0x18: {  	s0 =	sld [smem:$0x3F9E];
	_ =	swait.ge [sflag:s4], $0x0  }
0x19: {  	s7 =	sld [smem:$0x3F9F]  }
0x1a: {  	s8 =	sadd.s32 $0xFFFFE003, lr  }
0x1b: {  	s9 =	sadd.s32 $0xFFFFFEF7, lr;
	s5 =	simm.s32 $0xFFFFFFFF;
	p2 =	slt.u32 s8, $0xFFFFF086  }
0x1c: {  	p1 =	slt.u32 s9, $0xF7A;
	s5 =	simm.s32 @!p2 $0x0  }
0x1d: {  	s5 =	simm.s32 @p1 $0x1;
	p0 =	seq.s32 s7, s2  }
0x1e: {  	s7 =	smul.u32 @!p0 $0xF7A, s2;
	p2 =	seq.s32 @!p0 s5, $0x0  }
0x1f: {  	s9 =	smul.u32 $0xF7A, s1;
	s8 =	simm.s32 @!p0 $0x1BF5;
	p2 =	por !p2, p0  }
0x20: {  	[sflag:s8] =	ssyncset.s32 @!p0 $0xFFFFF086;
	s6 =	sadd.s32 @!p0 s3, s7;
	s7 =	simm.s32 @!p0 $0x108  }
0x21: {  	s3 =	sadd.s32 s3, s9;
	s6 =	sadd.s32 @!p0 $0x88, s6;
	s7 =	simm.s32 @p2 $0x1082  }
0x22: {  	[simem:s7], [sflag:s8] =	dma.local @!p0 [hbm:s6], $0xF7A  }
0x23: {  	s9 =	sor.u32 $0xD0000000, s2;
	s6 =	simm.s32 $0x108;
	_ =	swait.ge @!p0 [sflag:s8], $0x0  }
0x24: {  	s3 =	sadd.s32 $0x88, s3;
	s6 =	simm.s32 @!p1 $0x1082;
	[sflag:s4] =	ssyncset.s32 $0xFFFFF086  }
0x25: {  	[simem:s6], [sflag:s4] =	dma.local [hbm:s3], $0xF7A  }
0x26: {  	[smem:$0x3F9F] =	sst s1;
	(tag) =	ssettag s2;
	_ =	strace s9  }
0x27: {  	s1 =	sld [smem:$0x3FAF]  }
0x28: {  	s2 =	sld [smem:$0x3FB0]  }
0x29: {  	s4 =	sld [smem:$0x3FB2]  }
0x2a: {  	p0 =	seq.s32 s5, $0x0;
	s5 =	sld [smem:$0x3FB3]  }
0x2b: {  	s6 =	sld [smem:$0x3FB4]  }
0x2c: {  	s7 =	sld [smem:$0x3FB5]  }
0x2d: {  	s3 =	simm.s32 $0x108;
	s8 =	sld [smem:$0x3FB6]  }
0x2e: {  	s3 =	simm.s32 @!p0 $0x1082;
	s9 =	sld [smem:$0x3FB7]  }
0x2f: {  	lr =	sadd.s32 s0, s3;
	s0 =	sld [smem:$0x3FAE]  }
0x30: {  	s3 =	sld [smem:$0x3FB1]  }
0x31: {  	[smem:$0x3FBA] =	sst s10  }
0x32: {  	s10 =	sld [smem:$0x3FB8];
	_ =	sdelay $0x3  }
0x33: {  	p0 =	seq.s32 s10, $0x1;
	s10 =	sld [smem:$0x3FBA];
	_ =	sdelay $0x3  }
0x34: {  	[smem:$0x3FBA] =	sst s10  }
0x35: {  	s10 =	sld [smem:$0x3FB9];
	_ =	sdelay $0x3  }
0x36: {  	p1 =	seq.s32 s10, $0x1;
	s10 =	sld [smem:$0x3FBA];
	_ =	sdelay $0x3  }
0x37: {  	[smem:$0x3FBA] =	sst s10  }
0x38: {  	s10 =	sld [smem:$0x3FBB]  }
0x39: {  	_ = 	snop;
	(pc) =	sbr.ind lr, $3  }
0x3a: {  	_ = 	snop  }
0x3b: {  	_ = 	snop  }
0x3c: {  	p2 =	seq.s32 s10, $0x1;
	s10 =	sld [smem:$0x3FBA]  }
0x3d: {  	_ =	shalt  }
0x3e: {  	_ =	shalt  }
0x3f: {  	_ =	shalt  }
0x40: {  	_ =	shalt  }
0x41: {  	_ =	shalt  }
0x42: {  	_ =	shalt  }
0x43: {  	_ =	shalt  }
0x44: {  	_ =	shalt  }
0x45: {  	_ =	shalt  }
0x46: {  	_ =	shalt  }
0x47: {  	_ =	shalt  }
0x48: {  	_ =	shalt  }
0x49: {  	_ =	shalt  }
0x4a: {  	_ =	shalt  }
0x4b: {  	_ =	shalt  }
0x4c: {  	_ =	shalt  }
0x4d: {  	_ =	shalt  }
0x4e: {  	_ =	shalt  }
0x4f: {  	_ =	shalt  }
0x50: {  	_ =	shalt  }
0x51: {  	_ =	shalt  }
0x52: {  	_ =	shalt  }
0x53: {  	_ =	shalt  }
0x54: {  	_ =	shalt  }
0x55: {  	_ =	shalt  }
0x56: {  	_ =	shalt  }
0x57: {  	_ =	shalt  }
0x58: {  	_ =	shalt  }
0x59: {  	_ =	shalt  }
0x5a: {  	_ =	shalt  }
0x5b: {  	_ =	shalt  }
0x5c: {  	_ =	shalt  }
0x5d: {  	_ =	shalt  }
0x5e: {  	_ =	shalt  }
0x5f: {  	_ =	shalt  }
0x60: {  	_ =	shalt  }
0x61: {  	_ =	shalt  }
0x62: {  	_ =	shalt  }
0x63: {  	_ =	shalt  }
0x64: {  	_ =	shalt  }
0x65: {  	_ =	shalt  }
0x66: {  	_ =	shalt  }
0x67: {  	_ =	shalt  }
0x68: {  	_ =	shalt  }
0x69: {  	_ =	shalt  }
0x6a: {  	_ =	shalt  }
0x6b: {  	_ =	shalt  }
0x6c: {  	_ =	shalt  }
0x6d: {  	_ =	shalt  }
0x6e: {  	_ =	shalt  }
0x6f: {  	_ =	shalt  }
0x70: {  	_ =	shalt  }
0x71: {  	_ =	shalt  }
0x72: {  	_ =	shalt  }
0x73: {  	_ =	shalt  }
0x74: {  	_ =	shalt  }
0x75: {  	_ =	shalt  }
0x76: {  	_ =	shalt  }
0x77: {  	_ =	shalt  }
0x78: {  	_ =	shalt  }
0x79: {  	_ =	shalt  }
0x7a: {  	_ =	shalt  }
0x7b: {  	_ =	shalt  }
0x7c: {  	_ =	shalt  }
0x7d: {  	_ =	shalt  }
0x7e: {  	_ =	shalt  }
0x7f: {  	_ =	shalt  }
0x80: {  	_ =	shalt  }
0x81: {  	_ =	shalt  }
0x82: {  	_ =	shalt  }
0x83: {  	_ =	shalt  }
0x84: {  	_ =	shalt  }
0x85: {  	_ =	shalt  }
0x86: {  	_ =	shalt  }
0x87: {  	_ =	shalt  }
.Lfunc_end0:
.L_simem_size_0:
called_computation.1_lowered:
.L_overlay_start_0:
0x88: {  	s2 =	sld [smem:$0x3FD9]  }
0x89: {  	s3 =	sld [smem:$0x3FFE];
	_ =	sdelay $0x1  }
0x8a: {  	s1 =	srdreg.scid  }
0x8b: {  	s0 =	sand.u32 $0x1, s1  }
0x8c: {  	s17 =	sshll.u32 s0, $0xA;
	s2 =	sadd.s32 s3, s2  }
0x8d: {  	s2 =	sadd.s32 s2, s17  }
0x8e: {  	[smem:$0x3FC6] =	sst s2  }
0x8f: {  	_ = 	snop  }
0x90: {  	s2 =	sld [smem:$0x3FC9]  }
0x91: {  	s18 =	sld [smem:$0x3FD0];
	(tm) =	ssettm $0x1  }
0x92: {  	s4 =	sld [smem:$0x3FFB];
	_ =	sdelay $0x3  }
0x93: {  	_ =	strace s4  }
0x94: {  	s4 =	sld [smem:$0x3FFC];
	_ =	sdelay $0x3  }
0x95: {  	_ =	strace s4  }
0x96: {  	s4 =	sld [smem:$0x3FFD];
	_ =	sdelay $0x3  }
0x97: {  	_ =	strace s4  }
0x98: {  	_ =	strace $0x8FFFFFFF  }
0x99: {  	s19 =	sld [smem:$0x3FDB];
	_ =	sdelay $0x1  }
0x9a: {  	s5 =	simm.s32 $_scs_section_size  }
0x9b: {  	s6 =	simm.s32 $_size__tile_overlayer_lowered;
	s7 =	simm.s32 $_tile_overlayer_lowered  }
0x9c: {  	s22 =	simm.s32 $0x1BFF;
	s21 =	sshll.u32 s7, $0x1;
	s4 =	sadd.s32 s5, s19  }
0x9d: {  	s8 =	simm.s32 $0x0;
	s20 =	sshll.u32 s6, $0x1;
	s6 =	sadd.s32 s21, s4  }
0x9e: {  	[timem:s8], [sflag:s22] =	dma.local [hbm:s6], s20  }
0x9f: {  	_ =	swait.ge [sflag:s22], s20  }
0xa0: {  	s5 =	ssub.s32 $0x0, s20;
	[sflag:s22] =	ssyncset.done $0x0  }
0xa1: {  	[sflag:s22] =	ssyncadd.s32 s5;
	_ =	sdelay $0x1  }
0xa2: {  	s23 =	simm.s32 $0x1B8B  }
0xa3: {  	_ =	swait.ge [sflag:s23], $0x1  }
0xa4: {  	[sflag:s23] =	ssyncset.done $0x0  }
0xa5: {  	s25 =	simm.s32 $0x1B8E;
	s24 =	sld [smem:$0x3FFE];
	[sflag:s23] =	ssyncadd.s32 $0xFFFFFFFF  }
0xa6: {  	s26 =	simm.s32 $execute0_lowered;
	[smem:$0x3FD2] =	sst s25  }
0xa7: {  	s6 =	sshll.u32 s26, $0x1;
	_ =	strace $0x80000049;
	[dreg:$0x1] =	wrdreg $0xFFFFFFFF  }
0xa8: {  	s28 =	simm.s32 $_size_execute0_lowered;
	s4 =	sadd.s32 s4, s6;
	[dreg:$0x0] =	wrdreg $0x0  }
0xa9: {  	s6 =	sshll.u32 s28, $0x1;
	[dreg:$0x2] =	wrdreg s4  }
0xaa: {  	[dreg:$0x3] =	wrdreg s6  }
0xab: {  	[dreg:$0x4] =	wrdreg $0xC0  }
0xac: {  	_ =	task [dreg:s8], $0x5FFFF  }
0xad: {  	[dreg:$0x1] =	wrdreg $0xFFFFFFFF  }
0xae: {  	[dreg:$0x0] =	wrdreg $0x60  }
0xaf: {  	[dreg:$0x2] =	wrdreg s2  }
0xb0: {  	[dreg:$0x3] =	wrdreg s24  }
0xb1: {  	[dreg:$0x4] =	wrdreg s18  }
0xb2: {  	[dreg:$0x5] =	wrdreg $0x9  }
0xb3: {  	_ =	task.clear_ibuf [dreg:s8], $0x6FFFF;
	_ =	strace $0x90000049  }
0xb4: {  	s29 =	simm.s32 $0x9;
	_ =	strace $0x8000004B  }
0xb5: {  	_ =	swait.ge [sflag:s29], $0x1  }
0xb6: {  	[sflag:s29] =	ssyncadd.s32 $0xFFFFFFFF  }
0xb7: {  	_ =	strace $0x9000004B  }
0xb8: {  	_ =	sfence  }
0xb9: {  	s30 =	sld [smem:$0x0];
	_ =	sdelay $0x2  }
0xba: {  	s31 =	sshll.u32 s1, $0xD;
	s1 =	sshrl.u32 s1, $0x2  }
0xbb: {  	s3 =	sand.u32 $0x4000, s31;
	s1 =	sadd.s32 s1, s30  }
0xbc: {  	s0 =	sor.u32 s3, s0;
	s1 =	sshll.u32 s1, $0x11  }
0xbd: {  	s0 =	sor.u32 s1, s0  }
0xbe: {  	s0 =	sadd.s32 $0x8F2B, s0  }
0xbf: {  	[sflag:s0] =	ssyncadd.remote.s32 $0x1  }
0xc0: {  	_ =	sfence.sel $0xFFFF  }
0xc1: {  	[dreg:$0x0] =	wrdreg $0xFFFFFFFF;
	(pc) =	sbr.abs _section_cstart, $3  }
0xc2: {  	[dreg:$0x1] =	wrdreg $0xFFFFFFFF  }
0xc3: {  	_ =	task.clear_ibuf [dreg:s8], $0x2FFFF;
	_ =	strace $0x9FFFFFFF  }
0xc4: {  	(tm) =	ssettm $0x7FFFFFFF  }
0xc5: {  	_ =	shalt  }
tec
execute0_lowered:
.L_overlay_start_1:
0x0: {  	(tag) =	ssettag $0x1  }
0x1: {  	s1 =	rddreg [dreg:$0x0]  }
0x2: {  	s0 =	rddreg [dreg:$0x1];
	s2 =	srdreg.scid  }
0x3: {  	s9 =	stileid.u32;
	s4 =	rddreg [dreg:$0x2];
	s10 =	simm.s32 $0x3  }
0x4: {  	v0 =	vlaneseq.u32;
	vm0 =	vmmov $0xffff;
	s11 =	simm.s32 $0x4;
	s2 =	sand.u32 $0x1, s2;
	s3 =	sshll.u32 s9, $0x1  }
0x5: {  	v2 =	vand.u32 $0x7, v0;
	v3 =	vshrl.u32 v0, $0x3;
	v4 =	vor.u32 $0x8, v0;
	p0 =	sgt.u32 s9, $0x3;
	s5 =	sor.u32 s2, s3;
	s3 =	simm.s32 $0x0  }
0x6: {  	v5 =	vor.u32 $0x10, v0;
	v6 =	vor.u32 $0x20, v0;
	v7 =	vor.u32 $0x30, v0;
	s2 =	ssub.s32 $0x2, s2;
	s6 =	sshll.u32 s5, $0x8;
	s7 =	smul.u32 $0x18000, s5  }
0x7: {  	v8 =	vor.u32 $0x80, v0;
	v12 =	vor.u32 $0x100, v0;
	v13 =	vor.u32 $0x110, v0;
	[smem:$0x7FF] =	sst s3;
	s6 =	sadd.s32 s6, s0;
	s0 =	sadd.s32 $0x2800, s0  }
0x8: {  	v14 =	vor.u32 $0x120, v0;
	v15 =	vor.u32 $0x130, v0;
	v16 =	vor.u32 $0x180, v0;
	_ =	strace $0x8000004A;
	s6 =	sadd.s32 $0x800, s6;
	[dreg:$0x14] =	wrdreg s0  }
0x9: {  	v17 =	vor.u32 $0x190, v0;
	v18 =	vor.u32 $0x1A0, v0;
	v19 =	vor.u32 $0x1B0, v0;
	s14 =	smul.u32 $0xC0000, s5;
	s8 =	sadd.s32 s4, s7;
	[dreg:$0x4] =	wrdreg s6  }
0xa: {  	v20 =	vor.u32 $0x200, v0;
	v21 =	vor.u32 $0x210, v0;
	v22 =	vor.u32 $0x220, v0;
	s24 =	sshrl.u32 s2, $0x1;
	s12 =	sadd.s32 $0x1800, s8;
	[dreg:$0x16] =	wrdreg s8  }
0xb: {  	v23 =	vor.u32 $0x230, v0;
	v24 =	vor.u32 $0x280, v0;
	v25 =	vor.u32 $0x290, v0;
	s29 =	smul.u32 $0x300, s5;
	s13 =	sadd.s32 $0x3000, s8;
	[dreg:$0x5] =	wrdreg s12  }
0xc: {  	v26 =	vor.u32 $0x2A0, v0;
	v27 =	vor.u32 $0x2B0, v0;
	v28 =	vor.u32 $0x300, v0;
	s5 =	sshll.u32 s5, $0x3;
	s15 =	sadd.s32 $0x4800, s8;
	[dreg:$0x6] =	wrdreg s13  }
0xd: {  	v29 =	vor.u32 $0x310, v0;
	v30 =	vor.u32 $0x320, v0;
	v31 =	vor.u32 $0x330, v0;
	s7 =	sshrl.u32 s14, $0x3;
	s16 =	sadd.s32 $0x6000, s8;
	[dreg:$0x7] =	wrdreg s15  }
0xe: {  	v32 =	vor.u32 $0x380, v0;
	v33 =	vor.u32 $0x390, v0;
	v34 =	vor.u32 $0x3A0, v0;
	s17 =	sadd.s32 $0x7800, s8;
	s7 =	sadd.s32 s4, s7;
	[dreg:$0x8] =	wrdreg s16  }
0xf: {  	v35 =	vor.u32 $0x3B0, v0;
	v36 =	vor.u32 $0x400, v0;
	v37 =	vor.u32 $0x410, v0;
	s2 =	ssub.s32 s2, s24;
	[dreg:$0x9] =	wrdreg s17;
	s18 =	sadd.s32 $0x9000, s7  }
0x10: {  	v38 =	vor.u32 $0x420, v0;
	v39 =	vor.u32 $0x430, v0;
	v1 =	vadd.s32 s5, v0;
	s5 =	sadd.s32 $0x100, s1;
	s19 =	sadd.s32 $0xA800, s7;
	[dreg:$0xa] =	wrdreg s18  }
0x11: {  	v40 =	vor.u32 $0x480, v0;
	v41 =	vor.u32 $0x490, v0;
	v42 =	vor.u32 $0x4A0, v0;
	s2 =	smax.u32 s2, $0x1;
	s20 =	sadd.s32 $0xC000, s7;
	[dreg:$0xb] =	wrdreg s19  }
0x12: {  	v43 =	vor.u32 $0x4B0, v0;
	v44 =	vor.u32 $0x500, v0;
	v45 =	vor.u32 $0x510, v0;
	s14 =	simm.s32 $0x6;
	s21 =	sadd.s32 $0xD800, s7;
	[dreg:$0xc] =	wrdreg s20  }
0x13: {  	v46 =	vor.u32 $0x520, v0;
	v47 =	vor.u32 $0x530, v0;
	v48 =	vor.u32 $0x580, v0;
	s4 =	sadd.s32 s29, s4;
	s22 =	sadd.s32 $0xF000, s7;
	[dreg:$0xd] =	wrdreg s21  }
0x14: {  	v49 =	vor.u32 $0x590, v0;
	v50 =	vor.u32 $0x5A0, v0;
	v51 =	vor.u32 $0x5B0, v0;
	s6 =	sadd.s32 $0x200, s1;
	s23 =	sadd.s32 $0x10800, s7;
	[dreg:$0xe] =	wrdreg s22  }
0x15: {  	v52 =	vor.u32 $0x600, v0;
	v53 =	vor.u32 $0x610, v0;
	v54 =	vor.u32 $0x620, v0;
	s8 =	simm.s32 $0x2;
	s25 =	sadd.s32 $0x12000, s7;
	[dreg:$0xf] =	wrdreg s23  }
0x16: {  	v55 =	vor.u32 $0x630, v0;
	v56 =	vor.u32 $0x680, v0;
	v57 =	vor.u32 $0x690, v0;
	s26 =	sadd.s32 $0x13800, s7;
	s28 =	sadd.s32 $0x15000, s7;
	[dreg:$0x10] =	wrdreg s25  }
0x17: {  	v58 =	vor.u32 $0x6A0, v0;
	v59 =	vor.u32 $0x6B0, v0;
	[tilespmem:$0x1FFC0] =	vst v8;
	v8 =	vor.u32 $0x90, v0;
	s30 =	sadd.s32 $0x16800, s7;
	s31 =	sadd.s32 $0x300000, s4;
	[dreg:$0x11] =	wrdreg s26  }
0x18: {  	v60 =	vor.u32 $0x700, v0;
	v61 =	vor.u32 $0x710, v0;
	[tilespmem:$0x1FFD0] =	vst v8;
	v8 =	vor.u32 $0xA0, v0;
	s7 =	simm.s32 $0x1;
	s12 =	simm.s32 $0x9;
	[dreg:$0x12] =	wrdreg s28  }
0x19: {  	v62 =	vor.u32 $0x720, v0;
	v63 =	vor.u32 $0x730, v0;
	[tilespmem:$0x1FFE0] =	vst v8;
	v8 =	vor.u32 $0xB0, v0;
	s13 =	simm.s32 $0x5;
	s15 =	simm.s32 $0x7;
	[dreg:$0x13] =	wrdreg s30  }
0x1a: {  	v3 =	vmul.u32 $0x8, v3;
	vm1 =	vmmov @!p0 $0xffff;
	[tilespmem:$0x1FFF0] =	vst v8;
	v8 =	vor.u32 $0x780, v0;
	s16 =	simm.s32 $0x8;
	s17 =	simm.s32 $0xA;
	[dreg:$0x15] =	wrdreg s31  }
.LBB2_1:
0x1b: {  	[dreg:$0x17] =	wrdreg s2  }
0x1c: {  	s18 =	rddreg [dreg:$0x4];
	s29 =	simm.s32 $0xB  }
0x1d: {  	[tilespmem:s3], [sflag:$0xB] =	stream.linear.gather [hbm4b:s18+s3], $0x800, $0x38;
	[tilespmem:$0x18C00] =	vst v63  }
0x1e: {  	_ =	swait.ge [sflag:s29], $0x800  }
0x1f: {  	[sflag:s29] =	ssyncset.done $0x0  }
0x20: {  	[sflag:s29] =	ssyncadd.s32 $0xFFFFF800  }
0x21: {  	v9 =	vld.idx.msk [tilespmem:v0+s3+$0x0], $0xffff;
	_ =	sdelay $0x4  }
0x22: {  	v9 =	vshll.u32 v9, $0x6  }
0x23: {  	v9 =	vor.u32 v0, v9  }
0x24: {  	v10 =	vshrl.u32 v9, $0x3  }
0x25: {  	v10 =	vmul.u32 $0x30, v10;
	_ =	sdelay $0x1  }
0x26: {  	v10 =	vor.u32 v2, v10  }
0x27: {  	v11 =	vperm.xlane v10, v2;
	_ =	sdelay $0x1  }
0x28: {  	v11 =	vadd.s32 v3, v11;
	_ =	sdelay $0x3  }
0x29: {  	s30 =	simm.s32 $0xC00;
	[tilespmem:$0x800] =	vst v9;
	v9 =	vperm.xlane v10, v4  }
0x2a: {  	[tilespmem:s30], [sflag:$0x1] =	stream.indirect_vreg.gather [hbm4b:s1+s3], $0x80, v11, vm0, $0xb8;
	[tilespmem:$0x18C00] =	vst v63  }
0x2b: {  	s31 =	simm.s32 $0x1400;
	v9 =	vadd.s32 v3, v9  }
0x2c: {  	[tilespmem:s31], [sflag:$0x1] =	stream.indirect_vreg.gather [hbm4b:s5+s3], $0x80, v11, vm0, $0xb8;
	[tilespmem:$0x18C00] =	vst v63  }
0x2d: {  	s0 =	simm.s32 $0x1C00  }
0x2e: {  	[tilespmem:s0], [sflag:$0x1] =	stream.indirect_vreg.gather [hbm4b:s6+s3], $0x80, v11, vm0, $0xb8;
	[tilespmem:$0x18C00] =	vst v63  }
0x2f: {  	s4 =	simm.s32 $0x2400  }
0x30: {  	[tilespmem:s4], [sflag:$0x1] =	stream.indirect_vreg.gather [hbm4b:s1+s3], $0x80, v9, vm0, $0xb8;
	[tilespmem:$0x18C00] =	vst v63  }
0x31: {  	s9 =	simm.s32 $0x2C00  }
0x32: {  	[tilespmem:s9], [sflag:$0x1] =	stream.indirect_vreg.gather [hbm4b:s5+s3], $0x80, v9, vm0, $0xb8;
	[tilespmem:$0x18C00] =	vst v63  }
0x33: {  	s18 =	simm.s32 $0x3400  }
0x34: {  	[tilespmem:s18], [sflag:$0x1] =	stream.indirect_vreg.gather [hbm4b:s6+s3], $0x80, v9, vm0, $0xb8;
	[tilespmem:$0x18C00] =	vst v63  }
0x35: {  	v9 =	vld.idx.msk [tilespmem:v5+s3+$0x0], $0xffff;
	_ =	sdelay $0x4  }
0x36: {  	v9 =	vshll.u32 v9, $0x6  }
0x37: {  	v9 =	vor.u32 v5, v9  }
0x38: {  	v10 =	vshrl.u32 v9, $0x3  }
0x39: {  	v10 =	vmul.u32 $0x30, v10;
	_ =	sdelay $0x1  }
0x3a: {  	v10 =	vor.u32 v2, v10  }
0x3b: {  	v11 =	vperm.xlane v10, v2;
	_ =	sdelay $0x1  }
0x3c: {  	v11 =	vadd.s32 v3, v11;
	_ =	sdelay $0x3  }
0x3d: {  	s19 =	simm.s32 $0x3C00;
	[tilespmem:$0x880] =	vst v9;
	v9 =	vperm.xlane v10, v4  }
0x3e: {  	[tilespmem:s19], [sflag:$0x2] =	stream.indirect_vreg.gather [hbm4b:s1+s3], $0x80, v11, vm0, $0xb8;
	[tilespmem:$0x18C00] =	vst v63  }
0x3f: {  	s20 =	simm.s32 $0x4400;
	v9 =	vadd.s32 v3, v9  }
0x40: {  	[tilespmem:s20], [sflag:$0x2] =	stream.indirect_vreg.gather [hbm4b:s5+s3], $0x80, v11, vm0, $0xb8;
	[tilespmem:$0x18C00] =	vst v63  }
0x41: {  	s21 =	simm.s32 $0x4C00  }
0x42: {  	[tilespmem:s21], [sflag:$0x2] =	stream.indirect_vreg.gather [hbm4b:s6+s3], $0x80, v11, vm0, $0xb8;
	[tilespmem:$0x18C00] =	vst v63  }
0x43: {  	s25 =	simm.s32 $0x5400  }
0x44: {  	[tilespmem:s25], [sflag:$0x2] =	stream.indirect_vreg.gather [hbm4b:s1+s3], $0x80, v9, vm0, $0xb8;
	[tilespmem:$0x18C00] =	vst v63  }
0x45: {  	s26 =	simm.s32 $0x5C00  }
0x46: {  	[tilespmem:s26], [sflag:$0x2] =	stream.indirect_vreg.gather [hbm4b:s5+s3], $0x80, v9, vm0, $0xb8;
	[tilespmem:$0x18C00] =	vst v63  }
0x47: {  	s28 =	simm.s32 $0x6400  }
0x48: {  	[tilespmem:s28], [sflag:$0x2] =	stream.indirect_vreg.gather [hbm4b:s6+s3], $0x80, v9, vm0, $0xb8;
	[tilespmem:$0x18C00] =	vst v63  }
0x49: {  	v9 =	vld.idx.msk [tilespmem:v6+s3+$0x0], $0xffff;
	_ =	sdelay $0x4  }
0x4a: {  	v9 =	vshll.u32 v9, $0x6  }
0x4b: {  	v9 =	vor.u32 v6, v9  }
0x4c: {  	v10 =	vshrl.u32 v9, $0x3  }
0x4d: {  	v10 =	vmul.u32 $0x30, v10;
	_ =	sdelay $0x1  }
0x4e: {  	v10 =	vor.u32 v2, v10  }
0x4f: {  	v11 =	vperm.xlane v10, v2;
	_ =	sdelay $0x1  }
0x50: {  	v11 =	vadd.s32 v3, v11;
	_ =	sdelay $0x3  }
0x51: {  	s29 =	simm.s32 $0x6C00;
	[tilespmem:$0x900] =	vst v9;
	v9 =	vperm.xlane v10, v4  }
0x52: {  	[tilespmem:s29], [sflag:$0x3] =	stream.indirect_vreg.gather [hbm4b:s1+s3], $0x80, v11, vm0, $0xb8;
	[tilespmem:$0x18C00] =	vst v63  }
0x53: {  	s30 =	simm.s32 $0x7400;
	v9 =	vadd.s32 v3, v9  }
0x54: {  	[tilespmem:s30], [sflag:$0x3] =	stream.indirect_vreg.gather [hbm4b:s5+s3], $0x80, v11, vm0, $0xb8;
	[tilespmem:$0x18C00] =	vst v63  }
0x55: {  	s31 =	simm.s32 $0x7C00  }
0x56: {  	[tilespmem:s31], [sflag:$0x3] =	stream.indirect_vreg.gather [hbm4b:s6+s3], $0x80, v11, vm0, $0xb8;
	[tilespmem:$0x18C00] =	vst v63  }
0x57: {  	s0 =	simm.s32 $0x8400  }
0x58: {  	[tilespmem:s0], [sflag:$0x3] =	stream.indirect_vreg.gather [hbm4b:s1+s3], $0x80, v9, vm0, $0xb8;
	[tilespmem:$0x18C00] =	vst v63  }
0x59: {  	s9 =	simm.s32 $0x8C00  }
0x5a: {  	[tilespmem:s9], [sflag:$0x3] =	stream.indirect_vreg.gather [hbm4b:s5+s3], $0x80, v9, vm0, $0xb8;
	[tilespmem:$0x18C00] =	vst v63  }
0x5b: {  	s18 =	simm.s32 $0x9400  }
0x5c: {  	[tilespmem:s18], [sflag:$0x3] =	stream.indirect_vreg.gather [hbm4b:s6+s3], $0x80, v9, vm0, $0xb8;
	[tilespmem:$0x18C00] =	vst v63  }
0x5d: {  	v9 =	vld.idx.msk [tilespmem:v7+s3+$0x0], $0xffff;
	_ =	sdelay $0x4  }
0x5e: {  	v9 =	vshll.u32 v9, $0x6  }
0x5f: {  	v9 =	vor.u32 v7, v9  }
0x60: {  	v10 =	vshrl.u32 v9, $0x3  }
0x61: {  	v10 =	vmul.u32 $0x30, v10;
	_ =	sdelay $0x1  }
0x62: {  	v10 =	vor.u32 v2, v10  }
0x63: {  	v11 =	vperm.xlane v10, v2;
	_ =	sdelay $0x1  }
0x64: {  	v11 =	vadd.s32 v3, v11;
	_ =	sdelay $0x3  }
0x65: {  	s28 =	simm.s32 $0x9C00;
	[tilespmem:$0x980] =	vst v9;
	v9 =	vperm.xlane v10, v4  }
0x66: {  	[tilespmem:s28], [sflag:$0x4] =	stream.indirect_vreg.gather [hbm4b:s1+s3], $0x80, v11, vm0, $0xb8;
	[tilespmem:$0x18C00] =	vst v63  }
0x67: {  	s29 =	simm.s32 $0xA400;
	v9 =	vadd.s32 v3, v9  }
0x68: {  	[tilespmem:s29], [sflag:$0x4] =	stream.indirect_vreg.gather [hbm4b:s5+s3], $0x80, v11, vm0, $0xb8;
	[tilespmem:$0x18C00] =	vst v63  }
0x69: {  	s30 =	simm.s32 $0xAC00  }
0x6a: {  	[tilespmem:s30], [sflag:$0x4] =	stream.indirect_vreg.gather [hbm4b:s6+s3], $0x80, v11, vm0, $0xb8;
	[tilespmem:$0x18C00] =	vst v63  }
0x6b: {  	s31 =	simm.s32 $0xB400  }
0x6c: {  	[tilespmem:s31], [sflag:$0x4] =	stream.indirect_vreg.gather [hbm4b:s1+s3], $0x80, v9, vm0, $0xb8;
	[tilespmem:$0x18C00] =	vst v63  }
0x6d: {  	s18 =	simm.s32 $0xBC00  }
0x6e: {  	[tilespmem:s18], [sflag:$0x4] =	stream.indirect_vreg.gather [hbm4b:s5+s3], $0x80, v9, vm0, $0xb8;
	[tilespmem:$0x18C00] =	vst v63  }
0x6f: {  	s30 =	simm.s32 $0xC400  }
0x70: {  	[tilespmem:s30], [sflag:$0x4] =	stream.indirect_vreg.gather [hbm4b:s6+s3], $0x80, v9, vm0, $0xb8;
	v9 =	vld [tilespmem:$0x1FFC0]  }
0x71: {  	_ =	sdelay $0x6  }
0x72: {  	v9 =	vld.idx.msk [tilespmem:v9+s3+$0x0], $0xffff;
	_ =	sdelay $0x4  }
0x73: {  	v9 =	vshll.u32 v9, $0x6  }
0x74: {  	v9 =	vor.u32 v0, v9  }
0x75: {  	v10 =	vshrl.u32 v9, $0x3  }
0x76: {  	v10 =	vmul.u32 $0x30, v10;
	_ =	sdelay $0x1  }
0x77: {  	v10 =	vor.u32 v2, v10  }
0x78: {  	v11 =	vperm.xlane v10, v2;
	_ =	sdelay $0x1  }
0x79: {  	v11 =	vadd.s32 v3, v11;
	_ =	sdelay $0x3  }
0x7a: {  	s18 =	simm.s32 $0xCC00;
	[tilespmem:$0xA00] =	vst v9;
	v9 =	vperm.xlane v10, v4  }
0x7b: {  	[tilespmem:s18], [sflag:$0x5] =	stream.indirect_vreg.gather [hbm4b:s1+s3], $0x80, v11, vm0, $0xb8;
	[tilespmem:$0x18C00] =	vst v63  }
0x7c: {  	s30 =	simm.s32 $0xD400;
	v9 =	vadd.s32 v3, v9  }
0x7d: {  	[tilespmem:s30], [sflag:$0x5] =	stream.indirect_vreg.gather [hbm4b:s5+s3], $0x80, v11, vm0, $0xb8;
	[tilespmem:$0x18C00] =	vst v63  }
0x7e: {  	s18 =	simm.s32 $0xDC00  }
0x7f: {  	[tilespmem:s18], [sflag:$0x5] =	stream.indirect_vreg.gather [hbm4b:s6+s3], $0x80, v11, vm0, $0xb8;
	[tilespmem:$0x18C00] =	vst v63  }
0x80: {  	s30 =	simm.s32 $0xE400  }
0x81: {  	[tilespmem:s30], [sflag:$0x5] =	stream.indirect_vreg.gather [hbm4b:s1+s3], $0x80, v9, vm0, $0xb8;
	[tilespmem:$0x18C00] =	vst v63  }
0x82: {  	s18 =	simm.s32 $0xEC00  }
0x83: {  	[tilespmem:s18], [sflag:$0x5] =	stream.indirect_vreg.gather [hbm4b:s5+s3], $0x80, v9, vm0, $0xb8;
	[tilespmem:$0x18C00] =	vst v63  }
0x84: {  	s30 =	simm.s32 $0xF400  }
0x85: {  	[tilespmem:s30], [sflag:$0x5] =	stream.indirect_vreg.gather [hbm4b:s6+s3], $0x80, v9, vm0, $0xb8;
	v9 =	vld [tilespmem:$0x1FFD0]  }
0x86: {  	_ =	sdelay $0x6  }
0x87: {  	v9 =	vld.idx.msk [tilespmem:v9+s3+$0x0], $0xffff;
	_ =	sdelay $0x4  }
0x88: {  	v9 =	vshll.u32 v9, $0x6  }
0x89: {  	v9 =	vor.u32 v5, v9  }
0x8a: {  	v10 =	vshrl.u32 v9, $0x3  }
0x8b: {  	v10 =	vmul.u32 $0x30, v10;
	_ =	sdelay $0x1  }
0x8c: {  	v10 =	vor.u32 v2, v10  }
0x8d: {  	v11 =	vperm.xlane v10, v2;
	_ =	sdelay $0x1  }
0x8e: {  	v11 =	vadd.s32 v3, v11;
	_ =	sdelay $0x3  }
0x8f: {  	s18 =	simm.s32 $0xFC00;
	[tilespmem:$0xA80] =	vst v9;
	v9 =	vperm.xlane v10, v4  }
0x90: {  	[tilespmem:s18], [sflag:$0x6] =	stream.indirect_vreg.gather [hbm4b:s1+s3], $0x80, v11, vm0, $0xb8;
	[tilespmem:$0x18C00] =	vst v63  }
0x91: {  	s30 =	simm.s32 $0x10400;
	v9 =	vadd.s32 v3, v9  }
0x92: {  	[tilespmem:s30], [sflag:$0x6] =	stream.indirect_vreg.gather [hbm4b:s5+s3], $0x80, v11, vm0, $0xb8;
	[tilespmem:$0x18C00] =	vst v63  }
0x93: {  	s18 =	simm.s32 $0x10C00  }
0x94: {  	[tilespmem:s18], [sflag:$0x6] =	stream.indirect_vreg.gather [hbm4b:s6+s3], $0x80, v11, vm0, $0xb8;
	[tilespmem:$0x18C00] =	vst v63  }
0x95: {  	s30 =	simm.s32 $0x11400  }
0x96: {  	[tilespmem:s30], [sflag:$0x6] =	stream.indirect_vreg.gather [hbm4b:s1+s3], $0x80, v9, vm0, $0xb8;
	[tilespmem:$0x18C00] =	vst v63  }
0x97: {  	s18 =	simm.s32 $0x11C00  }
0x98: {  	[tilespmem:s18], [sflag:$0x6] =	stream.indirect_vreg.gather [hbm4b:s5+s3], $0x80, v9, vm0, $0xb8;
	[tilespmem:$0x18C00] =	vst v63  }
0x99: {  	s30 =	simm.s32 $0x12400  }
0x9a: {  	[tilespmem:s30], [sflag:$0x6] =	stream.indirect_vreg.gather [hbm4b:s6+s3], $0x80, v9, vm0, $0xb8;
	v9 =	vld [tilespmem:$0x1FFE0]  }
0x9b: {  	_ =	sdelay $0x6  }
0x9c: {  	v9 =	vld.idx.msk [tilespmem:v9+s3+$0x0], $0xffff;
	_ =	sdelay $0x4  }
0x9d: {  	v9 =	vshll.u32 v9, $0x6  }
0x9e: {  	v9 =	vor.u32 v6, v9  }
0x9f: {  	v10 =	vshrl.u32 v9, $0x3  }
0xa0: {  	v10 =	vmul.u32 $0x30, v10;
	_ =	sdelay $0x1  }
0xa1: {  	v10 =	vor.u32 v2, v10  }
0xa2: {  	v11 =	vperm.xlane v10, v2;
	_ =	sdelay $0x1  }
0xa3: {  	v11 =	vadd.s32 v3, v11;
	_ =	sdelay $0x3  }
0xa4: {  	s18 =	simm.s32 $0x12C00;
	[tilespmem:$0xB00] =	vst v9;
	v9 =	vperm.xlane v10, v4  }
0xa5: {  	[tilespmem:s18], [sflag:$0x7] =	stream.indirect_vreg.gather [hbm4b:s1+s3], $0x80, v11, vm0, $0xb8;
	[tilespmem:$0x18C00] =	vst v63  }
0xa6: {  	s30 =	simm.s32 $0x13400;
	v9 =	vadd.s32 v3, v9  }
0xa7: {  	[tilespmem:s30], [sflag:$0x7] =	stream.indirect_vreg.gather [hbm4b:s5+s3], $0x80, v11, vm0, $0xb8;
	[tilespmem:$0x18C00] =	vst v63  }
0xa8: {  	s18 =	simm.s32 $0x13C00  }
0xa9: {  	[tilespmem:s18], [sflag:$0x7] =	stream.indirect_vreg.gather [hbm4b:s6+s3], $0x80, v11, vm0, $0xb8;
	[tilespmem:$0x18C00] =	vst v63  }
0xaa: {  	s30 =	simm.s32 $0x14400  }
0xab: {  	[tilespmem:s30], [sflag:$0x7] =	stream.indirect_vreg.gather [hbm4b:s1+s3], $0x80, v9, vm0, $0xb8;
	[tilespmem:$0x18C00] =	vst v63  }
0xac: {  	s2 =	simm.s32 $0x14C00  }
0xad: {  	[tilespmem:s2], [sflag:$0x7] =	stream.indirect_vreg.gather [hbm4b:s5+s3], $0x80, v9, vm0, $0xb8;
	[tilespmem:$0x18C00] =	vst v63  }
0xae: {  	s30 =	simm.s32 $0x15400  }
0xaf: {  	[tilespmem:s30], [sflag:$0x7] =	stream.indirect_vreg.gather [hbm4b:s6+s3], $0x80, v9, vm0, $0xb8;
	v9 =	vld [tilespmem:$0x1FFF0]  }
0xb0: {  	_ =	sdelay $0x6  }
0xb1: {  	v9 =	vld.idx.msk [tilespmem:v9+s3+$0x0], $0xffff;
	_ =	sdelay $0x4  }
0xb2: {  	v9 =	vshll.u32 v9, $0x6  }
0xb3: {  	v9 =	vor.u32 v7, v9  }
0xb4: {  	v10 =	vshrl.u32 v9, $0x3  }
0xb5: {  	v10 =	vmul.u32 $0x30, v10;
	_ =	sdelay $0x1  }
0xb6: {  	v10 =	vor.u32 v2, v10  }
0xb7: {  	v11 =	vperm.xlane v10, v2;
	_ =	sdelay $0x1  }
0xb8: {  	v11 =	vadd.s32 v3, v11;
	_ =	sdelay $0x3  }
0xb9: {  	s2 =	simm.s32 $0x15C00;
	[tilespmem:$0xB80] =	vst v9;
	v9 =	vperm.xlane v10, v4  }
0xba: {  	[tilespmem:s2], [sflag:$0x8] =	stream.indirect_vreg.gather [hbm4b:s1+s3], $0x80, v11, vm0, $0xb8;
	[tilespmem:$0x18C00] =	vst v63  }
0xbb: {  	s30 =	simm.s32 $0x16400;
	v9 =	vadd.s32 v3, v9  }
0xbc: {  	[tilespmem:s30], [sflag:$0x8] =	stream.indirect_vreg.gather [hbm4b:s5+s3], $0x80, v11, vm0, $0xb8;
	[tilespmem:$0x18C00] =	vst v63  }
0xbd: {  	s2 =	simm.s32 $0x16C00  }
0xbe: {  	[tilespmem:s2], [sflag:$0x8] =	stream.indirect_vreg.gather [hbm4b:s6+s3], $0x80, v11, vm0, $0xb8;
	[tilespmem:$0x18C00] =	vst v63  }
0xbf: {  	s30 =	simm.s32 $0x17400  }
0xc0: {  	[tilespmem:s30], [sflag:$0x8] =	stream.indirect_vreg.gather [hbm4b:s1+s3], $0x80, v9, vm0, $0xb8;
	[tilespmem:$0x18C00] =	vst v63  }
0xc1: {  	s2 =	simm.s32 $0x17C00  }
0xc2: {  	[tilespmem:s2], [sflag:$0x8] =	stream.indirect_vreg.gather [hbm4b:s5+s3], $0x80, v9, vm0, $0xb8;
	[tilespmem:$0x18C00] =	vst v63  }
0xc3: {  	s30 =	simm.s32 $0x18400  }
0xc4: {  	[tilespmem:s30], [sflag:$0x8] =	stream.indirect_vreg.gather [hbm4b:s6+s3], $0x80, v9, vm0, $0xb8;
	[tilespmem:$0x18C00] =	vst v63  }
0xc5: {  	_ =	swait.ge [sflag:s7], $0x3000  }
0xc6: {  	[sflag:s7] =	ssyncset.done $0x0  }
0xc7: {  	[sflag:s7] =	ssyncadd.s32 $0xFFFFD000  }
0xc8: {  	_ =	swait.ge [sflag:s8], $0x3000  }
0xc9: {  	[sflag:s8] =	ssyncset.done $0x0  }
0xca: {  	[sflag:s8] =	ssyncadd.s32 $0xFFFFD000  }
0xcb: {  	_ =	swait.ge [sflag:s10], $0x3000  }
0xcc: {  	[sflag:s10] =	ssyncset.done $0x0  }
0xcd: {  	[sflag:s10] =	ssyncadd.s32 $0xFFFFD000  }
0xce: {  	_ =	swait.ge [sflag:s11], $0x3000  }
0xcf: {  	[sflag:s11] =	ssyncset.done $0x0  }
0xd0: {  	s30 =	simm.s32 $0xC00;
	s2 =	rddreg [dreg:$0x16];
	[sflag:s11] =	ssyncadd.s32 $0xFFFFD000  }
0xd1: {  	[hbm4b:s2+s3] =	stream.linear.scatter [tilespmem:s30], [sflag:$0x9], $0xC000, $0x38;
	[tilespmem:$0x18C00] =	vst v63  }
0xd2: {  	_ =	swait.ge [sflag:s12], $0xC000  }
0xd3: {  	[sflag:s12] =	ssyncset.done $0x0  }
0xd4: {  	[sflag:s12] =	ssyncadd.s32 $0xFFFF4000  }
0xd5: {  	v9 =	vld.idx.msk [tilespmem:v12+s3+$0x0], $0xffff;
	_ =	sdelay $0x4  }
0xd6: {  	v9 =	vshll.u32 v9, $0x6  }
0xd7: {  	v9 =	vor.u32 v0, v9  }
0xd8: {  	v10 =	vshrl.u32 v9, $0x3  }
0xd9: {  	v10 =	vmul.u32 $0x30, v10;
	_ =	sdelay $0x1  }
0xda: {  	v10 =	vor.u32 v2, v10  }
0xdb: {  	v11 =	vperm.xlane v10, v2;
	_ =	sdelay $0x1  }
0xdc: {  	v11 =	vadd.s32 v3, v11;
	_ =	sdelay $0x3  }
0xdd: {  	[tilespmem:$0x800] =	vst v9;
	v9 =	vperm.xlane v10, v4  }
0xde: {  	[tilespmem:s30], [sflag:$0x1] =	stream.indirect_vreg.gather [hbm4b:s1+s3], $0x80, v11, vm0, $0xb8;
	[tilespmem:$0x18C00] =	vst v63  }
0xdf: {  	s23 =	simm.s32 $0x1400;
	v9 =	vadd.s32 v3, v9  }
0xe0: {  	[tilespmem:s23], [sflag:$0x1] =	stream.indirect_vreg.gather [hbm4b:s5+s3], $0x80, v11, vm0, $0xb8;
	[tilespmem:$0x18C00] =	vst v63  }
0xe1: {  	s24 =	simm.s32 $0x1C00  }
0xe2: {  	[tilespmem:s24], [sflag:$0x1] =	stream.indirect_vreg.gather [hbm4b:s6+s3], $0x80, v11, vm0, $0xb8;
	[tilespmem:$0x18C00] =	vst v63  }
0xe3: {  	s22 =	simm.s32 $0x2400  }
0xe4: {  	[tilespmem:s22], [sflag:$0x1] =	stream.indirect_vreg.gather [hbm4b:s1+s3], $0x80, v9, vm0, $0xb8;
	[tilespmem:$0x18C00] =	vst v63  }
0xe5: {  	s30 =	simm.s32 $0x2C00  }
0xe6: {  	[tilespmem:s30], [sflag:$0x1] =	stream.indirect_vreg.gather [hbm4b:s5+s3], $0x80, v9, vm0, $0xb8;
	[tilespmem:$0x18C00] =	vst v63  }
0xe7: {  	s4 =	simm.s32 $0x3400  }
0xe8: {  	[tilespmem:s4], [sflag:$0x1] =	stream.indirect_vreg.gather [hbm4b:s6+s3], $0x80, v9, vm0, $0xb8;
	[tilespmem:$0x18C00] =	vst v63  }
0xe9: {  	v9 =	vld.idx.msk [tilespmem:v13+s3+$0x0], $0xffff;
	_ =	sdelay $0x4  }
0xea: {  	v9 =	vshll.u32 v9, $0x6  }
0xeb: {  	v9 =	vor.u32 v5, v9  }
0xec: {  	v10 =	vshrl.u32 v9, $0x3  }
0xed: {  	v10 =	vmul.u32 $0x30, v10;
	_ =	sdelay $0x1  }
0xee: {  	v10 =	vor.u32 v2, v10  }
0xef: {  	v11 =	vperm.xlane v10, v2;
	_ =	sdelay $0x1  }
0xf0: {  	v11 =	vadd.s32 v3, v11;
	_ =	sdelay $0x3  }
0xf1: {  	s19 =	simm.s32 $0x3C00;
	[tilespmem:$0x880] =	vst v9;
	v9 =	vperm.xlane v10, v4  }
0xf2: {  	[tilespmem:s19], [sflag:$0x2] =	stream.indirect_vreg.gather [hbm4b:s1+s3], $0x80, v11, vm0, $0xb8;
	[tilespmem:$0x18C00] =	vst v63  }
0xf3: {  	s23 =	simm.s32 $0x4400;
	v9 =	vadd.s32 v3, v9  }
0xf4: {  	[tilespmem:s23], [sflag:$0x2] =	stream.indirect_vreg.gather [hbm4b:s5+s3], $0x80, v11, vm0, $0xb8;
	[tilespmem:$0x18C00] =	vst v63  }
0xf5: {  	s24 =	simm.s32 $0x4C00  }
0xf6: {  	[tilespmem:s24], [sflag:$0x2] =	stream.indirect_vreg.gather [hbm4b:s6+s3], $0x80, v11, vm0, $0xb8;
	[tilespmem:$0x18C00] =	vst v63  }
0xf7: {  	s4 =	simm.s32 $0x5400  }
0xf8: {  	[tilespmem:s4], [sflag:$0x2] =	stream.indirect_vreg.gather [hbm4b:s1+s3], $0x80, v9, vm0, $0xb8;
	[tilespmem:$0x18C00] =	vst v63  }
0xf9: {  	s19 =	simm.s32 $0x5C00  }
0xfa: {  	[tilespmem:s19], [sflag:$0x2] =	stream.indirect_vreg.gather [hbm4b:s5+s3], $0x80, v9, vm0, $0xb8;
	[tilespmem:$0x18C00] =	vst v63  }
0xfb: {  	s20 =	simm.s32 $0x6400  }
0xfc: {  	[tilespmem:s20], [sflag:$0x2] =	stream.indirect_vreg.gather [hbm4b:s6+s3], $0x80, v9, vm0, $0xb8;
	[tilespmem:$0x18C00] =	vst v63  }
0xfd: {  	v9 =	vld.idx.msk [tilespmem:v14+s3+$0x0], $0xffff;
	_ =	sdelay $0x4  }
0xfe: {  	v9 =	vshll.u32 v9, $0x6  }
0xff: {  	v9 =	vor.u32 v6, v9  }
0x100: {  	v10 =	vshrl.u32 v9, $0x3  }
0x101: {  	v10 =	vmul.u32 $0x30, v10;
	_ =	sdelay $0x1  }
0x102: {  	v10 =	vor.u32 v2, v10  }
0x103: {  	v11 =	vperm.xlane v10, v2;
	_ =	sdelay $0x1  }
0x104: {  	v11 =	vadd.s32 v3, v11;
	_ =	sdelay $0x3  }
0x105: {  	s21 =	simm.s32 $0x6C00;
	[tilespmem:$0x900] =	vst v9;
	v9 =	vperm.xlane v10, v4  }
0x106: {  	[tilespmem:s21], [sflag:$0x3] =	stream.indirect_vreg.gather [hbm4b:s1+s3], $0x80, v11, vm0, $0xb8;
	[tilespmem:$0x18C00] =	vst v63  }
0x107: {  	s20 =	simm.s32 $0x7400;
	v9 =	vadd.s32 v3, v9  }
0x108: {  	[tilespmem:s20], [sflag:$0x3] =	stream.indirect_vreg.gather [hbm4b:s5+s3], $0x80, v11, vm0, $0xb8;
	[tilespmem:$0x18C00] =	vst v63  }
0x109: {  	s21 =	simm.s32 $0x7C00  }
0x10a: {  	[tilespmem:s21], [sflag:$0x3] =	stream.indirect_vreg.gather [hbm4b:s6+s3], $0x80, v11, vm0, $0xb8;
	[tilespmem:$0x18C00] =	vst v63  }
0x10b: {  	s25 =	simm.s32 $0x8400  }
0x10c: {  	[tilespmem:s25], [sflag:$0x3] =	stream.indirect_vreg.gather [hbm4b:s1+s3], $0x80, v9, vm0, $0xb8;
	[tilespmem:$0x18C00] =	vst v63  }
0x10d: {  	s26 =	simm.s32 $0x8C00  }
0x10e: {  	[tilespmem:s26], [sflag:$0x3] =	stream.indirect_vreg.gather [hbm4b:s5+s3], $0x80, v9, vm0, $0xb8;
	[tilespmem:$0x18C00] =	vst v63  }
0x10f: {  	s0 =	simm.s32 $0x9400  }
0x110: {  	[tilespmem:s0], [sflag:$0x3] =	stream.indirect_vreg.gather [hbm4b:s6+s3], $0x80, v9, vm0, $0xb8;
	[tilespmem:$0x18C00] =	vst v63  }
0x111: {  	v9 =	vld.idx.msk [tilespmem:v15+s3+$0x0], $0xffff;
	_ =	sdelay $0x4  }
0x112: {  	v9 =	vshll.u32 v9, $0x6  }
0x113: {  	v9 =	vor.u32 v7, v9  }
0x114: {  	v10 =	vshrl.u32 v9, $0x3  }
0x115: {  	v10 =	vmul.u32 $0x30, v10;
	_ =	sdelay $0x1  }
0x116: {  	v10 =	vor.u32 v2, v10  }
0x117: {  	v11 =	vperm.xlane v10, v2;
	_ =	sdelay $0x1  }
0x118: {  	v11 =	vadd.s32 v3, v11;
	_ =	sdelay $0x3  }
0x119: {  	s9 =	simm.s32 $0x9C00;
	[tilespmem:$0x980] =	vst v9;
	v9 =	vperm.xlane v10, v4  }
0x11a: {  	[tilespmem:s9], [sflag:$0x4] =	stream.indirect_vreg.gather [hbm4b:s1+s3], $0x80, v11, vm0, $0xb8;
	[tilespmem:$0x18C00] =	vst v63  }
0x11b: {  	s28 =	simm.s32 $0xA400;
	v9 =	vadd.s32 v3, v9  }
0x11c: {  	[tilespmem:s28], [sflag:$0x4] =	stream.indirect_vreg.gather [hbm4b:s5+s3], $0x80, v11, vm0, $0xb8;
	[tilespmem:$0x18C00] =	vst v63  }
0x11d: {  	s29 =	simm.s32 $0xAC00  }
0x11e: {  	[tilespmem:s29], [sflag:$0x4] =	stream.indirect_vreg.gather [hbm4b:s6+s3], $0x80, v11, vm0, $0xb8;
	[tilespmem:$0x18C00] =	vst v63  }
0x11f: {  	s31 =	simm.s32 $0xB400  }
0x120: {  	[tilespmem:s31], [sflag:$0x4] =	stream.indirect_vreg.gather [hbm4b:s1+s3], $0x80, v9, vm0, $0xb8;
	[tilespmem:$0x18C00] =	vst v63  }
0x121: {  	s28 =	simm.s32 $0xBC00  }
0x122: {  	[tilespmem:s28], [sflag:$0x4] =	stream.indirect_vreg.gather [hbm4b:s5+s3], $0x80, v9, vm0, $0xb8;
	[tilespmem:$0x18C00] =	vst v63  }
0x123: {  	s29 =	simm.s32 $0xC400  }
0x124: {  	[tilespmem:s29], [sflag:$0x4] =	stream.indirect_vreg.gather [hbm4b:s6+s3], $0x80, v9, vm0, $0xb8;
	[tilespmem:$0x18C00] =	vst v63  }
0x125: {  	_ =	swait.ge [sflag:s13], $0x3000  }
0x126: {  	[sflag:s13] =	ssyncset.done $0x0  }
0x127: {  	[sflag:s13] =	ssyncadd.s32 $0xFFFFD000  }
0x128: {  	_ =	swait.ge [sflag:s14], $0x3000  }
0x129: {  	[sflag:s14] =	ssyncset.done $0x0  }
0x12a: {  	[sflag:s14] =	ssyncadd.s32 $0xFFFFD000  }
0x12b: {  	_ =	swait.ge [sflag:s15], $0x3000  }
0x12c: {  	[sflag:s15] =	ssyncset.done $0x0  }
0x12d: {  	[sflag:s15] =	ssyncadd.s32 $0xFFFFD000  }
0x12e: {  	_ =	swait.ge [sflag:s16], $0x3000  }
0x12f: {  	[sflag:s16] =	ssyncset.done $0x0  }
0x130: {  	s0 =	simm.s32 $0xCC00;
	s31 =	rddreg [dreg:$0x5];
	[sflag:s16] =	ssyncadd.s32 $0xFFFFD000  }
0x131: {  	[hbm4b:s31+s3] =	stream.linear.scatter [tilespmem:s0], [sflag:$0xA], $0xC000, $0x38;
	[tilespmem:$0x18C00] =	vst v63  }
0x132: {  	_ =	swait.ge [sflag:s17], $0xC000  }
0x133: {  	[sflag:s17] =	ssyncset.done $0x0  }
0x134: {  	[sflag:s17] =	ssyncadd.s32 $0xFFFF4000  }
0x135: {  	v9 =	vld.idx.msk [tilespmem:v16+s3+$0x0], $0xffff;
	_ =	sdelay $0x4  }
0x136: {  	v9 =	vshll.u32 v9, $0x6  }
0x137: {  	v9 =	vor.u32 v0, v9  }
0x138: {  	v10 =	vshrl.u32 v9, $0x3  }
0x139: {  	v10 =	vmul.u32 $0x30, v10;
	_ =	sdelay $0x1  }
0x13a: {  	v10 =	vor.u32 v2, v10  }
0x13b: {  	v11 =	vperm.xlane v10, v2;
	_ =	sdelay $0x1  }
0x13c: {  	v11 =	vadd.s32 v3, v11;
	_ =	sdelay $0x3  }
0x13d: {  	[tilespmem:$0xA00] =	vst v9;
	v9 =	vperm.xlane v10, v4  }
0x13e: {  	[tilespmem:s0], [sflag:$0x5] =	stream.indirect_vreg.gather [hbm4b:s1+s3], $0x80, v11, vm0, $0xb8;
	[tilespmem:$0x18C00] =	vst v63  }
0x13f: {  	s9 =	simm.s32 $0xD400;
	v9 =	vadd.s32 v3, v9  }
0x140: {  	[tilespmem:s9], [sflag:$0x5] =	stream.indirect_vreg.gather [hbm4b:s5+s3], $0x80, v11, vm0, $0xb8;
	[tilespmem:$0x18C00] =	vst v63  }
0x141: {  	s2 =	simm.s32 $0xDC00  }
0x142: {  	[tilespmem:s2], [sflag:$0x5] =	stream.indirect_vreg.gather [hbm4b:s6+s3], $0x80, v11, vm0, $0xb8;
	[tilespmem:$0x18C00] =	vst v63  }
0x143: {  	s22 =	simm.s32 $0xE400  }
0x144: {  	[tilespmem:s22], [sflag:$0x5] =	stream.indirect_vreg.gather [hbm4b:s1+s3], $0x80, v9, vm0, $0xb8;
	[tilespmem:$0x18C00] =	vst v63  }
0x145: {  	s18 =	simm.s32 $0xEC00  }
0x146: {  	[tilespmem:s18], [sflag:$0x5] =	stream.indirect_vreg.gather [hbm4b:s5+s3], $0x80, v9, vm0, $0xb8;
	[tilespmem:$0x18C00] =	vst v63  }
0x147: {  	s25 =	simm.s32 $0xF400  }
0x148: {  	[tilespmem:s25], [sflag:$0x5] =	stream.indirect_vreg.gather [hbm4b:s6+s3], $0x80, v9, vm0, $0xb8;
	[tilespmem:$0x18C00] =	vst v63  }
0x149: {  	v9 =	vld.idx.msk [tilespmem:v17+s3+$0x0], $0xffff;
	_ =	sdelay $0x4  }
0x14a: {  	v9 =	vshll.u32 v9, $0x6  }
0x14b: {  	v9 =	vor.u32 v5, v9  }
0x14c: {  	v10 =	vshrl.u32 v9, $0x3  }
0x14d: {  	v10 =	vmul.u32 $0x30, v10;
	_ =	sdelay $0x1  }
0x14e: {  	v10 =	vor.u32 v2, v10  }
0x14f: {  	v11 =	vperm.xlane v10, v2;
	_ =	sdelay $0x1  }
0x150: {  	v11 =	vadd.s32 v3, v11;
	_ =	sdelay $0x3  }
0x151: {  	s26 =	simm.s32 $0xFC00;
	[tilespmem:$0xA80] =	vst v9;
	v9 =	vperm.xlane v10, v4  }
0x152: {  	[tilespmem:s26], [sflag:$0x6] =	stream.indirect_vreg.gather [hbm4b:s1+s3], $0x80, v11, vm0, $0xb8;
	[tilespmem:$0x18C00] =	vst v63  }
0x153: {  	s28 =	simm.s32 $0x10400;
	v9 =	vadd.s32 v3, v9  }
0x154: {  	[tilespmem:s28], [sflag:$0x6] =	stream.indirect_vreg.gather [hbm4b:s5+s3], $0x80, v11, vm0, $0xb8;
	[tilespmem:$0x18C00] =	vst v63  }
0x155: {  	s31 =	simm.s32 $0x10C00  }
0x156: {  	[tilespmem:s31], [sflag:$0x6] =	stream.indirect_vreg.gather [hbm4b:s6+s3], $0x80, v11, vm0, $0xb8;
	[tilespmem:$0x18C00] =	vst v63  }
0x157: {  	s29 =	simm.s32 $0x11400  }
0x158: {  	[tilespmem:s29], [sflag:$0x6] =	stream.indirect_vreg.gather [hbm4b:s1+s3], $0x80, v9, vm0, $0xb8;
	[tilespmem:$0x18C00] =	vst v63  }
0x159: {  	s25 =	simm.s32 $0x11C00  }
0x15a: {  	[tilespmem:s25], [sflag:$0x6] =	stream.indirect_vreg.gather [hbm4b:s5+s3], $0x80, v9, vm0, $0xb8;
	[tilespmem:$0x18C00] =	vst v63  }
0x15b: {  	s26 =	simm.s32 $0x12400  }
0x15c: {  	[tilespmem:s26], [sflag:$0x6] =	stream.indirect_vreg.gather [hbm4b:s6+s3], $0x80, v9, vm0, $0xb8;
	[tilespmem:$0x18C00] =	vst v63  }
0x15d: {  	v9 =	vld.idx.msk [tilespmem:v18+s3+$0x0], $0xffff;
	_ =	sdelay $0x4  }
0x15e: {  	v9 =	vshll.u32 v9, $0x6  }
0x15f: {  	v9 =	vor.u32 v6, v9  }
0x160: {  	v10 =	vshrl.u32 v9, $0x3  }
0x161: {  	v10 =	vmul.u32 $0x30, v10;
	_ =	sdelay $0x1  }
0x162: {  	v10 =	vor.u32 v2, v10  }
0x163: {  	v11 =	vperm.xlane v10, v2;
	_ =	sdelay $0x1  }
0x164: {  	v11 =	vadd.s32 v3, v11;
	_ =	sdelay $0x3  }
0x165: {  	s2 =	simm.s32 $0x12C00;
	[tilespmem:$0xB00] =	vst v9;
	v9 =	vperm.xlane v10, v4  }
0x166: {  	[tilespmem:s2], [sflag:$0x7] =	stream.indirect_vreg.gather [hbm4b:s1+s3], $0x80, v11, vm0, $0xb8;
	[tilespmem:$0x18C00] =	vst v63  }
0x167: {  	s28 =	simm.s32 $0x13400;
	v9 =	vadd.s32 v3, v9  }
0x168: {  	[tilespmem:s28], [sflag:$0x7] =	stream.indirect_vreg.gather [hbm4b:s5+s3], $0x80, v11, vm0, $0xb8;
	[tilespmem:$0x18C00] =	vst v63  }
0x169: {  	s29 =	simm.s32 $0x13C00  }
0x16a: {  	[tilespmem:s29], [sflag:$0x7] =	stream.indirect_vreg.gather [hbm4b:s6+s3], $0x80, v11, vm0, $0xb8;
	[tilespmem:$0x18C00] =	vst v63  }
0x16b: {  	s18 =	simm.s32 $0x14400  }
0x16c: {  	[tilespmem:s18], [sflag:$0x7] =	stream.indirect_vreg.gather [hbm4b:s1+s3], $0x80, v9, vm0, $0xb8;
	[tilespmem:$0x18C00] =	vst v63  }
0x16d: {  	s2 =	simm.s32 $0x14C00  }
0x16e: {  	[tilespmem:s2], [sflag:$0x7] =	stream.indirect_vreg.gather [hbm4b:s5+s3], $0x80, v9, vm0, $0xb8;
	[tilespmem:$0x18C00] =	vst v63  }
0x16f: {  	s18 =	simm.s32 $0x15400  }
0x170: {  	[tilespmem:s18], [sflag:$0x7] =	stream.indirect_vreg.gather [hbm4b:s6+s3], $0x80, v9, vm0, $0xb8;
	[tilespmem:$0x18C00] =	vst v63  }
0x171: {  	v9 =	vld.idx.msk [tilespmem:v19+s3+$0x0], $0xffff;
	_ =	sdelay $0x4  }
0x172: {  	v9 =	vshll.u32 v9, $0x6  }
0x173: {  	v9 =	vor.u32 v7, v9  }
0x174: {  	v10 =	vshrl.u32 v9, $0x3  }
0x175: {  	v10 =	vmul.u32 $0x30, v10;
	_ =	sdelay $0x1  }
0x176: {  	v10 =	vor.u32 v2, v10  }
0x177: {  	v11 =	vperm.xlane v10, v2;
	_ =	sdelay $0x1  }
0x178: {  	v11 =	vadd.s32 v3, v11;
	_ =	sdelay $0x3  }
0x179: {  	s2 =	simm.s32 $0x15C00;
	[tilespmem:$0xB80] =	vst v9;
	v9 =	vperm.xlane v10, v4  }
0x17a: {  	[tilespmem:s2], [sflag:$0x8] =	stream.indirect_vreg.gather [hbm4b:s1+s3], $0x80, v11, vm0, $0xb8;
	[tilespmem:$0x18C00] =	vst v63  }
0x17b: {  	s18 =	simm.s32 $0x16400;
	v9 =	vadd.s32 v3, v9  }
0x17c: {  	[tilespmem:s18], [sflag:$0x8] =	stream.indirect_vreg.gather [hbm4b:s5+s3], $0x80, v11, vm0, $0xb8;
	[tilespmem:$0x18C00] =	vst v63  }
0x17d: {  	s2 =	simm.s32 $0x16C00  }
0x17e: {  	[tilespmem:s2], [sflag:$0x8] =	stream.indirect_vreg.gather [hbm4b:s6+s3], $0x80, v11, vm0, $0xb8;
	[tilespmem:$0x18C00] =	vst v63  }
0x17f: {  	s18 =	simm.s32 $0x17400  }
0x180: {  	[tilespmem:s18], [sflag:$0x8] =	stream.indirect_vreg.gather [hbm4b:s1+s3], $0x80, v9, vm0, $0xb8;
	[tilespmem:$0x18C00] =	vst v63  }
0x181: {  	s2 =	simm.s32 $0x17C00  }
0x182: {  	[tilespmem:s2], [sflag:$0x8] =	stream.indirect_vreg.gather [hbm4b:s5+s3], $0x80, v9, vm0, $0xb8;
	[tilespmem:$0x18C00] =	vst v63  }
0x183: {  	s18 =	simm.s32 $0x18400  }
0x184: {  	[tilespmem:s18], [sflag:$0x8] =	stream.indirect_vreg.gather [hbm4b:s6+s3], $0x80, v9, vm0, $0xb8;
	[tilespmem:$0x18C00] =	vst v63  }
0x185: {  	_ =	swait.ge [sflag:s7], $0x3000  }
0x186: {  	[sflag:s7] =	ssyncset.done $0x0  }
0x187: {  	[sflag:s7] =	ssyncadd.s32 $0xFFFFD000  }
0x188: {  	_ =	swait.ge [sflag:s8], $0x3000  }
0x189: {  	[sflag:s8] =	ssyncset.done $0x0  }
0x18a: {  	[sflag:s8] =	ssyncadd.s32 $0xFFFFD000  }
0x18b: {  	_ =	swait.ge [sflag:s10], $0x3000  }
0x18c: {  	[sflag:s10] =	ssyncset.done $0x0  }
0x18d: {  	[sflag:s10] =	ssyncadd.s32 $0xFFFFD000  }
0x18e: {  	_ =	swait.ge [sflag:s11], $0x3000  }
0x18f: {  	[sflag:s11] =	ssyncset.done $0x0  }
0x190: {  	s0 =	simm.s32 $0xC00;
	s2 =	rddreg [dreg:$0x6];
	[sflag:s11] =	ssyncadd.s32 $0xFFFFD000  }
0x191: {  	[hbm4b:s2+s3] =	stream.linear.scatter [tilespmem:s0], [sflag:$0x9], $0xC000, $0x38;
	[tilespmem:$0x18C00] =	vst v63  }
0x192: {  	_ =	swait.ge [sflag:s12], $0xC000  }
0x193: {  	[sflag:s12] =	ssyncset.done $0x0  }
0x194: {  	[sflag:s12] =	ssyncadd.s32 $0xFFFF4000  }
0x195: {  	v9 =	vld.idx.msk [tilespmem:v20+s3+$0x0], $0xffff;
	_ =	sdelay $0x4  }
0x196: {  	v9 =	vshll.u32 v9, $0x6  }
0x197: {  	v9 =	vor.u32 v0, v9  }
0x198: {  	v10 =	vshrl.u32 v9, $0x3  }
0x199: {  	v10 =	vmul.u32 $0x30, v10;
	_ =	sdelay $0x1  }
0x19a: {  	v10 =	vor.u32 v2, v10  }
0x19b: {  	v11 =	vperm.xlane v10, v2;
	_ =	sdelay $0x1  }
0x19c: {  	v11 =	vadd.s32 v3, v11;
	_ =	sdelay $0x3  }
0x19d: {  	[tilespmem:$0x800] =	vst v9;
	v9 =	vperm.xlane v10, v4  }
0x19e: {  	[tilespmem:s0], [sflag:$0x1] =	stream.indirect_vreg.gather [hbm4b:s1+s3], $0x80, v11, vm0, $0xb8;
	[tilespmem:$0x18C00] =	vst v63  }
0x19f: {  	s2 =	simm.s32 $0x1400;
	v9 =	vadd.s32 v3, v9  }
0x1a0: {  	[tilespmem:s2], [sflag:$0x1] =	stream.indirect_vreg.gather [hbm4b:s5+s3], $0x80, v11, vm0, $0xb8;
	[tilespmem:$0x18C00] =	vst v63  }
0x1a1: {  	s18 =	simm.s32 $0x1C00  }
0x1a2: {  	[tilespmem:s18], [sflag:$0x1] =	stream.indirect_vreg.gather [hbm4b:s6+s3], $0x80, v11, vm0, $0xb8;
	[tilespmem:$0x18C00] =	vst v63  }
0x1a3: {  	s2 =	simm.s32 $0x2400  }
0x1a4: {  	[tilespmem:s2], [sflag:$0x1] =	stream.indirect_vreg.gather [hbm4b:s1+s3], $0x80, v9, vm0, $0xb8;
	[tilespmem:$0x18C00] =	vst v63  }
0x1a5: {  	_ = 	snop  }
0x1a6: {  	[tilespmem:s30], [sflag:$0x1] =	stream.indirect_vreg.gather [hbm4b:s5+s3], $0x80, v9, vm0, $0xb8;
	[tilespmem:$0x18C00] =	vst v63  }
0x1a7: {  	s2 =	simm.s32 $0x3400  }
0x1a8: {  	[tilespmem:s2], [sflag:$0x1] =	stream.indirect_vreg.gather [hbm4b:s6+s3], $0x80, v9, vm0, $0xb8;
	[tilespmem:$0x18C00] =	vst v63  }
0x1a9: {  	v9 =	vld.idx.msk [tilespmem:v21+s3+$0x0], $0xffff;
	_ =	sdelay $0x4  }
0x1aa: {  	v9 =	vshll.u32 v9, $0x6  }
0x1ab: {  	v9 =	vor.u32 v5, v9  }
0x1ac: {  	v10 =	vshrl.u32 v9, $0x3  }
0x1ad: {  	v10 =	vmul.u32 $0x30, v10;
	_ =	sdelay $0x1  }
0x1ae: {  	v10 =	vor.u32 v2, v10  }
0x1af: {  	v11 =	vperm.xlane v10, v2;
	_ =	sdelay $0x1  }
0x1b0: {  	v11 =	vadd.s32 v3, v11;
	_ =	sdelay $0x3  }
0x1b1: {  	s18 =	simm.s32 $0x3C00;
	[tilespmem:$0x880] =	vst v9;
	v9 =	vperm.xlane v10, v4  }
0x1b2: {  	[tilespmem:s18], [sflag:$0x2] =	stream.indirect_vreg.gather [hbm4b:s1+s3], $0x80, v11, vm0, $0xb8;
	[tilespmem:$0x18C00] =	vst v63  }
0x1b3: {  	v9 =	vadd.s32 v3, v9  }
0x1b4: {  	[tilespmem:s23], [sflag:$0x2] =	stream.indirect_vreg.gather [hbm4b:s5+s3], $0x80, v11, vm0, $0xb8;
	[tilespmem:$0x18C00] =	vst v63  }
0x1b5: {  	_ = 	snop  }
0x1b6: {  	[tilespmem:s24], [sflag:$0x2] =	stream.indirect_vreg.gather [hbm4b:s6+s3], $0x80, v11, vm0, $0xb8;
	[tilespmem:$0x18C00] =	vst v63  }
0x1b7: {  	_ = 	snop  }
0x1b8: {  	[tilespmem:s4], [sflag:$0x2] =	stream.indirect_vreg.gather [hbm4b:s1+s3], $0x80, v9, vm0, $0xb8;
	[tilespmem:$0x18C00] =	vst v63  }
0x1b9: {  	_ = 	snop  }
0x1ba: {  	[tilespmem:s19], [sflag:$0x2] =	stream.indirect_vreg.gather [hbm4b:s5+s3], $0x80, v9, vm0, $0xb8;
	[tilespmem:$0x18C00] =	vst v63  }
0x1bb: {  	s4 =	simm.s32 $0x6400  }
0x1bc: {  	[tilespmem:s4], [sflag:$0x2] =	stream.indirect_vreg.gather [hbm4b:s6+s3], $0x80, v9, vm0, $0xb8;
	[tilespmem:$0x18C00] =	vst v63  }
0x1bd: {  	v9 =	vld.idx.msk [tilespmem:v22+s3+$0x0], $0xffff;
	_ =	sdelay $0x4  }
0x1be: {  	v9 =	vshll.u32 v9, $0x6  }
0x1bf: {  	v9 =	vor.u32 v6, v9  }
0x1c0: {  	v10 =	vshrl.u32 v9, $0x3  }
0x1c1: {  	v10 =	vmul.u32 $0x30, v10;
	_ =	sdelay $0x1  }
0x1c2: {  	v10 =	vor.u32 v2, v10  }
0x1c3: {  	v11 =	vperm.xlane v10, v2;
	_ =	sdelay $0x1  }
0x1c4: {  	v11 =	vadd.s32 v3, v11;
	_ =	sdelay $0x3  }
0x1c5: {  	s19 =	simm.s32 $0x6C00;
	[tilespmem:$0x900] =	vst v9;
	v9 =	vperm.xlane v10, v4  }
0x1c6: {  	[tilespmem:s19], [sflag:$0x3] =	stream.indirect_vreg.gather [hbm4b:s1+s3], $0x80, v11, vm0, $0xb8;
	[tilespmem:$0x18C00] =	vst v63  }
0x1c7: {  	v9 =	vadd.s32 v3, v9  }
0x1c8: {  	[tilespmem:s20], [sflag:$0x3] =	stream.indirect_vreg.gather [hbm4b:s5+s3], $0x80, v11, vm0, $0xb8;
	[tilespmem:$0x18C00] =	vst v63  }
0x1c9: {  	_ = 	snop  }
0x1ca: {  	[tilespmem:s21], [sflag:$0x3] =	stream.indirect_vreg.gather [hbm4b:s6+s3], $0x80, v11, vm0, $0xb8;
	[tilespmem:$0x18C00] =	vst v63  }
0x1cb: {  	s20 =	simm.s32 $0x8400  }
0x1cc: {  	[tilespmem:s20], [sflag:$0x3] =	stream.indirect_vreg.gather [hbm4b:s1+s3], $0x80, v9, vm0, $0xb8;
	[tilespmem:$0x18C00] =	vst v63  }
0x1cd: {  	s23 =	simm.s32 $0x8C00  }
0x1ce: {  	[tilespmem:s23], [sflag:$0x3] =	stream.indirect_vreg.gather [hbm4b:s5+s3], $0x80, v9, vm0, $0xb8;
	[tilespmem:$0x18C00] =	vst v63  }
0x1cf: {  	s24 =	simm.s32 $0x9400  }
0x1d0: {  	[tilespmem:s24], [sflag:$0x3] =	stream.indirect_vreg.gather [hbm4b:s6+s3], $0x80, v9, vm0, $0xb8;
	[tilespmem:$0x18C00] =	vst v63  }
0x1d1: {  	v9 =	vld.idx.msk [tilespmem:v23+s3+$0x0], $0xffff;
	_ =	sdelay $0x4  }
0x1d2: {  	v9 =	vshll.u32 v9, $0x6  }
0x1d3: {  	v9 =	vor.u32 v7, v9  }
0x1d4: {  	v10 =	vshrl.u32 v9, $0x3  }
0x1d5: {  	v10 =	vmul.u32 $0x30, v10;
	_ =	sdelay $0x1  }
0x1d6: {  	v10 =	vor.u32 v2, v10  }
0x1d7: {  	v11 =	vperm.xlane v10, v2;
	_ =	sdelay $0x1  }
0x1d8: {  	v11 =	vadd.s32 v3, v11;
	_ =	sdelay $0x3  }
0x1d9: {  	s30 =	simm.s32 $0x9C00;
	[tilespmem:$0x980] =	vst v9;
	v9 =	vperm.xlane v10, v4  }
0x1da: {  	[tilespmem:s30], [sflag:$0x4] =	stream.indirect_vreg.gather [hbm4b:s1+s3], $0x80, v11, vm0, $0xb8;
	[tilespmem:$0x18C00] =	vst v63  }
0x1db: {  	s19 =	simm.s32 $0xA400;
	v9 =	vadd.s32 v3, v9  }
0x1dc: {  	[tilespmem:s19], [sflag:$0x4] =	stream.indirect_vreg.gather [hbm4b:s5+s3], $0x80, v11, vm0, $0xb8;
	[tilespmem:$0x18C00] =	vst v63  }
0x1dd: {  	s21 =	simm.s32 $0xAC00  }
0x1de: {  	[tilespmem:s21], [sflag:$0x4] =	stream.indirect_vreg.gather [hbm4b:s6+s3], $0x80, v11, vm0, $0xb8;
	[tilespmem:$0x18C00] =	vst v63  }
0x1df: {  	s23 =	simm.s32 $0xB400  }
0x1e0: {  	[tilespmem:s23], [sflag:$0x4] =	stream.indirect_vreg.gather [hbm4b:s1+s3], $0x80, v9, vm0, $0xb8;
	[tilespmem:$0x18C00] =	vst v63  }
0x1e1: {  	s24 =	simm.s32 $0xBC00  }
0x1e2: {  	[tilespmem:s24], [sflag:$0x4] =	stream.indirect_vreg.gather [hbm4b:s5+s3], $0x80, v9, vm0, $0xb8;
	[tilespmem:$0x18C00] =	vst v63  }
0x1e3: {  	s30 =	simm.s32 $0xC400  }
0x1e4: {  	[tilespmem:s30], [sflag:$0x4] =	stream.indirect_vreg.gather [hbm4b:s6+s3], $0x80, v9, vm0, $0xb8;
	[tilespmem:$0x18C00] =	vst v63  }
0x1e5: {  	_ =	swait.ge [sflag:s13], $0x3000  }
0x1e6: {  	[sflag:s13] =	ssyncset.done $0x0  }
0x1e7: {  	[sflag:s13] =	ssyncadd.s32 $0xFFFFD000  }
0x1e8: {  	_ =	swait.ge [sflag:s14], $0x3000  }
0x1e9: {  	[sflag:s14] =	ssyncset.done $0x0  }
0x1ea: {  	[sflag:s14] =	ssyncadd.s32 $0xFFFFD000  }
0x1eb: {  	_ =	swait.ge [sflag:s15], $0x3000  }
0x1ec: {  	[sflag:s15] =	ssyncset.done $0x0  }
0x1ed: {  	[sflag:s15] =	ssyncadd.s32 $0xFFFFD000  }
0x1ee: {  	_ =	swait.ge [sflag:s16], $0x3000  }
0x1ef: {  	[sflag:s16] =	ssyncset.done $0x0  }
0x1f0: {  	s0 =	simm.s32 $0xCC00;
	s18 =	rddreg [dreg:$0x7];
	[sflag:s16] =	ssyncadd.s32 $0xFFFFD000  }
0x1f1: {  	[hbm4b:s18+s3] =	stream.linear.scatter [tilespmem:s0], [sflag:$0xA], $0xC000, $0x38;
	[tilespmem:$0x18C00] =	vst v63  }
0x1f2: {  	_ =	swait.ge [sflag:s17], $0xC000  }
0x1f3: {  	[sflag:s17] =	ssyncset.done $0x0  }
0x1f4: {  	[sflag:s17] =	ssyncadd.s32 $0xFFFF4000  }
0x1f5: {  	v9 =	vld.idx.msk [tilespmem:v24+s3+$0x0], $0xffff;
	_ =	sdelay $0x4  }
0x1f6: {  	v9 =	vshll.u32 v9, $0x6  }
0x1f7: {  	v9 =	vor.u32 v0, v9  }
0x1f8: {  	v10 =	vshrl.u32 v9, $0x3  }
0x1f9: {  	v10 =	vmul.u32 $0x30, v10;
	_ =	sdelay $0x1  }
0x1fa: {  	v10 =	vor.u32 v2, v10  }
0x1fb: {  	v11 =	vperm.xlane v10, v2;
	_ =	sdelay $0x1  }
0x1fc: {  	v11 =	vadd.s32 v3, v11;
	_ =	sdelay $0x3  }
0x1fd: {  	[tilespmem:$0xA00] =	vst v9;
	v9 =	vperm.xlane v10, v4  }
0x1fe: {  	[tilespmem:s0], [sflag:$0x5] =	stream.indirect_vreg.gather [hbm4b:s1+s3], $0x80, v11, vm0, $0xb8;
	[tilespmem:$0x18C00] =	vst v63  }
0x1ff: {  	v9 =	vadd.s32 v3, v9  }
0x200: {  	[tilespmem:s9], [sflag:$0x5] =	stream.indirect_vreg.gather [hbm4b:s5+s3], $0x80, v11, vm0, $0xb8;
	[tilespmem:$0x18C00] =	vst v63  }
0x201: {  	s9 =	simm.s32 $0xDC00  }
0x202: {  	[tilespmem:s9], [sflag:$0x5] =	stream.indirect_vreg.gather [hbm4b:s6+s3], $0x80, v11, vm0, $0xb8;
	[tilespmem:$0x18C00] =	vst v63  }
0x203: {  	_ = 	snop  }
0x204: {  	[tilespmem:s22], [sflag:$0x5] =	stream.indirect_vreg.gather [hbm4b:s1+s3], $0x80, v9, vm0, $0xb8;
	[tilespmem:$0x18C00] =	vst v63  }
0x205: {  	s18 =	simm.s32 $0xEC00  }
0x206: {  	[tilespmem:s18], [sflag:$0x5] =	stream.indirect_vreg.gather [hbm4b:s5+s3], $0x80, v9, vm0, $0xb8;
	[tilespmem:$0x18C00] =	vst v63  }
0x207: {  	s22 =	simm.s32 $0xF400  }
0x208: {  	[tilespmem:s22], [sflag:$0x5] =	stream.indirect_vreg.gather [hbm4b:s6+s3], $0x80, v9, vm0, $0xb8;
	[tilespmem:$0x18C00] =	vst v63  }
0x209: {  	v9 =	vld.idx.msk [tilespmem:v25+s3+$0x0], $0xffff;
	_ =	sdelay $0x4  }
0x20a: {  	v9 =	vshll.u32 v9, $0x6  }
0x20b: {  	v9 =	vor.u32 v5, v9  }
0x20c: {  	v10 =	vshrl.u32 v9, $0x3  }
0x20d: {  	v10 =	vmul.u32 $0x30, v10;
	_ =	sdelay $0x1  }
0x20e: {  	v10 =	vor.u32 v2, v10  }
0x20f: {  	v11 =	vperm.xlane v10, v2;
	_ =	sdelay $0x1  }
0x210: {  	v11 =	vadd.s32 v3, v11;
	_ =	sdelay $0x3  }
0x211: {  	s9 =	simm.s32 $0xFC00;
	[tilespmem:$0xA80] =	vst v9;
	v9 =	vperm.xlane v10, v4  }
0x212: {  	[tilespmem:s9], [sflag:$0x6] =	stream.indirect_vreg.gather [hbm4b:s1+s3], $0x80, v11, vm0, $0xb8;
	[tilespmem:$0x18C00] =	vst v63  }
0x213: {  	s18 =	simm.s32 $0x10400;
	v9 =	vadd.s32 v3, v9  }
0x214: {  	[tilespmem:s18], [sflag:$0x6] =	stream.indirect_vreg.gather [hbm4b:s5+s3], $0x80, v11, vm0, $0xb8;
	[tilespmem:$0x18C00] =	vst v63  }
0x215: {  	_ = 	snop  }
0x216: {  	[tilespmem:s31], [sflag:$0x6] =	stream.indirect_vreg.gather [hbm4b:s6+s3], $0x80, v11, vm0, $0xb8;
	[tilespmem:$0x18C00] =	vst v63  }
0x217: {  	s22 =	simm.s32 $0x11400  }
0x218: {  	[tilespmem:s22], [sflag:$0x6] =	stream.indirect_vreg.gather [hbm4b:s1+s3], $0x80, v9, vm0, $0xb8;
	[tilespmem:$0x18C00] =	vst v63  }
0x219: {  	_ = 	snop  }
0x21a: {  	[tilespmem:s25], [sflag:$0x6] =	stream.indirect_vreg.gather [hbm4b:s5+s3], $0x80, v9, vm0, $0xb8;
	[tilespmem:$0x18C00] =	vst v63  }
0x21b: {  	_ = 	snop  }
0x21c: {  	[tilespmem:s26], [sflag:$0x6] =	stream.indirect_vreg.gather [hbm4b:s6+s3], $0x80, v9, vm0, $0xb8;
	[tilespmem:$0x18C00] =	vst v63  }
0x21d: {  	v9 =	vld.idx.msk [tilespmem:v26+s3+$0x0], $0xffff;
	_ =	sdelay $0x4  }
0x21e: {  	v9 =	vshll.u32 v9, $0x6  }
0x21f: {  	v9 =	vor.u32 v6, v9  }
0x220: {  	v10 =	vshrl.u32 v9, $0x3  }
0x221: {  	v10 =	vmul.u32 $0x30, v10;
	_ =	sdelay $0x1  }
0x222: {  	v10 =	vor.u32 v2, v10  }
0x223: {  	v11 =	vperm.xlane v10, v2;
	_ =	sdelay $0x1  }
0x224: {  	v11 =	vadd.s32 v3, v11;
	_ =	sdelay $0x3  }
0x225: {  	s26 =	simm.s32 $0x12C00;
	[tilespmem:$0xB00] =	vst v9;
	v9 =	vperm.xlane v10, v4  }
0x226: {  	[tilespmem:s26], [sflag:$0x7] =	stream.indirect_vreg.gather [hbm4b:s1+s3], $0x80, v11, vm0, $0xb8;
	[tilespmem:$0x18C00] =	vst v63  }
0x227: {  	v9 =	vadd.s32 v3, v9  }
0x228: {  	[tilespmem:s28], [sflag:$0x7] =	stream.indirect_vreg.gather [hbm4b:s5+s3], $0x80, v11, vm0, $0xb8;
	[tilespmem:$0x18C00] =	vst v63  }
0x229: {  	_ = 	snop  }
0x22a: {  	[tilespmem:s29], [sflag:$0x7] =	stream.indirect_vreg.gather [hbm4b:s6+s3], $0x80, v11, vm0, $0xb8;
	[tilespmem:$0x18C00] =	vst v63  }
0x22b: {  	s29 =	simm.s32 $0x14400  }
0x22c: {  	[tilespmem:s29], [sflag:$0x7] =	stream.indirect_vreg.gather [hbm4b:s1+s3], $0x80, v9, vm0, $0xb8;
	[tilespmem:$0x18C00] =	vst v63  }
0x22d: {  	s31 =	simm.s32 $0x14C00  }
0x22e: {  	[tilespmem:s31], [sflag:$0x7] =	stream.indirect_vreg.gather [hbm4b:s5+s3], $0x80, v9, vm0, $0xb8;
	[tilespmem:$0x18C00] =	vst v63  }
0x22f: {  	s9 =	simm.s32 $0x15400  }
0x230: {  	[tilespmem:s9], [sflag:$0x7] =	stream.indirect_vreg.gather [hbm4b:s6+s3], $0x80, v9, vm0, $0xb8;
	[tilespmem:$0x18C00] =	vst v63  }
0x231: {  	v9 =	vld.idx.msk [tilespmem:v27+s3+$0x0], $0xffff;
	_ =	sdelay $0x4  }
0x232: {  	v9 =	vshll.u32 v9, $0x6  }
0x233: {  	v9 =	vor.u32 v7, v9  }
0x234: {  	v10 =	vshrl.u32 v9, $0x3  }
0x235: {  	v10 =	vmul.u32 $0x30, v10;
	_ =	sdelay $0x1  }
0x236: {  	v10 =	vor.u32 v2, v10  }
0x237: {  	v11 =	vperm.xlane v10, v2;
	_ =	sdelay $0x1  }
0x238: {  	v11 =	vadd.s32 v3, v11;
	_ =	sdelay $0x3  }
0x239: {  	s18 =	simm.s32 $0x15C00;
	[tilespmem:$0xB80] =	vst v9;
	v9 =	vperm.xlane v10, v4  }
0x23a: {  	[tilespmem:s18], [sflag:$0x8] =	stream.indirect_vreg.gather [hbm4b:s1+s3], $0x80, v11, vm0, $0xb8;
	[tilespmem:$0x18C00] =	vst v63  }
0x23b: {  	s22 =	simm.s32 $0x16400;
	v9 =	vadd.s32 v3, v9  }
0x23c: {  	[tilespmem:s22], [sflag:$0x8] =	stream.indirect_vreg.gather [hbm4b:s5+s3], $0x80, v11, vm0, $0xb8;
	[tilespmem:$0x18C00] =	vst v63  }
0x23d: {  	s25 =	simm.s32 $0x16C00  }
0x23e: {  	[tilespmem:s25], [sflag:$0x8] =	stream.indirect_vreg.gather [hbm4b:s6+s3], $0x80, v11, vm0, $0xb8;
	[tilespmem:$0x18C00] =	vst v63  }
0x23f: {  	s26 =	simm.s32 $0x17400  }
0x240: {  	[tilespmem:s26], [sflag:$0x8] =	stream.indirect_vreg.gather [hbm4b:s1+s3], $0x80, v9, vm0, $0xb8;
	[tilespmem:$0x18C00] =	vst v63  }
0x241: {  	s28 =	simm.s32 $0x17C00  }
0x242: {  	[tilespmem:s28], [sflag:$0x8] =	stream.indirect_vreg.gather [hbm4b:s5+s3], $0x80, v9, vm0, $0xb8;
	[tilespmem:$0x18C00] =	vst v63  }
0x243: {  	s31 =	simm.s32 $0x18400  }
0x244: {  	[tilespmem:s31], [sflag:$0x8] =	stream.indirect_vreg.gather [hbm4b:s6+s3], $0x80, v9, vm0, $0xb8;
	[tilespmem:$0x18C00] =	vst v63  }
0x245: {  	_ =	swait.ge [sflag:s7], $0x3000  }
0x246: {  	[sflag:s7] =	ssyncset.done $0x0  }
0x247: {  	[sflag:s7] =	ssyncadd.s32 $0xFFFFD000  }
0x248: {  	_ =	swait.ge [sflag:s8], $0x3000  }
0x249: {  	[sflag:s8] =	ssyncset.done $0x0  }
0x24a: {  	[sflag:s8] =	ssyncadd.s32 $0xFFFFD000  }
0x24b: {  	_ =	swait.ge [sflag:s10], $0x3000  }
0x24c: {  	[sflag:s10] =	ssyncset.done $0x0  }
0x24d: {  	[sflag:s10] =	ssyncadd.s32 $0xFFFFD000  }
0x24e: {  	_ =	swait.ge [sflag:s11], $0x3000  }
0x24f: {  	[sflag:s11] =	ssyncset.done $0x0  }
0x250: {  	s0 =	simm.s32 $0xC00;
	s18 =	rddreg [dreg:$0x8];
	[sflag:s11] =	ssyncadd.s32 $0xFFFFD000  }
0x251: {  	[hbm4b:s18+s3] =	stream.linear.scatter [tilespmem:s0], [sflag:$0x9], $0xC000, $0x38;
	[tilespmem:$0x18C00] =	vst v63  }
0x252: {  	_ =	swait.ge [sflag:s12], $0xC000  }
0x253: {  	[sflag:s12] =	ssyncset.done $0x0  }
0x254: {  	[sflag:s12] =	ssyncadd.s32 $0xFFFF4000  }
0x255: {  	v9 =	vld.idx.msk [tilespmem:v28+s3+$0x0], $0xffff;
	_ =	sdelay $0x4  }
0x256: {  	v9 =	vshll.u32 v9, $0x6  }
0x257: {  	v9 =	vor.u32 v0, v9  }
0x258: {  	v10 =	vshrl.u32 v9, $0x3  }
0x259: {  	v10 =	vmul.u32 $0x30, v10;
	_ =	sdelay $0x1  }
0x25a: {  	v10 =	vor.u32 v2, v10  }
0x25b: {  	v11 =	vperm.xlane v10, v2;
	_ =	sdelay $0x1  }
0x25c: {  	v11 =	vadd.s32 v3, v11;
	_ =	sdelay $0x3  }
0x25d: {  	[tilespmem:$0x800] =	vst v9;
	v9 =	vperm.xlane v10, v4  }
0x25e: {  	[tilespmem:s0], [sflag:$0x1] =	stream.indirect_vreg.gather [hbm4b:s1+s3], $0x80, v11, vm0, $0xb8;
	[tilespmem:$0x18C00] =	vst v63  }
0x25f: {  	s18 =	simm.s32 $0x1400;
	v9 =	vadd.s32 v3, v9  }
0x260: {  	[tilespmem:s18], [sflag:$0x1] =	stream.indirect_vreg.gather [hbm4b:s5+s3], $0x80, v11, vm0, $0xb8;
	[tilespmem:$0x18C00] =	vst v63  }
0x261: {  	s18 =	simm.s32 $0x1C00  }
0x262: {  	[tilespmem:s18], [sflag:$0x1] =	stream.indirect_vreg.gather [hbm4b:s6+s3], $0x80, v11, vm0, $0xb8;
	[tilespmem:$0x18C00] =	vst v63  }
0x263: {  	s18 =	simm.s32 $0x2400  }
0x264: {  	[tilespmem:s18], [sflag:$0x1] =	stream.indirect_vreg.gather [hbm4b:s1+s3], $0x80, v9, vm0, $0xb8;
	[tilespmem:$0x18C00] =	vst v63  }
0x265: {  	s18 =	simm.s32 $0x2C00  }
0x266: {  	[tilespmem:s18], [sflag:$0x1] =	stream.indirect_vreg.gather [hbm4b:s5+s3], $0x80, v9, vm0, $0xb8;
	[tilespmem:$0x18C00] =	vst v63  }
0x267: {  	_ = 	snop  }
0x268: {  	[tilespmem:s2], [sflag:$0x1] =	stream.indirect_vreg.gather [hbm4b:s6+s3], $0x80, v9, vm0, $0xb8;
	[tilespmem:$0x18C00] =	vst v63  }
0x269: {  	v9 =	vld.idx.msk [tilespmem:v29+s3+$0x0], $0xffff;
	_ =	sdelay $0x4  }
0x26a: {  	v9 =	vshll.u32 v9, $0x6  }
0x26b: {  	v9 =	vor.u32 v5, v9  }
0x26c: {  	v10 =	vshrl.u32 v9, $0x3  }
0x26d: {  	v10 =	vmul.u32 $0x30, v10;
	_ =	sdelay $0x1  }
0x26e: {  	v10 =	vor.u32 v2, v10  }
0x26f: {  	v11 =	vperm.xlane v10, v2;
	_ =	sdelay $0x1  }
0x270: {  	v11 =	vadd.s32 v3, v11;
	_ =	sdelay $0x3  }
0x271: {  	s18 =	simm.s32 $0x3C00;
	[tilespmem:$0x880] =	vst v9;
	v9 =	vperm.xlane v10, v4  }
0x272: {  	[tilespmem:s18], [sflag:$0x2] =	stream.indirect_vreg.gather [hbm4b:s1+s3], $0x80, v11, vm0, $0xb8;
	[tilespmem:$0x18C00] =	vst v63  }
0x273: {  	v9 =	vadd.s32 v3, v9;
	s18 =	simm.s32 $0x4400  }
0x274: {  	[tilespmem:s18], [sflag:$0x2] =	stream.indirect_vreg.gather [hbm4b:s5+s3], $0x80, v11, vm0, $0xb8;
	[tilespmem:$0x18C00] =	vst v63  }
0x275: {  	s18 =	simm.s32 $0x4C00  }
0x276: {  	[tilespmem:s18], [sflag:$0x2] =	stream.indirect_vreg.gather [hbm4b:s6+s3], $0x80, v11, vm0, $0xb8;
	[tilespmem:$0x18C00] =	vst v63  }
0x277: {  	s18 =	simm.s32 $0x5400  }
0x278: {  	[tilespmem:s18], [sflag:$0x2] =	stream.indirect_vreg.gather [hbm4b:s1+s3], $0x80, v9, vm0, $0xb8;
	[tilespmem:$0x18C00] =	vst v63  }
0x279: {  	s18 =	simm.s32 $0x5C00  }
0x27a: {  	[tilespmem:s18], [sflag:$0x2] =	stream.indirect_vreg.gather [hbm4b:s5+s3], $0x80, v9, vm0, $0xb8;
	[tilespmem:$0x18C00] =	vst v63  }
0x27b: {  	_ = 	snop  }
0x27c: {  	[tilespmem:s4], [sflag:$0x2] =	stream.indirect_vreg.gather [hbm4b:s6+s3], $0x80, v9, vm0, $0xb8;
	[tilespmem:$0x18C00] =	vst v63  }
0x27d: {  	v9 =	vld.idx.msk [tilespmem:v30+s3+$0x0], $0xffff;
	_ =	sdelay $0x4  }
0x27e: {  	v9 =	vshll.u32 v9, $0x6  }
0x27f: {  	v9 =	vor.u32 v6, v9  }
0x280: {  	v10 =	vshrl.u32 v9, $0x3  }
0x281: {  	v10 =	vmul.u32 $0x30, v10;
	_ =	sdelay $0x1  }
0x282: {  	v10 =	vor.u32 v2, v10  }
0x283: {  	v11 =	vperm.xlane v10, v2;
	_ =	sdelay $0x1  }
0x284: {  	v11 =	vadd.s32 v3, v11;
	_ =	sdelay $0x3  }
0x285: {  	s18 =	simm.s32 $0x6C00;
	[tilespmem:$0x900] =	vst v9;
	v9 =	vperm.xlane v10, v4  }
0x286: {  	[tilespmem:s18], [sflag:$0x3] =	stream.indirect_vreg.gather [hbm4b:s1+s3], $0x80, v11, vm0, $0xb8;
	[tilespmem:$0x18C00] =	vst v63  }
0x287: {  	s4 =	simm.s32 $0x7400;
	v9 =	vadd.s32 v3, v9  }
0x288: {  	[tilespmem:s4], [sflag:$0x3] =	stream.indirect_vreg.gather [hbm4b:s5+s3], $0x80, v11, vm0, $0xb8;
	[tilespmem:$0x18C00] =	vst v63  }
0x289: {  	s18 =	simm.s32 $0x7C00  }
0x28a: {  	[tilespmem:s18], [sflag:$0x3] =	stream.indirect_vreg.gather [hbm4b:s6+s3], $0x80, v11, vm0, $0xb8;
	[tilespmem:$0x18C00] =	vst v63  }
0x28b: {  	_ = 	snop  }
0x28c: {  	[tilespmem:s20], [sflag:$0x3] =	stream.indirect_vreg.gather [hbm4b:s1+s3], $0x80, v9, vm0, $0xb8;
	[tilespmem:$0x18C00] =	vst v63  }
0x28d: {  	s4 =	simm.s32 $0x8C00  }
0x28e: {  	[tilespmem:s4], [sflag:$0x3] =	stream.indirect_vreg.gather [hbm4b:s5+s3], $0x80, v9, vm0, $0xb8;
	[tilespmem:$0x18C00] =	vst v63  }
0x28f: {  	s18 =	simm.s32 $0x9400  }
0x290: {  	[tilespmem:s18], [sflag:$0x3] =	stream.indirect_vreg.gather [hbm4b:s6+s3], $0x80, v9, vm0, $0xb8;
	[tilespmem:$0x18C00] =	vst v63  }
0x291: {  	v9 =	vld.idx.msk [tilespmem:v31+s3+$0x0], $0xffff;
	_ =	sdelay $0x4  }
0x292: {  	v9 =	vshll.u32 v9, $0x6  }
0x293: {  	v9 =	vor.u32 v7, v9  }
0x294: {  	v10 =	vshrl.u32 v9, $0x3  }
0x295: {  	v10 =	vmul.u32 $0x30, v10;
	_ =	sdelay $0x1  }
0x296: {  	v10 =	vor.u32 v2, v10  }
0x297: {  	v11 =	vperm.xlane v10, v2;
	_ =	sdelay $0x1  }
0x298: {  	v11 =	vadd.s32 v3, v11;
	_ =	sdelay $0x3  }
0x299: {  	s20 =	simm.s32 $0x9C00;
	[tilespmem:$0x980] =	vst v9;
	v9 =	vperm.xlane v10, v4  }
0x29a: {  	[tilespmem:s20], [sflag:$0x4] =	stream.indirect_vreg.gather [hbm4b:s1+s3], $0x80, v11, vm0, $0xb8;
	[tilespmem:$0x18C00] =	vst v63  }
0x29b: {  	v9 =	vadd.s32 v3, v9  }
0x29c: {  	[tilespmem:s19], [sflag:$0x4] =	stream.indirect_vreg.gather [hbm4b:s5+s3], $0x80, v11, vm0, $0xb8;
	[tilespmem:$0x18C00] =	vst v63  }
0x29d: {  	_ = 	snop  }
0x29e: {  	[tilespmem:s21], [sflag:$0x4] =	stream.indirect_vreg.gather [hbm4b:s6+s3], $0x80, v11, vm0, $0xb8;
	[tilespmem:$0x18C00] =	vst v63  }
0x29f: {  	_ = 	snop  }
0x2a0: {  	[tilespmem:s23], [sflag:$0x4] =	stream.indirect_vreg.gather [hbm4b:s1+s3], $0x80, v9, vm0, $0xb8;
	[tilespmem:$0x18C00] =	vst v63  }
0x2a1: {  	_ = 	snop  }
0x2a2: {  	[tilespmem:s24], [sflag:$0x4] =	stream.indirect_vreg.gather [hbm4b:s5+s3], $0x80, v9, vm0, $0xb8;
	[tilespmem:$0x18C00] =	vst v63  }
0x2a3: {  	_ = 	snop  }
0x2a4: {  	[tilespmem:s30], [sflag:$0x4] =	stream.indirect_vreg.gather [hbm4b:s6+s3], $0x80, v9, vm0, $0xb8;
	[tilespmem:$0x18C00] =	vst v63  }
0x2a5: {  	_ =	swait.ge [sflag:s13], $0x3000  }
0x2a6: {  	[sflag:s13] =	ssyncset.done $0x0  }
0x2a7: {  	[sflag:s13] =	ssyncadd.s32 $0xFFFFD000  }
0x2a8: {  	_ =	swait.ge [sflag:s14], $0x3000  }
0x2a9: {  	[sflag:s14] =	ssyncset.done $0x0  }
0x2aa: {  	[sflag:s14] =	ssyncadd.s32 $0xFFFFD000  }
0x2ab: {  	_ =	swait.ge [sflag:s15], $0x3000  }
0x2ac: {  	[sflag:s15] =	ssyncset.done $0x0  }
0x2ad: {  	[sflag:s15] =	ssyncadd.s32 $0xFFFFD000  }
0x2ae: {  	_ =	swait.ge [sflag:s16], $0x3000  }
0x2af: {  	[sflag:s16] =	ssyncset.done $0x0  }
0x2b0: {  	s4 =	simm.s32 $0xCC00;
	s2 =	rddreg [dreg:$0x9];
	[sflag:s16] =	ssyncadd.s32 $0xFFFFD000  }
0x2b1: {  	[hbm4b:s2+s3] =	stream.linear.scatter [tilespmem:s4], [sflag:$0xA], $0xC000, $0x38;
	[tilespmem:$0x18C00] =	vst v63  }
0x2b2: {  	_ =	swait.ge [sflag:s17], $0xC000  }
0x2b3: {  	[sflag:s17] =	ssyncset.done $0x0  }
0x2b4: {  	[sflag:s17] =	ssyncadd.s32 $0xFFFF4000  }
0x2b5: {  	v9 =	vld.idx.msk [tilespmem:v32+s3+$0x0], $0xffff;
	_ =	sdelay $0x4  }
0x2b6: {  	v9 =	vshll.u32 v9, $0x6  }
0x2b7: {  	v9 =	vor.u32 v0, v9  }
0x2b8: {  	v10 =	vshrl.u32 v9, $0x3  }
0x2b9: {  	v10 =	vmul.u32 $0x30, v10;
	_ =	sdelay $0x1  }
0x2ba: {  	v10 =	vor.u32 v2, v10  }
0x2bb: {  	v11 =	vperm.xlane v10, v2;
	_ =	sdelay $0x1  }
0x2bc: {  	v11 =	vadd.s32 v3, v11;
	_ =	sdelay $0x3  }
0x2bd: {  	[tilespmem:$0xA00] =	vst v9;
	v9 =	vperm.xlane v10, v4  }
0x2be: {  	[tilespmem:s4], [sflag:$0x5] =	stream.indirect_vreg.gather [hbm4b:s1+s3], $0x80, v11, vm0, $0xb8;
	[tilespmem:$0x18C00] =	vst v63  }
0x2bf: {  	s18 =	simm.s32 $0xD400;
	v9 =	vadd.s32 v3, v9  }
0x2c0: {  	[tilespmem:s18], [sflag:$0x5] =	stream.indirect_vreg.gather [hbm4b:s5+s3], $0x80, v11, vm0, $0xb8;
	[tilespmem:$0x18C00] =	vst v63  }
0x2c1: {  	s19 =	simm.s32 $0xDC00  }
0x2c2: {  	[tilespmem:s19], [sflag:$0x5] =	stream.indirect_vreg.gather [hbm4b:s6+s3], $0x80, v11, vm0, $0xb8;
	[tilespmem:$0x18C00] =	vst v63  }
0x2c3: {  	s20 =	simm.s32 $0xE400  }
0x2c4: {  	[tilespmem:s20], [sflag:$0x5] =	stream.indirect_vreg.gather [hbm4b:s1+s3], $0x80, v9, vm0, $0xb8;
	[tilespmem:$0x18C00] =	vst v63  }
0x2c5: {  	s21 =	simm.s32 $0xEC00  }
0x2c6: {  	[tilespmem:s21], [sflag:$0x5] =	stream.indirect_vreg.gather [hbm4b:s5+s3], $0x80, v9, vm0, $0xb8;
	[tilespmem:$0x18C00] =	vst v63  }
0x2c7: {  	s23 =	simm.s32 $0xF400  }
0x2c8: {  	[tilespmem:s23], [sflag:$0x5] =	stream.indirect_vreg.gather [hbm4b:s6+s3], $0x80, v9, vm0, $0xb8;
	[tilespmem:$0x18C00] =	vst v63  }
0x2c9: {  	v9 =	vld.idx.msk [tilespmem:v33+s3+$0x0], $0xffff;
	_ =	sdelay $0x4  }
0x2ca: {  	v9 =	vshll.u32 v9, $0x6  }
0x2cb: {  	v9 =	vor.u32 v5, v9  }
0x2cc: {  	v10 =	vshrl.u32 v9, $0x3  }
0x2cd: {  	v10 =	vmul.u32 $0x30, v10;
	_ =	sdelay $0x1  }
0x2ce: {  	v10 =	vor.u32 v2, v10  }
0x2cf: {  	v11 =	vperm.xlane v10, v2;
	_ =	sdelay $0x1  }
0x2d0: {  	v11 =	vadd.s32 v3, v11;
	_ =	sdelay $0x3  }
0x2d1: {  	s24 =	simm.s32 $0xFC00;
	[tilespmem:$0xA80] =	vst v9;
	v9 =	vperm.xlane v10, v4  }
0x2d2: {  	[tilespmem:s24], [sflag:$0x6] =	stream.indirect_vreg.gather [hbm4b:s1+s3], $0x80, v11, vm0, $0xb8;
	[tilespmem:$0x18C00] =	vst v63  }
0x2d3: {  	s30 =	simm.s32 $0x10400;
	v9 =	vadd.s32 v3, v9  }
0x2d4: {  	[tilespmem:s30], [sflag:$0x6] =	stream.indirect_vreg.gather [hbm4b:s5+s3], $0x80, v11, vm0, $0xb8;
	[tilespmem:$0x18C00] =	vst v63  }
0x2d5: {  	s18 =	simm.s32 $0x10C00  }
0x2d6: {  	[tilespmem:s18], [sflag:$0x6] =	stream.indirect_vreg.gather [hbm4b:s6+s3], $0x80, v11, vm0, $0xb8;
	[tilespmem:$0x18C00] =	vst v63  }
0x2d7: {  	s19 =	simm.s32 $0x11400  }
0x2d8: {  	[tilespmem:s19], [sflag:$0x6] =	stream.indirect_vreg.gather [hbm4b:s1+s3], $0x80, v9, vm0, $0xb8;
	[tilespmem:$0x18C00] =	vst v63  }
0x2d9: {  	s20 =	simm.s32 $0x11C00  }
0x2da: {  	[tilespmem:s20], [sflag:$0x6] =	stream.indirect_vreg.gather [hbm4b:s5+s3], $0x80, v9, vm0, $0xb8;
	[tilespmem:$0x18C00] =	vst v63  }
0x2db: {  	s21 =	simm.s32 $0x12400  }
0x2dc: {  	[tilespmem:s21], [sflag:$0x6] =	stream.indirect_vreg.gather [hbm4b:s6+s3], $0x80, v9, vm0, $0xb8;
	[tilespmem:$0x18C00] =	vst v63  }
0x2dd: {  	v9 =	vld.idx.msk [tilespmem:v34+s3+$0x0], $0xffff;
	_ =	sdelay $0x4  }
0x2de: {  	v9 =	vshll.u32 v9, $0x6  }
0x2df: {  	v9 =	vor.u32 v6, v9  }
0x2e0: {  	v10 =	vshrl.u32 v9, $0x3  }
0x2e1: {  	v10 =	vmul.u32 $0x30, v10;
	_ =	sdelay $0x1  }
0x2e2: {  	v10 =	vor.u32 v2, v10  }
0x2e3: {  	v11 =	vperm.xlane v10, v2;
	_ =	sdelay $0x1  }
0x2e4: {  	v11 =	vadd.s32 v3, v11;
	_ =	sdelay $0x3  }
0x2e5: {  	s23 =	simm.s32 $0x12C00;
	[tilespmem:$0xB00] =	vst v9;
	v9 =	vperm.xlane v10, v4  }
0x2e6: {  	[tilespmem:s23], [sflag:$0x7] =	stream.indirect_vreg.gather [hbm4b:s1+s3], $0x80, v11, vm0, $0xb8;
	[tilespmem:$0x18C00] =	vst v63  }
0x2e7: {  	s24 =	simm.s32 $0x13400;
	v9 =	vadd.s32 v3, v9  }
0x2e8: {  	[tilespmem:s24], [sflag:$0x7] =	stream.indirect_vreg.gather [hbm4b:s5+s3], $0x80, v11, vm0, $0xb8;
	[tilespmem:$0x18C00] =	vst v63  }
0x2e9: {  	s30 =	simm.s32 $0x13C00  }
0x2ea: {  	[tilespmem:s30], [sflag:$0x7] =	stream.indirect_vreg.gather [hbm4b:s6+s3], $0x80, v11, vm0, $0xb8;
	[tilespmem:$0x18C00] =	vst v63  }
0x2eb: {  	s20 =	simm.s32 $0x14400  }
0x2ec: {  	[tilespmem:s20], [sflag:$0x7] =	stream.indirect_vreg.gather [hbm4b:s1+s3], $0x80, v9, vm0, $0xb8;
	[tilespmem:$0x18C00] =	vst v63  }
0x2ed: {  	s23 =	simm.s32 $0x14C00  }
0x2ee: {  	[tilespmem:s23], [sflag:$0x7] =	stream.indirect_vreg.gather [hbm4b:s5+s3], $0x80, v9, vm0, $0xb8;
	[tilespmem:$0x18C00] =	vst v63  }
0x2ef: {  	s9 =	simm.s32 $0x15400  }
0x2f0: {  	[tilespmem:s9], [sflag:$0x7] =	stream.indirect_vreg.gather [hbm4b:s6+s3], $0x80, v9, vm0, $0xb8;
	[tilespmem:$0x18C00] =	vst v63  }
0x2f1: {  	v9 =	vld.idx.msk [tilespmem:v35+s3+$0x0], $0xffff;
	_ =	sdelay $0x4  }
0x2f2: {  	v9 =	vshll.u32 v9, $0x6  }
0x2f3: {  	v9 =	vor.u32 v7, v9  }
0x2f4: {  	v10 =	vshrl.u32 v9, $0x3  }
0x2f5: {  	v10 =	vmul.u32 $0x30, v10;
	_ =	sdelay $0x1  }
0x2f6: {  	v10 =	vor.u32 v2, v10  }
0x2f7: {  	v11 =	vperm.xlane v10, v2;
	_ =	sdelay $0x1  }
0x2f8: {  	v11 =	vadd.s32 v3, v11;
	_ =	sdelay $0x3  }
0x2f9: {  	s29 =	simm.s32 $0x15C00;
	[tilespmem:$0xB80] =	vst v9;
	v9 =	vperm.xlane v10, v4  }
0x2fa: {  	[tilespmem:s29], [sflag:$0x8] =	stream.indirect_vreg.gather [hbm4b:s1+s3], $0x80, v11, vm0, $0xb8;
	[tilespmem:$0x18C00] =	vst v63  }
0x2fb: {  	s22 =	simm.s32 $0x16400;
	v9 =	vadd.s32 v3, v9  }
0x2fc: {  	[tilespmem:s22], [sflag:$0x8] =	stream.indirect_vreg.gather [hbm4b:s5+s3], $0x80, v11, vm0, $0xb8;
	[tilespmem:$0x18C00] =	vst v63  }
0x2fd: {  	s25 =	simm.s32 $0x16C00  }
0x2fe: {  	[tilespmem:s25], [sflag:$0x8] =	stream.indirect_vreg.gather [hbm4b:s6+s3], $0x80, v11, vm0, $0xb8;
	[tilespmem:$0x18C00] =	vst v63  }
0x2ff: {  	s26 =	simm.s32 $0x17400  }
0x300: {  	[tilespmem:s26], [sflag:$0x8] =	stream.indirect_vreg.gather [hbm4b:s1+s3], $0x80, v9, vm0, $0xb8;
	[tilespmem:$0x18C00] =	vst v63  }
0x301: {  	s28 =	simm.s32 $0x17C00  }
0x302: {  	[tilespmem:s28], [sflag:$0x8] =	stream.indirect_vreg.gather [hbm4b:s5+s3], $0x80, v9, vm0, $0xb8;
	[tilespmem:$0x18C00] =	vst v63  }
0x303: {  	s31 =	simm.s32 $0x18400  }
0x304: {  	[tilespmem:s31], [sflag:$0x8] =	stream.indirect_vreg.gather [hbm4b:s6+s3], $0x80, v9, vm0, $0xb8;
	[tilespmem:$0x18C00] =	vst v63  }
0x305: {  	_ =	swait.ge [sflag:s7], $0x3000  }
0x306: {  	[sflag:s7] =	ssyncset.done $0x0  }
0x307: {  	[sflag:s7] =	ssyncadd.s32 $0xFFFFD000  }
0x308: {  	_ =	swait.ge [sflag:s8], $0x3000  }
0x309: {  	[sflag:s8] =	ssyncset.done $0x0  }
0x30a: {  	[sflag:s8] =	ssyncadd.s32 $0xFFFFD000  }
0x30b: {  	_ =	swait.ge [sflag:s10], $0x3000  }
0x30c: {  	[sflag:s10] =	ssyncset.done $0x0  }
0x30d: {  	[sflag:s10] =	ssyncadd.s32 $0xFFFFD000  }
0x30e: {  	_ =	swait.ge [sflag:s11], $0x3000  }
0x30f: {  	[sflag:s11] =	ssyncset.done $0x0  }
0x310: {  	s0 =	simm.s32 $0xC00;
	s28 =	rddreg [dreg:$0xa];
	[sflag:s11] =	ssyncadd.s32 $0xFFFFD000  }
0x311: {  	[hbm4b:s28+s3] =	stream.linear.scatter [tilespmem:s0], [sflag:$0x9], $0xC000, $0x38;
	[tilespmem:$0x18C00] =	vst v63  }
0x312: {  	_ =	swait.ge [sflag:s12], $0xC000  }
0x313: {  	[sflag:s12] =	ssyncset.done $0x0  }
0x314: {  	[sflag:s12] =	ssyncadd.s32 $0xFFFF4000  }
0x315: {  	v9 =	vld.idx.msk [tilespmem:v36+s3+$0x0], $0xffff;
	_ =	sdelay $0x4  }
0x316: {  	v9 =	vshll.u32 v9, $0x6  }
0x317: {  	v9 =	vor.u32 v0, v9  }
0x318: {  	v10 =	vshrl.u32 v9, $0x3  }
0x319: {  	v10 =	vmul.u32 $0x30, v10;
	_ =	sdelay $0x1  }
0x31a: {  	v10 =	vor.u32 v2, v10  }
0x31b: {  	v11 =	vperm.xlane v10, v2;
	_ =	sdelay $0x1  }
0x31c: {  	v11 =	vadd.s32 v3, v11;
	_ =	sdelay $0x3  }
0x31d: {  	[tilespmem:$0x800] =	vst v9;
	v9 =	vperm.xlane v10, v4  }
0x31e: {  	[tilespmem:s0], [sflag:$0x1] =	stream.indirect_vreg.gather [hbm4b:s1+s3], $0x80, v11, vm0, $0xb8;
	[tilespmem:$0x18C00] =	vst v63  }
0x31f: {  	s31 =	simm.s32 $0x1400;
	v9 =	vadd.s32 v3, v9  }
0x320: {  	[tilespmem:s31], [sflag:$0x1] =	stream.indirect_vreg.gather [hbm4b:s5+s3], $0x80, v11, vm0, $0xb8;
	[tilespmem:$0x18C00] =	vst v63  }
0x321: {  	s28 =	simm.s32 $0x1C00  }
0x322: {  	[tilespmem:s28], [sflag:$0x1] =	stream.indirect_vreg.gather [hbm4b:s6+s3], $0x80, v11, vm0, $0xb8;
	[tilespmem:$0x18C00] =	vst v63  }
0x323: {  	s31 =	simm.s32 $0x2400  }
0x324: {  	[tilespmem:s31], [sflag:$0x1] =	stream.indirect_vreg.gather [hbm4b:s1+s3], $0x80, v9, vm0, $0xb8;
	[tilespmem:$0x18C00] =	vst v63  }
0x325: {  	s28 =	simm.s32 $0x2C00  }
0x326: {  	[tilespmem:s28], [sflag:$0x1] =	stream.indirect_vreg.gather [hbm4b:s5+s3], $0x80, v9, vm0, $0xb8;
	[tilespmem:$0x18C00] =	vst v63  }
0x327: {  	s31 =	simm.s32 $0x3400  }
0x328: {  	[tilespmem:s31], [sflag:$0x1] =	stream.indirect_vreg.gather [hbm4b:s6+s3], $0x80, v9, vm0, $0xb8;
	[tilespmem:$0x18C00] =	vst v63  }
0x329: {  	v9 =	vld.idx.msk [tilespmem:v37+s3+$0x0], $0xffff;
	_ =	sdelay $0x4  }
0x32a: {  	v9 =	vshll.u32 v9, $0x6  }
0x32b: {  	v9 =	vor.u32 v5, v9  }
0x32c: {  	v10 =	vshrl.u32 v9, $0x3  }
0x32d: {  	v10 =	vmul.u32 $0x30, v10;
	_ =	sdelay $0x1  }
0x32e: {  	v10 =	vor.u32 v2, v10  }
0x32f: {  	v11 =	vperm.xlane v10, v2;
	_ =	sdelay $0x1  }
0x330: {  	v11 =	vadd.s32 v3, v11;
	_ =	sdelay $0x3  }
0x331: {  	s28 =	simm.s32 $0x3C00;
	[tilespmem:$0x880] =	vst v9;
	v9 =	vperm.xlane v10, v4  }
0x332: {  	[tilespmem:s28], [sflag:$0x2] =	stream.indirect_vreg.gather [hbm4b:s1+s3], $0x80, v11, vm0, $0xb8;
	[tilespmem:$0x18C00] =	vst v63  }
0x333: {  	s31 =	simm.s32 $0x4400;
	v9 =	vadd.s32 v3, v9  }
0x334: {  	[tilespmem:s31], [sflag:$0x2] =	stream.indirect_vreg.gather [hbm4b:s5+s3], $0x80, v11, vm0, $0xb8;
	[tilespmem:$0x18C00] =	vst v63  }
0x335: {  	s28 =	simm.s32 $0x4C00  }
0x336: {  	[tilespmem:s28], [sflag:$0x2] =	stream.indirect_vreg.gather [hbm4b:s6+s3], $0x80, v11, vm0, $0xb8;
	[tilespmem:$0x18C00] =	vst v63  }
0x337: {  	s31 =	simm.s32 $0x5400  }
0x338: {  	[tilespmem:s31], [sflag:$0x2] =	stream.indirect_vreg.gather [hbm4b:s1+s3], $0x80, v9, vm0, $0xb8;
	[tilespmem:$0x18C00] =	vst v63  }
0x339: {  	s28 =	simm.s32 $0x5C00  }
0x33a: {  	[tilespmem:s28], [sflag:$0x2] =	stream.indirect_vreg.gather [hbm4b:s5+s3], $0x80, v9, vm0, $0xb8;
	[tilespmem:$0x18C00] =	vst v63  }
0x33b: {  	s31 =	simm.s32 $0x6400  }
0x33c: {  	[tilespmem:s31], [sflag:$0x2] =	stream.indirect_vreg.gather [hbm4b:s6+s3], $0x80, v9, vm0, $0xb8;
	[tilespmem:$0x18C00] =	vst v63  }
0x33d: {  	v9 =	vld.idx.msk [tilespmem:v38+s3+$0x0], $0xffff;
	_ =	sdelay $0x4  }
0x33e: {  	v9 =	vshll.u32 v9, $0x6  }
0x33f: {  	v9 =	vor.u32 v6, v9  }
0x340: {  	v10 =	vshrl.u32 v9, $0x3  }
0x341: {  	v10 =	vmul.u32 $0x30, v10;
	_ =	sdelay $0x1  }
0x342: {  	v10 =	vor.u32 v2, v10  }
0x343: {  	v11 =	vperm.xlane v10, v2;
	_ =	sdelay $0x1  }
0x344: {  	v11 =	vadd.s32 v3, v11;
	_ =	sdelay $0x3  }
0x345: {  	s28 =	simm.s32 $0x6C00;
	[tilespmem:$0x900] =	vst v9;
	v9 =	vperm.xlane v10, v4  }
0x346: {  	[tilespmem:s28], [sflag:$0x3] =	stream.indirect_vreg.gather [hbm4b:s1+s3], $0x80, v11, vm0, $0xb8;
	[tilespmem:$0x18C00] =	vst v63  }
0x347: {  	s31 =	simm.s32 $0x7400;
	v9 =	vadd.s32 v3, v9  }
0x348: {  	[tilespmem:s31], [sflag:$0x3] =	stream.indirect_vreg.gather [hbm4b:s5+s3], $0x80, v11, vm0, $0xb8;
	[tilespmem:$0x18C00] =	vst v63  }
0x349: {  	s28 =	simm.s32 $0x7C00  }
0x34a: {  	[tilespmem:s28], [sflag:$0x3] =	stream.indirect_vreg.gather [hbm4b:s6+s3], $0x80, v11, vm0, $0xb8;
	[tilespmem:$0x18C00] =	vst v63  }
0x34b: {  	s31 =	simm.s32 $0x8400  }
0x34c: {  	[tilespmem:s31], [sflag:$0x3] =	stream.indirect_vreg.gather [hbm4b:s1+s3], $0x80, v9, vm0, $0xb8;
	[tilespmem:$0x18C00] =	vst v63  }
0x34d: {  	s28 =	simm.s32 $0x8C00  }
0x34e: {  	[tilespmem:s28], [sflag:$0x3] =	stream.indirect_vreg.gather [hbm4b:s5+s3], $0x80, v9, vm0, $0xb8;
	[tilespmem:$0x18C00] =	vst v63  }
0x34f: {  	s31 =	simm.s32 $0x9400  }
0x350: {  	[tilespmem:s31], [sflag:$0x3] =	stream.indirect_vreg.gather [hbm4b:s6+s3], $0x80, v9, vm0, $0xb8;
	[tilespmem:$0x18C00] =	vst v63  }
0x351: {  	v9 =	vld.idx.msk [tilespmem:v39+s3+$0x0], $0xffff;
	_ =	sdelay $0x4  }
0x352: {  	v9 =	vshll.u32 v9, $0x6  }
0x353: {  	v9 =	vor.u32 v7, v9  }
0x354: {  	v10 =	vshrl.u32 v9, $0x3  }
0x355: {  	v10 =	vmul.u32 $0x30, v10;
	_ =	sdelay $0x1  }
0x356: {  	v10 =	vor.u32 v2, v10  }
0x357: {  	v11 =	vperm.xlane v10, v2;
	_ =	sdelay $0x1  }
0x358: {  	v11 =	vadd.s32 v3, v11;
	_ =	sdelay $0x3  }
0x359: {  	s28 =	simm.s32 $0x9C00;
	[tilespmem:$0x980] =	vst v9;
	v9 =	vperm.xlane v10, v4  }
0x35a: {  	[tilespmem:s28], [sflag:$0x4] =	stream.indirect_vreg.gather [hbm4b:s1+s3], $0x80, v11, vm0, $0xb8;
	[tilespmem:$0x18C00] =	vst v63  }
0x35b: {  	s31 =	simm.s32 $0xA400;
	v9 =	vadd.s32 v3, v9  }
0x35c: {  	[tilespmem:s31], [sflag:$0x4] =	stream.indirect_vreg.gather [hbm4b:s5+s3], $0x80, v11, vm0, $0xb8;
	[tilespmem:$0x18C00] =	vst v63  }
0x35d: {  	s28 =	simm.s32 $0xAC00  }
0x35e: {  	[tilespmem:s28], [sflag:$0x4] =	stream.indirect_vreg.gather [hbm4b:s6+s3], $0x80, v11, vm0, $0xb8;
	[tilespmem:$0x18C00] =	vst v63  }
0x35f: {  	s31 =	simm.s32 $0xB400  }
0x360: {  	[tilespmem:s31], [sflag:$0x4] =	stream.indirect_vreg.gather [hbm4b:s1+s3], $0x80, v9, vm0, $0xb8;
	[tilespmem:$0x18C00] =	vst v63  }
0x361: {  	s28 =	simm.s32 $0xBC00  }
0x362: {  	[tilespmem:s28], [sflag:$0x4] =	stream.indirect_vreg.gather [hbm4b:s5+s3], $0x80, v9, vm0, $0xb8;
	[tilespmem:$0x18C00] =	vst v63  }
0x363: {  	s31 =	simm.s32 $0xC400  }
0x364: {  	[tilespmem:s31], [sflag:$0x4] =	stream.indirect_vreg.gather [hbm4b:s6+s3], $0x80, v9, vm0, $0xb8;
	[tilespmem:$0x18C00] =	vst v63  }
0x365: {  	_ =	swait.ge [sflag:s13], $0x3000  }
0x366: {  	[sflag:s13] =	ssyncset.done $0x0  }
0x367: {  	[sflag:s13] =	ssyncadd.s32 $0xFFFFD000  }
0x368: {  	_ =	swait.ge [sflag:s14], $0x3000  }
0x369: {  	[sflag:s14] =	ssyncset.done $0x0  }
0x36a: {  	[sflag:s14] =	ssyncadd.s32 $0xFFFFD000  }
0x36b: {  	_ =	swait.ge [sflag:s15], $0x3000  }
0x36c: {  	[sflag:s15] =	ssyncset.done $0x0  }
0x36d: {  	[sflag:s15] =	ssyncadd.s32 $0xFFFFD000  }
0x36e: {  	_ =	swait.ge [sflag:s16], $0x3000  }
0x36f: {  	[sflag:s16] =	ssyncset.done $0x0  }
0x370: {  	s2 =	simm.s32 $0xCC00;
	s28 =	rddreg [dreg:$0xb];
	[sflag:s16] =	ssyncadd.s32 $0xFFFFD000  }
0x371: {  	[hbm4b:s28+s3] =	stream.linear.scatter [tilespmem:s2], [sflag:$0xA], $0xC000, $0x38;
	[tilespmem:$0x18C00] =	vst v63  }
0x372: {  	_ =	swait.ge [sflag:s17], $0xC000  }
0x373: {  	[sflag:s17] =	ssyncset.done $0x0  }
0x374: {  	[sflag:s17] =	ssyncadd.s32 $0xFFFF4000  }
0x375: {  	v9 =	vld.idx.msk [tilespmem:v40+s3+$0x0], $0xffff;
	_ =	sdelay $0x4  }
0x376: {  	v9 =	vshll.u32 v9, $0x6  }
0x377: {  	v9 =	vor.u32 v0, v9  }
0x378: {  	v10 =	vshrl.u32 v9, $0x3  }
0x379: {  	v10 =	vmul.u32 $0x30, v10;
	_ =	sdelay $0x1  }
0x37a: {  	v10 =	vor.u32 v2, v10  }
0x37b: {  	v11 =	vperm.xlane v10, v2;
	_ =	sdelay $0x1  }
0x37c: {  	v11 =	vadd.s32 v3, v11;
	_ =	sdelay $0x3  }
0x37d: {  	[tilespmem:$0xA00] =	vst v9;
	v9 =	vperm.xlane v10, v4  }
0x37e: {  	[tilespmem:s2], [sflag:$0x5] =	stream.indirect_vreg.gather [hbm4b:s1+s3], $0x80, v11, vm0, $0xb8;
	[tilespmem:$0x18C00] =	vst v63  }
0x37f: {  	s31 =	simm.s32 $0xD400;
	v9 =	vadd.s32 v3, v9  }
0x380: {  	[tilespmem:s31], [sflag:$0x5] =	stream.indirect_vreg.gather [hbm4b:s5+s3], $0x80, v11, vm0, $0xb8;
	[tilespmem:$0x18C00] =	vst v63  }
0x381: {  	s28 =	simm.s32 $0xDC00  }
0x382: {  	[tilespmem:s28], [sflag:$0x5] =	stream.indirect_vreg.gather [hbm4b:s6+s3], $0x80, v11, vm0, $0xb8;
	[tilespmem:$0x18C00] =	vst v63  }
0x383: {  	s31 =	simm.s32 $0xE400  }
0x384: {  	[tilespmem:s31], [sflag:$0x5] =	stream.indirect_vreg.gather [hbm4b:s1+s3], $0x80, v9, vm0, $0xb8;
	[tilespmem:$0x18C00] =	vst v63  }
0x385: {  	s28 =	simm.s32 $0xEC00  }
0x386: {  	[tilespmem:s28], [sflag:$0x5] =	stream.indirect_vreg.gather [hbm4b:s5+s3], $0x80, v9, vm0, $0xb8;
	[tilespmem:$0x18C00] =	vst v63  }
0x387: {  	s31 =	simm.s32 $0xF400  }
0x388: {  	[tilespmem:s31], [sflag:$0x5] =	stream.indirect_vreg.gather [hbm4b:s6+s3], $0x80, v9, vm0, $0xb8;
	[tilespmem:$0x18C00] =	vst v63  }
0x389: {  	v9 =	vld.idx.msk [tilespmem:v41+s3+$0x0], $0xffff;
	_ =	sdelay $0x4  }
0x38a: {  	v9 =	vshll.u32 v9, $0x6  }
0x38b: {  	v9 =	vor.u32 v5, v9  }
0x38c: {  	v10 =	vshrl.u32 v9, $0x3  }
0x38d: {  	v10 =	vmul.u32 $0x30, v10;
	_ =	sdelay $0x1  }
0x38e: {  	v10 =	vor.u32 v2, v10  }
0x38f: {  	v11 =	vperm.xlane v10, v2;
	_ =	sdelay $0x1  }
0x390: {  	v11 =	vadd.s32 v3, v11;
	_ =	sdelay $0x3  }
0x391: {  	s28 =	simm.s32 $0xFC00;
	[tilespmem:$0xA80] =	vst v9;
	v9 =	vperm.xlane v10, v4  }
0x392: {  	[tilespmem:s28], [sflag:$0x6] =	stream.indirect_vreg.gather [hbm4b:s1+s3], $0x80, v11, vm0, $0xb8;
	[tilespmem:$0x18C00] =	vst v63  }
0x393: {  	s31 =	simm.s32 $0x10400;
	v9 =	vadd.s32 v3, v9  }
0x394: {  	[tilespmem:s31], [sflag:$0x6] =	stream.indirect_vreg.gather [hbm4b:s5+s3], $0x80, v11, vm0, $0xb8;
	[tilespmem:$0x18C00] =	vst v63  }
0x395: {  	s28 =	simm.s32 $0x10C00  }
0x396: {  	[tilespmem:s28], [sflag:$0x6] =	stream.indirect_vreg.gather [hbm4b:s6+s3], $0x80, v11, vm0, $0xb8;
	[tilespmem:$0x18C00] =	vst v63  }
0x397: {  	s31 =	simm.s32 $0x11400  }
0x398: {  	[tilespmem:s31], [sflag:$0x6] =	stream.indirect_vreg.gather [hbm4b:s1+s3], $0x80, v9, vm0, $0xb8;
	[tilespmem:$0x18C00] =	vst v63  }
0x399: {  	s19 =	simm.s32 $0x11C00  }
0x39a: {  	[tilespmem:s19], [sflag:$0x6] =	stream.indirect_vreg.gather [hbm4b:s5+s3], $0x80, v9, vm0, $0xb8;
	[tilespmem:$0x18C00] =	vst v63  }
0x39b: {  	s21 =	simm.s32 $0x12400  }
0x39c: {  	[tilespmem:s21], [sflag:$0x6] =	stream.indirect_vreg.gather [hbm4b:s6+s3], $0x80, v9, vm0, $0xb8;
	[tilespmem:$0x18C00] =	vst v63  }
0x39d: {  	v9 =	vld.idx.msk [tilespmem:v42+s3+$0x0], $0xffff;
	_ =	sdelay $0x4  }
0x39e: {  	v9 =	vshll.u32 v9, $0x6  }
0x39f: {  	v9 =	vor.u32 v6, v9  }
0x3a0: {  	v10 =	vshrl.u32 v9, $0x3  }
0x3a1: {  	v10 =	vmul.u32 $0x30, v10;
	_ =	sdelay $0x1  }
0x3a2: {  	v10 =	vor.u32 v2, v10  }
0x3a3: {  	v11 =	vperm.xlane v10, v2;
	_ =	sdelay $0x1  }
0x3a4: {  	v11 =	vadd.s32 v3, v11;
	_ =	sdelay $0x3  }
0x3a5: {  	s19 =	simm.s32 $0x12C00;
	[tilespmem:$0xB00] =	vst v9;
	v9 =	vperm.xlane v10, v4  }
0x3a6: {  	[tilespmem:s19], [sflag:$0x7] =	stream.indirect_vreg.gather [hbm4b:s1+s3], $0x80, v11, vm0, $0xb8;
	[tilespmem:$0x18C00] =	vst v63  }
0x3a7: {  	s4 =	simm.s32 $0x13400;
	v9 =	vadd.s32 v3, v9  }
0x3a8: {  	[tilespmem:s4], [sflag:$0x7] =	stream.indirect_vreg.gather [hbm4b:s5+s3], $0x80, v11, vm0, $0xb8;
	[tilespmem:$0x18C00] =	vst v63  }
0x3a9: {  	s24 =	simm.s32 $0x13C00  }
0x3aa: {  	[tilespmem:s24], [sflag:$0x7] =	stream.indirect_vreg.gather [hbm4b:s6+s3], $0x80, v11, vm0, $0xb8;
	[tilespmem:$0x18C00] =	vst v63  }
0x3ab: {  	s30 =	simm.s32 $0x14400  }
0x3ac: {  	[tilespmem:s30], [sflag:$0x7] =	stream.indirect_vreg.gather [hbm4b:s1+s3], $0x80, v9, vm0, $0xb8;
	[tilespmem:$0x18C00] =	vst v63  }
0x3ad: {  	s20 =	simm.s32 $0x14C00  }
0x3ae: {  	[tilespmem:s20], [sflag:$0x7] =	stream.indirect_vreg.gather [hbm4b:s5+s3], $0x80, v9, vm0, $0xb8;
	[tilespmem:$0x18C00] =	vst v63  }
0x3af: {  	s9 =	simm.s32 $0x15400  }
0x3b0: {  	[tilespmem:s9], [sflag:$0x7] =	stream.indirect_vreg.gather [hbm4b:s6+s3], $0x80, v9, vm0, $0xb8;
	[tilespmem:$0x18C00] =	vst v63  }
0x3b1: {  	v9 =	vld.idx.msk [tilespmem:v43+s3+$0x0], $0xffff;
	_ =	sdelay $0x4  }
0x3b2: {  	v9 =	vshll.u32 v9, $0x6  }
0x3b3: {  	v9 =	vor.u32 v7, v9  }
0x3b4: {  	v10 =	vshrl.u32 v9, $0x3  }
0x3b5: {  	v10 =	vmul.u32 $0x30, v10;
	_ =	sdelay $0x1  }
0x3b6: {  	v10 =	vor.u32 v2, v10  }
0x3b7: {  	v11 =	vperm.xlane v10, v2;
	_ =	sdelay $0x1  }
0x3b8: {  	v11 =	vadd.s32 v3, v11;
	_ =	sdelay $0x3  }
0x3b9: {  	s29 =	simm.s32 $0x15C00;
	[tilespmem:$0xB80] =	vst v9;
	v9 =	vperm.xlane v10, v4  }
0x3ba: {  	[tilespmem:s29], [sflag:$0x8] =	stream.indirect_vreg.gather [hbm4b:s1+s3], $0x80, v11, vm0, $0xb8;
	[tilespmem:$0x18C00] =	vst v63  }
0x3bb: {  	s21 =	simm.s32 $0x16400;
	v9 =	vadd.s32 v3, v9  }
0x3bc: {  	[tilespmem:s21], [sflag:$0x8] =	stream.indirect_vreg.gather [hbm4b:s5+s3], $0x80, v11, vm0, $0xb8;
	[tilespmem:$0x18C00] =	vst v63  }
0x3bd: {  	s23 =	simm.s32 $0x16C00  }
0x3be: {  	[tilespmem:s23], [sflag:$0x8] =	stream.indirect_vreg.gather [hbm4b:s6+s3], $0x80, v11, vm0, $0xb8;
	[tilespmem:$0x18C00] =	vst v63  }
0x3bf: {  	s22 =	simm.s32 $0x17400  }
0x3c0: {  	[tilespmem:s22], [sflag:$0x8] =	stream.indirect_vreg.gather [hbm4b:s1+s3], $0x80, v9, vm0, $0xb8;
	[tilespmem:$0x18C00] =	vst v63  }
0x3c1: {  	s25 =	simm.s32 $0x17C00  }
0x3c2: {  	[tilespmem:s25], [sflag:$0x8] =	stream.indirect_vreg.gather [hbm4b:s5+s3], $0x80, v9, vm0, $0xb8;
	[tilespmem:$0x18C00] =	vst v63  }
0x3c3: {  	s26 =	simm.s32 $0x18400  }
0x3c4: {  	[tilespmem:s26], [sflag:$0x8] =	stream.indirect_vreg.gather [hbm4b:s6+s3], $0x80, v9, vm0, $0xb8;
	[tilespmem:$0x18C00] =	vst v63  }
0x3c5: {  	_ =	swait.ge [sflag:s7], $0x3000  }
0x3c6: {  	[sflag:s7] =	ssyncset.done $0x0  }
0x3c7: {  	[sflag:s7] =	ssyncadd.s32 $0xFFFFD000  }
0x3c8: {  	_ =	swait.ge [sflag:s8], $0x3000  }
0x3c9: {  	[sflag:s8] =	ssyncset.done $0x0  }
0x3ca: {  	[sflag:s8] =	ssyncadd.s32 $0xFFFFD000  }
0x3cb: {  	_ =	swait.ge [sflag:s10], $0x3000  }
0x3cc: {  	[sflag:s10] =	ssyncset.done $0x0  }
0x3cd: {  	[sflag:s10] =	ssyncadd.s32 $0xFFFFD000  }
0x3ce: {  	_ =	swait.ge [sflag:s11], $0x3000  }
0x3cf: {  	[sflag:s11] =	ssyncset.done $0x0  }
0x3d0: {  	s26 =	rddreg [dreg:$0xc];
	[sflag:s11] =	ssyncadd.s32 $0xFFFFD000  }
0x3d1: {  	[hbm4b:s26+s3] =	stream.linear.scatter [tilespmem:s0], [sflag:$0x9], $0xC000, $0x38;
	[tilespmem:$0x18C00] =	vst v63  }
0x3d2: {  	_ =	swait.ge [sflag:s12], $0xC000  }
0x3d3: {  	[sflag:s12] =	ssyncset.done $0x0  }
0x3d4: {  	[sflag:s12] =	ssyncadd.s32 $0xFFFF4000  }
0x3d5: {  	v9 =	vld.idx.msk [tilespmem:v44+s3+$0x0], $0xffff;
	_ =	sdelay $0x4  }
0x3d6: {  	v9 =	vshll.u32 v9, $0x6  }
0x3d7: {  	v9 =	vor.u32 v0, v9  }
0x3d8: {  	v10 =	vshrl.u32 v9, $0x3  }
0x3d9: {  	v10 =	vmul.u32 $0x30, v10;
	_ =	sdelay $0x1  }
0x3da: {  	v10 =	vor.u32 v2, v10  }
0x3db: {  	v11 =	vperm.xlane v10, v2;
	_ =	sdelay $0x1  }
0x3dc: {  	v11 =	vadd.s32 v3, v11;
	_ =	sdelay $0x3  }
0x3dd: {  	[tilespmem:$0x800] =	vst v9;
	v9 =	vperm.xlane v10, v4  }
0x3de: {  	[tilespmem:s0], [sflag:$0x1] =	stream.indirect_vreg.gather [hbm4b:s1+s3], $0x80, v11, vm0, $0xb8;
	[tilespmem:$0x18C00] =	vst v63  }
0x3df: {  	s29 =	simm.s32 $0x1400;
	v9 =	vadd.s32 v3, v9  }
0x3e0: {  	[tilespmem:s29], [sflag:$0x1] =	stream.indirect_vreg.gather [hbm4b:s5+s3], $0x80, v11, vm0, $0xb8;
	[tilespmem:$0x18C00] =	vst v63  }
0x3e1: {  	s22 =	simm.s32 $0x1C00  }
0x3e2: {  	[tilespmem:s22], [sflag:$0x1] =	stream.indirect_vreg.gather [hbm4b:s6+s3], $0x80, v11, vm0, $0xb8;
	[tilespmem:$0x18C00] =	vst v63  }
0x3e3: {  	s26 =	simm.s32 $0x2400  }
0x3e4: {  	[tilespmem:s26], [sflag:$0x1] =	stream.indirect_vreg.gather [hbm4b:s1+s3], $0x80, v9, vm0, $0xb8;
	[tilespmem:$0x18C00] =	vst v63  }
0x3e5: {  	s29 =	simm.s32 $0x2C00  }
0x3e6: {  	[tilespmem:s29], [sflag:$0x1] =	stream.indirect_vreg.gather [hbm4b:s5+s3], $0x80, v9, vm0, $0xb8;
	[tilespmem:$0x18C00] =	vst v63  }
0x3e7: {  	s22 =	simm.s32 $0x3400  }
0x3e8: {  	[tilespmem:s22], [sflag:$0x1] =	stream.indirect_vreg.gather [hbm4b:s6+s3], $0x80, v9, vm0, $0xb8;
	[tilespmem:$0x18C00] =	vst v63  }
0x3e9: {  	v9 =	vld.idx.msk [tilespmem:v45+s3+$0x0], $0xffff;
	_ =	sdelay $0x4  }
0x3ea: {  	v9 =	vshll.u32 v9, $0x6  }
0x3eb: {  	v9 =	vor.u32 v5, v9  }
0x3ec: {  	v10 =	vshrl.u32 v9, $0x3  }
0x3ed: {  	v10 =	vmul.u32 $0x30, v10;
	_ =	sdelay $0x1  }
0x3ee: {  	v10 =	vor.u32 v2, v10  }
0x3ef: {  	v11 =	vperm.xlane v10, v2;
	_ =	sdelay $0x1  }
0x3f0: {  	v11 =	vadd.s32 v3, v11;
	_ =	sdelay $0x3  }
0x3f1: {  	s26 =	simm.s32 $0x3C00;
	[tilespmem:$0x880] =	vst v9;
	v9 =	vperm.xlane v10, v4  }
0x3f2: {  	[tilespmem:s26], [sflag:$0x2] =	stream.indirect_vreg.gather [hbm4b:s1+s3], $0x80, v11, vm0, $0xb8;
	[tilespmem:$0x18C00] =	vst v63  }
0x3f3: {  	s29 =	simm.s32 $0x4400;
	v9 =	vadd.s32 v3, v9  }
0x3f4: {  	[tilespmem:s29], [sflag:$0x2] =	stream.indirect_vreg.gather [hbm4b:s5+s3], $0x80, v11, vm0, $0xb8;
	[tilespmem:$0x18C00] =	vst v63  }
0x3f5: {  	s22 =	simm.s32 $0x4C00  }
0x3f6: {  	[tilespmem:s22], [sflag:$0x2] =	stream.indirect_vreg.gather [hbm4b:s6+s3], $0x80, v11, vm0, $0xb8;
	[tilespmem:$0x18C00] =	vst v63  }
0x3f7: {  	s26 =	simm.s32 $0x5400  }
0x3f8: {  	[tilespmem:s26], [sflag:$0x2] =	stream.indirect_vreg.gather [hbm4b:s1+s3], $0x80, v9, vm0, $0xb8;
	[tilespmem:$0x18C00] =	vst v63  }
0x3f9: {  	s29 =	simm.s32 $0x5C00  }
0x3fa: {  	[tilespmem:s29], [sflag:$0x2] =	stream.indirect_vreg.gather [hbm4b:s5+s3], $0x80, v9, vm0, $0xb8;
	[tilespmem:$0x18C00] =	vst v63  }
0x3fb: {  	s22 =	simm.s32 $0x6400  }
0x3fc: {  	[tilespmem:s22], [sflag:$0x2] =	stream.indirect_vreg.gather [hbm4b:s6+s3], $0x80, v9, vm0, $0xb8;
	[tilespmem:$0x18C00] =	vst v63  }
0x3fd: {  	v9 =	vld.idx.msk [tilespmem:v46+s3+$0x0], $0xffff;
	_ =	sdelay $0x4  }
0x3fe: {  	v9 =	vshll.u32 v9, $0x6  }
0x3ff: {  	v9 =	vor.u32 v6, v9  }
0x400: {  	v10 =	vshrl.u32 v9, $0x3  }
0x401: {  	v10 =	vmul.u32 $0x30, v10;
	_ =	sdelay $0x1  }
0x402: {  	v10 =	vor.u32 v2, v10  }
0x403: {  	v11 =	vperm.xlane v10, v2;
	_ =	sdelay $0x1  }
0x404: {  	v11 =	vadd.s32 v3, v11;
	_ =	sdelay $0x3  }
0x405: {  	s26 =	simm.s32 $0x6C00;
	[tilespmem:$0x900] =	vst v9;
	v9 =	vperm.xlane v10, v4  }
0x406: {  	[tilespmem:s26], [sflag:$0x3] =	stream.indirect_vreg.gather [hbm4b:s1+s3], $0x80, v11, vm0, $0xb8;
	[tilespmem:$0x18C00] =	vst v63  }
0x407: {  	s29 =	simm.s32 $0x7400;
	v9 =	vadd.s32 v3, v9  }
0x408: {  	[tilespmem:s29], [sflag:$0x3] =	stream.indirect_vreg.gather [hbm4b:s5+s3], $0x80, v11, vm0, $0xb8;
	[tilespmem:$0x18C00] =	vst v63  }
0x409: {  	s22 =	simm.s32 $0x7C00  }
0x40a: {  	[tilespmem:s22], [sflag:$0x3] =	stream.indirect_vreg.gather [hbm4b:s6+s3], $0x80, v11, vm0, $0xb8;
	[tilespmem:$0x18C00] =	vst v63  }
0x40b: {  	s26 =	simm.s32 $0x8400  }
0x40c: {  	[tilespmem:s26], [sflag:$0x3] =	stream.indirect_vreg.gather [hbm4b:s1+s3], $0x80, v9, vm0, $0xb8;
	[tilespmem:$0x18C00] =	vst v63  }
0x40d: {  	s29 =	simm.s32 $0x8C00  }
0x40e: {  	[tilespmem:s29], [sflag:$0x3] =	stream.indirect_vreg.gather [hbm4b:s5+s3], $0x80, v9, vm0, $0xb8;
	[tilespmem:$0x18C00] =	vst v63  }
0x40f: {  	s22 =	simm.s32 $0x9400  }
0x410: {  	[tilespmem:s22], [sflag:$0x3] =	stream.indirect_vreg.gather [hbm4b:s6+s3], $0x80, v9, vm0, $0xb8;
	[tilespmem:$0x18C00] =	vst v63  }
0x411: {  	v9 =	vld.idx.msk [tilespmem:v47+s3+$0x0], $0xffff;
	_ =	sdelay $0x4  }
0x412: {  	v9 =	vshll.u32 v9, $0x6  }
0x413: {  	v9 =	vor.u32 v7, v9  }
0x414: {  	v10 =	vshrl.u32 v9, $0x3  }
0x415: {  	v10 =	vmul.u32 $0x30, v10;
	_ =	sdelay $0x1  }
0x416: {  	v10 =	vor.u32 v2, v10  }
0x417: {  	v11 =	vperm.xlane v10, v2;
	_ =	sdelay $0x1  }
0x418: {  	v11 =	vadd.s32 v3, v11;
	_ =	sdelay $0x3  }
0x419: {  	s26 =	simm.s32 $0x9C00;
	[tilespmem:$0x980] =	vst v9;
	v9 =	vperm.xlane v10, v4  }
0x41a: {  	[tilespmem:s26], [sflag:$0x4] =	stream.indirect_vreg.gather [hbm4b:s1+s3], $0x80, v11, vm0, $0xb8;
	[tilespmem:$0x18C00] =	vst v63  }
0x41b: {  	s29 =	simm.s32 $0xA400;
	v9 =	vadd.s32 v3, v9  }
0x41c: {  	[tilespmem:s29], [sflag:$0x4] =	stream.indirect_vreg.gather [hbm4b:s5+s3], $0x80, v11, vm0, $0xb8;
	[tilespmem:$0x18C00] =	vst v63  }
0x41d: {  	s22 =	simm.s32 $0xAC00  }
0x41e: {  	[tilespmem:s22], [sflag:$0x4] =	stream.indirect_vreg.gather [hbm4b:s6+s3], $0x80, v11, vm0, $0xb8;
	[tilespmem:$0x18C00] =	vst v63  }
0x41f: {  	s26 =	simm.s32 $0xB400  }
0x420: {  	[tilespmem:s26], [sflag:$0x4] =	stream.indirect_vreg.gather [hbm4b:s1+s3], $0x80, v9, vm0, $0xb8;
	[tilespmem:$0x18C00] =	vst v63  }
0x421: {  	s29 =	simm.s32 $0xBC00  }
0x422: {  	[tilespmem:s29], [sflag:$0x4] =	stream.indirect_vreg.gather [hbm4b:s5+s3], $0x80, v9, vm0, $0xb8;
	[tilespmem:$0x18C00] =	vst v63  }
0x423: {  	s22 =	simm.s32 $0xC400  }
0x424: {  	[tilespmem:s22], [sflag:$0x4] =	stream.indirect_vreg.gather [hbm4b:s6+s3], $0x80, v9, vm0, $0xb8;
	[tilespmem:$0x18C00] =	vst v63  }
0x425: {  	_ =	swait.ge [sflag:s13], $0x3000  }
0x426: {  	[sflag:s13] =	ssyncset.done $0x0  }
0x427: {  	[sflag:s13] =	ssyncadd.s32 $0xFFFFD000  }
0x428: {  	_ =	swait.ge [sflag:s14], $0x3000  }
0x429: {  	[sflag:s14] =	ssyncset.done $0x0  }
0x42a: {  	[sflag:s14] =	ssyncadd.s32 $0xFFFFD000  }
0x42b: {  	_ =	swait.ge [sflag:s15], $0x3000  }
0x42c: {  	[sflag:s15] =	ssyncset.done $0x0  }
0x42d: {  	[sflag:s15] =	ssyncadd.s32 $0xFFFFD000  }
0x42e: {  	_ =	swait.ge [sflag:s16], $0x3000  }
0x42f: {  	[sflag:s16] =	ssyncset.done $0x0  }
0x430: {  	s26 =	rddreg [dreg:$0xd];
	[sflag:s16] =	ssyncadd.s32 $0xFFFFD000  }
0x431: {  	[hbm4b:s26+s3] =	stream.linear.scatter [tilespmem:s2], [sflag:$0xA], $0xC000, $0x38;
	[tilespmem:$0x18C00] =	vst v63  }
0x432: {  	_ =	swait.ge [sflag:s17], $0xC000  }
0x433: {  	[sflag:s17] =	ssyncset.done $0x0  }
0x434: {  	[sflag:s17] =	ssyncadd.s32 $0xFFFF4000  }
0x435: {  	v9 =	vld.idx.msk [tilespmem:v48+s3+$0x0], $0xffff;
	_ =	sdelay $0x4  }
0x436: {  	v9 =	vshll.u32 v9, $0x6  }
0x437: {  	v9 =	vor.u32 v0, v9  }
0x438: {  	v10 =	vshrl.u32 v9, $0x3  }
0x439: {  	v10 =	vmul.u32 $0x30, v10;
	_ =	sdelay $0x1  }
0x43a: {  	v10 =	vor.u32 v2, v10  }
0x43b: {  	v11 =	vperm.xlane v10, v2;
	_ =	sdelay $0x1  }
0x43c: {  	v11 =	vadd.s32 v3, v11;
	_ =	sdelay $0x3  }
0x43d: {  	[tilespmem:$0xA00] =	vst v9;
	v9 =	vperm.xlane v10, v4  }
0x43e: {  	[tilespmem:s2], [sflag:$0x5] =	stream.indirect_vreg.gather [hbm4b:s1+s3], $0x80, v11, vm0, $0xb8;
	[tilespmem:$0x18C00] =	vst v63  }
0x43f: {  	s29 =	simm.s32 $0xD400;
	v9 =	vadd.s32 v3, v9  }
0x440: {  	[tilespmem:s29], [sflag:$0x5] =	stream.indirect_vreg.gather [hbm4b:s5+s3], $0x80, v11, vm0, $0xb8;
	[tilespmem:$0x18C00] =	vst v63  }
0x441: {  	s22 =	simm.s32 $0xDC00  }
0x442: {  	[tilespmem:s22], [sflag:$0x5] =	stream.indirect_vreg.gather [hbm4b:s6+s3], $0x80, v11, vm0, $0xb8;
	[tilespmem:$0x18C00] =	vst v63  }
0x443: {  	s26 =	simm.s32 $0xE400  }
0x444: {  	[tilespmem:s26], [sflag:$0x5] =	stream.indirect_vreg.gather [hbm4b:s1+s3], $0x80, v9, vm0, $0xb8;
	[tilespmem:$0x18C00] =	vst v63  }
0x445: {  	s29 =	simm.s32 $0xEC00  }
0x446: {  	[tilespmem:s29], [sflag:$0x5] =	stream.indirect_vreg.gather [hbm4b:s5+s3], $0x80, v9, vm0, $0xb8;
	[tilespmem:$0x18C00] =	vst v63  }
0x447: {  	s22 =	simm.s32 $0xF400  }
0x448: {  	[tilespmem:s22], [sflag:$0x5] =	stream.indirect_vreg.gather [hbm4b:s6+s3], $0x80, v9, vm0, $0xb8;
	[tilespmem:$0x18C00] =	vst v63  }
0x449: {  	v9 =	vld.idx.msk [tilespmem:v49+s3+$0x0], $0xffff;
	_ =	sdelay $0x4  }
0x44a: {  	v9 =	vshll.u32 v9, $0x6  }
0x44b: {  	v9 =	vor.u32 v5, v9  }
0x44c: {  	v10 =	vshrl.u32 v9, $0x3  }
0x44d: {  	v10 =	vmul.u32 $0x30, v10;
	_ =	sdelay $0x1  }
0x44e: {  	v10 =	vor.u32 v2, v10  }
0x44f: {  	v11 =	vperm.xlane v10, v2;
	_ =	sdelay $0x1  }
0x450: {  	v11 =	vadd.s32 v3, v11;
	_ =	sdelay $0x3  }
0x451: {  	s26 =	simm.s32 $0xFC00;
	[tilespmem:$0xA80] =	vst v9;
	v9 =	vperm.xlane v10, v4  }
0x452: {  	[tilespmem:s26], [sflag:$0x6] =	stream.indirect_vreg.gather [hbm4b:s1+s3], $0x80, v11, vm0, $0xb8;
	[tilespmem:$0x18C00] =	vst v63  }
0x453: {  	s29 =	simm.s32 $0x10400;
	v9 =	vadd.s32 v3, v9  }
0x454: {  	[tilespmem:s29], [sflag:$0x6] =	stream.indirect_vreg.gather [hbm4b:s5+s3], $0x80, v11, vm0, $0xb8;
	[tilespmem:$0x18C00] =	vst v63  }
0x455: {  	s22 =	simm.s32 $0x10C00  }
0x456: {  	[tilespmem:s22], [sflag:$0x6] =	stream.indirect_vreg.gather [hbm4b:s6+s3], $0x80, v11, vm0, $0xb8;
	[tilespmem:$0x18C00] =	vst v63  }
0x457: {  	s26 =	simm.s32 $0x11400  }
0x458: {  	[tilespmem:s26], [sflag:$0x6] =	stream.indirect_vreg.gather [hbm4b:s1+s3], $0x80, v9, vm0, $0xb8;
	[tilespmem:$0x18C00] =	vst v63  }
0x459: {  	s28 =	simm.s32 $0x11C00  }
0x45a: {  	[tilespmem:s28], [sflag:$0x6] =	stream.indirect_vreg.gather [hbm4b:s5+s3], $0x80, v9, vm0, $0xb8;
	[tilespmem:$0x18C00] =	vst v63  }
0x45b: {  	s31 =	simm.s32 $0x12400  }
0x45c: {  	[tilespmem:s31], [sflag:$0x6] =	stream.indirect_vreg.gather [hbm4b:s6+s3], $0x80, v9, vm0, $0xb8;
	[tilespmem:$0x18C00] =	vst v63  }
0x45d: {  	v9 =	vld.idx.msk [tilespmem:v50+s3+$0x0], $0xffff;
	_ =	sdelay $0x4  }
0x45e: {  	v9 =	vshll.u32 v9, $0x6  }
0x45f: {  	v9 =	vor.u32 v6, v9  }
0x460: {  	v10 =	vshrl.u32 v9, $0x3  }
0x461: {  	v10 =	vmul.u32 $0x30, v10;
	_ =	sdelay $0x1  }
0x462: {  	v10 =	vor.u32 v2, v10  }
0x463: {  	v11 =	vperm.xlane v10, v2;
	_ =	sdelay $0x1  }
0x464: {  	v11 =	vadd.s32 v3, v11;
	_ =	sdelay $0x3  }
0x465: {  	s29 =	simm.s32 $0x12C00;
	[tilespmem:$0xB00] =	vst v9;
	v9 =	vperm.xlane v10, v4  }
0x466: {  	[tilespmem:s29], [sflag:$0x7] =	stream.indirect_vreg.gather [hbm4b:s1+s3], $0x80, v11, vm0, $0xb8;
	[tilespmem:$0x18C00] =	vst v63  }
0x467: {  	s31 =	simm.s32 $0x13400;
	v9 =	vadd.s32 v3, v9  }
0x468: {  	[tilespmem:s31], [sflag:$0x7] =	stream.indirect_vreg.gather [hbm4b:s5+s3], $0x80, v11, vm0, $0xb8;
	[tilespmem:$0x18C00] =	vst v63  }
0x469: {  	s24 =	simm.s32 $0x13C00  }
0x46a: {  	[tilespmem:s24], [sflag:$0x7] =	stream.indirect_vreg.gather [hbm4b:s6+s3], $0x80, v11, vm0, $0xb8;
	[tilespmem:$0x18C00] =	vst v63  }
0x46b: {  	s22 =	simm.s32 $0x14400  }
0x46c: {  	[tilespmem:s22], [sflag:$0x7] =	stream.indirect_vreg.gather [hbm4b:s1+s3], $0x80, v9, vm0, $0xb8;
	[tilespmem:$0x18C00] =	vst v63  }
0x46d: {  	s4 =	simm.s32 $0x14C00  }
0x46e: {  	[tilespmem:s4], [sflag:$0x7] =	stream.indirect_vreg.gather [hbm4b:s5+s3], $0x80, v9, vm0, $0xb8;
	[tilespmem:$0x18C00] =	vst v63  }
0x46f: {  	s19 =	simm.s32 $0x15400  }
0x470: {  	[tilespmem:s19], [sflag:$0x7] =	stream.indirect_vreg.gather [hbm4b:s6+s3], $0x80, v9, vm0, $0xb8;
	[tilespmem:$0x18C00] =	vst v63  }
0x471: {  	v9 =	vld.idx.msk [tilespmem:v51+s3+$0x0], $0xffff;
	_ =	sdelay $0x4  }
0x472: {  	v9 =	vshll.u32 v9, $0x6  }
0x473: {  	v9 =	vor.u32 v7, v9  }
0x474: {  	v10 =	vshrl.u32 v9, $0x3  }
0x475: {  	v10 =	vmul.u32 $0x30, v10;
	_ =	sdelay $0x1  }
0x476: {  	v10 =	vor.u32 v2, v10  }
0x477: {  	v11 =	vperm.xlane v10, v2;
	_ =	sdelay $0x1  }
0x478: {  	v11 =	vadd.s32 v3, v11;
	_ =	sdelay $0x3  }
0x479: {  	s30 =	simm.s32 $0x15C00;
	[tilespmem:$0xB80] =	vst v9;
	v9 =	vperm.xlane v10, v4  }
0x47a: {  	[tilespmem:s30], [sflag:$0x8] =	stream.indirect_vreg.gather [hbm4b:s1+s3], $0x80, v11, vm0, $0xb8;
	[tilespmem:$0x18C00] =	vst v63  }
0x47b: {  	s9 =	simm.s32 $0x16400;
	v9 =	vadd.s32 v3, v9  }
0x47c: {  	[tilespmem:s9], [sflag:$0x8] =	stream.indirect_vreg.gather [hbm4b:s5+s3], $0x80, v11, vm0, $0xb8;
	[tilespmem:$0x18C00] =	vst v63  }
0x47d: {  	s23 =	simm.s32 $0x16C00  }
0x47e: {  	[tilespmem:s23], [sflag:$0x8] =	stream.indirect_vreg.gather [hbm4b:s6+s3], $0x80, v11, vm0, $0xb8;
	[tilespmem:$0x18C00] =	vst v63  }
0x47f: {  	s20 =	simm.s32 $0x17400  }
0x480: {  	[tilespmem:s20], [sflag:$0x8] =	stream.indirect_vreg.gather [hbm4b:s1+s3], $0x80, v9, vm0, $0xb8;
	[tilespmem:$0x18C00] =	vst v63  }
0x481: {  	s21 =	simm.s32 $0x17C00  }
0x482: {  	[tilespmem:s21], [sflag:$0x8] =	stream.indirect_vreg.gather [hbm4b:s5+s3], $0x80, v9, vm0, $0xb8;
	[tilespmem:$0x18C00] =	vst v63  }
0x483: {  	s25 =	simm.s32 $0x18400  }
0x484: {  	[tilespmem:s25], [sflag:$0x8] =	stream.indirect_vreg.gather [hbm4b:s6+s3], $0x80, v9, vm0, $0xb8;
	[tilespmem:$0x18C00] =	vst v63  }
0x485: {  	_ =	swait.ge [sflag:s7], $0x3000  }
0x486: {  	[sflag:s7] =	ssyncset.done $0x0  }
0x487: {  	[sflag:s7] =	ssyncadd.s32 $0xFFFFD000  }
0x488: {  	_ =	swait.ge [sflag:s8], $0x3000  }
0x489: {  	[sflag:s8] =	ssyncset.done $0x0  }
0x48a: {  	[sflag:s8] =	ssyncadd.s32 $0xFFFFD000  }
0x48b: {  	_ =	swait.ge [sflag:s10], $0x3000  }
0x48c: {  	[sflag:s10] =	ssyncset.done $0x0  }
0x48d: {  	[sflag:s10] =	ssyncadd.s32 $0xFFFFD000  }
0x48e: {  	_ =	swait.ge [sflag:s11], $0x3000  }
0x48f: {  	[sflag:s11] =	ssyncset.done $0x0  }
0x490: {  	s23 =	rddreg [dreg:$0xe];
	[sflag:s11] =	ssyncadd.s32 $0xFFFFD000  }
0x491: {  	[hbm4b:s23+s3] =	stream.linear.scatter [tilespmem:s0], [sflag:$0x9], $0xC000, $0x38;
	[tilespmem:$0x18C00] =	vst v63  }
0x492: {  	_ =	swait.ge [sflag:s12], $0xC000  }
0x493: {  	[sflag:s12] =	ssyncset.done $0x0  }
0x494: {  	[sflag:s12] =	ssyncadd.s32 $0xFFFF4000  }
0x495: {  	v9 =	vld.idx.msk [tilespmem:v52+s3+$0x0], $0xffff;
	_ =	sdelay $0x4  }
0x496: {  	v9 =	vshll.u32 v9, $0x6  }
0x497: {  	v9 =	vor.u32 v0, v9  }
0x498: {  	v10 =	vshrl.u32 v9, $0x3  }
0x499: {  	v10 =	vmul.u32 $0x30, v10;
	_ =	sdelay $0x1  }
0x49a: {  	v10 =	vor.u32 v2, v10  }
0x49b: {  	v11 =	vperm.xlane v10, v2;
	_ =	sdelay $0x1  }
0x49c: {  	v11 =	vadd.s32 v3, v11;
	_ =	sdelay $0x3  }
0x49d: {  	[tilespmem:$0x800] =	vst v9;
	v9 =	vperm.xlane v10, v4  }
0x49e: {  	[tilespmem:s0], [sflag:$0x1] =	stream.indirect_vreg.gather [hbm4b:s1+s3], $0x80, v11, vm0, $0xb8;
	[tilespmem:$0x18C00] =	vst v63  }
0x49f: {  	s25 =	simm.s32 $0x1400;
	v9 =	vadd.s32 v3, v9  }
0x4a0: {  	[tilespmem:s25], [sflag:$0x1] =	stream.indirect_vreg.gather [hbm4b:s5+s3], $0x80, v11, vm0, $0xb8;
	[tilespmem:$0x18C00] =	vst v63  }
0x4a1: {  	s18 =	simm.s32 $0x1C00  }
0x4a2: {  	[tilespmem:s18], [sflag:$0x1] =	stream.indirect_vreg.gather [hbm4b:s6+s3], $0x80, v11, vm0, $0xb8;
	[tilespmem:$0x18C00] =	vst v63  }
0x4a3: {  	s23 =	simm.s32 $0x2400  }
0x4a4: {  	[tilespmem:s23], [sflag:$0x1] =	stream.indirect_vreg.gather [hbm4b:s1+s3], $0x80, v9, vm0, $0xb8;
	[tilespmem:$0x18C00] =	vst v63  }
0x4a5: {  	s25 =	simm.s32 $0x2C00  }
0x4a6: {  	[tilespmem:s25], [sflag:$0x1] =	stream.indirect_vreg.gather [hbm4b:s5+s3], $0x80, v9, vm0, $0xb8;
	[tilespmem:$0x18C00] =	vst v63  }
0x4a7: {  	s18 =	simm.s32 $0x3400  }
0x4a8: {  	[tilespmem:s18], [sflag:$0x1] =	stream.indirect_vreg.gather [hbm4b:s6+s3], $0x80, v9, vm0, $0xb8;
	[tilespmem:$0x18C00] =	vst v63  }
0x4a9: {  	v9 =	vld.idx.msk [tilespmem:v53+s3+$0x0], $0xffff;
	_ =	sdelay $0x4  }
0x4aa: {  	v9 =	vshll.u32 v9, $0x6  }
0x4ab: {  	v9 =	vor.u32 v5, v9  }
0x4ac: {  	v10 =	vshrl.u32 v9, $0x3  }
0x4ad: {  	v10 =	vmul.u32 $0x30, v10;
	_ =	sdelay $0x1  }
0x4ae: {  	v10 =	vor.u32 v2, v10  }
0x4af: {  	v11 =	vperm.xlane v10, v2;
	_ =	sdelay $0x1  }
0x4b0: {  	v11 =	vadd.s32 v3, v11;
	_ =	sdelay $0x3  }
0x4b1: {  	s23 =	simm.s32 $0x3C00;
	[tilespmem:$0x880] =	vst v9;
	v9 =	vperm.xlane v10, v4  }
0x4b2: {  	[tilespmem:s23], [sflag:$0x2] =	stream.indirect_vreg.gather [hbm4b:s1+s3], $0x80, v11, vm0, $0xb8;
	[tilespmem:$0x18C00] =	vst v63  }
0x4b3: {  	s25 =	simm.s32 $0x4400;
	v9 =	vadd.s32 v3, v9  }
0x4b4: {  	[tilespmem:s25], [sflag:$0x2] =	stream.indirect_vreg.gather [hbm4b:s5+s3], $0x80, v11, vm0, $0xb8;
	[tilespmem:$0x18C00] =	vst v63  }
0x4b5: {  	s18 =	simm.s32 $0x4C00  }
0x4b6: {  	[tilespmem:s18], [sflag:$0x2] =	stream.indirect_vreg.gather [hbm4b:s6+s3], $0x80, v11, vm0, $0xb8;
	[tilespmem:$0x18C00] =	vst v63  }
0x4b7: {  	s23 =	simm.s32 $0x5400  }
0x4b8: {  	[tilespmem:s23], [sflag:$0x2] =	stream.indirect_vreg.gather [hbm4b:s1+s3], $0x80, v9, vm0, $0xb8;
	[tilespmem:$0x18C00] =	vst v63  }
0x4b9: {  	s25 =	simm.s32 $0x5C00  }
0x4ba: {  	[tilespmem:s25], [sflag:$0x2] =	stream.indirect_vreg.gather [hbm4b:s5+s3], $0x80, v9, vm0, $0xb8;
	[tilespmem:$0x18C00] =	vst v63  }
0x4bb: {  	s18 =	simm.s32 $0x6400  }
0x4bc: {  	[tilespmem:s18], [sflag:$0x2] =	stream.indirect_vreg.gather [hbm4b:s6+s3], $0x80, v9, vm0, $0xb8;
	[tilespmem:$0x18C00] =	vst v63  }
0x4bd: {  	v9 =	vld.idx.msk [tilespmem:v54+s3+$0x0], $0xffff;
	_ =	sdelay $0x4  }
0x4be: {  	v9 =	vshll.u32 v9, $0x6  }
0x4bf: {  	v9 =	vor.u32 v6, v9  }
0x4c0: {  	v10 =	vshrl.u32 v9, $0x3  }
0x4c1: {  	v10 =	vmul.u32 $0x30, v10;
	_ =	sdelay $0x1  }
0x4c2: {  	v10 =	vor.u32 v2, v10  }
0x4c3: {  	v11 =	vperm.xlane v10, v2;
	_ =	sdelay $0x1  }
0x4c4: {  	v11 =	vadd.s32 v3, v11;
	_ =	sdelay $0x3  }
0x4c5: {  	s23 =	simm.s32 $0x6C00;
	[tilespmem:$0x900] =	vst v9;
	v9 =	vperm.xlane v10, v4  }
0x4c6: {  	[tilespmem:s23], [sflag:$0x3] =	stream.indirect_vreg.gather [hbm4b:s1+s3], $0x80, v11, vm0, $0xb8;
	[tilespmem:$0x18C00] =	vst v63  }
0x4c7: {  	s25 =	simm.s32 $0x7400;
	v9 =	vadd.s32 v3, v9  }
0x4c8: {  	[tilespmem:s25], [sflag:$0x3] =	stream.indirect_vreg.gather [hbm4b:s5+s3], $0x80, v11, vm0, $0xb8;
	[tilespmem:$0x18C00] =	vst v63  }
0x4c9: {  	s18 =	simm.s32 $0x7C00  }
0x4ca: {  	[tilespmem:s18], [sflag:$0x3] =	stream.indirect_vreg.gather [hbm4b:s6+s3], $0x80, v11, vm0, $0xb8;
	[tilespmem:$0x18C00] =	vst v63  }
0x4cb: {  	s23 =	simm.s32 $0x8400  }
0x4cc: {  	[tilespmem:s23], [sflag:$0x3] =	stream.indirect_vreg.gather [hbm4b:s1+s3], $0x80, v9, vm0, $0xb8;
	[tilespmem:$0x18C00] =	vst v63  }
0x4cd: {  	s25 =	simm.s32 $0x8C00  }
0x4ce: {  	[tilespmem:s25], [sflag:$0x3] =	stream.indirect_vreg.gather [hbm4b:s5+s3], $0x80, v9, vm0, $0xb8;
	[tilespmem:$0x18C00] =	vst v63  }
0x4cf: {  	s18 =	simm.s32 $0x9400  }
0x4d0: {  	[tilespmem:s18], [sflag:$0x3] =	stream.indirect_vreg.gather [hbm4b:s6+s3], $0x80, v9, vm0, $0xb8;
	[tilespmem:$0x18C00] =	vst v63  }
0x4d1: {  	v9 =	vld.idx.msk [tilespmem:v55+s3+$0x0], $0xffff;
	_ =	sdelay $0x4  }
0x4d2: {  	v9 =	vshll.u32 v9, $0x6  }
0x4d3: {  	v9 =	vor.u32 v7, v9  }
0x4d4: {  	v10 =	vshrl.u32 v9, $0x3  }
0x4d5: {  	v10 =	vmul.u32 $0x30, v10;
	_ =	sdelay $0x1  }
0x4d6: {  	v10 =	vor.u32 v2, v10  }
0x4d7: {  	v11 =	vperm.xlane v10, v2;
	_ =	sdelay $0x1  }
0x4d8: {  	v11 =	vadd.s32 v3, v11;
	_ =	sdelay $0x3  }
0x4d9: {  	s18 =	simm.s32 $0x9C00;
	[tilespmem:$0x980] =	vst v9;
	v9 =	vperm.xlane v10, v4  }
0x4da: {  	[tilespmem:s18], [sflag:$0x4] =	stream.indirect_vreg.gather [hbm4b:s1+s3], $0x80, v11, vm0, $0xb8;
	[tilespmem:$0x18C00] =	vst v63  }
0x4db: {  	v9 =	vadd.s32 v3, v9;
	s18 =	simm.s32 $0xA400  }
0x4dc: {  	[tilespmem:s18], [sflag:$0x4] =	stream.indirect_vreg.gather [hbm4b:s5+s3], $0x80, v11, vm0, $0xb8;
	[tilespmem:$0x18C00] =	vst v63  }
0x4dd: {  	s18 =	simm.s32 $0xAC00  }
0x4de: {  	[tilespmem:s18], [sflag:$0x4] =	stream.indirect_vreg.gather [hbm4b:s6+s3], $0x80, v11, vm0, $0xb8;
	[tilespmem:$0x18C00] =	vst v63  }
0x4df: {  	s18 =	simm.s32 $0xB400  }
0x4e0: {  	[tilespmem:s18], [sflag:$0x4] =	stream.indirect_vreg.gather [hbm4b:s1+s3], $0x80, v9, vm0, $0xb8;
	[tilespmem:$0x18C00] =	vst v63  }
0x4e1: {  	s18 =	simm.s32 $0xBC00  }
0x4e2: {  	[tilespmem:s18], [sflag:$0x4] =	stream.indirect_vreg.gather [hbm4b:s5+s3], $0x80, v9, vm0, $0xb8;
	[tilespmem:$0x18C00] =	vst v63  }
0x4e3: {  	s18 =	simm.s32 $0xC400  }
0x4e4: {  	[tilespmem:s18], [sflag:$0x4] =	stream.indirect_vreg.gather [hbm4b:s6+s3], $0x80, v9, vm0, $0xb8;
	[tilespmem:$0x18C00] =	vst v63  }
0x4e5: {  	_ =	swait.ge [sflag:s13], $0x3000  }
0x4e6: {  	[sflag:s13] =	ssyncset.done $0x0  }
0x4e7: {  	[sflag:s13] =	ssyncadd.s32 $0xFFFFD000  }
0x4e8: {  	_ =	swait.ge [sflag:s14], $0x3000  }
0x4e9: {  	[sflag:s14] =	ssyncset.done $0x0  }
0x4ea: {  	[sflag:s14] =	ssyncadd.s32 $0xFFFFD000  }
0x4eb: {  	_ =	swait.ge [sflag:s15], $0x3000  }
0x4ec: {  	[sflag:s15] =	ssyncset.done $0x0  }
0x4ed: {  	[sflag:s15] =	ssyncadd.s32 $0xFFFFD000  }
0x4ee: {  	_ =	swait.ge [sflag:s16], $0x3000  }
0x4ef: {  	[sflag:s16] =	ssyncset.done $0x0  }
0x4f0: {  	s0 =	rddreg [dreg:$0xf];
	[sflag:s16] =	ssyncadd.s32 $0xFFFFD000  }
0x4f1: {  	[hbm4b:s0+s3] =	stream.linear.scatter [tilespmem:s2], [sflag:$0xA], $0xC000, $0x38;
	[tilespmem:$0x18C00] =	vst v63  }
0x4f2: {  	_ =	swait.ge [sflag:s17], $0xC000  }
0x4f3: {  	[sflag:s17] =	ssyncset.done $0x0  }
0x4f4: {  	[sflag:s17] =	ssyncadd.s32 $0xFFFF4000  }
0x4f5: {  	v9 =	vld.idx.msk [tilespmem:v56+s3+$0x0], $0xffff;
	_ =	sdelay $0x4  }
0x4f6: {  	v9 =	vshll.u32 v9, $0x6  }
0x4f7: {  	v9 =	vor.u32 v0, v9  }
0x4f8: {  	v10 =	vshrl.u32 v9, $0x3  }
0x4f9: {  	v10 =	vmul.u32 $0x30, v10;
	_ =	sdelay $0x1  }
0x4fa: {  	v10 =	vor.u32 v2, v10  }
0x4fb: {  	v11 =	vperm.xlane v10, v2;
	_ =	sdelay $0x1  }
0x4fc: {  	v11 =	vadd.s32 v3, v11;
	_ =	sdelay $0x3  }
0x4fd: {  	[tilespmem:$0xA00] =	vst v9;
	v9 =	vperm.xlane v10, v4  }
0x4fe: {  	[tilespmem:s2], [sflag:$0x5] =	stream.indirect_vreg.gather [hbm4b:s1+s3], $0x80, v11, vm0, $0xb8;
	[tilespmem:$0x18C00] =	vst v63  }
0x4ff: {  	s18 =	simm.s32 $0xD400;
	v9 =	vadd.s32 v3, v9  }
0x500: {  	[tilespmem:s18], [sflag:$0x5] =	stream.indirect_vreg.gather [hbm4b:s5+s3], $0x80, v11, vm0, $0xb8;
	[tilespmem:$0x18C00] =	vst v63  }
0x501: {  	s2 =	simm.s32 $0xDC00  }
0x502: {  	[tilespmem:s2], [sflag:$0x5] =	stream.indirect_vreg.gather [hbm4b:s6+s3], $0x80, v11, vm0, $0xb8;
	[tilespmem:$0x18C00] =	vst v63  }
0x503: {  	s18 =	simm.s32 $0xE400  }
0x504: {  	[tilespmem:s18], [sflag:$0x5] =	stream.indirect_vreg.gather [hbm4b:s1+s3], $0x80, v9, vm0, $0xb8;
	[tilespmem:$0x18C00] =	vst v63  }
0x505: {  	s2 =	simm.s32 $0xEC00  }
0x506: {  	[tilespmem:s2], [sflag:$0x5] =	stream.indirect_vreg.gather [hbm4b:s5+s3], $0x80, v9, vm0, $0xb8;
	[tilespmem:$0x18C00] =	vst v63  }
0x507: {  	s18 =	simm.s32 $0xF400  }
0x508: {  	[tilespmem:s18], [sflag:$0x5] =	stream.indirect_vreg.gather [hbm4b:s6+s3], $0x80, v9, vm0, $0xb8;
	[tilespmem:$0x18C00] =	vst v63  }
0x509: {  	v9 =	vld.idx.msk [tilespmem:v57+s3+$0x0], $0xffff;
	_ =	sdelay $0x4  }
0x50a: {  	v9 =	vshll.u32 v9, $0x6  }
0x50b: {  	v9 =	vor.u32 v5, v9  }
0x50c: {  	v10 =	vshrl.u32 v9, $0x3  }
0x50d: {  	v10 =	vmul.u32 $0x30, v10;
	_ =	sdelay $0x1  }
0x50e: {  	v10 =	vor.u32 v2, v10  }
0x50f: {  	v11 =	vperm.xlane v10, v2;
	_ =	sdelay $0x1  }
0x510: {  	v11 =	vadd.s32 v3, v11;
	_ =	sdelay $0x3  }
0x511: {  	s2 =	simm.s32 $0xFC00;
	[tilespmem:$0xA80] =	vst v9;
	v9 =	vperm.xlane v10, v4  }
0x512: {  	[tilespmem:s2], [sflag:$0x6] =	stream.indirect_vreg.gather [hbm4b:s1+s3], $0x80, v11, vm0, $0xb8;
	[tilespmem:$0x18C00] =	vst v63  }
0x513: {  	s18 =	simm.s32 $0x10400;
	v9 =	vadd.s32 v3, v9  }
0x514: {  	[tilespmem:s18], [sflag:$0x6] =	stream.indirect_vreg.gather [hbm4b:s5+s3], $0x80, v11, vm0, $0xb8;
	[tilespmem:$0x18C00] =	vst v63  }
0x515: {  	s2 =	simm.s32 $0x10C00  }
0x516: {  	[tilespmem:s2], [sflag:$0x6] =	stream.indirect_vreg.gather [hbm4b:s6+s3], $0x80, v11, vm0, $0xb8;
	[tilespmem:$0x18C00] =	vst v63  }
0x517: {  	s18 =	simm.s32 $0x11400  }
0x518: {  	[tilespmem:s18], [sflag:$0x6] =	stream.indirect_vreg.gather [hbm4b:s1+s3], $0x80, v9, vm0, $0xb8;
	[tilespmem:$0x18C00] =	vst v63  }
0x519: {  	s26 =	simm.s32 $0x11C00  }
0x51a: {  	[tilespmem:s26], [sflag:$0x6] =	stream.indirect_vreg.gather [hbm4b:s5+s3], $0x80, v9, vm0, $0xb8;
	[tilespmem:$0x18C00] =	vst v63  }
0x51b: {  	s28 =	simm.s32 $0x12400  }
0x51c: {  	[tilespmem:s28], [sflag:$0x6] =	stream.indirect_vreg.gather [hbm4b:s6+s3], $0x80, v9, vm0, $0xb8;
	[tilespmem:$0x18C00] =	vst v63  }
0x51d: {  	v9 =	vld.idx.msk [tilespmem:v58+s3+$0x0], $0xffff;
	_ =	sdelay $0x4  }
0x51e: {  	v9 =	vshll.u32 v9, $0x6  }
0x51f: {  	v9 =	vor.u32 v6, v9  }
0x520: {  	v10 =	vshrl.u32 v9, $0x3  }
0x521: {  	v10 =	vmul.u32 $0x30, v10;
	_ =	sdelay $0x1  }
0x522: {  	v10 =	vor.u32 v2, v10  }
0x523: {  	v11 =	vperm.xlane v10, v2;
	_ =	sdelay $0x1  }
0x524: {  	v11 =	vadd.s32 v3, v11;
	_ =	sdelay $0x3  }
0x525: {  	s28 =	simm.s32 $0x12C00;
	[tilespmem:$0xB00] =	vst v9;
	v9 =	vperm.xlane v10, v4  }
0x526: {  	[tilespmem:s28], [sflag:$0x7] =	stream.indirect_vreg.gather [hbm4b:s1+s3], $0x80, v11, vm0, $0xb8;
	[tilespmem:$0x18C00] =	vst v63  }
0x527: {  	s29 =	simm.s32 $0x13400;
	v9 =	vadd.s32 v3, v9  }
0x528: {  	[tilespmem:s29], [sflag:$0x7] =	stream.indirect_vreg.gather [hbm4b:s5+s3], $0x80, v11, vm0, $0xb8;
	[tilespmem:$0x18C00] =	vst v63  }
0x529: {  	s31 =	simm.s32 $0x13C00  }
0x52a: {  	[tilespmem:s31], [sflag:$0x7] =	stream.indirect_vreg.gather [hbm4b:s6+s3], $0x80, v11, vm0, $0xb8;
	[tilespmem:$0x18C00] =	vst v63  }
0x52b: {  	s31 =	simm.s32 $0x14400  }
0x52c: {  	[tilespmem:s31], [sflag:$0x7] =	stream.indirect_vreg.gather [hbm4b:s1+s3], $0x80, v9, vm0, $0xb8;
	[tilespmem:$0x18C00] =	vst v63  }
0x52d: {  	s4 =	simm.s32 $0x14C00  }
0x52e: {  	[tilespmem:s4], [sflag:$0x7] =	stream.indirect_vreg.gather [hbm4b:s5+s3], $0x80, v9, vm0, $0xb8;
	[tilespmem:$0x18C00] =	vst v63  }
0x52f: {  	s22 =	simm.s32 $0x15400  }
0x530: {  	[tilespmem:s22], [sflag:$0x7] =	stream.indirect_vreg.gather [hbm4b:s6+s3], $0x80, v9, vm0, $0xb8;
	[tilespmem:$0x18C00] =	vst v63  }
0x531: {  	v9 =	vld.idx.msk [tilespmem:v59+s3+$0x0], $0xffff;
	_ =	sdelay $0x4  }
0x532: {  	v9 =	vshll.u32 v9, $0x6  }
0x533: {  	v9 =	vor.u32 v7, v9  }
0x534: {  	v10 =	vshrl.u32 v9, $0x3  }
0x535: {  	v10 =	vmul.u32 $0x30, v10;
	_ =	sdelay $0x1  }
0x536: {  	v10 =	vor.u32 v2, v10  }
0x537: {  	v11 =	vperm.xlane v10, v2;
	_ =	sdelay $0x1  }
0x538: {  	v11 =	vadd.s32 v3, v11;
	_ =	sdelay $0x3  }
0x539: {  	s30 =	simm.s32 $0x15C00;
	[tilespmem:$0xB80] =	vst v9;
	v9 =	vperm.xlane v10, v4  }
0x53a: {  	[tilespmem:s30], [sflag:$0x8] =	stream.indirect_vreg.gather [hbm4b:s1+s3], $0x80, v11, vm0, $0xb8;
	[tilespmem:$0x18C00] =	vst v63  }
0x53b: {  	s19 =	simm.s32 $0x16400;
	v9 =	vadd.s32 v3, v9  }
0x53c: {  	[tilespmem:s19], [sflag:$0x8] =	stream.indirect_vreg.gather [hbm4b:s5+s3], $0x80, v11, vm0, $0xb8;
	[tilespmem:$0x18C00] =	vst v63  }
0x53d: {  	s9 =	simm.s32 $0x16C00  }
0x53e: {  	[tilespmem:s9], [sflag:$0x8] =	stream.indirect_vreg.gather [hbm4b:s6+s3], $0x80, v11, vm0, $0xb8;
	[tilespmem:$0x18C00] =	vst v63  }
0x53f: {  	s24 =	simm.s32 $0x17400  }
0x540: {  	[tilespmem:s24], [sflag:$0x8] =	stream.indirect_vreg.gather [hbm4b:s1+s3], $0x80, v9, vm0, $0xb8;
	[tilespmem:$0x18C00] =	vst v63  }
0x541: {  	s20 =	simm.s32 $0x17C00  }
0x542: {  	[tilespmem:s20], [sflag:$0x8] =	stream.indirect_vreg.gather [hbm4b:s5+s3], $0x80, v9, vm0, $0xb8;
	[tilespmem:$0x18C00] =	vst v63  }
0x543: {  	s21 =	simm.s32 $0x18400  }
0x544: {  	[tilespmem:s21], [sflag:$0x8] =	stream.indirect_vreg.gather [hbm4b:s6+s3], $0x80, v9, vm0, $0xb8;
	[tilespmem:$0x18C00] =	vst v63  }
0x545: {  	_ =	swait.ge [sflag:s7], $0x3000  }
0x546: {  	[sflag:s7] =	ssyncset.done $0x0  }
0x547: {  	[sflag:s7] =	ssyncadd.s32 $0xFFFFD000  }
0x548: {  	_ =	swait.ge [sflag:s8], $0x3000  }
0x549: {  	[sflag:s8] =	ssyncset.done $0x0  }
0x54a: {  	[sflag:s8] =	ssyncadd.s32 $0xFFFFD000  }
0x54b: {  	_ =	swait.ge [sflag:s10], $0x3000  }
0x54c: {  	[sflag:s10] =	ssyncset.done $0x0  }
0x54d: {  	[sflag:s10] =	ssyncadd.s32 $0xFFFFD000  }
0x54e: {  	_ =	swait.ge [sflag:s11], $0x3000  }
0x54f: {  	[sflag:s11] =	ssyncset.done $0x0  }
0x550: {  	s4 =	simm.s32 $0xC00;
	s2 =	rddreg [dreg:$0x10];
	[sflag:s11] =	ssyncadd.s32 $0xFFFFD000  }
0x551: {  	[hbm4b:s2+s3] =	stream.linear.scatter [tilespmem:s4], [sflag:$0x9], $0xC000, $0x38;
	[tilespmem:$0x18C00] =	vst v63  }
0x552: {  	_ =	swait.ge [sflag:s12], $0xC000  }
0x553: {  	[sflag:s12] =	ssyncset.done $0x0  }
0x554: {  	[sflag:s12] =	ssyncadd.s32 $0xFFFF4000  }
0x555: {  	v9 =	vld.idx.msk [tilespmem:v60+s3+$0x0], $0xffff;
	_ =	sdelay $0x4  }
0x556: {  	v9 =	vshll.u32 v9, $0x6  }
0x557: {  	v9 =	vor.u32 v0, v9  }
0x558: {  	v10 =	vshrl.u32 v9, $0x3  }
0x559: {  	v10 =	vmul.u32 $0x30, v10;
	_ =	sdelay $0x1  }
0x55a: {  	v10 =	vor.u32 v2, v10  }
0x55b: {  	v11 =	vperm.xlane v10, v2;
	_ =	sdelay $0x1  }
0x55c: {  	v11 =	vadd.s32 v3, v11;
	_ =	sdelay $0x3  }
0x55d: {  	[tilespmem:$0x800] =	vst v9;
	v9 =	vperm.xlane v10, v4  }
0x55e: {  	[tilespmem:s4], [sflag:$0x1] =	stream.indirect_vreg.gather [hbm4b:s1+s3], $0x80, v11, vm0, $0xb8;
	[tilespmem:$0x18C00] =	vst v63  }
0x55f: {  	s18 =	simm.s32 $0x1400;
	v9 =	vadd.s32 v3, v9  }
0x560: {  	[tilespmem:s18], [sflag:$0x1] =	stream.indirect_vreg.gather [hbm4b:s5+s3], $0x80, v11, vm0, $0xb8;
	[tilespmem:$0x18C00] =	vst v63  }
0x561: {  	s21 =	simm.s32 $0x1C00  }
0x562: {  	[tilespmem:s21], [sflag:$0x1] =	stream.indirect_vreg.gather [hbm4b:s6+s3], $0x80, v11, vm0, $0xb8;
	[tilespmem:$0x18C00] =	vst v63  }
0x563: {  	s4 =	simm.s32 $0x2400  }
0x564: {  	[tilespmem:s4], [sflag:$0x1] =	stream.indirect_vreg.gather [hbm4b:s1+s3], $0x80, v9, vm0, $0xb8;
	[tilespmem:$0x18C00] =	vst v63  }
0x565: {  	s18 =	simm.s32 $0x2C00  }
0x566: {  	[tilespmem:s18], [sflag:$0x1] =	stream.indirect_vreg.gather [hbm4b:s5+s3], $0x80, v9, vm0, $0xb8;
	[tilespmem:$0x18C00] =	vst v63  }
0x567: {  	s21 =	simm.s32 $0x3400  }
0x568: {  	[tilespmem:s21], [sflag:$0x1] =	stream.indirect_vreg.gather [hbm4b:s6+s3], $0x80, v9, vm0, $0xb8;
	[tilespmem:$0x18C00] =	vst v63  }
0x569: {  	v9 =	vld.idx.msk [tilespmem:v61+s3+$0x0], $0xffff;
	_ =	sdelay $0x4  }
0x56a: {  	v9 =	vshll.u32 v9, $0x6  }
0x56b: {  	v9 =	vor.u32 v5, v9  }
0x56c: {  	v10 =	vshrl.u32 v9, $0x3  }
0x56d: {  	v10 =	vmul.u32 $0x30, v10;
	_ =	sdelay $0x1  }
0x56e: {  	v10 =	vor.u32 v2, v10  }
0x56f: {  	v11 =	vperm.xlane v10, v2;
	_ =	sdelay $0x1  }
0x570: {  	v11 =	vadd.s32 v3, v11;
	_ =	sdelay $0x3  }
0x571: {  	s4 =	simm.s32 $0x3C00;
	[tilespmem:$0x880] =	vst v9;
	v9 =	vperm.xlane v10, v4  }
0x572: {  	[tilespmem:s4], [sflag:$0x2] =	stream.indirect_vreg.gather [hbm4b:s1+s3], $0x80, v11, vm0, $0xb8;
	[tilespmem:$0x18C00] =	vst v63  }
0x573: {  	s18 =	simm.s32 $0x4400;
	v9 =	vadd.s32 v3, v9  }
0x574: {  	[tilespmem:s18], [sflag:$0x2] =	stream.indirect_vreg.gather [hbm4b:s5+s3], $0x80, v11, vm0, $0xb8;
	[tilespmem:$0x18C00] =	vst v63  }
0x575: {  	s21 =	simm.s32 $0x4C00  }
0x576: {  	[tilespmem:s21], [sflag:$0x2] =	stream.indirect_vreg.gather [hbm4b:s6+s3], $0x80, v11, vm0, $0xb8;
	[tilespmem:$0x18C00] =	vst v63  }
0x577: {  	s4 =	simm.s32 $0x5400  }
0x578: {  	[tilespmem:s4], [sflag:$0x2] =	stream.indirect_vreg.gather [hbm4b:s1+s3], $0x80, v9, vm0, $0xb8;
	[tilespmem:$0x18C00] =	vst v63  }
0x579: {  	s18 =	simm.s32 $0x5C00  }
0x57a: {  	[tilespmem:s18], [sflag:$0x2] =	stream.indirect_vreg.gather [hbm4b:s5+s3], $0x80, v9, vm0, $0xb8;
	[tilespmem:$0x18C00] =	vst v63  }
0x57b: {  	s21 =	simm.s32 $0x6400  }
0x57c: {  	[tilespmem:s21], [sflag:$0x2] =	stream.indirect_vreg.gather [hbm4b:s6+s3], $0x80, v9, vm0, $0xb8;
	[tilespmem:$0x18C00] =	vst v63  }
0x57d: {  	v9 =	vld.idx.msk [tilespmem:v62+s3+$0x0], $0xffff;
	_ =	sdelay $0x4  }
0x57e: {  	v9 =	vshll.u32 v9, $0x6  }
0x57f: {  	v9 =	vor.u32 v6, v9  }
0x580: {  	v10 =	vshrl.u32 v9, $0x3  }
0x581: {  	v10 =	vmul.u32 $0x30, v10;
	_ =	sdelay $0x1  }
0x582: {  	v10 =	vor.u32 v2, v10  }
0x583: {  	v11 =	vperm.xlane v10, v2;
	_ =	sdelay $0x1  }
0x584: {  	v11 =	vadd.s32 v3, v11;
	_ =	sdelay $0x3  }
0x585: {  	s4 =	simm.s32 $0x6C00;
	[tilespmem:$0x900] =	vst v9;
	v9 =	vperm.xlane v10, v4  }
0x586: {  	[tilespmem:s4], [sflag:$0x3] =	stream.indirect_vreg.gather [hbm4b:s1+s3], $0x80, v11, vm0, $0xb8;
	[tilespmem:$0x18C00] =	vst v63  }
0x587: {  	s18 =	simm.s32 $0x7400;
	v9 =	vadd.s32 v3, v9  }
0x588: {  	[tilespmem:s18], [sflag:$0x3] =	stream.indirect_vreg.gather [hbm4b:s5+s3], $0x80, v11, vm0, $0xb8;
	[tilespmem:$0x18C00] =	vst v63  }
0x589: {  	s21 =	simm.s32 $0x7C00  }
0x58a: {  	[tilespmem:s21], [sflag:$0x3] =	stream.indirect_vreg.gather [hbm4b:s6+s3], $0x80, v11, vm0, $0xb8;
	[tilespmem:$0x18C00] =	vst v63  }
0x58b: {  	s23 =	simm.s32 $0x8400  }
0x58c: {  	[tilespmem:s23], [sflag:$0x3] =	stream.indirect_vreg.gather [hbm4b:s1+s3], $0x80, v9, vm0, $0xb8;
	[tilespmem:$0x18C00] =	vst v63  }
0x58d: {  	s25 =	simm.s32 $0x8C00  }
0x58e: {  	[tilespmem:s25], [sflag:$0x3] =	stream.indirect_vreg.gather [hbm4b:s5+s3], $0x80, v9, vm0, $0xb8;
	[tilespmem:$0x18C00] =	vst v63  }
0x58f: {  	s23 =	simm.s32 $0x9400  }
0x590: {  	[tilespmem:s23], [sflag:$0x3] =	stream.indirect_vreg.gather [hbm4b:s6+s3], $0x80, v9, vm0, $0xb8;
	[tilespmem:$0x18C00] =	vst v63  }
0x591: {  	v9 =	vld.idx.msk [tilespmem:v63+s3+$0x0], $0xffff;
	_ =	sdelay $0x4  }
0x592: {  	v9 =	vshll.u32 v9, $0x6  }
0x593: {  	v9 =	vor.u32 v7, v9  }
0x594: {  	v10 =	vshrl.u32 v9, $0x3  }
0x595: {  	v10 =	vmul.u32 $0x30, v10;
	_ =	sdelay $0x1  }
0x596: {  	v10 =	vor.u32 v2, v10  }
0x597: {  	v11 =	vperm.xlane v10, v2;
	_ =	sdelay $0x1  }
0x598: {  	v11 =	vadd.s32 v3, v11;
	_ =	sdelay $0x3  }
0x599: {  	s25 =	simm.s32 $0x9C00;
	[tilespmem:$0x980] =	vst v9;
	v9 =	vperm.xlane v10, v4  }
0x59a: {  	[tilespmem:s25], [sflag:$0x4] =	stream.indirect_vreg.gather [hbm4b:s1+s3], $0x80, v11, vm0, $0xb8;
	[tilespmem:$0x18C00] =	vst v63  }
0x59b: {  	s4 =	simm.s32 $0xA400;
	v9 =	vadd.s32 v3, v9  }
0x59c: {  	[tilespmem:s4], [sflag:$0x4] =	stream.indirect_vreg.gather [hbm4b:s5+s3], $0x80, v11, vm0, $0xb8;
	[tilespmem:$0x18C00] =	vst v63  }
0x59d: {  	s18 =	simm.s32 $0xAC00  }
0x59e: {  	[tilespmem:s18], [sflag:$0x4] =	stream.indirect_vreg.gather [hbm4b:s6+s3], $0x80, v11, vm0, $0xb8;
	[tilespmem:$0x18C00] =	vst v63  }
0x59f: {  	s21 =	simm.s32 $0xB400  }
0x5a0: {  	[tilespmem:s21], [sflag:$0x4] =	stream.indirect_vreg.gather [hbm4b:s1+s3], $0x80, v9, vm0, $0xb8;
	[tilespmem:$0x18C00] =	vst v63  }
0x5a1: {  	s23 =	simm.s32 $0xBC00  }
0x5a2: {  	[tilespmem:s23], [sflag:$0x4] =	stream.indirect_vreg.gather [hbm4b:s5+s3], $0x80, v9, vm0, $0xb8;
	[tilespmem:$0x18C00] =	vst v63  }
0x5a3: {  	s25 =	simm.s32 $0xC400  }
0x5a4: {  	[tilespmem:s25], [sflag:$0x4] =	stream.indirect_vreg.gather [hbm4b:s6+s3], $0x80, v9, vm0, $0xb8;
	[tilespmem:$0x18C00] =	vst v63  }
0x5a5: {  	_ =	swait.ge [sflag:s13], $0x3000  }
0x5a6: {  	[sflag:s13] =	ssyncset.done $0x0  }
0x5a7: {  	[sflag:s13] =	ssyncadd.s32 $0xFFFFD000  }
0x5a8: {  	_ =	swait.ge [sflag:s14], $0x3000  }
0x5a9: {  	[sflag:s14] =	ssyncset.done $0x0  }
0x5aa: {  	[sflag:s14] =	ssyncadd.s32 $0xFFFFD000  }
0x5ab: {  	_ =	swait.ge [sflag:s15], $0x3000  }
0x5ac: {  	[sflag:s15] =	ssyncset.done $0x0  }
0x5ad: {  	[sflag:s15] =	ssyncadd.s32 $0xFFFFD000  }
0x5ae: {  	_ =	swait.ge [sflag:s16], $0x3000  }
0x5af: {  	[sflag:s16] =	ssyncset.done $0x0  }
0x5b0: {  	s4 =	simm.s32 $0xCC00;
	s2 =	rddreg [dreg:$0x11];
	[sflag:s16] =	ssyncadd.s32 $0xFFFFD000  }
0x5b1: {  	[hbm4b:s2+s3] =	stream.linear.scatter [tilespmem:s4], [sflag:$0xA], $0xC000, $0x38;
	[tilespmem:$0x18C00] =	vst v63  }
0x5b2: {  	_ =	swait.ge [sflag:s17], $0xC000  }
0x5b3: {  	[sflag:s17] =	ssyncset.done $0x0  }
0x5b4: {  	[sflag:s17] =	ssyncadd.s32 $0xFFFF4000  }
0x5b5: {  	v9 =	vld.idx.msk [tilespmem:v8+s3+$0x0], $0xffff;
	_ =	sdelay $0x4  }
0x5b6: {  	v9 =	vshll.u32 v9, $0x6  }
0x5b7: {  	v9 =	vor.u32 v0, v9  }
0x5b8: {  	v10 =	vshrl.u32 v9, $0x3  }
0x5b9: {  	v10 =	vmul.u32 $0x30, v10;
	_ =	sdelay $0x1  }
0x5ba: {  	v10 =	vor.u32 v2, v10  }
0x5bb: {  	v11 =	vperm.xlane v10, v2;
	_ =	sdelay $0x1  }
0x5bc: {  	v11 =	vadd.s32 v3, v11;
	_ =	sdelay $0x3  }
0x5bd: {  	[tilespmem:$0xA00] =	vst v9;
	v9 =	vperm.xlane v10, v4  }
0x5be: {  	[tilespmem:s4], [sflag:$0x5] =	stream.indirect_vreg.gather [hbm4b:s1+s3], $0x80, v11, vm0, $0xb8;
	[tilespmem:$0x18C00] =	vst v63  }
0x5bf: {  	s21 =	simm.s32 $0xD400;
	v9 =	vadd.s32 v3, v9  }
0x5c0: {  	[tilespmem:s21], [sflag:$0x5] =	stream.indirect_vreg.gather [hbm4b:s5+s3], $0x80, v11, vm0, $0xb8;
	[tilespmem:$0x18C00] =	vst v63  }
0x5c1: {  	s23 =	simm.s32 $0xDC00  }
0x5c2: {  	[tilespmem:s23], [sflag:$0x5] =	stream.indirect_vreg.gather [hbm4b:s6+s3], $0x80, v11, vm0, $0xb8;
	[tilespmem:$0x18C00] =	vst v63  }
0x5c3: {  	s25 =	simm.s32 $0xE400  }
0x5c4: {  	v10 =	vor.u32 $0x790, v0;
	[tilespmem:s25], [sflag:$0x5] =	stream.indirect_vreg.gather [hbm4b:s1+s3], $0x80, v9, vm0, $0xb8;
	[tilespmem:$0x18C00] =	vst v63  }
0x5c5: {  	s18 =	simm.s32 $0xEC00  }
0x5c6: {  	[tilespmem:s18], [sflag:$0x5] =	stream.indirect_vreg.gather [hbm4b:s5+s3], $0x80, v9, vm0, $0xb8;
	[tilespmem:$0x18C00] =	vst v63  }
0x5c7: {  	s21 =	simm.s32 $0xF400  }
0x5c8: {  	[tilespmem:s21], [sflag:$0x5] =	stream.indirect_vreg.gather [hbm4b:s6+s3], $0x80, v9, vm0, $0xb8;
	[tilespmem:$0x18C00] =	vst v63  }
0x5c9: {  	v9 =	vld.idx.msk [tilespmem:v10+s3+$0x0], $0xffff;
	_ =	sdelay $0x4  }
0x5ca: {  	v9 =	vshll.u32 v9, $0x6  }
0x5cb: {  	v9 =	vor.u32 v5, v9  }
0x5cc: {  	v10 =	vshrl.u32 v9, $0x3  }
0x5cd: {  	v10 =	vmul.u32 $0x30, v10;
	_ =	sdelay $0x1  }
0x5ce: {  	v10 =	vor.u32 v2, v10  }
0x5cf: {  	v11 =	vperm.xlane v10, v2;
	_ =	sdelay $0x1  }
0x5d0: {  	v11 =	vadd.s32 v3, v11;
	_ =	sdelay $0x3  }
0x5d1: {  	s23 =	simm.s32 $0xFC00;
	[tilespmem:$0xA80] =	vst v9;
	v9 =	vperm.xlane v10, v4  }
0x5d2: {  	[tilespmem:s23], [sflag:$0x6] =	stream.indirect_vreg.gather [hbm4b:s1+s3], $0x80, v11, vm0, $0xb8;
	[tilespmem:$0x18C00] =	vst v63  }
0x5d3: {  	s25 =	simm.s32 $0x10400;
	v9 =	vadd.s32 v3, v9  }
0x5d4: {  	[tilespmem:s25], [sflag:$0x6] =	stream.indirect_vreg.gather [hbm4b:s5+s3], $0x80, v11, vm0, $0xb8;
	[tilespmem:$0x18C00] =	vst v63  }
0x5d5: {  	s0 =	simm.s32 $0x10C00  }
0x5d6: {  	[tilespmem:s0], [sflag:$0x6] =	stream.indirect_vreg.gather [hbm4b:s6+s3], $0x80, v11, vm0, $0xb8;
	[tilespmem:$0x18C00] =	vst v63  }
0x5d7: {  	s18 =	simm.s32 $0x11400  }
0x5d8: {  	v10 =	vor.u32 $0x7A0, v0;
	[tilespmem:s18], [sflag:$0x6] =	stream.indirect_vreg.gather [hbm4b:s1+s3], $0x80, v9, vm0, $0xb8;
	[tilespmem:$0x18C00] =	vst v63  }
0x5d9: {  	s21 =	simm.s32 $0x11C00  }
0x5da: {  	[tilespmem:s21], [sflag:$0x6] =	stream.indirect_vreg.gather [hbm4b:s5+s3], $0x80, v9, vm0, $0xb8;
	[tilespmem:$0x18C00] =	vst v63  }
0x5db: {  	s23 =	simm.s32 $0x12400  }
0x5dc: {  	[tilespmem:s23], [sflag:$0x6] =	stream.indirect_vreg.gather [hbm4b:s6+s3], $0x80, v9, vm0, $0xb8;
	[tilespmem:$0x18C00] =	vst v63  }
0x5dd: {  	v9 =	vld.idx.msk [tilespmem:v10+s3+$0x0], $0xffff;
	_ =	sdelay $0x4  }
0x5de: {  	v9 =	vshll.u32 v9, $0x6  }
0x5df: {  	v9 =	vor.u32 v6, v9  }
0x5e0: {  	v10 =	vshrl.u32 v9, $0x3  }
0x5e1: {  	v10 =	vmul.u32 $0x30, v10;
	_ =	sdelay $0x1  }
0x5e2: {  	v10 =	vor.u32 v2, v10  }
0x5e3: {  	v11 =	vperm.xlane v10, v2;
	_ =	sdelay $0x1  }
0x5e4: {  	v11 =	vadd.s32 v3, v11;
	_ =	sdelay $0x3  }
0x5e5: {  	s25 =	simm.s32 $0x12C00;
	[tilespmem:$0xB00] =	vst v9;
	v9 =	vperm.xlane v10, v4  }
0x5e6: {  	[tilespmem:s25], [sflag:$0x7] =	stream.indirect_vreg.gather [hbm4b:s1+s3], $0x80, v11, vm0, $0xb8;
	[tilespmem:$0x18C00] =	vst v63  }
0x5e7: {  	s29 =	simm.s32 $0x13400;
	v9 =	vadd.s32 v3, v9  }
0x5e8: {  	[tilespmem:s29], [sflag:$0x7] =	stream.indirect_vreg.gather [hbm4b:s5+s3], $0x80, v11, vm0, $0xb8;
	[tilespmem:$0x18C00] =	vst v63  }
0x5e9: {  	s26 =	simm.s32 $0x13C00  }
0x5ea: {  	[tilespmem:s26], [sflag:$0x7] =	stream.indirect_vreg.gather [hbm4b:s6+s3], $0x80, v11, vm0, $0xb8;
	[tilespmem:$0x18C00] =	vst v63  }
0x5eb: {  	s28 =	simm.s32 $0x14400  }
0x5ec: {  	v10 =	vor.u32 $0x7B0, v0;
	[tilespmem:s28], [sflag:$0x7] =	stream.indirect_vreg.gather [hbm4b:s1+s3], $0x80, v9, vm0, $0xb8;
	[tilespmem:$0x18C00] =	vst v63  }
0x5ed: {  	s26 =	simm.s32 $0x14C00  }
0x5ee: {  	[tilespmem:s26], [sflag:$0x7] =	stream.indirect_vreg.gather [hbm4b:s5+s3], $0x80, v9, vm0, $0xb8;
	[tilespmem:$0x18C00] =	vst v63  }
0x5ef: {  	s28 =	simm.s32 $0x15400  }
0x5f0: {  	[tilespmem:s28], [sflag:$0x7] =	stream.indirect_vreg.gather [hbm4b:s6+s3], $0x80, v9, vm0, $0xb8;
	[tilespmem:$0x18C00] =	vst v63  }
0x5f1: {  	v9 =	vld.idx.msk [tilespmem:v10+s3+$0x0], $0xffff;
	_ =	sdelay $0x4  }
0x5f2: {  	v9 =	vshll.u32 v9, $0x6  }
0x5f3: {  	v9 =	vor.u32 v7, v9  }
0x5f4: {  	v10 =	vshrl.u32 v9, $0x3  }
0x5f5: {  	v10 =	vmul.u32 $0x30, v10;
	_ =	sdelay $0x1  }
0x5f6: {  	v10 =	vor.u32 v2, v10  }
0x5f7: {  	v11 =	vperm.xlane v10, v2;
	_ =	sdelay $0x1  }
0x5f8: {  	v11 =	vadd.s32 v3, v11;
	_ =	sdelay $0x3  }
0x5f9: {  	s31 =	simm.s32 $0x15C00;
	[tilespmem:$0xB80] =	vst v9;
	v9 =	vperm.xlane v10, v4  }
0x5fa: {  	[tilespmem:s31], [sflag:$0x8] =	stream.indirect_vreg.gather [hbm4b:s1+s3], $0x80, v11, vm0, $0xb8;
	[tilespmem:$0x18C00] =	vst v63  }
0x5fb: {  	s19 =	simm.s32 $0x16400;
	v9 =	vadd.s32 v3, v9  }
0x5fc: {  	[tilespmem:s19], [sflag:$0x8] =	stream.indirect_vreg.gather [hbm4b:s5+s3], $0x80, v11, vm0, $0xb8;
	[tilespmem:$0x18C00] =	vst v63  }
0x5fd: {  	s9 =	simm.s32 $0x16C00  }
0x5fe: {  	[tilespmem:s9], [sflag:$0x8] =	stream.indirect_vreg.gather [hbm4b:s6+s3], $0x80, v11, vm0, $0xb8;
	[tilespmem:$0x18C00] =	vst v63  }
0x5ff: {  	s24 =	simm.s32 $0x17400  }
0x600: {  	[tilespmem:s24], [sflag:$0x8] =	stream.indirect_vreg.gather [hbm4b:s1+s3], $0x80, v9, vm0, $0xb8;
	[tilespmem:$0x18C00] =	vst v63  }
0x601: {  	s30 =	simm.s32 $0x17C00  }
0x602: {  	[tilespmem:s30], [sflag:$0x8] =	stream.indirect_vreg.gather [hbm4b:s5+s3], $0x80, v9, vm0, $0xb8;
	[tilespmem:$0x18C00] =	vst v63  }
0x603: {  	s22 =	simm.s32 $0x18400  }
0x604: {  	[tilespmem:s22], [sflag:$0x8] =	stream.indirect_vreg.gather [hbm4b:s6+s3], $0x80, v9, vm0, $0xb8;
	[tilespmem:$0x18C00] =	vst v63  }
0x605: {  	s29 =	rddreg [dreg:$0x17];
	_ =	swait.ge [sflag:s7], $0x3000  }
0x606: {  	[sflag:s7] =	ssyncset.done $0x0  }
0x607: {  	[sflag:s7] =	ssyncadd.s32 $0xFFFFD000  }
0x608: {  	_ =	swait.ge [sflag:s8], $0x3000  }
0x609: {  	[sflag:s8] =	ssyncset.done $0x0  }
0x60a: {  	[sflag:s8] =	ssyncadd.s32 $0xFFFFD000  }
0x60b: {  	_ =	swait.ge [sflag:s10], $0x3000  }
0x60c: {  	[sflag:s10] =	ssyncset.done $0x0  }
0x60d: {  	[sflag:s10] =	ssyncadd.s32 $0xFFFFD000  }
0x60e: {  	_ =	swait.ge [sflag:s11], $0x3000  }
0x60f: {  	[sflag:s11] =	ssyncset.done $0x0  }
0x610: {  	s20 =	simm.s32 $0xC00;
	s30 =	rddreg [dreg:$0x12];
	[sflag:s11] =	ssyncadd.s32 $0xFFFFD000  }
0x611: {  	[hbm4b:s30+s3] =	stream.linear.scatter [tilespmem:s20], [sflag:$0x9], $0xC000, $0x38;
	[tilespmem:$0x18C00] =	vst v63  }
0x612: {  	_ =	swait.ge [sflag:s13], $0x3000  }
0x613: {  	[sflag:s13] =	ssyncset.done $0x0  }
0x614: {  	[sflag:s13] =	ssyncadd.s32 $0xFFFFD000  }
0x615: {  	_ =	swait.ge [sflag:s14], $0x3000  }
0x616: {  	[sflag:s14] =	ssyncset.done $0x0  }
0x617: {  	[sflag:s14] =	ssyncadd.s32 $0xFFFFD000  }
0x618: {  	_ =	swait.ge [sflag:s15], $0x3000  }
0x619: {  	[sflag:s15] =	ssyncset.done $0x0  }
0x61a: {  	[sflag:s15] =	ssyncadd.s32 $0xFFFFD000  }
0x61b: {  	_ =	swait.ge [sflag:s16], $0x3000  }
0x61c: {  	[sflag:s16] =	ssyncset.done $0x0  }
0x61d: {  	s4 =	simm.s32 $0xCC00;
	s31 =	rddreg [dreg:$0x13];
	[sflag:s16] =	ssyncadd.s32 $0xFFFFD000  }
0x61e: {  	[hbm4b:s31+s3] =	stream.linear.scatter [tilespmem:s4], [sflag:$0xA], $0xC000, $0x38;
	[tilespmem:$0x18C00] =	vst v63  }
0x61f: {  	_ =	swait.ge [sflag:s12], $0xC000  }
0x620: {  	[sflag:s12] =	ssyncset.done $0x0  }
0x621: {  	[sflag:s12] =	ssyncadd.s32 $0xFFFF4000  }
0x622: {  	_ =	swait.ge [sflag:s17], $0xC000  }
0x623: {  	[sflag:s17] =	ssyncset.done $0x0  }
0x624: {  	s19 =	simm.s32 @!p0 $0x0;
	s18 =	rddreg [dreg:$0x14];
	[sflag:s17] =	ssyncadd.s32 $0xFFFF4000  }
0x625: {  	[tilespmem:s19], [sflag:$0xB] =	stream.linear.gather @!p0 [hbm4b:s18+s19], $0x400, $0x38;
	[tilespmem:$0x18C00] =	vst v63  }
0x626: {  	s18 =	simm.s32 @!p0 $0xB  }
0x627: {  	_ =	swait.ge @!p0 [sflag:s18], $0x400  }
0x628: {  	[sflag:s18] =	ssyncset.done @!p0 $0x0  }
0x629: {  	[sflag:s18] =	ssyncadd.s32 @!p0 $0xFFFFFC00  }
0x62a: {  	v9 =	vld.idx.msk @!p0 [tilespmem:v1+s19+$0x0], $0xff;
	_ =	sdelay $0x4  }
0x62b: {  	v9 =	vshll.u32 @!p0 v9, $0x6  }
0x62c: {  	v9 =	vadd.s32 @!p0 v1, v9  }
0x62d: {  	[tilespmem:$0x800] =	vst @!p0 v9  }
0x62e: {  	v9 =	vld.msk @!p0 [tilespmem:$0x800], $0xff;
	_ =	sdelay $0x4  }
0x62f: {  	v10 =	vshrl.u32 @!p0 v9, $0x3  }
0x630: {  	v10 =	vmul.u32 @!p0 $0x30, v10  }
0x631: {  	v11 =	vlaneseq.u32 @!p0;
	v9 =	vand.u32 @!p0 $0x7, v9  }
0x632: {  	v9 =	vor.u32 @!p0 v9, v10;
	v10 =	vand.u32 @!p0 $0x7, v11;
	v11 =	vshrl.u32 @!p0 v11, $0x3  }
0x633: {  	v9 =	vperm.xlane @!p0 v9, v10;
	v10 =	vmul.u32 @!p0 $0x8, v11;
	_ =	sdelay $0x1  }
0x634: {  	v9 =	vadd.s32 @!p0 v10, v9;
	_ =	sdelay $0x3  }
0x635: {  	s18 =	simm.s32 @!p0 $0xC00  }
0x636: {  	[tilespmem:s18], [sflag:$0x1] =	stream.indirect_vreg.gather @!p0 [hbm4b:s1+s19], $0x80, v9, vm1, $0xb8;
	[tilespmem:$0x18C00] =	vst v63  }
0x637: {  	s20 =	simm.s32 @!p0 $0x1400  }
0x638: {  	[tilespmem:s20], [sflag:$0x1] =	stream.indirect_vreg.gather @!p0 [hbm4b:s5+s19], $0x80, v9, vm1, $0xb8;
	[tilespmem:$0x18C00] =	vst v63  }
0x639: {  	s20 =	simm.s32 @!p0 $0x1C00  }
0x63a: {  	[tilespmem:s20], [sflag:$0x1] =	stream.indirect_vreg.gather @!p0 [hbm4b:s6+s19], $0x80, v9, vm1, $0xb8;
	[tilespmem:$0x18C00] =	vst v63  }
0x63b: {  	s20 =	simm.s32 @!p0 $0x1  }
0x63c: {  	_ =	swait.ge @!p0 [sflag:s20], $0x1800  }
0x63d: {  	s2 =	sadd.s32 $0xFFFFFFFF, s29;
	[sflag:s20] =	ssyncset.done @!p0 $0x0  }
0x63e: {  	p1 =	sne.s32 s2, $0x0;
	s21 =	rddreg [dreg:$0x15];
	[sflag:s20] =	ssyncadd.s32 @!p0 $0xFFFFE800  }
0x63f: {  	[hbm4b:s21+s19] =	stream.linear.scatter @!p0 [tilespmem:s18], [sflag:$0x9], $0x1800, $0x38;
	[tilespmem:$0x18C00] =	vst v63  }
.Ltmp0:
0x640: {  	_ = 	snop;
	(pc) =	sbr.rel @p1 .LBB2_1-.Ltmp0, $4  }
0x641: {  	s18 =	simm.s32 @!p0 $0x9  }
0x642: {  	_ =	swait.ge @!p0 [sflag:s18], $0x1800  }
0x643: {  	[sflag:s18] =	ssyncset.done @!p0 $0x0  }
0x644: {  	[sflag:s18] =	ssyncadd.s32 @!p0 $0xFFFFE800  }
0x645: {  	_ =	sfence.sel $0x180000  }
0x646: {  	[bflag:$0x0] =	sbarrier.arrive $0xFFFF  }
0x647: {  	_ =	strace $0x9000004A  }
0x648: {  	s0 =	stileid.u32;
	[bflag:$0x2] =	sbarrier.arrive $0xFFFF  }
0x649: {  	p0 =	sne.s32 s0, $0x0;
	s0 =	rddreg [dreg:$0x3]  }
0x64a: {  	s0 =	sadd.s32 @!p0 $0x100000, s0  }
0x64b: {  	[sflag:s0] =	ssyncadd.tile.s32 @!p0 $0x1;
	_ =	shalt  }
.Lfunc_end2:
_tile_overlayer_lowered:
.L_overlay_start_2:
0x64c: {  	(tag) =	ssettag $0x2  }
0x64d: {  	s0 =	rddreg [dreg:$0x0];
	s2 =	stileid.u32  }
0x64e: {  	s1 =	rddreg [dreg:$0x1];
	p0 =	sne.s32 s2, $0x0  }
0x64f: {  	s3 =	rddreg [dreg:$0x2];
	[bflag:$0x3] =	sbarrier.arrive $0xFFFF;
	s2 =	simm.s32 @!p0 $0x1C0B  }
0x650: {  	[timem:s3], [sflag:s2] =	dma.local @!p0 [hbm:s0], s1  }
0x651: {  	s0 =	simm.s32 @!p0 $0xB  }
0x652: {  	_ =	swait.ge @!p0 [sflag:s0], s1  }
0x653: {  	s1 =	ssub.s32 @!p0 $0x0, s1;
	[sflag:s0] =	ssyncset.done @!p0 $0x0  }
0x654: {  	[sflag:s0] =	ssyncadd.s32 @!p0 s1  }
0x655: {  	[bflag:$0x3] =	sbarrier.arrive $0xFFFF  }
0x656: {  	_ =	shalt  }

</sc_bundles>
